<compile_context>
chip_gen: v7x
topology: tpu7x:2x2x1
jax: 0.10.2.dev20260603
libtpu: 0.0.44.dev20260713+nightly
codegen_flags: <defaults>
</compile_context>

<pallas_src>
import functools

import jax
import jax.numpy as jnp
from jax import lax
from jax.experimental import pallas as pl
from jax.experimental.pallas import tpu as pltpu
from jax.experimental.pallas import tpu_sc as plsc

_N = 10000
_E = 320000
_DI = 128
_DE = 16
_H = 64
_L = 3

_NC = 2
_NS = 16
_NW = _NC * _NS
_EW = _E // _NW
_C = 80
_CH = _EW // _C
_NP = 10240
_RPT = _NP // _NS
_NB = 5

_BN = 2000
_BE = 4000


def _mm(a, b):
    return lax.dot_general(a, b, (((1,), (0,)), ((), ())),
                           preferred_element_type=jnp.float32)


def _sc_mesh():
    return plsc.VectorSubcoreMesh(core_axis_name="c", subcore_axis_name="s",
                                  num_cores=_NC, num_subcores=_NS)


def _replicated(shape):
    return pl.BlockSpec(shape, lambda i: (0,) * len(shape))



def _gather_rows(tbl, idx4):

    @functools.partial(
        pl.kernel,
        out_type=jax.ShapeDtypeStruct((_E, _H), jnp.float32),
        mesh=_sc_mesh(),
        compiler_params=pltpu.CompilerParams(use_tc_tiling_on_sc=False),
        scratch_types=[
            pltpu.VMEM((_CH, _C), jnp.int32),
            [pltpu.VMEM((_C, _H), jnp.float32)] * _NB,
            [pltpu.SemaphoreType.DMA] * _NB,
            [pltpu.SemaphoreType.DMA] * _NB,
        ],
    )
    def k(tbl_hbm, idx_hbm, out_hbm, idx_v, bufs, gsems, wsems):
        c = lax.axis_index("c")
        s = lax.axis_index("s")
        base = (c * _NS + s) * _EW
        pltpu.sync_copy(idx_hbm.at[c, s], idx_v)
        pltpu.async_copy(tbl_hbm.at[idx_v.at[0]], bufs[0], gsems[0])
        pltpu.async_copy(tbl_hbm.at[idx_v.at[1]], bufs[1], gsems[1])

        def out_at(j):
            return out_hbm.at[pl.ds(base + j * _C, _C)]

        def body(i, carry):
            for b in range(_NB):
                j = i * _NB + b
                b2 = (b + 2) % _NB

                @pl.when(j >= 3)
                def _():
                    pltpu.make_async_copy(bufs[b2], out_at(0), wsems[b2]).wait()

                @pl.when(j + 2 < _CH)
                def _():
                    pltpu.async_copy(tbl_hbm.at[idx_v.at[j + 2]], bufs[b2],
                                     gsems[b2])

                pltpu.make_async_copy(tbl_hbm.at[idx_v.at[j]], bufs[b],
                                      gsems[b]).wait()
                pltpu.async_copy(bufs[b], out_at(j), wsems[b])
            return carry

        lax.fori_loop(0, _CH // _NB, body, 0)
        for j in range(_CH - 3, _CH):
            b = j % _NB
            pltpu.make_async_copy(bufs[b], out_at(0), wsems[b]).wait()

    return k(tbl, idx4)


def _scatter_add(msgs, idx4, z_h):

    @functools.partial(
        pl.kernel,
        out_type=jax.ShapeDtypeStruct((_NC, _NP, _H), jnp.float32),
        mesh=_sc_mesh(),
        compiler_params=pltpu.CompilerParams(use_tc_tiling_on_sc=False),
        scratch_types=[
            pltpu.VMEM((_CH, _C), jnp.int32),
            [pltpu.VMEM((_C, _H), jnp.float32)] * _NB,
            [pltpu.SemaphoreType.DMA] * _NB,
            [pltpu.SemaphoreType.DMA] * _NB,
            pltpu.VMEM_SHARED((_NP, _H), jnp.float32),
        ],
    )
    def k(msg_hbm, idx_hbm, z_hbm, sum_hbm, idx_v, bufs, lsems, asems, acc):
        c = lax.axis_index("c")
        s = lax.axis_index("s")
        base = (c * _NS + s) * _EW
        rows = pl.ds(s * _RPT, _RPT)
        pltpu.sync_copy(idx_hbm.at[c, s], idx_v)
        pltpu.sync_copy(z_hbm.at[rows], acc.at[rows])
        plsc.subcore_barrier()

        def msg_at(j):
            return msg_hbm.at[pl.ds(base + j * _C, _C)]

        pltpu.async_copy(msg_at(0), bufs[0], lsems[0])
        pltpu.async_copy(msg_at(1), bufs[1], lsems[1])

        def body(i, carry):
            for b in range(_NB):
                j = i * _NB + b
                b2 = (b + 2) % _NB

                @pl.when(j >= 3)
                def _():
                    pltpu.make_async_copy(bufs[b2], acc.at[idx_v.at[0]],
                                          asems[b2]).wait()

                @pl.when(j + 2 < _CH)
                def _():
                    pltpu.async_copy(msg_at(j + 2), bufs[b2], lsems[b2])

                pltpu.make_async_copy(msg_at(j), bufs[b], lsems[b]).wait()
                pltpu.async_copy(bufs[b], acc.at[idx_v.at[j]], asems[b],
                                 add=True)
            return carry

        lax.fori_loop(0, _CH // _NB, body, 0)
        for j in range(_CH - 3, _CH):
            b = j % _NB
            pltpu.make_async_copy(bufs[b], acc.at[idx_v.at[0]], asems[b]).wait()
        plsc.subcore_barrier()
        pltpu.sync_copy(acc.at[rows], sum_hbm.at[c, rows])

    return k(msgs, idx4, z_h)


def _scatter_add_cnt(msgs, idx4, z_h, z_c, o_c):

    @functools.partial(
        pl.kernel,
        out_type=[jax.ShapeDtypeStruct((_NC, _NP, _H), jnp.float32),
                  jax.ShapeDtypeStruct((_NC, _NP, 16), jnp.float32)],
        mesh=_sc_mesh(),
        compiler_params=pltpu.CompilerParams(use_tc_tiling_on_sc=False),
        scratch_types=[
            pltpu.VMEM((_CH, _C), jnp.int32),
            [pltpu.VMEM((_C, _H), jnp.float32)] * _NB,
            [pltpu.SemaphoreType.DMA] * _NB,
            [pltpu.SemaphoreType.DMA] * _NB,
            pltpu.VMEM((_C, 16), jnp.float32),
            pltpu.SemaphoreType.DMA,
            pltpu.VMEM_SHARED((_NP, _H), jnp.float32),
            pltpu.VMEM_SHARED((_NP, 16), jnp.float32),
        ],
    )
    def k(msg_hbm, idx_hbm, z_hbm, zc_hbm, on_hbm, sum_hbm, cnt_hbm,
          idx_v, bufs, lsems, asems, one_v, csem, acc, cacc):
        c = lax.axis_index("c")
        s = lax.axis_index("s")
        base = (c * _NS + s) * _EW
        rows = pl.ds(s * _RPT, _RPT)
        pltpu.sync_copy(idx_hbm.at[c, s], idx_v)
        pltpu.sync_copy(on_hbm, one_v)
        pltpu.sync_copy(z_hbm.at[rows], acc.at[rows])
        pltpu.sync_copy(zc_hbm.at[rows], cacc.at[rows])
        plsc.subcore_barrier()

        def msg_at(j):
            return msg_hbm.at[pl.ds(base + j * _C, _C)]

        pltpu.async_copy(msg_at(0), bufs[0], lsems[0])
        pltpu.async_copy(msg_at(1), bufs[1], lsems[1])

        def body(i, carry):
            for b in range(_NB):
                j = i * _NB + b
                b2 = (b + 2) % _NB

                @pl.when(j >= 3)
                def _():
                    pltpu.make_async_copy(bufs[b2], acc.at[idx_v.at[0]],
                                          asems[b2]).wait()

                @pl.when(j + 2 < _CH)
                def _():
                    pltpu.async_copy(msg_at(j + 2), bufs[b2], lsems[b2])

                @pl.when(j >= 1)
                def _():
                    pltpu.make_async_copy(one_v, cacc.at[idx_v.at[0]],
                                          csem).wait()

                pltpu.make_async_copy(msg_at(j), bufs[b], lsems[b]).wait()
                pltpu.async_copy(bufs[b], acc.at[idx_v.at[j]], asems[b],
                                 add=True)
                pltpu.async_copy(one_v, cacc.at[idx_v.at[j]], csem, add=True)
            return carry

        lax.fori_loop(0, _CH // _NB, body, 0)
        for j in range(_CH - 3, _CH):
            b = j % _NB
            pltpu.make_async_copy(bufs[b], acc.at[idx_v.at[0]], asems[b]).wait()
        pltpu.make_async_copy(one_v, cacc.at[idx_v.at[0]], csem).wait()
        plsc.subcore_barrier()
        pltpu.sync_copy(acc.at[rows], sum_hbm.at[c, rows])
        pltpu.sync_copy(cacc.at[rows], cnt_hbm.at[c, rows])

    return k(msgs, idx4, z_h, z_c, o_c)



def _encode(x, w1, b1, w2, b2, mt, mb):
    def body(x_r, w1_r, b1_r, w2_r, b2_r, mt_r, mb_r, h_r, t_r):
        h = jnp.maximum(_mm(x_r[...], w1_r[...]) + b1_r[...], 0.0)
        h = jnp.maximum(_mm(h, w2_r[...]) + b2_r[...], 0.0)
        h_r[...] = h
        t_r[...] = _mm(h, mt_r[...]) + mb_r[...]

    return pl.pallas_call(
        body,
        grid=(_N // _BN,),
        in_specs=[
            pl.BlockSpec((_BN, _DI), lambda i: (i, 0)),
            _replicated((_DI, _H)), _replicated((1, _H)),
            _replicated((_H, _H)), _replicated((1, _H)),
            _replicated((_H, _H)), _replicated((1, _H)),
        ],
        out_specs=[pl.BlockSpec((_BN, _H), lambda i: (i, 0))] * 2,
        out_shape=[jax.ShapeDtypeStruct((_N, _H), jnp.float32)] * 2,
    )(x, w1, b1, w2, b2, mt, mb)


def _messages(g, ef, eew, eeb, w1b, w2, b2):
    def body(g_r, ef_r, eew_r, eeb_r, w1b_r, w2_r, b2_r, o_r):
        eh = jnp.maximum(_mm(ef_r[...], eew_r[...]) + eeb_r[...], 0.0)
        hid = jnp.maximum(g_r[...] + _mm(eh, w1b_r[...]), 0.0)
        o_r[...] = jnp.maximum(_mm(hid, w2_r[...]) + b2_r[...], 0.0)

    return pl.pallas_call(
        body,
        grid=(_E // _BE,),
        in_specs=[
            pl.BlockSpec((_BE, _H), lambda i: (i, 0)),
            pl.BlockSpec((_BE, _DE), lambda i: (i, 0)),
            _replicated((_DE, _H)), _replicated((1, _H)),
            _replicated((_H, _H)), _replicated((_H, _H)), _replicated((1, _H)),
        ],
        out_specs=pl.BlockSpec((_BE, _H), lambda i: (i, 0)),
        out_shape=jax.ShapeDtypeStruct((_E, _H), jnp.float32),
    )(g, ef, eew, eeb, w1b, w2, b2)


def _update(h, p0, p1, c0, c1, uw1t, uw1b, ub1, uw2, ub2, mt, mb):
    def body(h_r, p0_r, p1_r, c0_r, c1_r, uw1t_r, uw1b_r, ub1_r, uw2_r, ub2_r,
             mt_r, mb_r, hn_r, tn_r):
        cnt = c0_r[...] + c1_r[...]
        agg = (p0_r[...] + p1_r[...]) / jnp.maximum(cnt[:, :1], 1.0)
        hid = jnp.maximum(_mm(h_r[...], uw1t_r[...]) + _mm(agg, uw1b_r[...])
                          + ub1_r[...], 0.0)
        hn = jnp.maximum(_mm(hid, uw2_r[...]) + ub2_r[...], 0.0)
        hn_r[...] = hn
        tn_r[...] = _mm(hn, mt_r[...]) + mb_r[...]

    return pl.pallas_call(
        body,
        grid=(_N // _BN,),
        in_specs=[
            pl.BlockSpec((_BN, _H), lambda i: (i, 0)),
            pl.BlockSpec((_BN, _H), lambda i: (i, 0)),
            pl.BlockSpec((_BN, _H), lambda i: (i, 0)),
            pl.BlockSpec((_BN, 16), lambda i: (i, 0)),
            pl.BlockSpec((_BN, 16), lambda i: (i, 0)),
            _replicated((_H, _H)), _replicated((_H, _H)), _replicated((1, _H)),
            _replicated((_H, _H)), _replicated((1, _H)),
            _replicated((_H, _H)), _replicated((1, _H)),
        ],
        out_specs=[pl.BlockSpec((_BN, _H), lambda i: (i, 0))] * 2,
        out_shape=[jax.ShapeDtypeStruct((_N, _H), jnp.float32)] * 2,
    )(h, p0, p1, c0, c1, uw1t, uw1b, ub1, uw2, ub2, mt, mb)


def _final(h, p0, p1, c0, c1, uw1t, uw1b, ub1, uw2, ub2, ow1, ob1, ow2p, ob2p):
    def body(h_r, p0_r, p1_r, c0_r, c1_r, uw1t_r, uw1b_r, ub1_r, uw2_r, ub2_r,
             ow1_r, ob1_r, ow2_r, ob2_r, o_r):
        cnt = c0_r[...] + c1_r[...]
        agg = (p0_r[...] + p1_r[...]) / jnp.maximum(cnt[:, :1], 1.0)
        hid = jnp.maximum(_mm(h_r[...], uw1t_r[...]) + _mm(agg, uw1b_r[...])
                          + ub1_r[...], 0.0)
        hn = jnp.maximum(_mm(hid, uw2_r[...]) + ub2_r[...], 0.0)
        hid2 = jnp.maximum(_mm(hn, ow1_r[...]) + ob1_r[...], 0.0)
        pred = _mm(hid2, ow2_r[...]) + ob2_r[...]
        o_r[...] = (2.0 * jnp.pi) / (1.0 + jnp.exp(-pred))

    return pl.pallas_call(
        body,
        grid=(_N // _BN,),
        in_specs=[
            pl.BlockSpec((_BN, _H), lambda i: (i, 0)),
            pl.BlockSpec((_BN, _H), lambda i: (i, 0)),
            pl.BlockSpec((_BN, _H), lambda i: (i, 0)),
            pl.BlockSpec((_BN, 16), lambda i: (i, 0)),
            pl.BlockSpec((_BN, 16), lambda i: (i, 0)),
            _replicated((_H, _H)), _replicated((_H, _H)), _replicated((1, _H)),
            _replicated((_H, _H)), _replicated((1, _H)),
            _replicated((_H, _H)), _replicated((1, _H)),
            _replicated((_H, 128)), _replicated((1, 128)),
        ],
        out_specs=pl.BlockSpec((_BN, 128), lambda i: (i, 0)),
        out_shape=jax.ShapeDtypeStruct((_N, 128), jnp.float32),
    )(h, p0, p1, c0, c1, uw1t, uw1b, ub1, uw2, ub2, ow1, ob1, ow2p, ob2p)



def kernel(node_features, edge_index, edge_features, ne_w1, ne_b1, ne_w2, ne_b2,
           ee_w1, ee_b1, msg_w1, msg_b1, msg_w2, msg_b2,
           upd_w1, upd_b1, upd_w2, upd_b2, out_w1, out_b1, out_w2, out_b2):
    row = lambda v: v.reshape(1, -1)
    out_dim = out_w2.shape[1]
    src4 = edge_index[0].reshape(_NC, _NS, _CH, _C)
    dst4 = edge_index[1].reshape(_NC, _NS, _CH, _C)
    z_h = jnp.zeros((_NP, _H), jnp.float32)
    z_c = jnp.zeros((_NP, 16), jnp.float32)
    o_c = jnp.ones((_C, 16), jnp.float32)
    ow2p = jnp.pad(out_w2, ((0, 0), (0, 128 - out_dim)))
    ob2p = row(jnp.pad(out_b2, (0, 128 - out_dim)))

    h, t = _encode(node_features, ne_w1, row(ne_b1), ne_w2, row(ne_b2),
                   msg_w1[0, :_H], row(msg_b1[0]))
    c0 = c1 = None
    for l in range(_L):
        g = _gather_rows(t, src4)
        msgs = _messages(g, edge_features, ee_w1, row(ee_b1),
                         msg_w1[l, _H:], msg_w2[l], row(msg_b2[l]))
        if l == 0:
            sums, cnts = _scatter_add_cnt(msgs, dst4, z_h, z_c, o_c)
            c0, c1 = cnts[0], cnts[1]
        else:
            sums = _scatter_add(msgs, dst4, z_h)
        if l < _L - 1:
            h, t = _update(h, sums[0], sums[1], c0, c1,
                           upd_w1[l, :_H], upd_w1[l, _H:], row(upd_b1[l]),
                           upd_w2[l], row(upd_b2[l]),
                           msg_w1[l + 1, :_H], row(msg_b1[l + 1]))
        else:
            pred = _final(h, sums[0], sums[1], c0, c1,
                          upd_w1[l, :_H], upd_w1[l, _H:], row(upd_b1[l]),
                          upd_w2[l], row(upd_b2[l]),
                          out_w1, row(out_b1), ow2p, ob2p)
    return pred[:, :out_dim]

# --- scband reference (transcript-rebuilt; emitter-appended) ---
"""Pipeline reference for scband-simple-gnn-59098749993602 (READ-ONLY COPY).

The authoritative reference and input builder live on the scoring server;
editing this copy changes nothing except your own understanding.
"""

import jax, jax.numpy as jnp
import numpy as np

N = 10000
E = 320000
D_IN = 128
D_EDGE = 16
H = 64
OUT = 3
L = 3


def _p(k, shape):
    return jax.random.normal(k, shape, dtype=jnp.float32) * 0.05


def setup_inputs(seed: int = 0) -> dict:
    key = jax.random.key(seed)
    ks = jax.random.split(key, 40)
    inp = {}
    inp["node_features"] = jax.random.normal(ks[0], (N, D_IN), dtype=jnp.float32)
    inp["edge_index"] = jax.random.randint(ks[1], (2, E), 0, N, dtype=jnp.int32)
    inp["edge_features"] = jax.random.normal(ks[2], (E, D_EDGE), dtype=jnp.float32)
    # node_encoder: Linear(D_IN,H), ReLU, Linear(H,H), ReLU
    inp["ne_w1"] = _p(ks[3], (D_IN, H)); inp["ne_b1"] = _p(ks[4], (H,))
    inp["ne_w2"] = _p(ks[5], (H, H));    inp["ne_b2"] = _p(ks[6], (H,))
    # edge_encoder: Linear(D_EDGE,H), ReLU
    inp["ee_w1"] = _p(ks[7], (D_EDGE, H)); inp["ee_b1"] = _p(ks[8], (H,))
    # 3 message layers: Linear(2H,H), ReLU, Linear(H,H), ReLU (stacked)
    inp["msg_w1"] = _p(ks[9], (L, 2 * H, H));  inp["msg_b1"] = _p(ks[10], (L, H))
    inp["msg_w2"] = _p(ks[11], (L, H, H));     inp["msg_b2"] = _p(ks[12], (L, H))
    # 3 update layers: Linear(2H,H), ReLU, Linear(H,H), ReLU (stacked)
    inp["upd_w1"] = _p(ks[13], (L, 2 * H, H)); inp["upd_b1"] = _p(ks[14], (L, H))
    inp["upd_w2"] = _p(ks[15], (L, H, H));     inp["upd_b2"] = _p(ks[16], (L, H))
    # output layer: Linear(H,H), ReLU, Linear(H,OUT)
    inp["out_w1"] = _p(ks[17], (H, H));   inp["out_b1"] = _p(ks[18], (H,))
    inp["out_w2"] = _p(ks[19], (H, OUT)); inp["out_b2"] = _p(ks[20], (OUT,))
    return inp


def _mlp2(x, w1, b1, w2, b2):
    h = jax.nn.relu(x @ w1 + b1)
    return jax.nn.relu(h @ w2 + b2)


def reference(node_features, edge_index, edge_features,
              ne_w1, ne_b1, ne_w2, ne_b2,
              ee_w1, ee_b1,
              msg_w1, msg_b1, msg_w2, msg_b2,
              upd_w1, upd_b1, upd_w2, upd_b2,
              out_w1, out_b1, out_w2, out_b2):
    # node encoder
    h = _mlp2(node_features, ne_w1, ne_b1, ne_w2, ne_b2)
    # edge encoder (edge_features provided, so messages use [src_h, edge_h])
    edge_h = jax.nn.relu(edge_features @ ee_w1 + ee_b1)
    src = edge_index[0]
    dst = edge_index[1]
    n = node_features.shape[0]
    e = edge_index.shape[1]
    for l in range(L):
        src_h = jnp.take(h, src, axis=0)                      # gather [E, H]
        combined = jnp.concatenate([src_h, edge_h], axis=-1)  # [E, 2H]
        messages = _mlp2(combined, msg_w1[l], msg_b1[l], msg_w2[l], msg_b2[l])
        # mean aggregation by destination node (nodes with no incoming msgs -> zeros)
        msg_sum = jax.ops.segment_sum(messages, dst, num_segments=n)
        cnt = jax.ops.segment_sum(jnp.ones((e,), dtype=jnp.float32), dst, num_segments=n)
        agg = msg_sum / jnp.maximum(cnt, 1.0)[:, None]
        combined2 = jnp.concatenate([h, agg], axis=-1)
        h = _mlp2(combined2, upd_w1[l], upd_b1[l], upd_w2[l], upd_b2[l])
    pred = jax.nn.relu(h @ out_w1 + out_b1) @ out_w2 + out_b2
    return 2.0 * jnp.pi * jax.nn.sigmoid(pred)

if __name__ == "__main__":
    import jax
    _d = setup_inputs()
    print(jax.jit(kernel)(*tuple(_d.values())))

</pallas_src>

<mosaic_0001>
#map = affine_map<(d0, d1) -> (0, 0)>
#map1 = affine_map<(d0, d1) -> (0, 0, 0, 0)>
#map2 = affine_map<(d0, d1) -> (0, 0, 0)>
module attributes {stable_mosaic.version = 14 : i64} {
  func.func @k(%arg0: i32, %arg1: i32, %arg2: memref<320000x64xf32, #tpu.memory_space<hbm>>, %arg3: memref<2x16x125x80xi32, #tpu.memory_space<hbm>>, %arg4: memref<10240x64xf32, #tpu.memory_space<hbm>>, %arg5: memref<10240x16xf32, #tpu.memory_space<hbm>>, %arg6: memref<80x16xf32, #tpu.memory_space<hbm>>, %arg7: memref<2x10240x64xf32, #tpu.memory_space<hbm>>, %arg8: memref<2x10240x16xf32, #tpu.memory_space<hbm>>, %arg9: memref<125x80xi32, #tpu.memory_space<vmem>>, %arg10: memref<80x64xf32, #tpu.memory_space<vmem>>, %arg11: memref<80x64xf32, #tpu.memory_space<vmem>>, %arg12: memref<80x64xf32, #tpu.memory_space<vmem>>, %arg13: memref<80x64xf32, #tpu.memory_space<vmem>>, %arg14: memref<80x64xf32, #tpu.memory_space<vmem>>, %arg15: memref<!tpu.dma_semaphore, #tpu.memory_space<semaphore_mem>>, %arg16: memref<!tpu.dma_semaphore, #tpu.memory_space<semaphore_mem>>, %arg17: memref<!tpu.dma_semaphore, #tpu.memory_space<semaphore_mem>>, %arg18: memref<!tpu.dma_semaphore, #tpu.memory_space<semaphore_mem>>, %arg19: memref<!tpu.dma_semaphore, #tpu.memory_space<semaphore_mem>>, %arg20: memref<!tpu.dma_semaphore, #tpu.memory_space<semaphore_mem>>, %arg21: memref<!tpu.dma_semaphore, #tpu.memory_space<semaphore_mem>>, %arg22: memref<!tpu.dma_semaphore, #tpu.memory_space<semaphore_mem>>, %arg23: memref<!tpu.dma_semaphore, #tpu.memory_space<semaphore_mem>>, %arg24: memref<!tpu.dma_semaphore, #tpu.memory_space<semaphore_mem>>, %arg25: memref<80x16xf32, #tpu.memory_space<vmem>>, %arg26: memref<!tpu.dma_semaphore, #tpu.memory_space<semaphore_mem>>, %arg27: memref<10240x64xf32, #tpu.memory_space<vmem_shared>>, %arg28: memref<10240x16xf32, #tpu.memory_space<vmem_shared>>) attributes {dimension_semantics = [#tpu.dimension_semantics<core_parallel>, #tpu.dimension_semantics<subcore_parallel>], iteration_bounds = array<i64: 2, 16>, scalar_prefetch = 0 : i64, scratch_operands = 20 : i64, tpu.core_type = #tpu.core_type<sc_vector_subcore>, window_params = [{transform_indices = #map}, {transform_indices = #map1}, {transform_indices = #map}, {transform_indices = #map}, {transform_indices = #map}, {transform_indices = #map2}, {transform_indices = #map2}]} {
    %mul3A = arith.constant 16 : i32
    %mul3A_0 = arith.muli %arg0, %mul3A : i32
    %add3A = arith.addi %mul3A_0, %arg1 : i32
    %mul3A_1 = arith.constant 10000 : i32
    %mul3A_2 = arith.muli %add3A, %mul3A_1 : i32
    %mul3A_3 = arith.constant 640 : i32
    %mul3A_4 = arith.muli %arg1, %mul3A_3 : i32
    "tpu.region"() ({
      %run_scoped3A = tpu.sem_alloc : memref<!tpu.dma_semaphore, #tpu.memory_space<semaphore_mem>>
      %dma_start3A_49 = arith.constant 0 : i32
      %dma_start3A_50 = arith.constant 0 : i32
      %dma_start3A_51 = tpu.memref_slice %arg3[%arg0, %arg1, %dma_start3A_49, %dma_start3A_50] : memref<2x16x125x80xi32, #tpu.memory_space<hbm>> -> memref<1x1x125x80xi32, #tpu.memory_space<hbm>>
      %dma_start3A_52 = tpu.memref_squeeze %dma_start3A_51 : memref<1x1x125x80xi32, #tpu.memory_space<hbm>> -> memref<125x80xi32, #tpu.memory_space<hbm>>
      %dma_start3A_53 = arith.constant 0 : i32
      %dma_start3A_54 = arith.constant 0 : i32
      %dma_start3A_55 = tpu.memref_slice %arg3[%arg0, %arg1, %dma_start3A_53, %dma_start3A_54] : memref<2x16x125x80xi32, #tpu.memory_space<hbm>> -> memref<1x1x125x80xi32, #tpu.memory_space<hbm>>
      %dma_start3A_56 = tpu.memref_squeeze %dma_start3A_55 : memref<1x1x125x80xi32, #tpu.memory_space<hbm>> -> memref<125x80xi32, #tpu.memory_space<hbm>>
      tpu.enqueue_dma source(%dma_start3A_56 : memref<125x80xi32, #tpu.memory_space<hbm>>) target(%arg9 : memref<125x80xi32, #tpu.memory_space<vmem>>) target_semaphore(%run_scoped3A : memref<!tpu.dma_semaphore, #tpu.memory_space<semaphore_mem>>)
      %dma_wait3A_57 = arith.constant 0 : i32
      %dma_wait3A_58 = arith.constant 0 : i32
      %dma_wait3A_59 = tpu.memref_slice %arg3[%arg0, %arg1, %dma_wait3A_57, %dma_wait3A_58] : memref<2x16x125x80xi32, #tpu.memory_space<hbm>> -> memref<1x1x125x80xi32, #tpu.memory_space<hbm>>
      %dma_wait3A_60 = tpu.memref_squeeze %dma_wait3A_59 : memref<1x1x125x80xi32, #tpu.memory_space<hbm>> -> memref<125x80xi32, #tpu.memory_space<hbm>>
      %dma_wait3A_61 = arith.constant 0 : i32
      %dma_wait3A_62 = arith.constant 0 : i32
      %dma_wait3A_63 = tpu.memref_slice %arg3[%arg0, %arg1, %dma_wait3A_61, %dma_wait3A_62] : memref<2x16x125x80xi32, #tpu.memory_space<hbm>> -> memref<1x1x125x80xi32, #tpu.memory_space<hbm>>
      %dma_wait3A_64 = tpu.memref_squeeze %dma_wait3A_63 : memref<1x1x125x80xi32, #tpu.memory_space<hbm>> -> memref<125x80xi32, #tpu.memory_space<hbm>>
      tpu.wait_dma2 semaphore(%run_scoped3A : memref<!tpu.dma_semaphore, #tpu.memory_space<semaphore_mem>>) src(%dma_wait3A_64 : memref<125x80xi32, #tpu.memory_space<hbm>>) dst(%arg9 : memref<125x80xi32, #tpu.memory_space<vmem>>)
      tpu.yield
    }) : () -> ()
    "tpu.region"() ({
      %run_scoped3A = tpu.sem_alloc : memref<!tpu.dma_semaphore, #tpu.memory_space<semaphore_mem>>
      tpu.enqueue_dma source(%arg6 : memref<80x16xf32, #tpu.memory_space<hbm>>) target(%arg25 : memref<80x16xf32, #tpu.memory_space<vmem>>) target_semaphore(%run_scoped3A : memref<!tpu.dma_semaphore, #tpu.memory_space<semaphore_mem>>)
      tpu.wait_dma2 semaphore(%run_scoped3A : memref<!tpu.dma_semaphore, #tpu.memory_space<semaphore_mem>>) src(%arg6 : memref<80x16xf32, #tpu.memory_space<hbm>>) dst(%arg25 : memref<80x16xf32, #tpu.memory_space<vmem>>)
      tpu.yield
    }) : () -> ()
    "tpu.region"() ({
      %run_scoped3A = tpu.sem_alloc : memref<!tpu.dma_semaphore, #tpu.memory_space<semaphore_mem>>
      %dma_start3A_49 = arith.constant 0 : i32
      %dma_start3A_50 = tpu.memref_slice %arg27[%mul3A_4, %dma_start3A_49] : memref<10240x64xf32, #tpu.memory_space<vmem_shared>> -> memref<640x64xf32, #tpu.memory_space<vmem_shared>>
      %dma_start3A_51 = arith.constant 0 : i32
      %dma_start3A_52 = tpu.memref_slice %arg4[%mul3A_4, %dma_start3A_51] : memref<10240x64xf32, #tpu.memory_space<hbm>> -> memref<640x64xf32, #tpu.memory_space<hbm>>
      tpu.enqueue_dma source(%dma_start3A_52 : memref<640x64xf32, #tpu.memory_space<hbm>>) target(%dma_start3A_50 : memref<640x64xf32, #tpu.memory_space<vmem_shared>>) target_semaphore(%run_scoped3A : memref<!tpu.dma_semaphore, #tpu.memory_space<semaphore_mem>>)
      %dma_wait3A_53 = arith.constant 0 : i32
      %dma_wait3A_54 = tpu.memref_slice %arg27[%mul3A_4, %dma_wait3A_53] : memref<10240x64xf32, #tpu.memory_space<vmem_shared>> -> memref<640x64xf32, #tpu.memory_space<vmem_shared>>
      %dma_wait3A_55 = arith.constant 0 : i32
      %dma_wait3A_56 = tpu.memref_slice %arg4[%mul3A_4, %dma_wait3A_55] : memref<10240x64xf32, #tpu.memory_space<hbm>> -> memref<640x64xf32, #tpu.memory_space<hbm>>
      tpu.wait_dma2 semaphore(%run_scoped3A : memref<!tpu.dma_semaphore, #tpu.memory_space<semaphore_mem>>) src(%dma_wait3A_56 : memref<640x64xf32, #tpu.memory_space<hbm>>) dst(%dma_wait3A_54 : memref<640x64xf32, #tpu.memory_space<vmem_shared>>)
      tpu.yield
    }) : () -> ()
    "tpu.region"() ({
      %run_scoped3A = tpu.sem_alloc : memref<!tpu.dma_semaphore, #tpu.memory_space<semaphore_mem>>
      %dma_start3A_49 = arith.constant 0 : i32
      %dma_start3A_50 = tpu.memref_slice %arg28[%mul3A_4, %dma_start3A_49] : memref<10240x16xf32, #tpu.memory_space<vmem_shared>> -> memref<640x16xf32, #tpu.memory_space<vmem_shared>>
      %dma_start3A_51 = arith.constant 0 : i32
      %dma_start3A_52 = tpu.memref_slice %arg5[%mul3A_4, %dma_start3A_51] : memref<10240x16xf32, #tpu.memory_space<hbm>> -> memref<640x16xf32, #tpu.memory_space<hbm>>
      tpu.enqueue_dma source(%dma_start3A_52 : memref<640x16xf32, #tpu.memory_space<hbm>>) target(%dma_start3A_50 : memref<640x16xf32, #tpu.memory_space<vmem_shared>>) target_semaphore(%run_scoped3A : memref<!tpu.dma_semaphore, #tpu.memory_space<semaphore_mem>>)
      %dma_wait3A_53 = arith.constant 0 : i32
      %dma_wait3A_54 = tpu.memref_slice %arg28[%mul3A_4, %dma_wait3A_53] : memref<10240x16xf32, #tpu.memory_space<vmem_shared>> -> memref<640x16xf32, #tpu.memory_space<vmem_shared>>
      %dma_wait3A_55 = arith.constant 0 : i32
      %dma_wait3A_56 = tpu.memref_slice %arg5[%mul3A_4, %dma_wait3A_55] : memref<10240x16xf32, #tpu.memory_space<hbm>> -> memref<640x16xf32, #tpu.memory_space<hbm>>
      tpu.wait_dma2 semaphore(%run_scoped3A : memref<!tpu.dma_semaphore, #tpu.memory_space<semaphore_mem>>) src(%dma_wait3A_56 : memref<640x16xf32, #tpu.memory_space<hbm>>) dst(%dma_wait3A_54 : memref<640x16xf32, #tpu.memory_space<vmem_shared>>)
      tpu.yield
    }) : () -> ()
    %barrier3A = arith.constant 0 : index
    tpu.barrier barrier_id(%barrier3A)
    %add3A_5 = arith.constant 0 : i32
    %add3A_6 = arith.addi %mul3A_2, %add3A_5 : i32
    %dma_start3A = arith.constant 0 : i32
    %dma_start3A_7 = tpu.memref_slice %arg2[%add3A_6, %dma_start3A] : memref<320000x64xf32, #tpu.memory_space<hbm>> -> memref<80x64xf32, #tpu.memory_space<hbm>>
    %dma_start3A_8 = arith.constant 0 : i32
    %dma_start3A_9 = tpu.memref_slice %arg2[%add3A_6, %dma_start3A_8] : memref<320000x64xf32, #tpu.memory_space<hbm>> -> memref<80x64xf32, #tpu.memory_space<hbm>>
    tpu.enqueue_dma source(%dma_start3A_9 : memref<80x64xf32, #tpu.memory_space<hbm>>) target(%arg10 : memref<80x64xf32, #tpu.memory_space<vmem>>) target_semaphore(%arg15 : memref<!tpu.dma_semaphore, #tpu.memory_space<semaphore_mem>>)
    %add3A_10 = arith.constant 80 : i32
    %add3A_11 = arith.addi %mul3A_2, %add3A_10 : i32
    %dma_start3A_12 = arith.constant 0 : i32
    %dma_start3A_13 = tpu.memref_slice %arg2[%add3A_11, %dma_start3A_12] : memref<320000x64xf32, #tpu.memory_space<hbm>> -> memref<80x64xf32, #tpu.memory_space<hbm>>
    %dma_start3A_14 = arith.constant 0 : i32
    %dma_start3A_15 = tpu.memref_slice %arg2[%add3A_11, %dma_start3A_14] : memref<320000x64xf32, #tpu.memory_space<hbm>> -> memref<80x64xf32, #tpu.memory_space<hbm>>
    tpu.enqueue_dma source(%dma_start3A_15 : memref<80x64xf32, #tpu.memory_space<hbm>>) target(%arg11 : memref<80x64xf32, #tpu.memory_space<vmem>>) target_semaphore(%arg16 : memref<!tpu.dma_semaphore, #tpu.memory_space<semaphore_mem>>)
    %scan3A = arith.constant 0 : i32
    %scan3A_16 = arith.constant 0 : i32
    %scan3A_17 = arith.constant 25 : i32
    %scan3A_18 = arith.addi %scan3A_16, %scan3A_17 : i32
    %scan3A_19 = arith.constant 1 : i32
    scf.for %scan3A_49 = %scan3A_16 to %scan3A_18 step %scan3A_19  : i32 {
      %mul3A_50 = arith.constant 5 : i32
      %mul3A_51 = arith.muli %scan3A_49, %mul3A_50 : i32
      %add3A_52 = arith.constant 0 : i32
      %add3A_53 = arith.addi %mul3A_51, %add3A_52 : i32
      %ge3A = arith.constant 3 : i32
      %ge3A_54 = arith.cmpi sge, %add3A_53, %ge3A : i32
      %convert_element_type3A = arith.extui %ge3A_54 : i1 to i32
      %cond3A = arith.constant 0 : i32
      %cond3A_55 = arith.cmpi ne, %convert_element_type3A, %cond3A : i32
      scf.if %cond3A_55 {
        %dma_wait3A_246 = arith.constant 0 : i32
        %dma_wait3A_247 = arith.constant 0 : i32
        %dma_wait3A_248 = tpu.memref_slice %arg9[%dma_wait3A_246, %dma_wait3A_247] : memref<125x80xi32, #tpu.memory_space<vmem>> -> memref<1x80xi32, #tpu.memory_space<vmem>>
        %dma_wait3A_249 = tpu.memref_squeeze %dma_wait3A_248 : memref<1x80xi32, #tpu.memory_space<vmem>> -> memref<80xi32, #tpu.memory_space<vmem>>
        %dma_wait3A_250 = arith.constant 0 : i32
        %dma_wait3A_251 = arith.constant 0 : i32
        %dma_wait3A_252 = tpu.memref_slice %arg27[%dma_wait3A_250, %dma_wait3A_251] : memref<10240x64xf32, #tpu.memory_space<vmem_shared>> -> memref<10240x64xf32, #tpu.memory_space<vmem_shared>>
        tpu.wait_indirect_dma semaphore(%arg22 : memref<!tpu.dma_semaphore, #tpu.memory_space<semaphore_mem>>) src(%arg12 : memref<80x64xf32, #tpu.memory_space<vmem>>) dst(%dma_wait3A_252 : memref<10240x64xf32, #tpu.memory_space<vmem_shared>>)
      } else {
      }
      %add3A_56 = arith.constant 2 : i32
      %add3A_57 = arith.addi %add3A_53, %add3A_56 : i32
      %lt3A = arith.constant 125 : i32
      %lt3A_58 = arith.cmpi slt, %add3A_57, %lt3A : i32
      %convert_element_type3A_59 = arith.extui %lt3A_58 : i1 to i32
      %cond3A_60 = arith.constant 0 : i32
      %cond3A_61 = arith.cmpi ne, %convert_element_type3A_59, %cond3A_60 : i32
      scf.if %cond3A_61 {
        %add3A_246 = arith.constant 2 : i32
        %add3A_247 = arith.addi %add3A_53, %add3A_246 : i32
        %mul3A_248 = arith.constant 80 : i32
        %mul3A_249 = arith.muli %add3A_247, %mul3A_248 : i32
        %add3A_250 = arith.addi %mul3A_2, %mul3A_249 : i32
        %dma_start3A_251 = arith.constant 0 : i32
        %dma_start3A_252 = tpu.memref_slice %arg2[%add3A_250, %dma_start3A_251] : memref<320000x64xf32, #tpu.memory_space<hbm>> -> memref<80x64xf32, #tpu.memory_space<hbm>>
        %dma_start3A_253 = arith.constant 0 : i32
        %dma_start3A_254 = tpu.memref_slice %arg2[%add3A_250, %dma_start3A_253] : memref<320000x64xf32, #tpu.memory_space<hbm>> -> memref<80x64xf32, #tpu.memory_space<hbm>>
        tpu.enqueue_dma source(%dma_start3A_254 : memref<80x64xf32, #tpu.memory_space<hbm>>) target(%arg12 : memref<80x64xf32, #tpu.memory_space<vmem>>) target_semaphore(%arg17 : memref<!tpu.dma_semaphore, #tpu.memory_space<semaphore_mem>>)
      } else {
      }
      %ge3A_62 = arith.constant 1 : i32
      %ge3A_63 = arith.cmpi sge, %add3A_53, %ge3A_62 : i32
      %convert_element_type3A_64 = arith.extui %ge3A_63 : i1 to i32
      %cond3A_65 = arith.constant 0 : i32
      %cond3A_66 = arith.cmpi ne, %convert_element_type3A_64, %cond3A_65 : i32
      scf.if %cond3A_66 {
        %dma_wait3A_246 = arith.constant 0 : i32
        %dma_wait3A_247 = arith.constant 0 : i32
        %dma_wait3A_248 = tpu.memref_slice %arg9[%dma_wait3A_246, %dma_wait3A_247] : memref<125x80xi32, #tpu.memory_space<vmem>> -> memref<1x80xi32, #tpu.memory_space<vmem>>
        %dma_wait3A_249 = tpu.memref_squeeze %dma_wait3A_248 : memref<1x80xi32, #tpu.memory_space<vmem>> -> memref<80xi32, #tpu.memory_space<vmem>>
        %dma_wait3A_250 = arith.constant 0 : i32
        %dma_wait3A_251 = arith.constant 0 : i32
        %dma_wait3A_252 = tpu.memref_slice %arg28[%dma_wait3A_250, %dma_wait3A_251] : memref<10240x16xf32, #tpu.memory_space<vmem_shared>> -> memref<10240x16xf32, #tpu.memory_space<vmem_shared>>
        tpu.wait_indirect_dma semaphore(%arg26 : memref<!tpu.dma_semaphore, #tpu.memory_space<semaphore_mem>>) src(%arg25 : memref<80x16xf32, #tpu.memory_space<vmem>>) dst(%dma_wait3A_252 : memref<10240x16xf32, #tpu.memory_space<vmem_shared>>)
      } else {
      }
      %mul3A_67 = arith.constant 80 : i32
      %mul3A_68 = arith.muli %add3A_53, %mul3A_67 : i32
      %add3A_69 = arith.addi %mul3A_2, %mul3A_68 : i32
      %dma_wait3A_70 = arith.constant 0 : i32
      %dma_wait3A_71 = tpu.memref_slice %arg2[%add3A_69, %dma_wait3A_70] : memref<320000x64xf32, #tpu.memory_space<hbm>> -> memref<80x64xf32, #tpu.memory_space<hbm>>
      %dma_wait3A_72 = arith.constant 0 : i32
      %dma_wait3A_73 = tpu.memref_slice %arg2[%add3A_69, %dma_wait3A_72] : memref<320000x64xf32, #tpu.memory_space<hbm>> -> memref<80x64xf32, #tpu.memory_space<hbm>>
      tpu.wait_dma2 semaphore(%arg15 : memref<!tpu.dma_semaphore, #tpu.memory_space<semaphore_mem>>) src(%dma_wait3A_73 : memref<80x64xf32, #tpu.memory_space<hbm>>) dst(%arg10 : memref<80x64xf32, #tpu.memory_space<vmem>>)
      %dma_start3A_74 = arith.constant 0 : i32
      %dma_start3A_75 = tpu.memref_slice %arg9[%add3A_53, %dma_start3A_74] : memref<125x80xi32, #tpu.memory_space<vmem>> -> memref<1x80xi32, #tpu.memory_space<vmem>>
      %dma_start3A_76 = tpu.memref_squeeze %dma_start3A_75 : memref<1x80xi32, #tpu.memory_space<vmem>> -> memref<80xi32, #tpu.memory_space<vmem>>
      %dma_start3A_77 = arith.constant 0 : i32
      %dma_start3A_78 = arith.constant 0 : i32
      %dma_start3A_79 = tpu.memref_slice %arg27[%dma_start3A_77, %dma_start3A_78] : memref<10240x64xf32, #tpu.memory_space<vmem_shared>> -> memref<10240x64xf32, #tpu.memory_space<vmem_shared>>
      tpu.enqueue_indirect_dma source(%arg10 : memref<80x64xf32, #tpu.memory_space<vmem>>) target(%dma_start3A_79 : memref<10240x64xf32, #tpu.memory_space<vmem_shared>>) offsets(%dma_start3A_76 : memref<80xi32, #tpu.memory_space<vmem>>) semaphore(%arg20 : memref<!tpu.dma_semaphore, #tpu.memory_space<semaphore_mem>>) {add = true}
      %dma_start3A_80 = arith.constant 0 : i32
      %dma_start3A_81 = tpu.memref_slice %arg9[%add3A_53, %dma_start3A_80] : memref<125x80xi32, #tpu.memory_space<vmem>> -> memref<1x80xi32, #tpu.memory_space<vmem>>
      %dma_start3A_82 = tpu.memref_squeeze %dma_start3A_81 : memref<1x80xi32, #tpu.memory_space<vmem>> -> memref<80xi32, #tpu.memory_space<vmem>>
      %dma_start3A_83 = arith.constant 0 : i32
      %dma_start3A_84 = arith.constant 0 : i32
      %dma_start3A_85 = tpu.memref_slice %arg28[%dma_start3A_83, %dma_start3A_84] : memref<10240x16xf32, #tpu.memory_space<vmem_shared>> -> memref<10240x16xf32, #tpu.memory_space<vmem_shared>>
      tpu.enqueue_indirect_dma source(%arg25 : memref<80x16xf32, #tpu.memory_space<vmem>>) target(%dma_start3A_85 : memref<10240x16xf32, #tpu.memory_space<vmem_shared>>) offsets(%dma_start3A_82 : memref<80xi32, #tpu.memory_space<vmem>>) semaphore(%arg26 : memref<!tpu.dma_semaphore, #tpu.memory_space<semaphore_mem>>) {add = true}
      %mul3A_86 = arith.constant 5 : i32
      %mul3A_87 = arith.muli %scan3A_49, %mul3A_86 : i32
      %add3A_88 = arith.constant 1 : i32
      %add3A_89 = arith.addi %mul3A_87, %add3A_88 : i32
      %ge3A_90 = arith.constant 3 : i32
      %ge3A_91 = arith.cmpi sge, %add3A_89, %ge3A_90 : i32
      %convert_element_type3A_92 = arith.extui %ge3A_91 : i1 to i32
      %cond3A_93 = arith.constant 0 : i32
      %cond3A_94 = arith.cmpi ne, %convert_element_type3A_92, %cond3A_93 : i32
      scf.if %cond3A_94 {
        %dma_wait3A_246 = arith.constant 0 : i32
        %dma_wait3A_247 = arith.constant 0 : i32
        %dma_wait3A_248 = tpu.memref_slice %arg9[%dma_wait3A_246, %dma_wait3A_247] : memref<125x80xi32, #tpu.memory_space<vmem>> -> memref<1x80xi32, #tpu.memory_space<vmem>>
        %dma_wait3A_249 = tpu.memref_squeeze %dma_wait3A_248 : memref<1x80xi32, #tpu.memory_space<vmem>> -> memref<80xi32, #tpu.memory_space<vmem>>
        %dma_wait3A_250 = arith.constant 0 : i32
        %dma_wait3A_251 = arith.constant 0 : i32
        %dma_wait3A_252 = tpu.memref_slice %arg27[%dma_wait3A_250, %dma_wait3A_251] : memref<10240x64xf32, #tpu.memory_space<vmem_shared>> -> memref<10240x64xf32, #tpu.memory_space<vmem_shared>>
        tpu.wait_indirect_dma semaphore(%arg23 : memref<!tpu.dma_semaphore, #tpu.memory_space<semaphore_mem>>) src(%arg13 : memref<80x64xf32, #tpu.memory_space<vmem>>) dst(%dma_wait3A_252 : memref<10240x64xf32, #tpu.memory_space<vmem_shared>>)
      } else {
      }
      %add3A_95 = arith.constant 2 : i32
      %add3A_96 = arith.addi %add3A_89, %add3A_95 : i32
      %lt3A_97 = arith.constant 125 : i32
      %lt3A_98 = arith.cmpi slt, %add3A_96, %lt3A_97 : i32
      %convert_element_type3A_99 = arith.extui %lt3A_98 : i1 to i32
      %cond3A_100 = arith.constant 0 : i32
      %cond3A_101 = arith.cmpi ne, %convert_element_type3A_99, %cond3A_100 : i32
      scf.if %cond3A_101 {
        %add3A_246 = arith.constant 2 : i32
        %add3A_247 = arith.addi %add3A_89, %add3A_246 : i32
        %mul3A_248 = arith.constant 80 : i32
        %mul3A_249 = arith.muli %add3A_247, %mul3A_248 : i32
        %add3A_250 = arith.addi %mul3A_2, %mul3A_249 : i32
        %dma_start3A_251 = arith.constant 0 : i32
        %dma_start3A_252 = tpu.memref_slice %arg2[%add3A_250, %dma_start3A_251] : memref<320000x64xf32, #tpu.memory_space<hbm>> -> memref<80x64xf32, #tpu.memory_space<hbm>>
        %dma_start3A_253 = arith.constant 0 : i32
        %dma_start3A_254 = tpu.memref_slice %arg2[%add3A_250, %dma_start3A_253] : memref<320000x64xf32, #tpu.memory_space<hbm>> -> memref<80x64xf32, #tpu.memory_space<hbm>>
        tpu.enqueue_dma source(%dma_start3A_254 : memref<80x64xf32, #tpu.memory_space<hbm>>) target(%arg13 : memref<80x64xf32, #tpu.memory_space<vmem>>) target_semaphore(%arg18 : memref<!tpu.dma_semaphore, #tpu.memory_space<semaphore_mem>>)
      } else {
      }
      %ge3A_102 = arith.constant 1 : i32
      %ge3A_103 = arith.cmpi sge, %add3A_89, %ge3A_102 : i32
      %convert_element_type3A_104 = arith.extui %ge3A_103 : i1 to i32
      %cond3A_105 = arith.constant 0 : i32
      %cond3A_106 = arith.cmpi ne, %convert_element_type3A_104, %cond3A_105 : i32
      scf.if %cond3A_106 {
        %dma_wait3A_246 = arith.constant 0 : i32
        %dma_wait3A_247 = arith.constant 0 : i32
        %dma_wait3A_248 = tpu.memref_slice %arg9[%dma_wait3A_246, %dma_wait3A_247] : memref<125x80xi32, #tpu.memory_space<vmem>> -> memref<1x80xi32, #tpu.memory_space<vmem>>
        %dma_wait3A_249 = tpu.memref_squeeze %dma_wait3A_248 : memref<1x80xi32, #tpu.memory_space<vmem>> -> memref<80xi32, #tpu.memory_space<vmem>>
        %dma_wait3A_250 = arith.constant 0 : i32
        %dma_wait3A_251 = arith.constant 0 : i32
        %dma_wait3A_252 = tpu.memref_slice %arg28[%dma_wait3A_250, %dma_wait3A_251] : memref<10240x16xf32, #tpu.memory_space<vmem_shared>> -> memref<10240x16xf32, #tpu.memory_space<vmem_shared>>
        tpu.wait_indirect_dma semaphore(%arg26 : memref<!tpu.dma_semaphore, #tpu.memory_space<semaphore_mem>>) src(%arg25 : memref<80x16xf32, #tpu.memory_space<vmem>>) dst(%dma_wait3A_252 : memref<10240x16xf32, #tpu.memory_space<vmem_shared>>)
      } else {
      }
      %mul3A_107 = arith.constant 80 : i32
      %mul3A_108 = arith.muli %add3A_89, %mul3A_107 : i32
      %add3A_109 = arith.addi %mul3A_2, %mul3A_108 : i32
      %dma_wait3A_110 = arith.constant 0 : i32
      %dma_wait3A_111 = tpu.memref_slice %arg2[%add3A_109, %dma_wait3A_110] : memref<320000x64xf32, #tpu.memory_space<hbm>> -> memref<80x64xf32, #tpu.memory_space<hbm>>
      %dma_wait3A_112 = arith.constant 0 : i32
      %dma_wait3A_113 = tpu.memref_slice %arg2[%add3A_109, %dma_wait3A_112] : memref<320000x64xf32, #tpu.memory_space<hbm>> -> memref<80x64xf32, #tpu.memory_space<hbm>>
      tpu.wait_dma2 semaphore(%arg16 : memref<!tpu.dma_semaphore, #tpu.memory_space<semaphore_mem>>) src(%dma_wait3A_113 : memref<80x64xf32, #tpu.memory_space<hbm>>) dst(%arg11 : memref<80x64xf32, #tpu.memory_space<vmem>>)
      %dma_start3A_114 = arith.constant 0 : i32
      %dma_start3A_115 = tpu.memref_slice %arg9[%add3A_89, %dma_start3A_114] : memref<125x80xi32, #tpu.memory_space<vmem>> -> memref<1x80xi32, #tpu.memory_space<vmem>>
      %dma_start3A_116 = tpu.memref_squeeze %dma_start3A_115 : memref<1x80xi32, #tpu.memory_space<vmem>> -> memref<80xi32, #tpu.memory_space<vmem>>
      %dma_start3A_117 = arith.constant 0 : i32
      %dma_start3A_118 = arith.constant 0 : i32
      %dma_start3A_119 = tpu.memref_slice %arg27[%dma_start3A_117, %dma_start3A_118] : memref<10240x64xf32, #tpu.memory_space<vmem_shared>> -> memref<10240x64xf32, #tpu.memory_space<vmem_shared>>
      tpu.enqueue_indirect_dma source(%arg11 : memref<80x64xf32, #tpu.memory_space<vmem>>) target(%dma_start3A_119 : memref<10240x64xf32, #tpu.memory_space<vmem_shared>>) offsets(%dma_start3A_116 : memref<80xi32, #tpu.memory_space<vmem>>) semaphore(%arg21 : memref<!tpu.dma_semaphore, #tpu.memory_space<semaphore_mem>>) {add = true}
      %dma_start3A_120 = arith.constant 0 : i32
      %dma_start3A_121 = tpu.memref_slice %arg9[%add3A_89, %dma_start3A_120] : memref<125x80xi32, #tpu.memory_space<vmem>> -> memref<1x80xi32, #tpu.memory_space<vmem>>
      %dma_start3A_122 = tpu.memref_squeeze %dma_start3A_121 : memref<1x80xi32, #tpu.memory_space<vmem>> -> memref<80xi32, #tpu.memory_space<vmem>>
      %dma_start3A_123 = arith.constant 0 : i32
      %dma_start3A_124 = arith.constant 0 : i32
      %dma_start3A_125 = tpu.memref_slice %arg28[%dma_start3A_123, %dma_start3A_124] : memref<10240x16xf32, #tpu.memory_space<vmem_shared>> -> memref<10240x16xf32, #tpu.memory_space<vmem_shared>>
      tpu.enqueue_indirect_dma source(%arg25 : memref<80x16xf32, #tpu.memory_space<vmem>>) target(%dma_start3A_125 : memref<10240x16xf32, #tpu.memory_space<vmem_shared>>) offsets(%dma_start3A_122 : memref<80xi32, #tpu.memory_space<vmem>>) semaphore(%arg26 : memref<!tpu.dma_semaphore, #tpu.memory_space<semaphore_mem>>) {add = true}
      %mul3A_126 = arith.constant 5 : i32
      %mul3A_127 = arith.muli %scan3A_49, %mul3A_126 : i32
      %add3A_128 = arith.constant 2 : i32
      %add3A_129 = arith.addi %mul3A_127, %add3A_128 : i32
      %ge3A_130 = arith.constant 3 : i32
      %ge3A_131 = arith.cmpi sge, %add3A_129, %ge3A_130 : i32
      %convert_element_type3A_132 = arith.extui %ge3A_131 : i1 to i32
      %cond3A_133 = arith.constant 0 : i32
      %cond3A_134 = arith.cmpi ne, %convert_element_type3A_132, %cond3A_133 : i32
      scf.if %cond3A_134 {
        %dma_wait3A_246 = arith.constant 0 : i32
        %dma_wait3A_247 = arith.constant 0 : i32
        %dma_wait3A_248 = tpu.memref_slice %arg9[%dma_wait3A_246, %dma_wait3A_247] : memref<125x80xi32, #tpu.memory_space<vmem>> -> memref<1x80xi32, #tpu.memory_space<vmem>>
        %dma_wait3A_249 = tpu.memref_squeeze %dma_wait3A_248 : memref<1x80xi32, #tpu.memory_space<vmem>> -> memref<80xi32, #tpu.memory_space<vmem>>
        %dma_wait3A_250 = arith.constant 0 : i32
        %dma_wait3A_251 = arith.constant 0 : i32
        %dma_wait3A_252 = tpu.memref_slice %arg27[%dma_wait3A_250, %dma_wait3A_251] : memref<10240x64xf32, #tpu.memory_space<vmem_shared>> -> memref<10240x64xf32, #tpu.memory_space<vmem_shared>>
        tpu.wait_indirect_dma semaphore(%arg24 : memref<!tpu.dma_semaphore, #tpu.memory_space<semaphore_mem>>) src(%arg14 : memref<80x64xf32, #tpu.memory_space<vmem>>) dst(%dma_wait3A_252 : memref<10240x64xf32, #tpu.memory_space<vmem_shared>>)
      } else {
      }
      %add3A_135 = arith.constant 2 : i32
      %add3A_136 = arith.addi %add3A_129, %add3A_135 : i32
      %lt3A_137 = arith.constant 125 : i32
      %lt3A_138 = arith.cmpi slt, %add3A_136, %lt3A_137 : i32
      %convert_element_type3A_139 = arith.extui %lt3A_138 : i1 to i32
      %cond3A_140 = arith.constant 0 : i32
      %cond3A_141 = arith.cmpi ne, %convert_element_type3A_139, %cond3A_140 : i32
      scf.if %cond3A_141 {
        %add3A_246 = arith.constant 2 : i32
        %add3A_247 = arith.addi %add3A_129, %add3A_246 : i32
        %mul3A_248 = arith.constant 80 : i32
        %mul3A_249 = arith.muli %add3A_247, %mul3A_248 : i32
        %add3A_250 = arith.addi %mul3A_2, %mul3A_249 : i32
        %dma_start3A_251 = arith.constant 0 : i32
        %dma_start3A_252 = tpu.memref_slice %arg2[%add3A_250, %dma_start3A_251] : memref<320000x64xf32, #tpu.memory_space<hbm>> -> memref<80x64xf32, #tpu.memory_space<hbm>>
        %dma_start3A_253 = arith.constant 0 : i32
        %dma_start3A_254 = tpu.memref_slice %arg2[%add3A_250, %dma_start3A_253] : memref<320000x64xf32, #tpu.memory_space<hbm>> -> memref<80x64xf32, #tpu.memory_space<hbm>>
        tpu.enqueue_dma source(%dma_start3A_254 : memref<80x64xf32, #tpu.memory_space<hbm>>) target(%arg14 : memref<80x64xf32, #tpu.memory_space<vmem>>) target_semaphore(%arg19 : memref<!tpu.dma_semaphore, #tpu.memory_space<semaphore_mem>>)
      } else {
      }
      %ge3A_142 = arith.constant 1 : i32
      %ge3A_143 = arith.cmpi sge, %add3A_129, %ge3A_142 : i32
      %convert_element_type3A_144 = arith.extui %ge3A_143 : i1 to i32
      %cond3A_145 = arith.constant 0 : i32
      %cond3A_146 = arith.cmpi ne, %convert_element_type3A_144, %cond3A_145 : i32
      scf.if %cond3A_146 {
        %dma_wait3A_246 = arith.constant 0 : i32
        %dma_wait3A_247 = arith.constant 0 : i32
        %dma_wait3A_248 = tpu.memref_slice %arg9[%dma_wait3A_246, %dma_wait3A_247] : memref<125x80xi32, #tpu.memory_space<vmem>> -> memref<1x80xi32, #tpu.memory_space<vmem>>
        %dma_wait3A_249 = tpu.memref_squeeze %dma_wait3A_248 : memref<1x80xi32, #tpu.memory_space<vmem>> -> memref<80xi32, #tpu.memory_space<vmem>>
        %dma_wait3A_250 = arith.constant 0 : i32
        %dma_wait3A_251 = arith.constant 0 : i32
        %dma_wait3A_252 = tpu.memref_slice %arg28[%dma_wait3A_250, %dma_wait3A_251] : memref<10240x16xf32, #tpu.memory_space<vmem_shared>> -> memref<10240x16xf32, #tpu.memory_space<vmem_shared>>
        tpu.wait_indirect_dma semaphore(%arg26 : memref<!tpu.dma_semaphore, #tpu.memory_space<semaphore_mem>>) src(%arg25 : memref<80x16xf32, #tpu.memory_space<vmem>>) dst(%dma_wait3A_252 : memref<10240x16xf32, #tpu.memory_space<vmem_shared>>)
      } else {
      }
      %mul3A_147 = arith.constant 80 : i32
      %mul3A_148 = arith.muli %add3A_129, %mul3A_147 : i32
      %add3A_149 = arith.addi %mul3A_2, %mul3A_148 : i32
      %dma_wait3A_150 = arith.constant 0 : i32
      %dma_wait3A_151 = tpu.memref_slice %arg2[%add3A_149, %dma_wait3A_150] : memref<320000x64xf32, #tpu.memory_space<hbm>> -> memref<80x64xf32, #tpu.memory_space<hbm>>
      %dma_wait3A_152 = arith.constant 0 : i32
      %dma_wait3A_153 = tpu.memref_slice %arg2[%add3A_149, %dma_wait3A_152] : memref<320000x64xf32, #tpu.memory_space<hbm>> -> memref<80x64xf32, #tpu.memory_space<hbm>>
      tpu.wait_dma2 semaphore(%arg17 : memref<!tpu.dma_semaphore, #tpu.memory_space<semaphore_mem>>) src(%dma_wait3A_153 : memref<80x64xf32, #tpu.memory_space<hbm>>) dst(%arg12 : memref<80x64xf32, #tpu.memory_space<vmem>>)
      %dma_start3A_154 = arith.constant 0 : i32
      %dma_start3A_155 = tpu.memref_slice %arg9[%add3A_129, %dma_start3A_154] : memref<125x80xi32, #tpu.memory_space<vmem>> -> memref<1x80xi32, #tpu.memory_space<vmem>>
      %dma_start3A_156 = tpu.memref_squeeze %dma_start3A_155 : memref<1x80xi32, #tpu.memory_space<vmem>> -> memref<80xi32, #tpu.memory_space<vmem>>
      %dma_start3A_157 = arith.constant 0 : i32
      %dma_start3A_158 = arith.constant 0 : i32
      %dma_start3A_159 = tpu.memref_slice %arg27[%dma_start3A_157, %dma_start3A_158] : memref<10240x64xf32, #tpu.memory_space<vmem_shared>> -> memref<10240x64xf32, #tpu.memory_space<vmem_shared>>
      tpu.enqueue_indirect_dma source(%arg12 : memref<80x64xf32, #tpu.memory_space<vmem>>) target(%dma_start3A_159 : memref<10240x64xf32, #tpu.memory_space<vmem_shared>>) offsets(%dma_start3A_156 : memref<80xi32, #tpu.memory_space<vmem>>) semaphore(%arg22 : memref<!tpu.dma_semaphore, #tpu.memory_space<semaphore_mem>>) {add = true}
      %dma_start3A_160 = arith.constant 0 : i32
      %dma_start3A_161 = tpu.memref_slice %arg9[%add3A_129, %dma_start3A_160] : memref<125x80xi32, #tpu.memory_space<vmem>> -> memref<1x80xi32, #tpu.memory_space<vmem>>
      %dma_start3A_162 = tpu.memref_squeeze %dma_start3A_161 : memref<1x80xi32, #tpu.memory_space<vmem>> -> memref<80xi32, #tpu.memory_space<vmem>>
      %dma_start3A_163 = arith.constant 0 : i32
      %dma_start3A_164 = arith.constant 0 : i32
      %dma_start3A_165 = tpu.memref_slice %arg28[%dma_start3A_163, %dma_start3A_164] : memref<10240x16xf32, #tpu.memory_space<vmem_shared>> -> memref<10240x16xf32, #tpu.memory_space<vmem_shared>>
      tpu.enqueue_indirect_dma source(%arg25 : memref<80x16xf32, #tpu.memory_space<vmem>>) target(%dma_start3A_165 : memref<10240x16xf32, #tpu.memory_space<vmem_shared>>) offsets(%dma_start3A_162 : memref<80xi32, #tpu.memory_space<vmem>>) semaphore(%arg26 : memref<!tpu.dma_semaphore, #tpu.memory_space<semaphore_mem>>) {add = true}
      %mul3A_166 = arith.constant 5 : i32
      %mul3A_167 = arith.muli %scan3A_49, %mul3A_166 : i32
      %add3A_168 = arith.constant 3 : i32
      %add3A_169 = arith.addi %mul3A_167, %add3A_168 : i32
      %ge3A_170 = arith.constant 3 : i32
      %ge3A_171 = arith.cmpi sge, %add3A_169, %ge3A_170 : i32
      %convert_element_type3A_172 = arith.extui %ge3A_171 : i1 to i32
      %cond3A_173 = arith.constant 0 : i32
      %cond3A_174 = arith.cmpi ne, %convert_element_type3A_172, %cond3A_173 : i32
      scf.if %cond3A_174 {
        %dma_wait3A_246 = arith.constant 0 : i32
        %dma_wait3A_247 = arith.constant 0 : i32
        %dma_wait3A_248 = tpu.memref_slice %arg9[%dma_wait3A_246, %dma_wait3A_247] : memref<125x80xi32, #tpu.memory_space<vmem>> -> memref<1x80xi32, #tpu.memory_space<vmem>>
        %dma_wait3A_249 = tpu.memref_squeeze %dma_wait3A_248 : memref<1x80xi32, #tpu.memory_space<vmem>> -> memref<80xi32, #tpu.memory_space<vmem>>
        %dma_wait3A_250 = arith.constant 0 : i32
        %dma_wait3A_251 = arith.constant 0 : i32
        %dma_wait3A_252 = tpu.memref_slice %arg27[%dma_wait3A_250, %dma_wait3A_251] : memref<10240x64xf32, #tpu.memory_space<vmem_shared>> -> memref<10240x64xf32, #tpu.memory_space<vmem_shared>>
        tpu.wait_indirect_dma semaphore(%arg20 : memref<!tpu.dma_semaphore, #tpu.memory_space<semaphore_mem>>) src(%arg10 : memref<80x64xf32, #tpu.memory_space<vmem>>) dst(%dma_wait3A_252 : memref<10240x64xf32, #tpu.memory_space<vmem_shared>>)
      } else {
      }
      %add3A_175 = arith.constant 2 : i32
      %add3A_176 = arith.addi %add3A_169, %add3A_175 : i32
      %lt3A_177 = arith.constant 125 : i32
      %lt3A_178 = arith.cmpi slt, %add3A_176, %lt3A_177 : i32
      %convert_element_type3A_179 = arith.extui %lt3A_178 : i1 to i32
      %cond3A_180 = arith.constant 0 : i32
      %cond3A_181 = arith.cmpi ne, %convert_element_type3A_179, %cond3A_180 : i32
      scf.if %cond3A_181 {
        %add3A_246 = arith.constant 2 : i32
        %add3A_247 = arith.addi %add3A_169, %add3A_246 : i32
        %mul3A_248 = arith.constant 80 : i32
        %mul3A_249 = arith.muli %add3A_247, %mul3A_248 : i32
        %add3A_250 = arith.addi %mul3A_2, %mul3A_249 : i32
        %dma_start3A_251 = arith.constant 0 : i32
        %dma_start3A_252 = tpu.memref_slice %arg2[%add3A_250, %dma_start3A_251] : memref<320000x64xf32, #tpu.memory_space<hbm>> -> memref<80x64xf32, #tpu.memory_space<hbm>>
        %dma_start3A_253 = arith.constant 0 : i32
        %dma_start3A_254 = tpu.memref_slice %arg2[%add3A_250, %dma_start3A_253] : memref<320000x64xf32, #tpu.memory_space<hbm>> -> memref<80x64xf32, #tpu.memory_space<hbm>>
        tpu.enqueue_dma source(%dma_start3A_254 : memref<80x64xf32, #tpu.memory_space<hbm>>) target(%arg10 : memref<80x64xf32, #tpu.memory_space<vmem>>) target_semaphore(%arg15 : memref<!tpu.dma_semaphore, #tpu.memory_space<semaphore_mem>>)
      } else {
      }
      %ge3A_182 = arith.constant 1 : i32
      %ge3A_183 = arith.cmpi sge, %add3A_169, %ge3A_182 : i32
      %convert_element_type3A_184 = arith.extui %ge3A_183 : i1 to i32
      %cond3A_185 = arith.constant 0 : i32
      %cond3A_186 = arith.cmpi ne, %convert_element_type3A_184, %cond3A_185 : i32
      scf.if %cond3A_186 {
        %dma_wait3A_246 = arith.constant 0 : i32
        %dma_wait3A_247 = arith.constant 0 : i32
        %dma_wait3A_248 = tpu.memref_slice %arg9[%dma_wait3A_246, %dma_wait3A_247] : memref<125x80xi32, #tpu.memory_space<vmem>> -> memref<1x80xi32, #tpu.memory_space<vmem>>
        %dma_wait3A_249 = tpu.memref_squeeze %dma_wait3A_248 : memref<1x80xi32, #tpu.memory_space<vmem>> -> memref<80xi32, #tpu.memory_space<vmem>>
        %dma_wait3A_250 = arith.constant 0 : i32
        %dma_wait3A_251 = arith.constant 0 : i32
        %dma_wait3A_252 = tpu.memref_slice %arg28[%dma_wait3A_250, %dma_wait3A_251] : memref<10240x16xf32, #tpu.memory_space<vmem_shared>> -> memref<10240x16xf32, #tpu.memory_space<vmem_shared>>
        tpu.wait_indirect_dma semaphore(%arg26 : memref<!tpu.dma_semaphore, #tpu.memory_space<semaphore_mem>>) src(%arg25 : memref<80x16xf32, #tpu.memory_space<vmem>>) dst(%dma_wait3A_252 : memref<10240x16xf32, #tpu.memory_space<vmem_shared>>)
      } else {
      }
      %mul3A_187 = arith.constant 80 : i32
      %mul3A_188 = arith.muli %add3A_169, %mul3A_187 : i32
      %add3A_189 = arith.addi %mul3A_2, %mul3A_188 : i32
      %dma_wait3A_190 = arith.constant 0 : i32
      %dma_wait3A_191 = tpu.memref_slice %arg2[%add3A_189, %dma_wait3A_190] : memref<320000x64xf32, #tpu.memory_space<hbm>> -> memref<80x64xf32, #tpu.memory_space<hbm>>
      %dma_wait3A_192 = arith.constant 0 : i32
      %dma_wait3A_193 = tpu.memref_slice %arg2[%add3A_189, %dma_wait3A_192] : memref<320000x64xf32, #tpu.memory_space<hbm>> -> memref<80x64xf32, #tpu.memory_space<hbm>>
      tpu.wait_dma2 semaphore(%arg18 : memref<!tpu.dma_semaphore, #tpu.memory_space<semaphore_mem>>) src(%dma_wait3A_193 : memref<80x64xf32, #tpu.memory_space<hbm>>) dst(%arg13 : memref<80x64xf32, #tpu.memory_space<vmem>>)
      %dma_start3A_194 = arith.constant 0 : i32
      %dma_start3A_195 = tpu.memref_slice %arg9[%add3A_169, %dma_start3A_194] : memref<125x80xi32, #tpu.memory_space<vmem>> -> memref<1x80xi32, #tpu.memory_space<vmem>>
      %dma_start3A_196 = tpu.memref_squeeze %dma_start3A_195 : memref<1x80xi32, #tpu.memory_space<vmem>> -> memref<80xi32, #tpu.memory_space<vmem>>
      %dma_start3A_197 = arith.constant 0 : i32
      %dma_start3A_198 = arith.constant 0 : i32
      %dma_start3A_199 = tpu.memref_slice %arg27[%dma_start3A_197, %dma_start3A_198] : memref<10240x64xf32, #tpu.memory_space<vmem_shared>> -> memref<10240x64xf32, #tpu.memory_space<vmem_shared>>
      tpu.enqueue_indirect_dma source(%arg13 : memref<80x64xf32, #tpu.memory_space<vmem>>) target(%dma_start3A_199 : memref<10240x64xf32, #tpu.memory_space<vmem_shared>>) offsets(%dma_start3A_196 : memref<80xi32, #tpu.memory_space<vmem>>) semaphore(%arg23 : memref<!tpu.dma_semaphore, #tpu.memory_space<semaphore_mem>>) {add = true}
      %dma_start3A_200 = arith.constant 0 : i32
      %dma_start3A_201 = tpu.memref_slice %arg9[%add3A_169, %dma_start3A_200] : memref<125x80xi32, #tpu.memory_space<vmem>> -> memref<1x80xi32, #tpu.memory_space<vmem>>
      %dma_start3A_202 = tpu.memref_squeeze %dma_start3A_201 : memref<1x80xi32, #tpu.memory_space<vmem>> -> memref<80xi32, #tpu.memory_space<vmem>>
      %dma_start3A_203 = arith.constant 0 : i32
      %dma_start3A_204 = arith.constant 0 : i32
      %dma_start3A_205 = tpu.memref_slice %arg28[%dma_start3A_203, %dma_start3A_204] : memref<10240x16xf32, #tpu.memory_space<vmem_shared>> -> memref<10240x16xf32, #tpu.memory_space<vmem_shared>>
      tpu.enqueue_indirect_dma source(%arg25 : memref<80x16xf32, #tpu.memory_space<vmem>>) target(%dma_start3A_205 : memref<10240x16xf32, #tpu.memory_space<vmem_shared>>) offsets(%dma_start3A_202 : memref<80xi32, #tpu.memory_space<vmem>>) semaphore(%arg26 : memref<!tpu.dma_semaphore, #tpu.memory_space<semaphore_mem>>) {add = true}
      %mul3A_206 = arith.constant 5 : i32
      %mul3A_207 = arith.muli %scan3A_49, %mul3A_206 : i32
      %add3A_208 = arith.constant 4 : i32
      %add3A_209 = arith.addi %mul3A_207, %add3A_208 : i32
      %ge3A_210 = arith.constant 3 : i32
      %ge3A_211 = arith.cmpi sge, %add3A_209, %ge3A_210 : i32
      %convert_element_type3A_212 = arith.extui %ge3A_211 : i1 to i32
      %cond3A_213 = arith.constant 0 : i32
      %cond3A_214 = arith.cmpi ne, %convert_element_type3A_212, %cond3A_213 : i32
      scf.if %cond3A_214 {
        %dma_wait3A_246 = arith.constant 0 : i32
        %dma_wait3A_247 = arith.constant 0 : i32
        %dma_wait3A_248 = tpu.memref_slice %arg9[%dma_wait3A_246, %dma_wait3A_247] : memref<125x80xi32, #tpu.memory_space<vmem>> -> memref<1x80xi32, #tpu.memory_space<vmem>>
        %dma_wait3A_249 = tpu.memref_squeeze %dma_wait3A_248 : memref<1x80xi32, #tpu.memory_space<vmem>> -> memref<80xi32, #tpu.memory_space<vmem>>
        %dma_wait3A_250 = arith.constant 0 : i32
        %dma_wait3A_251 = arith.constant 0 : i32
        %dma_wait3A_252 = tpu.memref_slice %arg27[%dma_wait3A_250, %dma_wait3A_251] : memref<10240x64xf32, #tpu.memory_space<vmem_shared>> -> memref<10240x64xf32, #tpu.memory_space<vmem_shared>>
        tpu.wait_indirect_dma semaphore(%arg21 : memref<!tpu.dma_semaphore, #tpu.memory_space<semaphore_mem>>) src(%arg11 : memref<80x64xf32, #tpu.memory_space<vmem>>) dst(%dma_wait3A_252 : memref<10240x64xf32, #tpu.memory_space<vmem_shared>>)
      } else {
      }
      %add3A_215 = arith.constant 2 : i32
      %add3A_216 = arith.addi %add3A_209, %add3A_215 : i32
      %lt3A_217 = arith.constant 125 : i32
      %lt3A_218 = arith.cmpi slt, %add3A_216, %lt3A_217 : i32
      %convert_element_type3A_219 = arith.extui %lt3A_218 : i1 to i32
      %cond3A_220 = arith.constant 0 : i32
      %cond3A_221 = arith.cmpi ne, %convert_element_type3A_219, %cond3A_220 : i32
      scf.if %cond3A_221 {
        %add3A_246 = arith.constant 2 : i32
        %add3A_247 = arith.addi %add3A_209, %add3A_246 : i32
        %mul3A_248 = arith.constant 80 : i32
        %mul3A_249 = arith.muli %add3A_247, %mul3A_248 : i32
        %add3A_250 = arith.addi %mul3A_2, %mul3A_249 : i32
        %dma_start3A_251 = arith.constant 0 : i32
        %dma_start3A_252 = tpu.memref_slice %arg2[%add3A_250, %dma_start3A_251] : memref<320000x64xf32, #tpu.memory_space<hbm>> -> memref<80x64xf32, #tpu.memory_space<hbm>>
        %dma_start3A_253 = arith.constant 0 : i32
        %dma_start3A_254 = tpu.memref_slice %arg2[%add3A_250, %dma_start3A_253] : memref<320000x64xf32, #tpu.memory_space<hbm>> -> memref<80x64xf32, #tpu.memory_space<hbm>>
        tpu.enqueue_dma source(%dma_start3A_254 : memref<80x64xf32, #tpu.memory_space<hbm>>) target(%arg11 : memref<80x64xf32, #tpu.memory_space<vmem>>) target_semaphore(%arg16 : memref<!tpu.dma_semaphore, #tpu.memory_space<semaphore_mem>>)
      } else {
      }
      %ge3A_222 = arith.constant 1 : i32
      %ge3A_223 = arith.cmpi sge, %add3A_209, %ge3A_222 : i32
      %convert_element_type3A_224 = arith.extui %ge3A_223 : i1 to i32
      %cond3A_225 = arith.constant 0 : i32
      %cond3A_226 = arith.cmpi ne, %convert_element_type3A_224, %cond3A_225 : i32
      scf.if %cond3A_226 {
        %dma_wait3A_246 = arith.constant 0 : i32
        %dma_wait3A_247 = arith.constant 0 : i32
        %dma_wait3A_248 = tpu.memref_slice %arg9[%dma_wait3A_246, %dma_wait3A_247] : memref<125x80xi32, #tpu.memory_space<vmem>> -> memref<1x80xi32, #tpu.memory_space<vmem>>
        %dma_wait3A_249 = tpu.memref_squeeze %dma_wait3A_248 : memref<1x80xi32, #tpu.memory_space<vmem>> -> memref<80xi32, #tpu.memory_space<vmem>>
        %dma_wait3A_250 = arith.constant 0 : i32
        %dma_wait3A_251 = arith.constant 0 : i32
        %dma_wait3A_252 = tpu.memref_slice %arg28[%dma_wait3A_250, %dma_wait3A_251] : memref<10240x16xf32, #tpu.memory_space<vmem_shared>> -> memref<10240x16xf32, #tpu.memory_space<vmem_shared>>
        tpu.wait_indirect_dma semaphore(%arg26 : memref<!tpu.dma_semaphore, #tpu.memory_space<semaphore_mem>>) src(%arg25 : memref<80x16xf32, #tpu.memory_space<vmem>>) dst(%dma_wait3A_252 : memref<10240x16xf32, #tpu.memory_space<vmem_shared>>)
      } else {
      }
      %mul3A_227 = arith.constant 80 : i32
      %mul3A_228 = arith.muli %add3A_209, %mul3A_227 : i32
      %add3A_229 = arith.addi %mul3A_2, %mul3A_228 : i32
      %dma_wait3A_230 = arith.constant 0 : i32
      %dma_wait3A_231 = tpu.memref_slice %arg2[%add3A_229, %dma_wait3A_230] : memref<320000x64xf32, #tpu.memory_space<hbm>> -> memref<80x64xf32, #tpu.memory_space<hbm>>
      %dma_wait3A_232 = arith.constant 0 : i32
      %dma_wait3A_233 = tpu.memref_slice %arg2[%add3A_229, %dma_wait3A_232] : memref<320000x64xf32, #tpu.memory_space<hbm>> -> memref<80x64xf32, #tpu.memory_space<hbm>>
      tpu.wait_dma2 semaphore(%arg19 : memref<!tpu.dma_semaphore, #tpu.memory_space<semaphore_mem>>) src(%dma_wait3A_233 : memref<80x64xf32, #tpu.memory_space<hbm>>) dst(%arg14 : memref<80x64xf32, #tpu.memory_space<vmem>>)
      %dma_start3A_234 = arith.constant 0 : i32
      %dma_start3A_235 = tpu.memref_slice %arg9[%add3A_209, %dma_start3A_234] : memref<125x80xi32, #tpu.memory_space<vmem>> -> memref<1x80xi32, #tpu.memory_space<vmem>>
      %dma_start3A_236 = tpu.memref_squeeze %dma_start3A_235 : memref<1x80xi32, #tpu.memory_space<vmem>> -> memref<80xi32, #tpu.memory_space<vmem>>
      %dma_start3A_237 = arith.constant 0 : i32
      %dma_start3A_238 = arith.constant 0 : i32
      %dma_start3A_239 = tpu.memref_slice %arg27[%dma_start3A_237, %dma_start3A_238] : memref<10240x64xf32, #tpu.memory_space<vmem_shared>> -> memref<10240x64xf32, #tpu.memory_space<vmem_shared>>
      tpu.enqueue_indirect_dma source(%arg14 : memref<80x64xf32, #tpu.memory_space<vmem>>) target(%dma_start3A_239 : memref<10240x64xf32, #tpu.memory_space<vmem_shared>>) offsets(%dma_start3A_236 : memref<80xi32, #tpu.memory_space<vmem>>) semaphore(%arg24 : memref<!tpu.dma_semaphore, #tpu.memory_space<semaphore_mem>>) {add = true}
      %dma_start3A_240 = arith.constant 0 : i32
      %dma_start3A_241 = tpu.memref_slice %arg9[%add3A_209, %dma_start3A_240] : memref<125x80xi32, #tpu.memory_space<vmem>> -> memref<1x80xi32, #tpu.memory_space<vmem>>
      %dma_start3A_242 = tpu.memref_squeeze %dma_start3A_241 : memref<1x80xi32, #tpu.memory_space<vmem>> -> memref<80xi32, #tpu.memory_space<vmem>>
      %dma_start3A_243 = arith.constant 0 : i32
      %dma_start3A_244 = arith.constant 0 : i32
      %dma_start3A_245 = tpu.memref_slice %arg28[%dma_start3A_243, %dma_start3A_244] : memref<10240x16xf32, #tpu.memory_space<vmem_shared>> -> memref<10240x16xf32, #tpu.memory_space<vmem_shared>>
      tpu.enqueue_indirect_dma source(%arg25 : memref<80x16xf32, #tpu.memory_space<vmem>>) target(%dma_start3A_245 : memref<10240x16xf32, #tpu.memory_space<vmem_shared>>) offsets(%dma_start3A_242 : memref<80xi32, #tpu.memory_space<vmem>>) semaphore(%arg26 : memref<!tpu.dma_semaphore, #tpu.memory_space<semaphore_mem>>) {add = true}
    }
    %scan3A_20 = arith.constant 25 : i32
    %dma_wait3A = arith.constant 0 : i32
    %dma_wait3A_21 = arith.constant 0 : i32
    %dma_wait3A_22 = tpu.memref_slice %arg9[%dma_wait3A, %dma_wait3A_21] : memref<125x80xi32, #tpu.memory_space<vmem>> -> memref<1x80xi32, #tpu.memory_space<vmem>>
    %dma_wait3A_23 = tpu.memref_squeeze %dma_wait3A_22 : memref<1x80xi32, #tpu.memory_space<vmem>> -> memref<80xi32, #tpu.memory_space<vmem>>
    %dma_wait3A_24 = arith.constant 0 : i32
    %dma_wait3A_25 = arith.constant 0 : i32
    %dma_wait3A_26 = tpu.memref_slice %arg27[%dma_wait3A_24, %dma_wait3A_25] : memref<10240x64xf32, #tpu.memory_space<vmem_shared>> -> memref<10240x64xf32, #tpu.memory_space<vmem_shared>>
    tpu.wait_indirect_dma semaphore(%arg22 : memref<!tpu.dma_semaphore, #tpu.memory_space<semaphore_mem>>) src(%arg12 : memref<80x64xf32, #tpu.memory_space<vmem>>) dst(%dma_wait3A_26 : memref<10240x64xf32, #tpu.memory_space<vmem_shared>>)
    %dma_wait3A_27 = arith.constant 0 : i32
    %dma_wait3A_28 = arith.constant 0 : i32
    %dma_wait3A_29 = tpu.memref_slice %arg9[%dma_wait3A_27, %dma_wait3A_28] : memref<125x80xi32, #tpu.memory_space<vmem>> -> memref<1x80xi32, #tpu.memory_space<vmem>>
    %dma_wait3A_30 = tpu.memref_squeeze %dma_wait3A_29 : memref<1x80xi32, #tpu.memory_space<vmem>> -> memref<80xi32, #tpu.memory_space<vmem>>
    %dma_wait3A_31 = arith.constant 0 : i32
    %dma_wait3A_32 = arith.constant 0 : i32
    %dma_wait3A_33 = tpu.memref_slice %arg27[%dma_wait3A_31, %dma_wait3A_32] : memref<10240x64xf32, #tpu.memory_space<vmem_shared>> -> memref<10240x64xf32, #tpu.memory_space<vmem_shared>>
    tpu.wait_indirect_dma semaphore(%arg23 : memref<!tpu.dma_semaphore, #tpu.memory_space<semaphore_mem>>) src(%arg13 : memref<80x64xf32, #tpu.memory_space<vmem>>) dst(%dma_wait3A_33 : memref<10240x64xf32, #tpu.memory_space<vmem_shared>>)
    %dma_wait3A_34 = arith.constant 0 : i32
    %dma_wait3A_35 = arith.constant 0 : i32
    %dma_wait3A_36 = tpu.memref_slice %arg9[%dma_wait3A_34, %dma_wait3A_35] : memref<125x80xi32, #tpu.memory_space<vmem>> -> memref<1x80xi32, #tpu.memory_space<vmem>>
    %dma_wait3A_37 = tpu.memref_squeeze %dma_wait3A_36 : memref<1x80xi32, #tpu.memory_space<vmem>> -> memref<80xi32, #tpu.memory_space<vmem>>
    %dma_wait3A_38 = arith.constant 0 : i32
    %dma_wait3A_39 = arith.constant 0 : i32
    %dma_wait3A_40 = tpu.memref_slice %arg27[%dma_wait3A_38, %dma_wait3A_39] : memref<10240x64xf32, #tpu.memory_space<vmem_shared>> -> memref<10240x64xf32, #tpu.memory_space<vmem_shared>>
    tpu.wait_indirect_dma semaphore(%arg24 : memref<!tpu.dma_semaphore, #tpu.memory_space<semaphore_mem>>) src(%arg14 : memref<80x64xf32, #tpu.memory_space<vmem>>) dst(%dma_wait3A_40 : memref<10240x64xf32, #tpu.memory_space<vmem_shared>>)
    %dma_wait3A_41 = arith.constant 0 : i32
    %dma_wait3A_42 = arith.constant 0 : i32
    %dma_wait3A_43 = tpu.memref_slice %arg9[%dma_wait3A_41, %dma_wait3A_42] : memref<125x80xi32, #tpu.memory_space<vmem>> -> memref<1x80xi32, #tpu.memory_space<vmem>>
    %dma_wait3A_44 = tpu.memref_squeeze %dma_wait3A_43 : memref<1x80xi32, #tpu.memory_space<vmem>> -> memref<80xi32, #tpu.memory_space<vmem>>
    %dma_wait3A_45 = arith.constant 0 : i32
    %dma_wait3A_46 = arith.constant 0 : i32
    %dma_wait3A_47 = tpu.memref_slice %arg28[%dma_wait3A_45, %dma_wait3A_46] : memref<10240x16xf32, #tpu.memory_space<vmem_shared>> -> memref<10240x16xf32, #tpu.memory_space<vmem_shared>>
    tpu.wait_indirect_dma semaphore(%arg26 : memref<!tpu.dma_semaphore, #tpu.memory_space<semaphore_mem>>) src(%arg25 : memref<80x16xf32, #tpu.memory_space<vmem>>) dst(%dma_wait3A_47 : memref<10240x16xf32, #tpu.memory_space<vmem_shared>>)
    %barrier3A_48 = arith.constant 0 : index
    tpu.barrier barrier_id(%barrier3A_48)
    "tpu.region"() ({
      %run_scoped3A = tpu.sem_alloc : memref<!tpu.dma_semaphore, #tpu.memory_space<semaphore_mem>>
      %dma_start3A_49 = arith.constant 0 : i32
      %dma_start3A_50 = tpu.memref_slice %arg7[%arg0, %mul3A_4, %dma_start3A_49] : memref<2x10240x64xf32, #tpu.memory_space<hbm>> -> memref<1x640x64xf32, #tpu.memory_space<hbm>>
      %dma_start3A_51 = tpu.memref_squeeze %dma_start3A_50 : memref<1x640x64xf32, #tpu.memory_space<hbm>> -> memref<640x64xf32, #tpu.memory_space<hbm>>
      %dma_start3A_52 = arith.constant 0 : i32
      %dma_start3A_53 = tpu.memref_slice %arg27[%mul3A_4, %dma_start3A_52] : memref<10240x64xf32, #tpu.memory_space<vmem_shared>> -> memref<640x64xf32, #tpu.memory_space<vmem_shared>>
      tpu.enqueue_dma source(%dma_start3A_53 : memref<640x64xf32, #tpu.memory_space<vmem_shared>>) target(%dma_start3A_51 : memref<640x64xf32, #tpu.memory_space<hbm>>) target_semaphore(%run_scoped3A : memref<!tpu.dma_semaphore, #tpu.memory_space<semaphore_mem>>)
      %dma_wait3A_54 = arith.constant 0 : i32
      %dma_wait3A_55 = tpu.memref_slice %arg7[%arg0, %mul3A_4, %dma_wait3A_54] : memref<2x10240x64xf32, #tpu.memory_space<hbm>> -> memref<1x640x64xf32, #tpu.memory_space<hbm>>
      %dma_wait3A_56 = tpu.memref_squeeze %dma_wait3A_55 : memref<1x640x64xf32, #tpu.memory_space<hbm>> -> memref<640x64xf32, #tpu.memory_space<hbm>>
      %dma_wait3A_57 = arith.constant 0 : i32
      %dma_wait3A_58 = tpu.memref_slice %arg27[%mul3A_4, %dma_wait3A_57] : memref<10240x64xf32, #tpu.memory_space<vmem_shared>> -> memref<640x64xf32, #tpu.memory_space<vmem_shared>>
      tpu.wait_dma2 semaphore(%run_scoped3A : memref<!tpu.dma_semaphore, #tpu.memory_space<semaphore_mem>>) src(%dma_wait3A_58 : memref<640x64xf32, #tpu.memory_space<vmem_shared>>) dst(%dma_wait3A_56 : memref<640x64xf32, #tpu.memory_space<hbm>>)
      tpu.yield
    }) : () -> ()
    "tpu.region"() ({
      %run_scoped3A = tpu.sem_alloc : memref<!tpu.dma_semaphore, #tpu.memory_space<semaphore_mem>>
      %dma_start3A_49 = arith.constant 0 : i32
      %dma_start3A_50 = tpu.memref_slice %arg8[%arg0, %mul3A_4, %dma_start3A_49] : memref<2x10240x16xf32, #tpu.memory_space<hbm>> -> memref<1x640x16xf32, #tpu.memory_space<hbm>>
      %dma_start3A_51 = tpu.memref_squeeze %dma_start3A_50 : memref<1x640x16xf32, #tpu.memory_space<hbm>> -> memref<640x16xf32, #tpu.memory_space<hbm>>
      %dma_start3A_52 = arith.constant 0 : i32
      %dma_start3A_53 = tpu.memref_slice %arg28[%mul3A_4, %dma_start3A_52] : memref<10240x16xf32, #tpu.memory_space<vmem_shared>> -> memref<640x16xf32, #tpu.memory_space<vmem_shared>>
      tpu.enqueue_dma source(%dma_start3A_53 : memref<640x16xf32, #tpu.memory_space<vmem_shared>>) target(%dma_start3A_51 : memref<640x16xf32, #tpu.memory_space<hbm>>) target_semaphore(%run_scoped3A : memref<!tpu.dma_semaphore, #tpu.memory_space<semaphore_mem>>)
      %dma_wait3A_54 = arith.constant 0 : i32
      %dma_wait3A_55 = tpu.memref_slice %arg8[%arg0, %mul3A_4, %dma_wait3A_54] : memref<2x10240x16xf32, #tpu.memory_space<hbm>> -> memref<1x640x16xf32, #tpu.memory_space<hbm>>
      %dma_wait3A_56 = tpu.memref_squeeze %dma_wait3A_55 : memref<1x640x16xf32, #tpu.memory_space<hbm>> -> memref<640x16xf32, #tpu.memory_space<hbm>>
      %dma_wait3A_57 = arith.constant 0 : i32
      %dma_wait3A_58 = tpu.memref_slice %arg28[%mul3A_4, %dma_wait3A_57] : memref<10240x16xf32, #tpu.memory_space<vmem_shared>> -> memref<640x16xf32, #tpu.memory_space<vmem_shared>>
      tpu.wait_dma2 semaphore(%run_scoped3A : memref<!tpu.dma_semaphore, #tpu.memory_space<semaphore_mem>>) src(%dma_wait3A_58 : memref<640x16xf32, #tpu.memory_space<vmem_shared>>) dst(%dma_wait3A_56 : memref<640x16xf32, #tpu.memory_space<hbm>>)
      tpu.yield
    }) : () -> ()
    return
  }
}

#map = affine_map<(d0, d1) -> (0, 0)>
#map1 = affine_map<(d0, d1) -> (0, 0, 0, 0)>
module attributes {stable_mosaic.version = 14 : i64} {
  func.func @k(%arg0: i32, %arg1: i32, %arg2: memref<10000x64xf32, #tpu.memory_space<hbm>>, %arg3: memref<2x16x125x80xi32, #tpu.memory_space<hbm>>, %arg4: memref<320000x64xf32, #tpu.memory_space<hbm>>, %arg5: memref<125x80xi32, #tpu.memory_space<vmem>>, %arg6: memref<80x64xf32, #tpu.memory_space<vmem>>, %arg7: memref<80x64xf32, #tpu.memory_space<vmem>>, %arg8: memref<80x64xf32, #tpu.memory_space<vmem>>, %arg9: memref<80x64xf32, #tpu.memory_space<vmem>>, %arg10: memref<80x64xf32, #tpu.memory_space<vmem>>, %arg11: memref<!tpu.dma_semaphore, #tpu.memory_space<semaphore_mem>>, %arg12: memref<!tpu.dma_semaphore, #tpu.memory_space<semaphore_mem>>, %arg13: memref<!tpu.dma_semaphore, #tpu.memory_space<semaphore_mem>>, %arg14: memref<!tpu.dma_semaphore, #tpu.memory_space<semaphore_mem>>, %arg15: memref<!tpu.dma_semaphore, #tpu.memory_space<semaphore_mem>>, %arg16: memref<!tpu.dma_semaphore, #tpu.memory_space<semaphore_mem>>, %arg17: memref<!tpu.dma_semaphore, #tpu.memory_space<semaphore_mem>>, %arg18: memref<!tpu.dma_semaphore, #tpu.memory_space<semaphore_mem>>, %arg19: memref<!tpu.dma_semaphore, #tpu.memory_space<semaphore_mem>>, %arg20: memref<!tpu.dma_semaphore, #tpu.memory_space<semaphore_mem>>) attributes {dimension_semantics = [#tpu.dimension_semantics<core_parallel>, #tpu.dimension_semantics<subcore_parallel>], iteration_bounds = array<i64: 2, 16>, scalar_prefetch = 0 : i64, scratch_operands = 16 : i64, tpu.core_type = #tpu.core_type<sc_vector_subcore>, window_params = [{transform_indices = #map}, {transform_indices = #map1}, {transform_indices = #map}]} {
    %mul3A = arith.constant 16 : i32
    %mul3A_0 = arith.muli %arg0, %mul3A : i32
    %add3A = arith.addi %mul3A_0, %arg1 : i32
    %mul3A_1 = arith.constant 10000 : i32
    %mul3A_2 = arith.muli %add3A, %mul3A_1 : i32
    "tpu.region"() ({
      %run_scoped3A = tpu.sem_alloc : memref<!tpu.dma_semaphore, #tpu.memory_space<semaphore_mem>>
      %dma_start3A_38 = arith.constant 0 : i32
      %dma_start3A_39 = arith.constant 0 : i32
      %dma_start3A_40 = tpu.memref_slice %arg3[%arg0, %arg1, %dma_start3A_38, %dma_start3A_39] : memref<2x16x125x80xi32, #tpu.memory_space<hbm>> -> memref<1x1x125x80xi32, #tpu.memory_space<hbm>>
      %dma_start3A_41 = tpu.memref_squeeze %dma_start3A_40 : memref<1x1x125x80xi32, #tpu.memory_space<hbm>> -> memref<125x80xi32, #tpu.memory_space<hbm>>
      %dma_start3A_42 = arith.constant 0 : i32
      %dma_start3A_43 = arith.constant 0 : i32
      %dma_start3A_44 = tpu.memref_slice %arg3[%arg0, %arg1, %dma_start3A_42, %dma_start3A_43] : memref<2x16x125x80xi32, #tpu.memory_space<hbm>> -> memref<1x1x125x80xi32, #tpu.memory_space<hbm>>
      %dma_start3A_45 = tpu.memref_squeeze %dma_start3A_44 : memref<1x1x125x80xi32, #tpu.memory_space<hbm>> -> memref<125x80xi32, #tpu.memory_space<hbm>>
      tpu.enqueue_dma source(%dma_start3A_45 : memref<125x80xi32, #tpu.memory_space<hbm>>) target(%arg5 : memref<125x80xi32, #tpu.memory_space<vmem>>) target_semaphore(%run_scoped3A : memref<!tpu.dma_semaphore, #tpu.memory_space<semaphore_mem>>)
      %dma_wait3A_46 = arith.constant 0 : i32
      %dma_wait3A_47 = arith.constant 0 : i32
      %dma_wait3A_48 = tpu.memref_slice %arg3[%arg0, %arg1, %dma_wait3A_46, %dma_wait3A_47] : memref<2x16x125x80xi32, #tpu.memory_space<hbm>> -> memref<1x1x125x80xi32, #tpu.memory_space<hbm>>
      %dma_wait3A_49 = tpu.memref_squeeze %dma_wait3A_48 : memref<1x1x125x80xi32, #tpu.memory_space<hbm>> -> memref<125x80xi32, #tpu.memory_space<hbm>>
      %dma_wait3A_50 = arith.constant 0 : i32
      %dma_wait3A_51 = arith.constant 0 : i32
      %dma_wait3A_52 = tpu.memref_slice %arg3[%arg0, %arg1, %dma_wait3A_50, %dma_wait3A_51] : memref<2x16x125x80xi32, #tpu.memory_space<hbm>> -> memref<1x1x125x80xi32, #tpu.memory_space<hbm>>
      %dma_wait3A_53 = tpu.memref_squeeze %dma_wait3A_52 : memref<1x1x125x80xi32, #tpu.memory_space<hbm>> -> memref<125x80xi32, #tpu.memory_space<hbm>>
      tpu.wait_dma2 semaphore(%run_scoped3A : memref<!tpu.dma_semaphore, #tpu.memory_space<semaphore_mem>>) src(%dma_wait3A_53 : memref<125x80xi32, #tpu.memory_space<hbm>>) dst(%arg5 : memref<125x80xi32, #tpu.memory_space<vmem>>)
      tpu.yield
    }) : () -> ()
    %dma_start3A = arith.constant 0 : i32
    %dma_start3A_3 = arith.constant 0 : i32
    %dma_start3A_4 = tpu.memref_slice %arg5[%dma_start3A, %dma_start3A_3] : memref<125x80xi32, #tpu.memory_space<vmem>> -> memref<1x80xi32, #tpu.memory_space<vmem>>
    %dma_start3A_5 = tpu.memref_squeeze %dma_start3A_4 : memref<1x80xi32, #tpu.memory_space<vmem>> -> memref<80xi32, #tpu.memory_space<vmem>>
    %dma_start3A_6 = arith.constant 0 : i32
    %dma_start3A_7 = arith.constant 0 : i32
    %dma_start3A_8 = tpu.memref_slice %arg2[%dma_start3A_6, %dma_start3A_7] : memref<10000x64xf32, #tpu.memory_space<hbm>> -> memref<10000x64xf32, #tpu.memory_space<hbm>>
    tpu.enqueue_indirect_dma source(%dma_start3A_8 : memref<10000x64xf32, #tpu.memory_space<hbm>>) target(%arg6 : memref<80x64xf32, #tpu.memory_space<vmem>>) offsets(%dma_start3A_5 : memref<80xi32, #tpu.memory_space<vmem>>) semaphore(%arg11 : memref<!tpu.dma_semaphore, #tpu.memory_space<semaphore_mem>>)
    %dma_start3A_9 = arith.constant 1 : i32
    %dma_start3A_10 = arith.constant 0 : i32
    %dma_start3A_11 = tpu.memref_slice %arg5[%dma_start3A_9, %dma_start3A_10] : memref<125x80xi32, #tpu.memory_space<vmem>> -> memref<1x80xi32, #tpu.memory_space<vmem>>
    %dma_start3A_12 = tpu.memref_squeeze %dma_start3A_11 : memref<1x80xi32, #tpu.memory_space<vmem>> -> memref<80xi32, #tpu.memory_space<vmem>>
    %dma_start3A_13 = arith.constant 0 : i32
    %dma_start3A_14 = arith.constant 0 : i32
    %dma_start3A_15 = tpu.memref_slice %arg2[%dma_start3A_13, %dma_start3A_14] : memref<10000x64xf32, #tpu.memory_space<hbm>> -> memref<10000x64xf32, #tpu.memory_space<hbm>>
    tpu.enqueue_indirect_dma source(%dma_start3A_15 : memref<10000x64xf32, #tpu.memory_space<hbm>>) target(%arg7 : memref<80x64xf32, #tpu.memory_space<vmem>>) offsets(%dma_start3A_12 : memref<80xi32, #tpu.memory_space<vmem>>) semaphore(%arg12 : memref<!tpu.dma_semaphore, #tpu.memory_space<semaphore_mem>>)
    %scan3A = arith.constant 0 : i32
    %scan3A_16 = arith.constant 0 : i32
    %scan3A_17 = arith.constant 25 : i32
    %scan3A_18 = arith.addi %scan3A_16, %scan3A_17 : i32
    %scan3A_19 = arith.constant 1 : i32
    scf.for %scan3A_38 = %scan3A_16 to %scan3A_18 step %scan3A_19  : i32 {
      %mul3A_39 = arith.constant 5 : i32
      %mul3A_40 = arith.muli %scan3A_38, %mul3A_39 : i32
      %add3A_41 = arith.constant 0 : i32
      %add3A_42 = arith.addi %mul3A_40, %add3A_41 : i32
      %ge3A = arith.constant 3 : i32
      %ge3A_43 = arith.cmpi sge, %add3A_42, %ge3A : i32
      %convert_element_type3A = arith.extui %ge3A_43 : i1 to i32
      %cond3A = arith.constant 0 : i32
      %cond3A_44 = arith.cmpi ne, %convert_element_type3A, %cond3A : i32
      scf.if %cond3A_44 {
        %add3A_180 = arith.constant 0 : i32
        %add3A_181 = arith.addi %mul3A_2, %add3A_180 : i32
        %dma_wait3A_182 = arith.constant 0 : i32
        %dma_wait3A_183 = tpu.memref_slice %arg4[%add3A_181, %dma_wait3A_182] : memref<320000x64xf32, #tpu.memory_space<hbm>> -> memref<80x64xf32, #tpu.memory_space<hbm>>
        %dma_wait3A_184 = arith.constant 0 : i32
        %dma_wait3A_185 = tpu.memref_slice %arg4[%add3A_181, %dma_wait3A_184] : memref<320000x64xf32, #tpu.memory_space<hbm>> -> memref<80x64xf32, #tpu.memory_space<hbm>>
        tpu.wait_dma2 semaphore(%arg18 : memref<!tpu.dma_semaphore, #tpu.memory_space<semaphore_mem>>) src(%arg8 : memref<80x64xf32, #tpu.memory_space<vmem>>) dst(%dma_wait3A_185 : memref<80x64xf32, #tpu.memory_space<hbm>>)
      } else {
      }
      %add3A_45 = arith.constant 2 : i32
      %add3A_46 = arith.addi %add3A_42, %add3A_45 : i32
      %lt3A = arith.constant 125 : i32
      %lt3A_47 = arith.cmpi slt, %add3A_46, %lt3A : i32
      %convert_element_type3A_48 = arith.extui %lt3A_47 : i1 to i32
      %cond3A_49 = arith.constant 0 : i32
      %cond3A_50 = arith.cmpi ne, %convert_element_type3A_48, %cond3A_49 : i32
      scf.if %cond3A_50 {
        %add3A_180 = arith.constant 2 : i32
        %add3A_181 = arith.addi %add3A_42, %add3A_180 : i32
        %dma_start3A_182 = arith.constant 0 : i32
        %dma_start3A_183 = tpu.memref_slice %arg5[%add3A_181, %dma_start3A_182] : memref<125x80xi32, #tpu.memory_space<vmem>> -> memref<1x80xi32, #tpu.memory_space<vmem>>
        %dma_start3A_184 = tpu.memref_squeeze %dma_start3A_183 : memref<1x80xi32, #tpu.memory_space<vmem>> -> memref<80xi32, #tpu.memory_space<vmem>>
        %dma_start3A_185 = arith.constant 0 : i32
        %dma_start3A_186 = arith.constant 0 : i32
        %dma_start3A_187 = tpu.memref_slice %arg2[%dma_start3A_185, %dma_start3A_186] : memref<10000x64xf32, #tpu.memory_space<hbm>> -> memref<10000x64xf32, #tpu.memory_space<hbm>>
        tpu.enqueue_indirect_dma source(%dma_start3A_187 : memref<10000x64xf32, #tpu.memory_space<hbm>>) target(%arg8 : memref<80x64xf32, #tpu.memory_space<vmem>>) offsets(%dma_start3A_184 : memref<80xi32, #tpu.memory_space<vmem>>) semaphore(%arg13 : memref<!tpu.dma_semaphore, #tpu.memory_space<semaphore_mem>>)
      } else {
      }
      %dma_wait3A_51 = arith.constant 0 : i32
      %dma_wait3A_52 = tpu.memref_slice %arg5[%add3A_42, %dma_wait3A_51] : memref<125x80xi32, #tpu.memory_space<vmem>> -> memref<1x80xi32, #tpu.memory_space<vmem>>
      %dma_wait3A_53 = tpu.memref_squeeze %dma_wait3A_52 : memref<1x80xi32, #tpu.memory_space<vmem>> -> memref<80xi32, #tpu.memory_space<vmem>>
      %dma_wait3A_54 = arith.constant 0 : i32
      %dma_wait3A_55 = arith.constant 0 : i32
      %dma_wait3A_56 = tpu.memref_slice %arg2[%dma_wait3A_54, %dma_wait3A_55] : memref<10000x64xf32, #tpu.memory_space<hbm>> -> memref<10000x64xf32, #tpu.memory_space<hbm>>
      tpu.wait_indirect_dma semaphore(%arg11 : memref<!tpu.dma_semaphore, #tpu.memory_space<semaphore_mem>>) src(%dma_wait3A_56 : memref<10000x64xf32, #tpu.memory_space<hbm>>) dst(%arg6 : memref<80x64xf32, #tpu.memory_space<vmem>>)
      %mul3A_57 = arith.constant 80 : i32
      %mul3A_58 = arith.muli %add3A_42, %mul3A_57 : i32
      %add3A_59 = arith.addi %mul3A_2, %mul3A_58 : i32
      %dma_start3A_60 = arith.constant 0 : i32
      %dma_start3A_61 = tpu.memref_slice %arg4[%add3A_59, %dma_start3A_60] : memref<320000x64xf32, #tpu.memory_space<hbm>> -> memref<80x64xf32, #tpu.memory_space<hbm>>
      %dma_start3A_62 = arith.constant 0 : i32
      %dma_start3A_63 = tpu.memref_slice %arg4[%add3A_59, %dma_start3A_62] : memref<320000x64xf32, #tpu.memory_space<hbm>> -> memref<80x64xf32, #tpu.memory_space<hbm>>
      tpu.enqueue_dma source(%arg6 : memref<80x64xf32, #tpu.memory_space<vmem>>) target(%dma_start3A_63 : memref<80x64xf32, #tpu.memory_space<hbm>>) target_semaphore(%arg16 : memref<!tpu.dma_semaphore, #tpu.memory_space<semaphore_mem>>)
      %mul3A_64 = arith.constant 5 : i32
      %mul3A_65 = arith.muli %scan3A_38, %mul3A_64 : i32
      %add3A_66 = arith.constant 1 : i32
      %add3A_67 = arith.addi %mul3A_65, %add3A_66 : i32
      %ge3A_68 = arith.constant 3 : i32
      %ge3A_69 = arith.cmpi sge, %add3A_67, %ge3A_68 : i32
      %convert_element_type3A_70 = arith.extui %ge3A_69 : i1 to i32
      %cond3A_71 = arith.constant 0 : i32
      %cond3A_72 = arith.cmpi ne, %convert_element_type3A_70, %cond3A_71 : i32
      scf.if %cond3A_72 {
        %add3A_180 = arith.constant 0 : i32
        %add3A_181 = arith.addi %mul3A_2, %add3A_180 : i32
        %dma_wait3A_182 = arith.constant 0 : i32
        %dma_wait3A_183 = tpu.memref_slice %arg4[%add3A_181, %dma_wait3A_182] : memref<320000x64xf32, #tpu.memory_space<hbm>> -> memref<80x64xf32, #tpu.memory_space<hbm>>
        %dma_wait3A_184 = arith.constant 0 : i32
        %dma_wait3A_185 = tpu.memref_slice %arg4[%add3A_181, %dma_wait3A_184] : memref<320000x64xf32, #tpu.memory_space<hbm>> -> memref<80x64xf32, #tpu.memory_space<hbm>>
        tpu.wait_dma2 semaphore(%arg19 : memref<!tpu.dma_semaphore, #tpu.memory_space<semaphore_mem>>) src(%arg9 : memref<80x64xf32, #tpu.memory_space<vmem>>) dst(%dma_wait3A_185 : memref<80x64xf32, #tpu.memory_space<hbm>>)
      } else {
      }
      %add3A_73 = arith.constant 2 : i32
      %add3A_74 = arith.addi %add3A_67, %add3A_73 : i32
      %lt3A_75 = arith.constant 125 : i32
      %lt3A_76 = arith.cmpi slt, %add3A_74, %lt3A_75 : i32
      %convert_element_type3A_77 = arith.extui %lt3A_76 : i1 to i32
      %cond3A_78 = arith.constant 0 : i32
      %cond3A_79 = arith.cmpi ne, %convert_element_type3A_77, %cond3A_78 : i32
      scf.if %cond3A_79 {
        %add3A_180 = arith.constant 2 : i32
        %add3A_181 = arith.addi %add3A_67, %add3A_180 : i32
        %dma_start3A_182 = arith.constant 0 : i32
        %dma_start3A_183 = tpu.memref_slice %arg5[%add3A_181, %dma_start3A_182] : memref<125x80xi32, #tpu.memory_space<vmem>> -> memref<1x80xi32, #tpu.memory_space<vmem>>
        %dma_start3A_184 = tpu.memref_squeeze %dma_start3A_183 : memref<1x80xi32, #tpu.memory_space<vmem>> -> memref<80xi32, #tpu.memory_space<vmem>>
        %dma_start3A_185 = arith.constant 0 : i32
        %dma_start3A_186 = arith.constant 0 : i32
        %dma_start3A_187 = tpu.memref_slice %arg2[%dma_start3A_185, %dma_start3A_186] : memref<10000x64xf32, #tpu.memory_space<hbm>> -> memref<10000x64xf32, #tpu.memory_space<hbm>>
        tpu.enqueue_indirect_dma source(%dma_start3A_187 : memref<10000x64xf32, #tpu.memory_space<hbm>>) target(%arg9 : memref<80x64xf32, #tpu.memory_space<vmem>>) offsets(%dma_start3A_184 : memref<80xi32, #tpu.memory_space<vmem>>) semaphore(%arg14 : memref<!tpu.dma_semaphore, #tpu.memory_space<semaphore_mem>>)
      } else {
      }
      %dma_wait3A_80 = arith.constant 0 : i32
      %dma_wait3A_81 = tpu.memref_slice %arg5[%add3A_67, %dma_wait3A_80] : memref<125x80xi32, #tpu.memory_space<vmem>> -> memref<1x80xi32, #tpu.memory_space<vmem>>
      %dma_wait3A_82 = tpu.memref_squeeze %dma_wait3A_81 : memref<1x80xi32, #tpu.memory_space<vmem>> -> memref<80xi32, #tpu.memory_space<vmem>>
      %dma_wait3A_83 = arith.constant 0 : i32
      %dma_wait3A_84 = arith.constant 0 : i32
      %dma_wait3A_85 = tpu.memref_slice %arg2[%dma_wait3A_83, %dma_wait3A_84] : memref<10000x64xf32, #tpu.memory_space<hbm>> -> memref<10000x64xf32, #tpu.memory_space<hbm>>
      tpu.wait_indirect_dma semaphore(%arg12 : memref<!tpu.dma_semaphore, #tpu.memory_space<semaphore_mem>>) src(%dma_wait3A_85 : memref<10000x64xf32, #tpu.memory_space<hbm>>) dst(%arg7 : memref<80x64xf32, #tpu.memory_space<vmem>>)
      %mul3A_86 = arith.constant 80 : i32
      %mul3A_87 = arith.muli %add3A_67, %mul3A_86 : i32
      %add3A_88 = arith.addi %mul3A_2, %mul3A_87 : i32
      %dma_start3A_89 = arith.constant 0 : i32
      %dma_start3A_90 = tpu.memref_slice %arg4[%add3A_88, %dma_start3A_89] : memref<320000x64xf32, #tpu.memory_space<hbm>> -> memref<80x64xf32, #tpu.memory_space<hbm>>
      %dma_start3A_91 = arith.constant 0 : i32
      %dma_start3A_92 = tpu.memref_slice %arg4[%add3A_88, %dma_start3A_91] : memref<320000x64xf32, #tpu.memory_space<hbm>> -> memref<80x64xf32, #tpu.memory_space<hbm>>
      tpu.enqueue_dma source(%arg7 : memref<80x64xf32, #tpu.memory_space<vmem>>) target(%dma_start3A_92 : memref<80x64xf32, #tpu.memory_space<hbm>>) target_semaphore(%arg17 : memref<!tpu.dma_semaphore, #tpu.memory_space<semaphore_mem>>)
      %mul3A_93 = arith.constant 5 : i32
      %mul3A_94 = arith.muli %scan3A_38, %mul3A_93 : i32
      %add3A_95 = arith.constant 2 : i32
      %add3A_96 = arith.addi %mul3A_94, %add3A_95 : i32
      %ge3A_97 = arith.constant 3 : i32
      %ge3A_98 = arith.cmpi sge, %add3A_96, %ge3A_97 : i32
      %convert_element_type3A_99 = arith.extui %ge3A_98 : i1 to i32
      %cond3A_100 = arith.constant 0 : i32
      %cond3A_101 = arith.cmpi ne, %convert_element_type3A_99, %cond3A_100 : i32
      scf.if %cond3A_101 {
        %add3A_180 = arith.constant 0 : i32
        %add3A_181 = arith.addi %mul3A_2, %add3A_180 : i32
        %dma_wait3A_182 = arith.constant 0 : i32
        %dma_wait3A_183 = tpu.memref_slice %arg4[%add3A_181, %dma_wait3A_182] : memref<320000x64xf32, #tpu.memory_space<hbm>> -> memref<80x64xf32, #tpu.memory_space<hbm>>
        %dma_wait3A_184 = arith.constant 0 : i32
        %dma_wait3A_185 = tpu.memref_slice %arg4[%add3A_181, %dma_wait3A_184] : memref<320000x64xf32, #tpu.memory_space<hbm>> -> memref<80x64xf32, #tpu.memory_space<hbm>>
        tpu.wait_dma2 semaphore(%arg20 : memref<!tpu.dma_semaphore, #tpu.memory_space<semaphore_mem>>) src(%arg10 : memref<80x64xf32, #tpu.memory_space<vmem>>) dst(%dma_wait3A_185 : memref<80x64xf32, #tpu.memory_space<hbm>>)
      } else {
      }
      %add3A_102 = arith.constant 2 : i32
      %add3A_103 = arith.addi %add3A_96, %add3A_102 : i32
      %lt3A_104 = arith.constant 125 : i32
      %lt3A_105 = arith.cmpi slt, %add3A_103, %lt3A_104 : i32
      %convert_element_type3A_106 = arith.extui %lt3A_105 : i1 to i32
      %cond3A_107 = arith.constant 0 : i32
      %cond3A_108 = arith.cmpi ne, %convert_element_type3A_106, %cond3A_107 : i32
      scf.if %cond3A_108 {
        %add3A_180 = arith.constant 2 : i32
        %add3A_181 = arith.addi %add3A_96, %add3A_180 : i32
        %dma_start3A_182 = arith.constant 0 : i32
        %dma_start3A_183 = tpu.memref_slice %arg5[%add3A_181, %dma_start3A_182] : memref<125x80xi32, #tpu.memory_space<vmem>> -> memref<1x80xi32, #tpu.memory_space<vmem>>
        %dma_start3A_184 = tpu.memref_squeeze %dma_start3A_183 : memref<1x80xi32, #tpu.memory_space<vmem>> -> memref<80xi32, #tpu.memory_space<vmem>>
        %dma_start3A_185 = arith.constant 0 : i32
        %dma_start3A_186 = arith.constant 0 : i32
        %dma_start3A_187 = tpu.memref_slice %arg2[%dma_start3A_185, %dma_start3A_186] : memref<10000x64xf32, #tpu.memory_space<hbm>> -> memref<10000x64xf32, #tpu.memory_space<hbm>>
        tpu.enqueue_indirect_dma source(%dma_start3A_187 : memref<10000x64xf32, #tpu.memory_space<hbm>>) target(%arg10 : memref<80x64xf32, #tpu.memory_space<vmem>>) offsets(%dma_start3A_184 : memref<80xi32, #tpu.memory_space<vmem>>) semaphore(%arg15 : memref<!tpu.dma_semaphore, #tpu.memory_space<semaphore_mem>>)
      } else {
      }
      %dma_wait3A_109 = arith.constant 0 : i32
      %dma_wait3A_110 = tpu.memref_slice %arg5[%add3A_96, %dma_wait3A_109] : memref<125x80xi32, #tpu.memory_space<vmem>> -> memref<1x80xi32, #tpu.memory_space<vmem>>
      %dma_wait3A_111 = tpu.memref_squeeze %dma_wait3A_110 : memref<1x80xi32, #tpu.memory_space<vmem>> -> memref<80xi32, #tpu.memory_space<vmem>>
      %dma_wait3A_112 = arith.constant 0 : i32
      %dma_wait3A_113 = arith.constant 0 : i32
      %dma_wait3A_114 = tpu.memref_slice %arg2[%dma_wait3A_112, %dma_wait3A_113] : memref<10000x64xf32, #tpu.memory_space<hbm>> -> memref<10000x64xf32, #tpu.memory_space<hbm>>
      tpu.wait_indirect_dma semaphore(%arg13 : memref<!tpu.dma_semaphore, #tpu.memory_space<semaphore_mem>>) src(%dma_wait3A_114 : memref<10000x64xf32, #tpu.memory_space<hbm>>) dst(%arg8 : memref<80x64xf32, #tpu.memory_space<vmem>>)
      %mul3A_115 = arith.constant 80 : i32
      %mul3A_116 = arith.muli %add3A_96, %mul3A_115 : i32
      %add3A_117 = arith.addi %mul3A_2, %mul3A_116 : i32
      %dma_start3A_118 = arith.constant 0 : i32
      %dma_start3A_119 = tpu.memref_slice %arg4[%add3A_117, %dma_start3A_118] : memref<320000x64xf32, #tpu.memory_space<hbm>> -> memref<80x64xf32, #tpu.memory_space<hbm>>
      %dma_start3A_120 = arith.constant 0 : i32
      %dma_start3A_121 = tpu.memref_slice %arg4[%add3A_117, %dma_start3A_120] : memref<320000x64xf32, #tpu.memory_space<hbm>> -> memref<80x64xf32, #tpu.memory_space<hbm>>
      tpu.enqueue_dma source(%arg8 : memref<80x64xf32, #tpu.memory_space<vmem>>) target(%dma_start3A_121 : memref<80x64xf32, #tpu.memory_space<hbm>>) target_semaphore(%arg18 : memref<!tpu.dma_semaphore, #tpu.memory_space<semaphore_mem>>)
      %mul3A_122 = arith.constant 5 : i32
      %mul3A_123 = arith.muli %scan3A_38, %mul3A_122 : i32
      %add3A_124 = arith.constant 3 : i32
      %add3A_125 = arith.addi %mul3A_123, %add3A_124 : i32
      %ge3A_126 = arith.constant 3 : i32
      %ge3A_127 = arith.cmpi sge, %add3A_125, %ge3A_126 : i32
      %convert_element_type3A_128 = arith.extui %ge3A_127 : i1 to i32
      %cond3A_129 = arith.constant 0 : i32
      %cond3A_130 = arith.cmpi ne, %convert_element_type3A_128, %cond3A_129 : i32
      scf.if %cond3A_130 {
        %add3A_180 = arith.constant 0 : i32
        %add3A_181 = arith.addi %mul3A_2, %add3A_180 : i32
        %dma_wait3A_182 = arith.constant 0 : i32
        %dma_wait3A_183 = tpu.memref_slice %arg4[%add3A_181, %dma_wait3A_182] : memref<320000x64xf32, #tpu.memory_space<hbm>> -> memref<80x64xf32, #tpu.memory_space<hbm>>
        %dma_wait3A_184 = arith.constant 0 : i32
        %dma_wait3A_185 = tpu.memref_slice %arg4[%add3A_181, %dma_wait3A_184] : memref<320000x64xf32, #tpu.memory_space<hbm>> -> memref<80x64xf32, #tpu.memory_space<hbm>>
        tpu.wait_dma2 semaphore(%arg16 : memref<!tpu.dma_semaphore, #tpu.memory_space<semaphore_mem>>) src(%arg6 : memref<80x64xf32, #tpu.memory_space<vmem>>) dst(%dma_wait3A_185 : memref<80x64xf32, #tpu.memory_space<hbm>>)
      } else {
      }
      %add3A_131 = arith.constant 2 : i32
      %add3A_132 = arith.addi %add3A_125, %add3A_131 : i32
      %lt3A_133 = arith.constant 125 : i32
      %lt3A_134 = arith.cmpi slt, %add3A_132, %lt3A_133 : i32
      %convert_element_type3A_135 = arith.extui %lt3A_134 : i1 to i32
      %cond3A_136 = arith.constant 0 : i32
      %cond3A_137 = arith.cmpi ne, %convert_element_type3A_135, %cond3A_136 : i32
      scf.if %cond3A_137 {
        %add3A_180 = arith.constant 2 : i32
        %add3A_181 = arith.addi %add3A_125, %add3A_180 : i32
        %dma_start3A_182 = arith.constant 0 : i32
        %dma_start3A_183 = tpu.memref_slice %arg5[%add3A_181, %dma_start3A_182] : memref<125x80xi32, #tpu.memory_space<vmem>> -> memref<1x80xi32, #tpu.memory_space<vmem>>
        %dma_start3A_184 = tpu.memref_squeeze %dma_start3A_183 : memref<1x80xi32, #tpu.memory_space<vmem>> -> memref<80xi32, #tpu.memory_space<vmem>>
        %dma_start3A_185 = arith.constant 0 : i32
        %dma_start3A_186 = arith.constant 0 : i32
        %dma_start3A_187 = tpu.memref_slice %arg2[%dma_start3A_185, %dma_start3A_186] : memref<10000x64xf32, #tpu.memory_space<hbm>> -> memref<10000x64xf32, #tpu.memory_space<hbm>>
        tpu.enqueue_indirect_dma source(%dma_start3A_187 : memref<10000x64xf32, #tpu.memory_space<hbm>>) target(%arg6 : memref<80x64xf32, #tpu.memory_space<vmem>>) offsets(%dma_start3A_184 : memref<80xi32, #tpu.memory_space<vmem>>) semaphore(%arg11 : memref<!tpu.dma_semaphore, #tpu.memory_space<semaphore_mem>>)
      } else {
      }
      %dma_wait3A_138 = arith.constant 0 : i32
      %dma_wait3A_139 = tpu.memref_slice %arg5[%add3A_125, %dma_wait3A_138] : memref<125x80xi32, #tpu.memory_space<vmem>> -> memref<1x80xi32, #tpu.memory_space<vmem>>
      %dma_wait3A_140 = tpu.memref_squeeze %dma_wait3A_139 : memref<1x80xi32, #tpu.memory_space<vmem>> -> memref<80xi32, #tpu.memory_space<vmem>>
      %dma_wait3A_141 = arith.constant 0 : i32
      %dma_wait3A_142 = arith.constant 0 : i32
      %dma_wait3A_143 = tpu.memref_slice %arg2[%dma_wait3A_141, %dma_wait3A_142] : memref<10000x64xf32, #tpu.memory_space<hbm>> -> memref<10000x64xf32, #tpu.memory_space<hbm>>
      tpu.wait_indirect_dma semaphore(%arg14 : memref<!tpu.dma_semaphore, #tpu.memory_space<semaphore_mem>>) src(%dma_wait3A_143 : memref<10000x64xf32, #tpu.memory_space<hbm>>) dst(%arg9 : memref<80x64xf32, #tpu.memory_space<vmem>>)
      %mul3A_144 = arith.constant 80 : i32
      %mul3A_145 = arith.muli %add3A_125, %mul3A_144 : i32
      %add3A_146 = arith.addi %mul3A_2, %mul3A_145 : i32
      %dma_start3A_147 = arith.constant 0 : i32
      %dma_start3A_148 = tpu.memref_slice %arg4[%add3A_146, %dma_start3A_147] : memref<320000x64xf32, #tpu.memory_space<hbm>> -> memref<80x64xf32, #tpu.memory_space<hbm>>
      %dma_start3A_149 = arith.constant 0 : i32
      %dma_start3A_150 = tpu.memref_slice %arg4[%add3A_146, %dma_start3A_149] : memref<320000x64xf32, #tpu.memory_space<hbm>> -> memref<80x64xf32, #tpu.memory_space<hbm>>
      tpu.enqueue_dma source(%arg9 : memref<80x64xf32, #tpu.memory_space<vmem>>) target(%dma_start3A_150 : memref<80x64xf32, #tpu.memory_space<hbm>>) target_semaphore(%arg19 : memref<!tpu.dma_semaphore, #tpu.memory_space<semaphore_mem>>)
      %mul3A_151 = arith.constant 5 : i32
      %mul3A_152 = arith.muli %scan3A_38, %mul3A_151 : i32
      %add3A_153 = arith.constant 4 : i32
      %add3A_154 = arith.addi %mul3A_152, %add3A_153 : i32
      %ge3A_155 = arith.constant 3 : i32
      %ge3A_156 = arith.cmpi sge, %add3A_154, %ge3A_155 : i32
      %convert_element_type3A_157 = arith.extui %ge3A_156 : i1 to i32
      %cond3A_158 = arith.constant 0 : i32
      %cond3A_159 = arith.cmpi ne, %convert_element_type3A_157, %cond3A_158 : i32
      scf.if %cond3A_159 {
        %add3A_180 = arith.constant 0 : i32
        %add3A_181 = arith.addi %mul3A_2, %add3A_180 : i32
        %dma_wait3A_182 = arith.constant 0 : i32
        %dma_wait3A_183 = tpu.memref_slice %arg4[%add3A_181, %dma_wait3A_182] : memref<320000x64xf32, #tpu.memory_space<hbm>> -> memref<80x64xf32, #tpu.memory_space<hbm>>
        %dma_wait3A_184 = arith.constant 0 : i32
        %dma_wait3A_185 = tpu.memref_slice %arg4[%add3A_181, %dma_wait3A_184] : memref<320000x64xf32, #tpu.memory_space<hbm>> -> memref<80x64xf32, #tpu.memory_space<hbm>>
        tpu.wait_dma2 semaphore(%arg17 : memref<!tpu.dma_semaphore, #tpu.memory_space<semaphore_mem>>) src(%arg7 : memref<80x64xf32, #tpu.memory_space<vmem>>) dst(%dma_wait3A_185 : memref<80x64xf32, #tpu.memory_space<hbm>>)
      } else {
      }
      %add3A_160 = arith.constant 2 : i32
      %add3A_161 = arith.addi %add3A_154, %add3A_160 : i32
      %lt3A_162 = arith.constant 125 : i32
      %lt3A_163 = arith.cmpi slt, %add3A_161, %lt3A_162 : i32
      %convert_element_type3A_164 = arith.extui %lt3A_163 : i1 to i32
      %cond3A_165 = arith.constant 0 : i32
      %cond3A_166 = arith.cmpi ne, %convert_element_type3A_164, %cond3A_165 : i32
      scf.if %cond3A_166 {
        %add3A_180 = arith.constant 2 : i32
        %add3A_181 = arith.addi %add3A_154, %add3A_180 : i32
        %dma_start3A_182 = arith.constant 0 : i32
        %dma_start3A_183 = tpu.memref_slice %arg5[%add3A_181, %dma_start3A_182] : memref<125x80xi32, #tpu.memory_space<vmem>> -> memref<1x80xi32, #tpu.memory_space<vmem>>
        %dma_start3A_184 = tpu.memref_squeeze %dma_start3A_183 : memref<1x80xi32, #tpu.memory_space<vmem>> -> memref<80xi32, #tpu.memory_space<vmem>>
        %dma_start3A_185 = arith.constant 0 : i32
        %dma_start3A_186 = arith.constant 0 : i32
        %dma_start3A_187 = tpu.memref_slice %arg2[%dma_start3A_185, %dma_start3A_186] : memref<10000x64xf32, #tpu.memory_space<hbm>> -> memref<10000x64xf32, #tpu.memory_space<hbm>>
        tpu.enqueue_indirect_dma source(%dma_start3A_187 : memref<10000x64xf32, #tpu.memory_space<hbm>>) target(%arg7 : memref<80x64xf32, #tpu.memory_space<vmem>>) offsets(%dma_start3A_184 : memref<80xi32, #tpu.memory_space<vmem>>) semaphore(%arg12 : memref<!tpu.dma_semaphore, #tpu.memory_space<semaphore_mem>>)
      } else {
      }
      %dma_wait3A_167 = arith.constant 0 : i32
      %dma_wait3A_168 = tpu.memref_slice %arg5[%add3A_154, %dma_wait3A_167] : memref<125x80xi32, #tpu.memory_space<vmem>> -> memref<1x80xi32, #tpu.memory_space<vmem>>
      %dma_wait3A_169 = tpu.memref_squeeze %dma_wait3A_168 : memref<1x80xi32, #tpu.memory_space<vmem>> -> memref<80xi32, #tpu.memory_space<vmem>>
      %dma_wait3A_170 = arith.constant 0 : i32
      %dma_wait3A_171 = arith.constant 0 : i32
      %dma_wait3A_172 = tpu.memref_slice %arg2[%dma_wait3A_170, %dma_wait3A_171] : memref<10000x64xf32, #tpu.memory_space<hbm>> -> memref<10000x64xf32, #tpu.memory_space<hbm>>
      tpu.wait_indirect_dma semaphore(%arg15 : memref<!tpu.dma_semaphore, #tpu.memory_space<semaphore_mem>>) src(%dma_wait3A_172 : memref<10000x64xf32, #tpu.memory_space<hbm>>) dst(%arg10 : memref<80x64xf32, #tpu.memory_space<vmem>>)
      %mul3A_173 = arith.constant 80 : i32
      %mul3A_174 = arith.muli %add3A_154, %mul3A_173 : i32
      %add3A_175 = arith.addi %mul3A_2, %mul3A_174 : i32
      %dma_start3A_176 = arith.constant 0 : i32
      %dma_start3A_177 = tpu.memref_slice %arg4[%add3A_175, %dma_start3A_176] : memref<320000x64xf32, #tpu.memory_space<hbm>> -> memref<80x64xf32, #tpu.memory_space<hbm>>
      %dma_start3A_178 = arith.constant 0 : i32
      %dma_start3A_179 = tpu.memref_slice %arg4[%add3A_175, %dma_start3A_178] : memref<320000x64xf32, #tpu.memory_space<hbm>> -> memref<80x64xf32, #tpu.memory_space<hbm>>
      tpu.enqueue_dma source(%arg10 : memref<80x64xf32, #tpu.memory_space<vmem>>) target(%dma_start3A_179 : memref<80x64xf32, #tpu.memory_space<hbm>>) target_semaphore(%arg20 : memref<!tpu.dma_semaphore, #tpu.memory_space<semaphore_mem>>)
    }
    %scan3A_20 = arith.constant 25 : i32
    %add3A_21 = arith.constant 0 : i32
    %add3A_22 = arith.addi %mul3A_2, %add3A_21 : i32
    %dma_wait3A = arith.constant 0 : i32
    %dma_wait3A_23 = tpu.memref_slice %arg4[%add3A_22, %dma_wait3A] : memref<320000x64xf32, #tpu.memory_space<hbm>> -> memref<80x64xf32, #tpu.memory_space<hbm>>
    %dma_wait3A_24 = arith.constant 0 : i32
    %dma_wait3A_25 = tpu.memref_slice %arg4[%add3A_22, %dma_wait3A_24] : memref<320000x64xf32, #tpu.memory_space<hbm>> -> memref<80x64xf32, #tpu.memory_space<hbm>>
    tpu.wait_dma2 semaphore(%arg18 : memref<!tpu.dma_semaphore, #tpu.memory_space<semaphore_mem>>) src(%arg8 : memref<80x64xf32, #tpu.memory_space<vmem>>) dst(%dma_wait3A_25 : memref<80x64xf32, #tpu.memory_space<hbm>>)
    %add3A_26 = arith.constant 0 : i32
    %add3A_27 = arith.addi %mul3A_2, %add3A_26 : i32
    %dma_wait3A_28 = arith.constant 0 : i32
    %dma_wait3A_29 = tpu.memref_slice %arg4[%add3A_27, %dma_wait3A_28] : memref<320000x64xf32, #tpu.memory_space<hbm>> -> memref<80x64xf32, #tpu.memory_space<hbm>>
    %dma_wait3A_30 = arith.constant 0 : i32
    %dma_wait3A_31 = tpu.memref_slice %arg4[%add3A_27, %dma_wait3A_30] : memref<320000x64xf32, #tpu.memory_space<hbm>> -> memref<80x64xf32, #tpu.memory_space<hbm>>
    tpu.wait_dma2 semaphore(%arg19 : memref<!tpu.dma_semaphore, #tpu.memory_space<semaphore_mem>>) src(%arg9 : memref<80x64xf32, #tpu.memory_space<vmem>>) dst(%dma_wait3A_31 : memref<80x64xf32, #tpu.memory_space<hbm>>)
    %add3A_32 = arith.constant 0 : i32
    %add3A_33 = arith.addi %mul3A_2, %add3A_32 : i32
    %dma_wait3A_34 = arith.constant 0 : i32
    %dma_wait3A_35 = tpu.memref_slice %arg4[%add3A_33, %dma_wait3A_34] : memref<320000x64xf32, #tpu.memory_space<hbm>> -> memref<80x64xf32, #tpu.memory_space<hbm>>
    %dma_wait3A_36 = arith.constant 0 : i32
    %dma_wait3A_37 = tpu.memref_slice %arg4[%add3A_33, %dma_wait3A_36] : memref<320000x64xf32, #tpu.memory_space<hbm>> -> memref<80x64xf32, #tpu.memory_space<hbm>>
    tpu.wait_dma2 semaphore(%arg20 : memref<!tpu.dma_semaphore, #tpu.memory_space<semaphore_mem>>) src(%arg10 : memref<80x64xf32, #tpu.memory_space<vmem>>) dst(%dma_wait3A_37 : memref<80x64xf32, #tpu.memory_space<hbm>>)
    return
  }
}

#map = affine_map<(d0, d1) -> (0, 0)>
#map1 = affine_map<(d0, d1) -> (0, 0, 0, 0)>
#map2 = affine_map<(d0, d1) -> (0, 0, 0)>
module attributes {stable_mosaic.version = 14 : i64} {
  func.func @k(%arg0: i32, %arg1: i32, %arg2: memref<320000x64xf32, #tpu.memory_space<hbm>>, %arg3: memref<2x16x125x80xi32, #tpu.memory_space<hbm>>, %arg4: memref<10240x64xf32, #tpu.memory_space<hbm>>, %arg5: memref<2x10240x64xf32, #tpu.memory_space<hbm>>, %arg6: memref<125x80xi32, #tpu.memory_space<vmem>>, %arg7: memref<80x64xf32, #tpu.memory_space<vmem>>, %arg8: memref<80x64xf32, #tpu.memory_space<vmem>>, %arg9: memref<80x64xf32, #tpu.memory_space<vmem>>, %arg10: memref<80x64xf32, #tpu.memory_space<vmem>>, %arg11: memref<80x64xf32, #tpu.memory_space<vmem>>, %arg12: memref<!tpu.dma_semaphore, #tpu.memory_space<semaphore_mem>>, %arg13: memref<!tpu.dma_semaphore, #tpu.memory_space<semaphore_mem>>, %arg14: memref<!tpu.dma_semaphore, #tpu.memory_space<semaphore_mem>>, %arg15: memref<!tpu.dma_semaphore, #tpu.memory_space<semaphore_mem>>, %arg16: memref<!tpu.dma_semaphore, #tpu.memory_space<semaphore_mem>>, %arg17: memref<!tpu.dma_semaphore, #tpu.memory_space<semaphore_mem>>, %arg18: memref<!tpu.dma_semaphore, #tpu.memory_space<semaphore_mem>>, %arg19: memref<!tpu.dma_semaphore, #tpu.memory_space<semaphore_mem>>, %arg20: memref<!tpu.dma_semaphore, #tpu.memory_space<semaphore_mem>>, %arg21: memref<!tpu.dma_semaphore, #tpu.memory_space<semaphore_mem>>, %arg22: memref<10240x64xf32, #tpu.memory_space<vmem_shared>>) attributes {dimension_semantics = [#tpu.dimension_semantics<core_parallel>, #tpu.dimension_semantics<subcore_parallel>], iteration_bounds = array<i64: 2, 16>, scalar_prefetch = 0 : i64, scratch_operands = 17 : i64, tpu.core_type = #tpu.core_type<sc_vector_subcore>, window_params = [{transform_indices = #map}, {transform_indices = #map1}, {transform_indices = #map}, {transform_indices = #map2}]} {
    %mul3A = arith.constant 16 : i32
    %mul3A_0 = arith.muli %arg0, %mul3A : i32
    %add3A = arith.addi %mul3A_0, %arg1 : i32
    %mul3A_1 = arith.constant 10000 : i32
    %mul3A_2 = arith.muli %add3A, %mul3A_1 : i32
    %mul3A_3 = arith.constant 640 : i32
    %mul3A_4 = arith.muli %arg1, %mul3A_3 : i32
    "tpu.region"() ({
      %run_scoped3A = tpu.sem_alloc : memref<!tpu.dma_semaphore, #tpu.memory_space<semaphore_mem>>
      %dma_start3A_42 = arith.constant 0 : i32
      %dma_start3A_43 = arith.constant 0 : i32
      %dma_start3A_44 = tpu.memref_slice %arg3[%arg0, %arg1, %dma_start3A_42, %dma_start3A_43] : memref<2x16x125x80xi32, #tpu.memory_space<hbm>> -> memref<1x1x125x80xi32, #tpu.memory_space<hbm>>
      %dma_start3A_45 = tpu.memref_squeeze %dma_start3A_44 : memref<1x1x125x80xi32, #tpu.memory_space<hbm>> -> memref<125x80xi32, #tpu.memory_space<hbm>>
      %dma_start3A_46 = arith.constant 0 : i32
      %dma_start3A_47 = arith.constant 0 : i32
      %dma_start3A_48 = tpu.memref_slice %arg3[%arg0, %arg1, %dma_start3A_46, %dma_start3A_47] : memref<2x16x125x80xi32, #tpu.memory_space<hbm>> -> memref<1x1x125x80xi32, #tpu.memory_space<hbm>>
      %dma_start3A_49 = tpu.memref_squeeze %dma_start3A_48 : memref<1x1x125x80xi32, #tpu.memory_space<hbm>> -> memref<125x80xi32, #tpu.memory_space<hbm>>
      tpu.enqueue_dma source(%dma_start3A_49 : memref<125x80xi32, #tpu.memory_space<hbm>>) target(%arg6 : memref<125x80xi32, #tpu.memory_space<vmem>>) target_semaphore(%run_scoped3A : memref<!tpu.dma_semaphore, #tpu.memory_space<semaphore_mem>>)
      %dma_wait3A_50 = arith.constant 0 : i32
      %dma_wait3A_51 = arith.constant 0 : i32
      %dma_wait3A_52 = tpu.memref_slice %arg3[%arg0, %arg1, %dma_wait3A_50, %dma_wait3A_51] : memref<2x16x125x80xi32, #tpu.memory_space<hbm>> -> memref<1x1x125x80xi32, #tpu.memory_space<hbm>>
      %dma_wait3A_53 = tpu.memref_squeeze %dma_wait3A_52 : memref<1x1x125x80xi32, #tpu.memory_space<hbm>> -> memref<125x80xi32, #tpu.memory_space<hbm>>
      %dma_wait3A_54 = arith.constant 0 : i32
      %dma_wait3A_55 = arith.constant 0 : i32
      %dma_wait3A_56 = tpu.memref_slice %arg3[%arg0, %arg1, %dma_wait3A_54, %dma_wait3A_55] : memref<2x16x125x80xi32, #tpu.memory_space<hbm>> -> memref<1x1x125x80xi32, #tpu.memory_space<hbm>>
      %dma_wait3A_57 = tpu.memref_squeeze %dma_wait3A_56 : memref<1x1x125x80xi32, #tpu.memory_space<hbm>> -> memref<125x80xi32, #tpu.memory_space<hbm>>
      tpu.wait_dma2 semaphore(%run_scoped3A : memref<!tpu.dma_semaphore, #tpu.memory_space<semaphore_mem>>) src(%dma_wait3A_57 : memref<125x80xi32, #tpu.memory_space<hbm>>) dst(%arg6 : memref<125x80xi32, #tpu.memory_space<vmem>>)
      tpu.yield
    }) : () -> ()
    "tpu.region"() ({
      %run_scoped3A = tpu.sem_alloc : memref<!tpu.dma_semaphore, #tpu.memory_space<semaphore_mem>>
      %dma_start3A_42 = arith.constant 0 : i32
      %dma_start3A_43 = tpu.memref_slice %arg22[%mul3A_4, %dma_start3A_42] : memref<10240x64xf32, #tpu.memory_space<vmem_shared>> -> memref<640x64xf32, #tpu.memory_space<vmem_shared>>
      %dma_start3A_44 = arith.constant 0 : i32
      %dma_start3A_45 = tpu.memref_slice %arg4[%mul3A_4, %dma_start3A_44] : memref<10240x64xf32, #tpu.memory_space<hbm>> -> memref<640x64xf32, #tpu.memory_space<hbm>>
      tpu.enqueue_dma source(%dma_start3A_45 : memref<640x64xf32, #tpu.memory_space<hbm>>) target(%dma_start3A_43 : memref<640x64xf32, #tpu.memory_space<vmem_shared>>) target_semaphore(%run_scoped3A : memref<!tpu.dma_semaphore, #tpu.memory_space<semaphore_mem>>)
      %dma_wait3A_46 = arith.constant 0 : i32
      %dma_wait3A_47 = tpu.memref_slice %arg22[%mul3A_4, %dma_wait3A_46] : memref<10240x64xf32, #tpu.memory_space<vmem_shared>> -> memref<640x64xf32, #tpu.memory_space<vmem_shared>>
      %dma_wait3A_48 = arith.constant 0 : i32
      %dma_wait3A_49 = tpu.memref_slice %arg4[%mul3A_4, %dma_wait3A_48] : memref<10240x64xf32, #tpu.memory_space<hbm>> -> memref<640x64xf32, #tpu.memory_space<hbm>>
      tpu.wait_dma2 semaphore(%run_scoped3A : memref<!tpu.dma_semaphore, #tpu.memory_space<semaphore_mem>>) src(%dma_wait3A_49 : memref<640x64xf32, #tpu.memory_space<hbm>>) dst(%dma_wait3A_47 : memref<640x64xf32, #tpu.memory_space<vmem_shared>>)
      tpu.yield
    }) : () -> ()
    %barrier3A = arith.constant 0 : index
    tpu.barrier barrier_id(%barrier3A)
    %add3A_5 = arith.constant 0 : i32
    %add3A_6 = arith.addi %mul3A_2, %add3A_5 : i32
    %dma_start3A = arith.constant 0 : i32
    %dma_start3A_7 = tpu.memref_slice %arg2[%add3A_6, %dma_start3A] : memref<320000x64xf32, #tpu.memory_space<hbm>> -> memref<80x64xf32, #tpu.memory_space<hbm>>
    %dma_start3A_8 = arith.constant 0 : i32
    %dma_start3A_9 = tpu.memref_slice %arg2[%add3A_6, %dma_start3A_8] : memref<320000x64xf32, #tpu.memory_space<hbm>> -> memref<80x64xf32, #tpu.memory_space<hbm>>
    tpu.enqueue_dma source(%dma_start3A_9 : memref<80x64xf32, #tpu.memory_space<hbm>>) target(%arg7 : memref<80x64xf32, #tpu.memory_space<vmem>>) target_semaphore(%arg12 : memref<!tpu.dma_semaphore, #tpu.memory_space<semaphore_mem>>)
    %add3A_10 = arith.constant 80 : i32
    %add3A_11 = arith.addi %mul3A_2, %add3A_10 : i32
    %dma_start3A_12 = arith.constant 0 : i32
    %dma_start3A_13 = tpu.memref_slice %arg2[%add3A_11, %dma_start3A_12] : memref<320000x64xf32, #tpu.memory_space<hbm>> -> memref<80x64xf32, #tpu.memory_space<hbm>>
    %dma_start3A_14 = arith.constant 0 : i32
    %dma_start3A_15 = tpu.memref_slice %arg2[%add3A_11, %dma_start3A_14] : memref<320000x64xf32, #tpu.memory_space<hbm>> -> memref<80x64xf32, #tpu.memory_space<hbm>>
    tpu.enqueue_dma source(%dma_start3A_15 : memref<80x64xf32, #tpu.memory_space<hbm>>) target(%arg8 : memref<80x64xf32, #tpu.memory_space<vmem>>) target_semaphore(%arg13 : memref<!tpu.dma_semaphore, #tpu.memory_space<semaphore_mem>>)
    %scan3A = arith.constant 0 : i32
    %scan3A_16 = arith.constant 0 : i32
    %scan3A_17 = arith.constant 25 : i32
    %scan3A_18 = arith.addi %scan3A_16, %scan3A_17 : i32
    %scan3A_19 = arith.constant 1 : i32
    scf.for %scan3A_42 = %scan3A_16 to %scan3A_18 step %scan3A_19  : i32 {
      %mul3A_43 = arith.constant 5 : i32
      %mul3A_44 = arith.muli %scan3A_42, %mul3A_43 : i32
      %add3A_45 = arith.constant 0 : i32
      %add3A_46 = arith.addi %mul3A_44, %add3A_45 : i32
      %ge3A = arith.constant 3 : i32
      %ge3A_47 = arith.cmpi sge, %add3A_46, %ge3A : i32
      %convert_element_type3A = arith.extui %ge3A_47 : i1 to i32
      %cond3A = arith.constant 0 : i32
      %cond3A_48 = arith.cmpi ne, %convert_element_type3A, %cond3A : i32
      scf.if %cond3A_48 {
        %dma_wait3A_184 = arith.constant 0 : i32
        %dma_wait3A_185 = arith.constant 0 : i32
        %dma_wait3A_186 = tpu.memref_slice %arg6[%dma_wait3A_184, %dma_wait3A_185] : memref<125x80xi32, #tpu.memory_space<vmem>> -> memref<1x80xi32, #tpu.memory_space<vmem>>
        %dma_wait3A_187 = tpu.memref_squeeze %dma_wait3A_186 : memref<1x80xi32, #tpu.memory_space<vmem>> -> memref<80xi32, #tpu.memory_space<vmem>>
        %dma_wait3A_188 = arith.constant 0 : i32
        %dma_wait3A_189 = arith.constant 0 : i32
        %dma_wait3A_190 = tpu.memref_slice %arg22[%dma_wait3A_188, %dma_wait3A_189] : memref<10240x64xf32, #tpu.memory_space<vmem_shared>> -> memref<10240x64xf32, #tpu.memory_space<vmem_shared>>
        tpu.wait_indirect_dma semaphore(%arg19 : memref<!tpu.dma_semaphore, #tpu.memory_space<semaphore_mem>>) src(%arg9 : memref<80x64xf32, #tpu.memory_space<vmem>>) dst(%dma_wait3A_190 : memref<10240x64xf32, #tpu.memory_space<vmem_shared>>)
      } else {
      }
      %add3A_49 = arith.constant 2 : i32
      %add3A_50 = arith.addi %add3A_46, %add3A_49 : i32
      %lt3A = arith.constant 125 : i32
      %lt3A_51 = arith.cmpi slt, %add3A_50, %lt3A : i32
      %convert_element_type3A_52 = arith.extui %lt3A_51 : i1 to i32
      %cond3A_53 = arith.constant 0 : i32
      %cond3A_54 = arith.cmpi ne, %convert_element_type3A_52, %cond3A_53 : i32
      scf.if %cond3A_54 {
        %add3A_184 = arith.constant 2 : i32
        %add3A_185 = arith.addi %add3A_46, %add3A_184 : i32
        %mul3A_186 = arith.constant 80 : i32
        %mul3A_187 = arith.muli %add3A_185, %mul3A_186 : i32
        %add3A_188 = arith.addi %mul3A_2, %mul3A_187 : i32
        %dma_start3A_189 = arith.constant 0 : i32
        %dma_start3A_190 = tpu.memref_slice %arg2[%add3A_188, %dma_start3A_189] : memref<320000x64xf32, #tpu.memory_space<hbm>> -> memref<80x64xf32, #tpu.memory_space<hbm>>
        %dma_start3A_191 = arith.constant 0 : i32
        %dma_start3A_192 = tpu.memref_slice %arg2[%add3A_188, %dma_start3A_191] : memref<320000x64xf32, #tpu.memory_space<hbm>> -> memref<80x64xf32, #tpu.memory_space<hbm>>
        tpu.enqueue_dma source(%dma_start3A_192 : memref<80x64xf32, #tpu.memory_space<hbm>>) target(%arg9 : memref<80x64xf32, #tpu.memory_space<vmem>>) target_semaphore(%arg14 : memref<!tpu.dma_semaphore, #tpu.memory_space<semaphore_mem>>)
      } else {
      }
      %mul3A_55 = arith.constant 80 : i32
      %mul3A_56 = arith.muli %add3A_46, %mul3A_55 : i32
      %add3A_57 = arith.addi %mul3A_2, %mul3A_56 : i32
      %dma_wait3A_58 = arith.constant 0 : i32
      %dma_wait3A_59 = tpu.memref_slice %arg2[%add3A_57, %dma_wait3A_58] : memref<320000x64xf32, #tpu.memory_space<hbm>> -> memref<80x64xf32, #tpu.memory_space<hbm>>
      %dma_wait3A_60 = arith.constant 0 : i32
      %dma_wait3A_61 = tpu.memref_slice %arg2[%add3A_57, %dma_wait3A_60] : memref<320000x64xf32, #tpu.memory_space<hbm>> -> memref<80x64xf32, #tpu.memory_space<hbm>>
      tpu.wait_dma2 semaphore(%arg12 : memref<!tpu.dma_semaphore, #tpu.memory_space<semaphore_mem>>) src(%dma_wait3A_61 : memref<80x64xf32, #tpu.memory_space<hbm>>) dst(%arg7 : memref<80x64xf32, #tpu.memory_space<vmem>>)
      %dma_start3A_62 = arith.constant 0 : i32
      %dma_start3A_63 = tpu.memref_slice %arg6[%add3A_46, %dma_start3A_62] : memref<125x80xi32, #tpu.memory_space<vmem>> -> memref<1x80xi32, #tpu.memory_space<vmem>>
      %dma_start3A_64 = tpu.memref_squeeze %dma_start3A_63 : memref<1x80xi32, #tpu.memory_space<vmem>> -> memref<80xi32, #tpu.memory_space<vmem>>
      %dma_start3A_65 = arith.constant 0 : i32
      %dma_start3A_66 = arith.constant 0 : i32
      %dma_start3A_67 = tpu.memref_slice %arg22[%dma_start3A_65, %dma_start3A_66] : memref<10240x64xf32, #tpu.memory_space<vmem_shared>> -> memref<10240x64xf32, #tpu.memory_space<vmem_shared>>
      tpu.enqueue_indirect_dma source(%arg7 : memref<80x64xf32, #tpu.memory_space<vmem>>) target(%dma_start3A_67 : memref<10240x64xf32, #tpu.memory_space<vmem_shared>>) offsets(%dma_start3A_64 : memref<80xi32, #tpu.memory_space<vmem>>) semaphore(%arg17 : memref<!tpu.dma_semaphore, #tpu.memory_space<semaphore_mem>>) {add = true}
      %mul3A_68 = arith.constant 5 : i32
      %mul3A_69 = arith.muli %scan3A_42, %mul3A_68 : i32
      %add3A_70 = arith.constant 1 : i32
      %add3A_71 = arith.addi %mul3A_69, %add3A_70 : i32
      %ge3A_72 = arith.constant 3 : i32
      %ge3A_73 = arith.cmpi sge, %add3A_71, %ge3A_72 : i32
      %convert_element_type3A_74 = arith.extui %ge3A_73 : i1 to i32
      %cond3A_75 = arith.constant 0 : i32
      %cond3A_76 = arith.cmpi ne, %convert_element_type3A_74, %cond3A_75 : i32
      scf.if %cond3A_76 {
        %dma_wait3A_184 = arith.constant 0 : i32
        %dma_wait3A_185 = arith.constant 0 : i32
        %dma_wait3A_186 = tpu.memref_slice %arg6[%dma_wait3A_184, %dma_wait3A_185] : memref<125x80xi32, #tpu.memory_space<vmem>> -> memref<1x80xi32, #tpu.memory_space<vmem>>
        %dma_wait3A_187 = tpu.memref_squeeze %dma_wait3A_186 : memref<1x80xi32, #tpu.memory_space<vmem>> -> memref<80xi32, #tpu.memory_space<vmem>>
        %dma_wait3A_188 = arith.constant 0 : i32
        %dma_wait3A_189 = arith.constant 0 : i32
        %dma_wait3A_190 = tpu.memref_slice %arg22[%dma_wait3A_188, %dma_wait3A_189] : memref<10240x64xf32, #tpu.memory_space<vmem_shared>> -> memref<10240x64xf32, #tpu.memory_space<vmem_shared>>
        tpu.wait_indirect_dma semaphore(%arg20 : memref<!tpu.dma_semaphore, #tpu.memory_space<semaphore_mem>>) src(%arg10 : memref<80x64xf32, #tpu.memory_space<vmem>>) dst(%dma_wait3A_190 : memref<10240x64xf32, #tpu.memory_space<vmem_shared>>)
      } else {
      }
      %add3A_77 = arith.constant 2 : i32
      %add3A_78 = arith.addi %add3A_71, %add3A_77 : i32
      %lt3A_79 = arith.constant 125 : i32
      %lt3A_80 = arith.cmpi slt, %add3A_78, %lt3A_79 : i32
      %convert_element_type3A_81 = arith.extui %lt3A_80 : i1 to i32
      %cond3A_82 = arith.constant 0 : i32
      %cond3A_83 = arith.cmpi ne, %convert_element_type3A_81, %cond3A_82 : i32
      scf.if %cond3A_83 {
        %add3A_184 = arith.constant 2 : i32
        %add3A_185 = arith.addi %add3A_71, %add3A_184 : i32
        %mul3A_186 = arith.constant 80 : i32
        %mul3A_187 = arith.muli %add3A_185, %mul3A_186 : i32
        %add3A_188 = arith.addi %mul3A_2, %mul3A_187 : i32
        %dma_start3A_189 = arith.constant 0 : i32
        %dma_start3A_190 = tpu.memref_slice %arg2[%add3A_188, %dma_start3A_189] : memref<320000x64xf32, #tpu.memory_space<hbm>> -> memref<80x64xf32, #tpu.memory_space<hbm>>
        %dma_start3A_191 = arith.constant 0 : i32
        %dma_start3A_192 = tpu.memref_slice %arg2[%add3A_188, %dma_start3A_191] : memref<320000x64xf32, #tpu.memory_space<hbm>> -> memref<80x64xf32, #tpu.memory_space<hbm>>
        tpu.enqueue_dma source(%dma_start3A_192 : memref<80x64xf32, #tpu.memory_space<hbm>>) target(%arg10 : memref<80x64xf32, #tpu.memory_space<vmem>>) target_semaphore(%arg15 : memref<!tpu.dma_semaphore, #tpu.memory_space<semaphore_mem>>)
      } else {
      }
      %mul3A_84 = arith.constant 80 : i32
      %mul3A_85 = arith.muli %add3A_71, %mul3A_84 : i32
      %add3A_86 = arith.addi %mul3A_2, %mul3A_85 : i32
      %dma_wait3A_87 = arith.constant 0 : i32
      %dma_wait3A_88 = tpu.memref_slice %arg2[%add3A_86, %dma_wait3A_87] : memref<320000x64xf32, #tpu.memory_space<hbm>> -> memref<80x64xf32, #tpu.memory_space<hbm>>
      %dma_wait3A_89 = arith.constant 0 : i32
      %dma_wait3A_90 = tpu.memref_slice %arg2[%add3A_86, %dma_wait3A_89] : memref<320000x64xf32, #tpu.memory_space<hbm>> -> memref<80x64xf32, #tpu.memory_space<hbm>>
      tpu.wait_dma2 semaphore(%arg13 : memref<!tpu.dma_semaphore, #tpu.memory_space<semaphore_mem>>) src(%dma_wait3A_90 : memref<80x64xf32, #tpu.memory_space<hbm>>) dst(%arg8 : memref<80x64xf32, #tpu.memory_space<vmem>>)
      %dma_start3A_91 = arith.constant 0 : i32
      %dma_start3A_92 = tpu.memref_slice %arg6[%add3A_71, %dma_start3A_91] : memref<125x80xi32, #tpu.memory_space<vmem>> -> memref<1x80xi32, #tpu.memory_space<vmem>>
      %dma_start3A_93 = tpu.memref_squeeze %dma_start3A_92 : memref<1x80xi32, #tpu.memory_space<vmem>> -> memref<80xi32, #tpu.memory_space<vmem>>
      %dma_start3A_94 = arith.constant 0 : i32
      %dma_start3A_95 = arith.constant 0 : i32
      %dma_start3A_96 = tpu.memref_slice %arg22[%dma_start3A_94, %dma_start3A_95] : memref<10240x64xf32, #tpu.memory_space<vmem_shared>> -> memref<10240x64xf32, #tpu.memory_space<vmem_shared>>
      tpu.enqueue_indirect_dma source(%arg8 : memref<80x64xf32, #tpu.memory_space<vmem>>) target(%dma_start3A_96 : memref<10240x64xf32, #tpu.memory_space<vmem_shared>>) offsets(%dma_start3A_93 : memref<80xi32, #tpu.memory_space<vmem>>) semaphore(%arg18 : memref<!tpu.dma_semaphore, #tpu.memory_space<semaphore_mem>>) {add = true}
      %mul3A_97 = arith.constant 5 : i32
      %mul3A_98 = arith.muli %scan3A_42, %mul3A_97 : i32
      %add3A_99 = arith.constant 2 : i32
      %add3A_100 = arith.addi %mul3A_98, %add3A_99 : i32
      %ge3A_101 = arith.constant 3 : i32
      %ge3A_102 = arith.cmpi sge, %add3A_100, %ge3A_101 : i32
      %convert_element_type3A_103 = arith.extui %ge3A_102 : i1 to i32
      %cond3A_104 = arith.constant 0 : i32
      %cond3A_105 = arith.cmpi ne, %convert_element_type3A_103, %cond3A_104 : i32
      scf.if %cond3A_105 {
        %dma_wait3A_184 = arith.constant 0 : i32
        %dma_wait3A_185 = arith.constant 0 : i32
        %dma_wait3A_186 = tpu.memref_slice %arg6[%dma_wait3A_184, %dma_wait3A_185] : memref<125x80xi32, #tpu.memory_space<vmem>> -> memref<1x80xi32, #tpu.memory_space<vmem>>
        %dma_wait3A_187 = tpu.memref_squeeze %dma_wait3A_186 : memref<1x80xi32, #tpu.memory_space<vmem>> -> memref<80xi32, #tpu.memory_space<vmem>>
        %dma_wait3A_188 = arith.constant 0 : i32
        %dma_wait3A_189 = arith.constant 0 : i32
        %dma_wait3A_190 = tpu.memref_slice %arg22[%dma_wait3A_188, %dma_wait3A_189] : memref<10240x64xf32, #tpu.memory_space<vmem_shared>> -> memref<10240x64xf32, #tpu.memory_space<vmem_shared>>
        tpu.wait_indirect_dma semaphore(%arg21 : memref<!tpu.dma_semaphore, #tpu.memory_space<semaphore_mem>>) src(%arg11 : memref<80x64xf32, #tpu.memory_space<vmem>>) dst(%dma_wait3A_190 : memref<10240x64xf32, #tpu.memory_space<vmem_shared>>)
      } else {
      }
      %add3A_106 = arith.constant 2 : i32
      %add3A_107 = arith.addi %add3A_100, %add3A_106 : i32
      %lt3A_108 = arith.constant 125 : i32
      %lt3A_109 = arith.cmpi slt, %add3A_107, %lt3A_108 : i32
      %convert_element_type3A_110 = arith.extui %lt3A_109 : i1 to i32
      %cond3A_111 = arith.constant 0 : i32
      %cond3A_112 = arith.cmpi ne, %convert_element_type3A_110, %cond3A_111 : i32
      scf.if %cond3A_112 {
        %add3A_184 = arith.constant 2 : i32
        %add3A_185 = arith.addi %add3A_100, %add3A_184 : i32
        %mul3A_186 = arith.constant 80 : i32
        %mul3A_187 = arith.muli %add3A_185, %mul3A_186 : i32
        %add3A_188 = arith.addi %mul3A_2, %mul3A_187 : i32
        %dma_start3A_189 = arith.constant 0 : i32
        %dma_start3A_190 = tpu.memref_slice %arg2[%add3A_188, %dma_start3A_189] : memref<320000x64xf32, #tpu.memory_space<hbm>> -> memref<80x64xf32, #tpu.memory_space<hbm>>
        %dma_start3A_191 = arith.constant 0 : i32
        %dma_start3A_192 = tpu.memref_slice %arg2[%add3A_188, %dma_start3A_191] : memref<320000x64xf32, #tpu.memory_space<hbm>> -> memref<80x64xf32, #tpu.memory_space<hbm>>
        tpu.enqueue_dma source(%dma_start3A_192 : memref<80x64xf32, #tpu.memory_space<hbm>>) target(%arg11 : memref<80x64xf32, #tpu.memory_space<vmem>>) target_semaphore(%arg16 : memref<!tpu.dma_semaphore, #tpu.memory_space<semaphore_mem>>)
      } else {
      }
      %mul3A_113 = arith.constant 80 : i32
      %mul3A_114 = arith.muli %add3A_100, %mul3A_113 : i32
      %add3A_115 = arith.addi %mul3A_2, %mul3A_114 : i32
      %dma_wait3A_116 = arith.constant 0 : i32
      %dma_wait3A_117 = tpu.memref_slice %arg2[%add3A_115, %dma_wait3A_116] : memref<320000x64xf32, #tpu.memory_space<hbm>> -> memref<80x64xf32, #tpu.memory_space<hbm>>
      %dma_wait3A_118 = arith.constant 0 : i32
      %dma_wait3A_119 = tpu.memref_slice %arg2[%add3A_115, %dma_wait3A_118] : memref<320000x64xf32, #tpu.memory_space<hbm>> -> memref<80x64xf32, #tpu.memory_space<hbm>>
      tpu.wait_dma2 semaphore(%arg14 : memref<!tpu.dma_semaphore, #tpu.memory_space<semaphore_mem>>) src(%dma_wait3A_119 : memref<80x64xf32, #tpu.memory_space<hbm>>) dst(%arg9 : memref<80x64xf32, #tpu.memory_space<vmem>>)
      %dma_start3A_120 = arith.constant 0 : i32
      %dma_start3A_121 = tpu.memref_slice %arg6[%add3A_100, %dma_start3A_120] : memref<125x80xi32, #tpu.memory_space<vmem>> -> memref<1x80xi32, #tpu.memory_space<vmem>>
      %dma_start3A_122 = tpu.memref_squeeze %dma_start3A_121 : memref<1x80xi32, #tpu.memory_space<vmem>> -> memref<80xi32, #tpu.memory_space<vmem>>
      %dma_start3A_123 = arith.constant 0 : i32
      %dma_start3A_124 = arith.constant 0 : i32
      %dma_start3A_125 = tpu.memref_slice %arg22[%dma_start3A_123, %dma_start3A_124] : memref<10240x64xf32, #tpu.memory_space<vmem_shared>> -> memref<10240x64xf32, #tpu.memory_space<vmem_shared>>
      tpu.enqueue_indirect_dma source(%arg9 : memref<80x64xf32, #tpu.memory_space<vmem>>) target(%dma_start3A_125 : memref<10240x64xf32, #tpu.memory_space<vmem_shared>>) offsets(%dma_start3A_122 : memref<80xi32, #tpu.memory_space<vmem>>) semaphore(%arg19 : memref<!tpu.dma_semaphore, #tpu.memory_space<semaphore_mem>>) {add = true}
      %mul3A_126 = arith.constant 5 : i32
      %mul3A_127 = arith.muli %scan3A_42, %mul3A_126 : i32
      %add3A_128 = arith.constant 3 : i32
      %add3A_129 = arith.addi %mul3A_127, %add3A_128 : i32
      %ge3A_130 = arith.constant 3 : i32
      %ge3A_131 = arith.cmpi sge, %add3A_129, %ge3A_130 : i32
      %convert_element_type3A_132 = arith.extui %ge3A_131 : i1 to i32
      %cond3A_133 = arith.constant 0 : i32
      %cond3A_134 = arith.cmpi ne, %convert_element_type3A_132, %cond3A_133 : i32
      scf.if %cond3A_134 {
        %dma_wait3A_184 = arith.constant 0 : i32
        %dma_wait3A_185 = arith.constant 0 : i32
        %dma_wait3A_186 = tpu.memref_slice %arg6[%dma_wait3A_184, %dma_wait3A_185] : memref<125x80xi32, #tpu.memory_space<vmem>> -> memref<1x80xi32, #tpu.memory_space<vmem>>
        %dma_wait3A_187 = tpu.memref_squeeze %dma_wait3A_186 : memref<1x80xi32, #tpu.memory_space<vmem>> -> memref<80xi32, #tpu.memory_space<vmem>>
        %dma_wait3A_188 = arith.constant 0 : i32
        %dma_wait3A_189 = arith.constant 0 : i32
        %dma_wait3A_190 = tpu.memref_slice %arg22[%dma_wait3A_188, %dma_wait3A_189] : memref<10240x64xf32, #tpu.memory_space<vmem_shared>> -> memref<10240x64xf32, #tpu.memory_space<vmem_shared>>
        tpu.wait_indirect_dma semaphore(%arg17 : memref<!tpu.dma_semaphore, #tpu.memory_space<semaphore_mem>>) src(%arg7 : memref<80x64xf32, #tpu.memory_space<vmem>>) dst(%dma_wait3A_190 : memref<10240x64xf32, #tpu.memory_space<vmem_shared>>)
      } else {
      }
      %add3A_135 = arith.constant 2 : i32
      %add3A_136 = arith.addi %add3A_129, %add3A_135 : i32
      %lt3A_137 = arith.constant 125 : i32
      %lt3A_138 = arith.cmpi slt, %add3A_136, %lt3A_137 : i32
      %convert_element_type3A_139 = arith.extui %lt3A_138 : i1 to i32
      %cond3A_140 = arith.constant 0 : i32
      %cond3A_141 = arith.cmpi ne, %convert_element_type3A_139, %cond3A_140 : i32
      scf.if %cond3A_141 {
        %add3A_184 = arith.constant 2 : i32
        %add3A_185 = arith.addi %add3A_129, %add3A_184 : i32
        %mul3A_186 = arith.constant 80 : i32
        %mul3A_187 = arith.muli %add3A_185, %mul3A_186 : i32
        %add3A_188 = arith.addi %mul3A_2, %mul3A_187 : i32
        %dma_start3A_189 = arith.constant 0 : i32
        %dma_start3A_190 = tpu.memref_slice %arg2[%add3A_188, %dma_start3A_189] : memref<320000x64xf32, #tpu.memory_space<hbm>> -> memref<80x64xf32, #tpu.memory_space<hbm>>
        %dma_start3A_191 = arith.constant 0 : i32
        %dma_start3A_192 = tpu.memref_slice %arg2[%add3A_188, %dma_start3A_191] : memref<320000x64xf32, #tpu.memory_space<hbm>> -> memref<80x64xf32, #tpu.memory_space<hbm>>
        tpu.enqueue_dma source(%dma_start3A_192 : memref<80x64xf32, #tpu.memory_space<hbm>>) target(%arg7 : memref<80x64xf32, #tpu.memory_space<vmem>>) target_semaphore(%arg12 : memref<!tpu.dma_semaphore, #tpu.memory_space<semaphore_mem>>)
      } else {
      }
      %mul3A_142 = arith.constant 80 : i32
      %mul3A_143 = arith.muli %add3A_129, %mul3A_142 : i32
      %add3A_144 = arith.addi %mul3A_2, %mul3A_143 : i32
      %dma_wait3A_145 = arith.constant 0 : i32
      %dma_wait3A_146 = tpu.memref_slice %arg2[%add3A_144, %dma_wait3A_145] : memref<320000x64xf32, #tpu.memory_space<hbm>> -> memref<80x64xf32, #tpu.memory_space<hbm>>
      %dma_wait3A_147 = arith.constant 0 : i32
      %dma_wait3A_148 = tpu.memref_slice %arg2[%add3A_144, %dma_wait3A_147] : memref<320000x64xf32, #tpu.memory_space<hbm>> -> memref<80x64xf32, #tpu.memory_space<hbm>>
      tpu.wait_dma2 semaphore(%arg15 : memref<!tpu.dma_semaphore, #tpu.memory_space<semaphore_mem>>) src(%dma_wait3A_148 : memref<80x64xf32, #tpu.memory_space<hbm>>) dst(%arg10 : memref<80x64xf32, #tpu.memory_space<vmem>>)
      %dma_start3A_149 = arith.constant 0 : i32
      %dma_start3A_150 = tpu.memref_slice %arg6[%add3A_129, %dma_start3A_149] : memref<125x80xi32, #tpu.memory_space<vmem>> -> memref<1x80xi32, #tpu.memory_space<vmem>>
      %dma_start3A_151 = tpu.memref_squeeze %dma_start3A_150 : memref<1x80xi32, #tpu.memory_space<vmem>> -> memref<80xi32, #tpu.memory_space<vmem>>
      %dma_start3A_152 = arith.constant 0 : i32
      %dma_start3A_153 = arith.constant 0 : i32
      %dma_start3A_154 = tpu.memref_slice %arg22[%dma_start3A_152, %dma_start3A_153] : memref<10240x64xf32, #tpu.memory_space<vmem_shared>> -> memref<10240x64xf32, #tpu.memory_space<vmem_shared>>
      tpu.enqueue_indirect_dma source(%arg10 : memref<80x64xf32, #tpu.memory_space<vmem>>) target(%dma_start3A_154 : memref<10240x64xf32, #tpu.memory_space<vmem_shared>>) offsets(%dma_start3A_151 : memref<80xi32, #tpu.memory_space<vmem>>) semaphore(%arg20 : memref<!tpu.dma_semaphore, #tpu.memory_space<semaphore_mem>>) {add = true}
      %mul3A_155 = arith.constant 5 : i32
      %mul3A_156 = arith.muli %scan3A_42, %mul3A_155 : i32
      %add3A_157 = arith.constant 4 : i32
      %add3A_158 = arith.addi %mul3A_156, %add3A_157 : i32
      %ge3A_159 = arith.constant 3 : i32
      %ge3A_160 = arith.cmpi sge, %add3A_158, %ge3A_159 : i32
      %convert_element_type3A_161 = arith.extui %ge3A_160 : i1 to i32
      %cond3A_162 = arith.constant 0 : i32
      %cond3A_163 = arith.cmpi ne, %convert_element_type3A_161, %cond3A_162 : i32
      scf.if %cond3A_163 {
        %dma_wait3A_184 = arith.constant 0 : i32
        %dma_wait3A_185 = arith.constant 0 : i32
        %dma_wait3A_186 = tpu.memref_slice %arg6[%dma_wait3A_184, %dma_wait3A_185] : memref<125x80xi32, #tpu.memory_space<vmem>> -> memref<1x80xi32, #tpu.memory_space<vmem>>
        %dma_wait3A_187 = tpu.memref_squeeze %dma_wait3A_186 : memref<1x80xi32, #tpu.memory_space<vmem>> -> memref<80xi32, #tpu.memory_space<vmem>>
        %dma_wait3A_188 = arith.constant 0 : i32
        %dma_wait3A_189 = arith.constant 0 : i32
        %dma_wait3A_190 = tpu.memref_slice %arg22[%dma_wait3A_188, %dma_wait3A_189] : memref<10240x64xf32, #tpu.memory_space<vmem_shared>> -> memref<10240x64xf32, #tpu.memory_space<vmem_shared>>
        tpu.wait_indirect_dma semaphore(%arg18 : memref<!tpu.dma_semaphore, #tpu.memory_space<semaphore_mem>>) src(%arg8 : memref<80x64xf32, #tpu.memory_space<vmem>>) dst(%dma_wait3A_190 : memref<10240x64xf32, #tpu.memory_space<vmem_shared>>)
      } else {
      }
      %add3A_164 = arith.constant 2 : i32
      %add3A_165 = arith.addi %add3A_158, %add3A_164 : i32
      %lt3A_166 = arith.constant 125 : i32
      %lt3A_167 = arith.cmpi slt, %add3A_165, %lt3A_166 : i32
      %convert_element_type3A_168 = arith.extui %lt3A_167 : i1 to i32
      %cond3A_169 = arith.constant 0 : i32
      %cond3A_170 = arith.cmpi ne, %convert_element_type3A_168, %cond3A_169 : i32
      scf.if %cond3A_170 {
        %add3A_184 = arith.constant 2 : i32
        %add3A_185 = arith.addi %add3A_158, %add3A_184 : i32
        %mul3A_186 = arith.constant 80 : i32
        %mul3A_187 = arith.muli %add3A_185, %mul3A_186 : i32
        %add3A_188 = arith.addi %mul3A_2, %mul3A_187 : i32
        %dma_start3A_189 = arith.constant 0 : i32
        %dma_start3A_190 = tpu.memref_slice %arg2[%add3A_188, %dma_start3A_189] : memref<320000x64xf32, #tpu.memory_space<hbm>> -> memref<80x64xf32, #tpu.memory_space<hbm>>
        %dma_start3A_191 = arith.constant 0 : i32
        %dma_start3A_192 = tpu.memref_slice %arg2[%add3A_188, %dma_start3A_191] : memref<320000x64xf32, #tpu.memory_space<hbm>> -> memref<80x64xf32, #tpu.memory_space<hbm>>
        tpu.enqueue_dma source(%dma_start3A_192 : memref<80x64xf32, #tpu.memory_space<hbm>>) target(%arg8 : memref<80x64xf32, #tpu.memory_space<vmem>>) target_semaphore(%arg13 : memref<!tpu.dma_semaphore, #tpu.memory_space<semaphore_mem>>)
      } else {
      }
      %mul3A_171 = arith.constant 80 : i32
      %mul3A_172 = arith.muli %add3A_158, %mul3A_171 : i32
      %add3A_173 = arith.addi %mul3A_2, %mul3A_172 : i32
      %dma_wait3A_174 = arith.constant 0 : i32
      %dma_wait3A_175 = tpu.memref_slice %arg2[%add3A_173, %dma_wait3A_174] : memref<320000x64xf32, #tpu.memory_space<hbm>> -> memref<80x64xf32, #tpu.memory_space<hbm>>
      %dma_wait3A_176 = arith.constant 0 : i32
      %dma_wait3A_177 = tpu.memref_slice %arg2[%add3A_173, %dma_wait3A_176] : memref<320000x64xf32, #tpu.memory_space<hbm>> -> memref<80x64xf32, #tpu.memory_space<hbm>>
      tpu.wait_dma2 semaphore(%arg16 : memref<!tpu.dma_semaphore, #tpu.memory_space<semaphore_mem>>) src(%dma_wait3A_177 : memref<80x64xf32, #tpu.memory_space<hbm>>) dst(%arg11 : memref<80x64xf32, #tpu.memory_space<vmem>>)
      %dma_start3A_178 = arith.constant 0 : i32
      %dma_start3A_179 = tpu.memref_slice %arg6[%add3A_158, %dma_start3A_178] : memref<125x80xi32, #tpu.memory_space<vmem>> -> memref<1x80xi32, #tpu.memory_space<vmem>>
      %dma_start3A_180 = tpu.memref_squeeze %dma_start3A_179 : memref<1x80xi32, #tpu.memory_space<vmem>> -> memref<80xi32, #tpu.memory_space<vmem>>
      %dma_start3A_181 = arith.constant 0 : i32
      %dma_start3A_182 = arith.constant 0 : i32
      %dma_start3A_183 = tpu.memref_slice %arg22[%dma_start3A_181, %dma_start3A_182] : memref<10240x64xf32, #tpu.memory_space<vmem_shared>> -> memref<10240x64xf32, #tpu.memory_space<vmem_shared>>
      tpu.enqueue_indirect_dma source(%arg11 : memref<80x64xf32, #tpu.memory_space<vmem>>) target(%dma_start3A_183 : memref<10240x64xf32, #tpu.memory_space<vmem_shared>>) offsets(%dma_start3A_180 : memref<80xi32, #tpu.memory_space<vmem>>) semaphore(%arg21 : memref<!tpu.dma_semaphore, #tpu.memory_space<semaphore_mem>>) {add = true}
    }
    %scan3A_20 = arith.constant 25 : i32
    %dma_wait3A = arith.constant 0 : i32
    %dma_wait3A_21 = arith.constant 0 : i32
    %dma_wait3A_22 = tpu.memref_slice %arg6[%dma_wait3A, %dma_wait3A_21] : memref<125x80xi32, #tpu.memory_space<vmem>> -> memref<1x80xi32, #tpu.memory_space<vmem>>
    %dma_wait3A_23 = tpu.memref_squeeze %dma_wait3A_22 : memref<1x80xi32, #tpu.memory_space<vmem>> -> memref<80xi32, #tpu.memory_space<vmem>>
    %dma_wait3A_24 = arith.constant 0 : i32
    %dma_wait3A_25 = arith.constant 0 : i32
    %dma_wait3A_26 = tpu.memref_slice %arg22[%dma_wait3A_24, %dma_wait3A_25] : memref<10240x64xf32, #tpu.memory_space<vmem_shared>> -> memref<10240x64xf32, #tpu.memory_space<vmem_shared>>
    tpu.wait_indirect_dma semaphore(%arg19 : memref<!tpu.dma_semaphore, #tpu.memory_space<semaphore_mem>>) src(%arg9 : memref<80x64xf32, #tpu.memory_space<vmem>>) dst(%dma_wait3A_26 : memref<10240x64xf32, #tpu.memory_space<vmem_shared>>)
    %dma_wait3A_27 = arith.constant 0 : i32
    %dma_wait3A_28 = arith.constant 0 : i32
    %dma_wait3A_29 = tpu.memref_slice %arg6[%dma_wait3A_27, %dma_wait3A_28] : memref<125x80xi32, #tpu.memory_space<vmem>> -> memref<1x80xi32, #tpu.memory_space<vmem>>
    %dma_wait3A_30 = tpu.memref_squeeze %dma_wait3A_29 : memref<1x80xi32, #tpu.memory_space<vmem>> -> memref<80xi32, #tpu.memory_space<vmem>>
    %dma_wait3A_31 = arith.constant 0 : i32
    %dma_wait3A_32 = arith.constant 0 : i32
    %dma_wait3A_33 = tpu.memref_slice %arg22[%dma_wait3A_31, %dma_wait3A_32] : memref<10240x64xf32, #tpu.memory_space<vmem_shared>> -> memref<10240x64xf32, #tpu.memory_space<vmem_shared>>
    tpu.wait_indirect_dma semaphore(%arg20 : memref<!tpu.dma_semaphore, #tpu.memory_space<semaphore_mem>>) src(%arg10 : memref<80x64xf32, #tpu.memory_space<vmem>>) dst(%dma_wait3A_33 : memref<10240x64xf32, #tpu.memory_space<vmem_shared>>)
    %dma_wait3A_34 = arith.constant 0 : i32
    %dma_wait3A_35 = arith.constant 0 : i32
    %dma_wait3A_36 = tpu.memref_slice %arg6[%dma_wait3A_34, %dma_wait3A_35] : memref<125x80xi32, #tpu.memory_space<vmem>> -> memref<1x80xi32, #tpu.memory_space<vmem>>
    %dma_wait3A_37 = tpu.memref_squeeze %dma_wait3A_36 : memref<1x80xi32, #tpu.memory_space<vmem>> -> memref<80xi32, #tpu.memory_space<vmem>>
    %dma_wait3A_38 = arith.constant 0 : i32
    %dma_wait3A_39 = arith.constant 0 : i32
    %dma_wait3A_40 = tpu.memref_slice %arg22[%dma_wait3A_38, %dma_wait3A_39] : memref<10240x64xf32, #tpu.memory_space<vmem_shared>> -> memref<10240x64xf32, #tpu.memory_space<vmem_shared>>
    tpu.wait_indirect_dma semaphore(%arg21 : memref<!tpu.dma_semaphore, #tpu.memory_space<semaphore_mem>>) src(%arg11 : memref<80x64xf32, #tpu.memory_space<vmem>>) dst(%dma_wait3A_40 : memref<10240x64xf32, #tpu.memory_space<vmem_shared>>)
    %barrier3A_41 = arith.constant 0 : index
    tpu.barrier barrier_id(%barrier3A_41)
    "tpu.region"() ({
      %run_scoped3A = tpu.sem_alloc : memref<!tpu.dma_semaphore, #tpu.memory_space<semaphore_mem>>
      %dma_start3A_42 = arith.constant 0 : i32
      %dma_start3A_43 = tpu.memref_slice %arg5[%arg0, %mul3A_4, %dma_start3A_42] : memref<2x10240x64xf32, #tpu.memory_space<hbm>> -> memref<1x640x64xf32, #tpu.memory_space<hbm>>
      %dma_start3A_44 = tpu.memref_squeeze %dma_start3A_43 : memref<1x640x64xf32, #tpu.memory_space<hbm>> -> memref<640x64xf32, #tpu.memory_space<hbm>>
      %dma_start3A_45 = arith.constant 0 : i32
      %dma_start3A_46 = tpu.memref_slice %arg22[%mul3A_4, %dma_start3A_45] : memref<10240x64xf32, #tpu.memory_space<vmem_shared>> -> memref<640x64xf32, #tpu.memory_space<vmem_shared>>
      tpu.enqueue_dma source(%dma_start3A_46 : memref<640x64xf32, #tpu.memory_space<vmem_shared>>) target(%dma_start3A_44 : memref<640x64xf32, #tpu.memory_space<hbm>>) target_semaphore(%run_scoped3A : memref<!tpu.dma_semaphore, #tpu.memory_space<semaphore_mem>>)
      %dma_wait3A_47 = arith.constant 0 : i32
      %dma_wait3A_48 = tpu.memref_slice %arg5[%arg0, %mul3A_4, %dma_wait3A_47] : memref<2x10240x64xf32, #tpu.memory_space<hbm>> -> memref<1x640x64xf32, #tpu.memory_space<hbm>>
      %dma_wait3A_49 = tpu.memref_squeeze %dma_wait3A_48 : memref<1x640x64xf32, #tpu.memory_space<hbm>> -> memref<640x64xf32, #tpu.memory_space<hbm>>
      %dma_wait3A_50 = arith.constant 0 : i32
      %dma_wait3A_51 = tpu.memref_slice %arg22[%mul3A_4, %dma_wait3A_50] : memref<10240x64xf32, #tpu.memory_space<vmem_shared>> -> memref<640x64xf32, #tpu.memory_space<vmem_shared>>
      tpu.wait_dma2 semaphore(%run_scoped3A : memref<!tpu.dma_semaphore, #tpu.memory_space<semaphore_mem>>) src(%dma_wait3A_51 : memref<640x64xf32, #tpu.memory_space<vmem_shared>>) dst(%dma_wait3A_49 : memref<640x64xf32, #tpu.memory_space<hbm>>)
      tpu.yield
    }) : () -> ()
    return
  }
}

#map = affine_map<(d0, d1) -> (0, 0)>
#map1 = affine_map<(d0, d1) -> (0, 0, 0, 0)>
module attributes {stable_mosaic.version = 14 : i64} {
  func.func @k(%arg0: i32, %arg1: i32, %arg2: memref<10000x64xf32, #tpu.memory_space<hbm>>, %arg3: memref<2x16x125x80xi32, #tpu.memory_space<hbm>>, %arg4: memref<320000x64xf32, #tpu.memory_space<hbm>>, %arg5: memref<125x80xi32, #tpu.memory_space<vmem>>, %arg6: memref<80x64xf32, #tpu.memory_space<vmem>>, %arg7: memref<80x64xf32, #tpu.memory_space<vmem>>, %arg8: memref<80x64xf32, #tpu.memory_space<vmem>>, %arg9: memref<80x64xf32, #tpu.memory_space<vmem>>, %arg10: memref<80x64xf32, #tpu.memory_space<vmem>>, %arg11: memref<!tpu.dma_semaphore, #tpu.memory_space<semaphore_mem>>, %arg12: memref<!tpu.dma_semaphore, #tpu.memory_space<semaphore_mem>>, %arg13: memref<!tpu.dma_semaphore, #tpu.memory_space<semaphore_mem>>, %arg14: memref<!tpu.dma_semaphore, #tpu.memory_space<semaphore_mem>>, %arg15: memref<!tpu.dma_semaphore, #tpu.memory_space<semaphore_mem>>, %arg16: memref<!tpu.dma_semaphore, #tpu.memory_space<semaphore_mem>>, %arg17: memref<!tpu.dma_semaphore, #tpu.memory_space<semaphore_mem>>, %arg18: memref<!tpu.dma_semaphore, #tpu.memory_space<semaphore_mem>>, %arg19: memref<!tpu.dma_semaphore, #tpu.memory_space<semaphore_mem>>, %arg20: memref<!tpu.dma_semaphore, #tpu.memory_space<semaphore_mem>>) attributes {dimension_semantics = [#tpu.dimension_semantics<core_parallel>, #tpu.dimension_semantics<subcore_parallel>], iteration_bounds = array<i64: 2, 16>, scalar_prefetch = 0 : i64, scratch_operands = 16 : i64, tpu.core_type = #tpu.core_type<sc_vector_subcore>, window_params = [{transform_indices = #map}, {transform_indices = #map1}, {transform_indices = #map}]} {
    %mul3A = arith.constant 16 : i32
    %mul3A_0 = arith.muli %arg0, %mul3A : i32
    %add3A = arith.addi %mul3A_0, %arg1 : i32
    %mul3A_1 = arith.constant 10000 : i32
    %mul3A_2 = arith.muli %add3A, %mul3A_1 : i32
    "tpu.region"() ({
      %run_scoped3A = tpu.sem_alloc : memref<!tpu.dma_semaphore, #tpu.memory_space<semaphore_mem>>
      %dma_start3A_38 = arith.constant 0 : i32
      %dma_start3A_39 = arith.constant 0 : i32
      %dma_start3A_40 = tpu.memref_slice %arg3[%arg0, %arg1, %dma_start3A_38, %dma_start3A_39] : memref<2x16x125x80xi32, #tpu.memory_space<hbm>> -> memref<1x1x125x80xi32, #tpu.memory_space<hbm>>
      %dma_start3A_41 = tpu.memref_squeeze %dma_start3A_40 : memref<1x1x125x80xi32, #tpu.memory_space<hbm>> -> memref<125x80xi32, #tpu.memory_space<hbm>>
      %dma_start3A_42 = arith.constant 0 : i32
      %dma_start3A_43 = arith.constant 0 : i32
      %dma_start3A_44 = tpu.memref_slice %arg3[%arg0, %arg1, %dma_start3A_42, %dma_start3A_43] : memref<2x16x125x80xi32, #tpu.memory_space<hbm>> -> memref<1x1x125x80xi32, #tpu.memory_space<hbm>>
      %dma_start3A_45 = tpu.memref_squeeze %dma_start3A_44 : memref<1x1x125x80xi32, #tpu.memory_space<hbm>> -> memref<125x80xi32, #tpu.memory_space<hbm>>
      tpu.enqueue_dma source(%dma_start3A_45 : memref<125x80xi32, #tpu.memory_space<hbm>>) target(%arg5 : memref<125x80xi32, #tpu.memory_space<vmem>>) target_semaphore(%run_scoped3A : memref<!tpu.dma_semaphore, #tpu.memory_space<semaphore_mem>>)
      %dma_wait3A_46 = arith.constant 0 : i32
      %dma_wait3A_47 = arith.constant 0 : i32
      %dma_wait3A_48 = tpu.memref_slice %arg3[%arg0, %arg1, %dma_wait3A_46, %dma_wait3A_47] : memref<2x16x125x80xi32, #tpu.memory_space<hbm>> -> memref<1x1x125x80xi32, #tpu.memory_space<hbm>>
      %dma_wait3A_49 = tpu.memref_squeeze %dma_wait3A_48 : memref<1x1x125x80xi32, #tpu.memory_space<hbm>> -> memref<125x80xi32, #tpu.memory_space<hbm>>
      %dma_wait3A_50 = arith.constant 0 : i32
      %dma_wait3A_51 = arith.constant 0 : i32
      %dma_wait3A_52 = tpu.memref_slice %arg3[%arg0, %arg1, %dma_wait3A_50, %dma_wait3A_51] : memref<2x16x125x80xi32, #tpu.memory_space<hbm>> -> memref<1x1x125x80xi32, #tpu.memory_space<hbm>>
      %dma_wait3A_53 = tpu.memref_squeeze %dma_wait3A_52 : memref<1x1x125x80xi32, #tpu.memory_space<hbm>> -> memref<125x80xi32, #tpu.memory_space<hbm>>
      tpu.wait_dma2 semaphore(%run_scoped3A : memref<!tpu.dma_semaphore, #tpu.memory_space<semaphore_mem>>) src(%dma_wait3A_53 : memref<125x80xi32, #tpu.memory_space<hbm>>) dst(%arg5 : memref<125x80xi32, #tpu.memory_space<vmem>>)
      tpu.yield
    }) : () -> ()
    %dma_start3A = arith.constant 0 : i32
    %dma_start3A_3 = arith.constant 0 : i32
    %dma_start3A_4 = tpu.memref_slice %arg5[%dma_start3A, %dma_start3A_3] : memref<125x80xi32, #tpu.memory_space<vmem>> -> memref<1x80xi32, #tpu.memory_space<vmem>>
    %dma_start3A_5 = tpu.memref_squeeze %dma_start3A_4 : memref<1x80xi32, #tpu.memory_space<vmem>> -> memref<80xi32, #tpu.memory_space<vmem>>
    %dma_start3A_6 = arith.constant 0 : i32
    %dma_start3A_7 = arith.constant 0 : i32
    %dma_start3A_8 = tpu.memref_slice %arg2[%dma_start3A_6, %dma_start3A_7] : memref<10000x64xf32, #tpu.memory_space<hbm>> -> memref<10000x64xf32, #tpu.memory_space<hbm>>
    tpu.enqueue_indirect_dma source(%dma_start3A_8 : memref<10000x64xf32, #tpu.memory_space<hbm>>) target(%arg6 : memref<80x64xf32, #tpu.memory_space<vmem>>) offsets(%dma_start3A_5 : memref<80xi32, #tpu.memory_space<vmem>>) semaphore(%arg11 : memref<!tpu.dma_semaphore, #tpu.memory_space<semaphore_mem>>)
    %dma_start3A_9 = arith.constant 1 : i32
    %dma_start3A_10 = arith.constant 0 : i32
    %dma_start3A_11 = tpu.memref_slice %arg5[%dma_start3A_9, %dma_start3A_10] : memref<125x80xi32, #tpu.memory_space<vmem>> -> memref<1x80xi32, #tpu.memory_space<vmem>>
    %dma_start3A_12 = tpu.memref_squeeze %dma_start3A_11 : memref<1x80xi32, #tpu.memory_space<vmem>> -> memref<80xi32, #tpu.memory_space<vmem>>
    %dma_start3A_13 = arith.constant 0 : i32
    %dma_start3A_14 = arith.constant 0 : i32
    %dma_start3A_15 = tpu.memref_slice %arg2[%dma_start3A_13, %dma_start3A_14] : memref<10000x64xf32, #tpu.memory_space<hbm>> -> memref<10000x64xf32, #tpu.memory_space<hbm>>
    tpu.enqueue_indirect_dma source(%dma_start3A_15 : memref<10000x64xf32, #tpu.memory_space<hbm>>) target(%arg7 : memref<80x64xf32, #tpu.memory_space<vmem>>) offsets(%dma_start3A_12 : memref<80xi32, #tpu.memory_space<vmem>>) semaphore(%arg12 : memref<!tpu.dma_semaphore, #tpu.memory_space<semaphore_mem>>)
    %scan3A = arith.constant 0 : i32
    %scan3A_16 = arith.constant 0 : i32
    %scan3A_17 = arith.constant 25 : i32
    %scan3A_18 = arith.addi %scan3A_16, %scan3A_17 : i32
    %scan3A_19 = arith.constant 1 : i32
    scf.for %scan3A_38 = %scan3A_16 to %scan3A_18 step %scan3A_19  : i32 {
      %mul3A_39 = arith.constant 5 : i32
      %mul3A_40 = arith.muli %scan3A_38, %mul3A_39 : i32
      %add3A_41 = arith.constant 0 : i32
      %add3A_42 = arith.addi %mul3A_40, %add3A_41 : i32
      %ge3A = arith.constant 3 : i32
      %ge3A_43 = arith.cmpi sge, %add3A_42, %ge3A : i32
      %convert_element_type3A = arith.extui %ge3A_43 : i1 to i32
      %cond3A = arith.constant 0 : i32
      %cond3A_44 = arith.cmpi ne, %convert_element_type3A, %cond3A : i32
      scf.if %cond3A_44 {
        %add3A_180 = arith.constant 0 : i32
        %add3A_181 = arith.addi %mul3A_2, %add3A_180 : i32
        %dma_wait3A_182 = arith.constant 0 : i32
        %dma_wait3A_183 = tpu.memref_slice %arg4[%add3A_181, %dma_wait3A_182] : memref<320000x64xf32, #tpu.memory_space<hbm>> -> memref<80x64xf32, #tpu.memory_space<hbm>>
        %dma_wait3A_184 = arith.constant 0 : i32
        %dma_wait3A_185 = tpu.memref_slice %arg4[%add3A_181, %dma_wait3A_184] : memref<320000x64xf32, #tpu.memory_space<hbm>> -> memref<80x64xf32, #tpu.memory_space<hbm>>
        tpu.wait_dma2 semaphore(%arg18 : memref<!tpu.dma_semaphore, #tpu.memory_space<semaphore_mem>>) src(%arg8 : memref<80x64xf32, #tpu.memory_space<vmem>>) dst(%dma_wait3A_185 : memref<80x64xf32, #tpu.memory_space<hbm>>)
      } else {
      }
      %add3A_45 = arith.constant 2 : i32
      %add3A_46 = arith.addi %add3A_42, %add3A_45 : i32
      %lt3A = arith.constant 125 : i32
      %lt3A_47 = arith.cmpi slt, %add3A_46, %lt3A : i32
      %convert_element_type3A_48 = arith.extui %lt3A_47 : i1 to i32
      %cond3A_49 = arith.constant 0 : i32
      %cond3A_50 = arith.cmpi ne, %convert_element_type3A_48, %cond3A_49 : i32
      scf.if %cond3A_50 {
        %add3A_180 = arith.constant 2 : i32
        %add3A_181 = arith.addi %add3A_42, %add3A_180 : i32
        %dma_start3A_182 = arith.constant 0 : i32
        %dma_start3A_183 = tpu.memref_slice %arg5[%add3A_181, %dma_start3A_182] : memref<125x80xi32, #tpu.memory_space<vmem>> -> memref<1x80xi32, #tpu.memory_space<vmem>>
        %dma_start3A_184 = tpu.memref_squeeze %dma_start3A_183 : memref<1x80xi32, #tpu.memory_space<vmem>> -> memref<80xi32, #tpu.memory_space<vmem>>
        %dma_start3A_185 = arith.constant 0 : i32
        %dma_start3A_186 = arith.constant 0 : i32
        %dma_start3A_187 = tpu.memref_slice %arg2[%dma_start3A_185, %dma_start3A_186] : memref<10000x64xf32, #tpu.memory_space<hbm>> -> memref<10000x64xf32, #tpu.memory_space<hbm>>
        tpu.enqueue_indirect_dma source(%dma_start3A_187 : memref<10000x64xf32, #tpu.memory_space<hbm>>) target(%arg8 : memref<80x64xf32, #tpu.memory_space<vmem>>) offsets(%dma_start3A_184 : memref<80xi32, #tpu.memory_space<vmem>>) semaphore(%arg13 : memref<!tpu.dma_semaphore, #tpu.memory_space<semaphore_mem>>)
      } else {
      }
      %dma_wait3A_51 = arith.constant 0 : i32
      %dma_wait3A_52 = tpu.memref_slice %arg5[%add3A_42, %dma_wait3A_51] : memref<125x80xi32, #tpu.memory_space<vmem>> -> memref<1x80xi32, #tpu.memory_space<vmem>>
      %dma_wait3A_53 = tpu.memref_squeeze %dma_wait3A_52 : memref<1x80xi32, #tpu.memory_space<vmem>> -> memref<80xi32, #tpu.memory_space<vmem>>
      %dma_wait3A_54 = arith.constant 0 : i32
      %dma_wait3A_55 = arith.constant 0 : i32
      %dma_wait3A_56 = tpu.memref_slice %arg2[%dma_wait3A_54, %dma_wait3A_55] : memref<10000x64xf32, #tpu.memory_space<hbm>> -> memref<10000x64xf32, #tpu.memory_space<hbm>>
      tpu.wait_indirect_dma semaphore(%arg11 : memref<!tpu.dma_semaphore, #tpu.memory_space<semaphore_mem>>) src(%dma_wait3A_56 : memref<10000x64xf32, #tpu.memory_space<hbm>>) dst(%arg6 : memref<80x64xf32, #tpu.memory_space<vmem>>)
      %mul3A_57 = arith.constant 80 : i32
      %mul3A_58 = arith.muli %add3A_42, %mul3A_57 : i32
      %add3A_59 = arith.addi %mul3A_2, %mul3A_58 : i32
      %dma_start3A_60 = arith.constant 0 : i32
      %dma_start3A_61 = tpu.memref_slice %arg4[%add3A_59, %dma_start3A_60] : memref<320000x64xf32, #tpu.memory_space<hbm>> -> memref<80x64xf32, #tpu.memory_space<hbm>>
      %dma_start3A_62 = arith.constant 0 : i32
      %dma_start3A_63 = tpu.memref_slice %arg4[%add3A_59, %dma_start3A_62] : memref<320000x64xf32, #tpu.memory_space<hbm>> -> memref<80x64xf32, #tpu.memory_space<hbm>>
      tpu.enqueue_dma source(%arg6 : memref<80x64xf32, #tpu.memory_space<vmem>>) target(%dma_start3A_63 : memref<80x64xf32, #tpu.memory_space<hbm>>) target_semaphore(%arg16 : memref<!tpu.dma_semaphore, #tpu.memory_space<semaphore_mem>>)
      %mul3A_64 = arith.constant 5 : i32
      %mul3A_65 = arith.muli %scan3A_38, %mul3A_64 : i32
      %add3A_66 = arith.constant 1 : i32
      %add3A_67 = arith.addi %mul3A_65, %add3A_66 : i32
      %ge3A_68 = arith.constant 3 : i32
      %ge3A_69 = arith.cmpi sge, %add3A_67, %ge3A_68 : i32
      %convert_element_type3A_70 = arith.extui %ge3A_69 : i1 to i32
      %cond3A_71 = arith.constant 0 : i32
      %cond3A_72 = arith.cmpi ne, %convert_element_type3A_70, %cond3A_71 : i32
      scf.if %cond3A_72 {
        %add3A_180 = arith.constant 0 : i32
        %add3A_181 = arith.addi %mul3A_2, %add3A_180 : i32
        %dma_wait3A_182 = arith.constant 0 : i32
        %dma_wait3A_183 = tpu.memref_slice %arg4[%add3A_181, %dma_wait3A_182] : memref<320000x64xf32, #tpu.memory_space<hbm>> -> memref<80x64xf32, #tpu.memory_space<hbm>>
        %dma_wait3A_184 = arith.constant 0 : i32
        %dma_wait3A_185 = tpu.memref_slice %arg4[%add3A_181, %dma_wait3A_184] : memref<320000x64xf32, #tpu.memory_space<hbm>> -> memref<80x64xf32, #tpu.memory_space<hbm>>
        tpu.wait_dma2 semaphore(%arg19 : memref<!tpu.dma_semaphore, #tpu.memory_space<semaphore_mem>>) src(%arg9 : memref<80x64xf32, #tpu.memory_space<vmem>>) dst(%dma_wait3A_185 : memref<80x64xf32, #tpu.memory_space<hbm>>)
      } else {
      }
      %add3A_73 = arith.constant 2 : i32
      %add3A_74 = arith.addi %add3A_67, %add3A_73 : i32
      %lt3A_75 = arith.constant 125 : i32
      %lt3A_76 = arith.cmpi slt, %add3A_74, %lt3A_75 : i32
      %convert_element_type3A_77 = arith.extui %lt3A_76 : i1 to i32
      %cond3A_78 = arith.constant 0 : i32
      %cond3A_79 = arith.cmpi ne, %convert_element_type3A_77, %cond3A_78 : i32
      scf.if %cond3A_79 {
        %add3A_180 = arith.constant 2 : i32
        %add3A_181 = arith.addi %add3A_67, %add3A_180 : i32
        %dma_start3A_182 = arith.constant 0 : i32
        %dma_start3A_183 = tpu.memref_slice %arg5[%add3A_181, %dma_start3A_182] : memref<125x80xi32, #tpu.memory_space<vmem>> -> memref<1x80xi32, #tpu.memory_space<vmem>>
        %dma_start3A_184 = tpu.memref_squeeze %dma_start3A_183 : memref<1x80xi32, #tpu.memory_space<vmem>> -> memref<80xi32, #tpu.memory_space<vmem>>
        %dma_start3A_185 = arith.constant 0 : i32
        %dma_start3A_186 = arith.constant 0 : i32
        %dma_start3A_187 = tpu.memref_slice %arg2[%dma_start3A_185, %dma_start3A_186] : memref<10000x64xf32, #tpu.memory_space<hbm>> -> memref<10000x64xf32, #tpu.memory_space<hbm>>
        tpu.enqueue_indirect_dma source(%dma_start3A_187 : memref<10000x64xf32, #tpu.memory_space<hbm>>) target(%arg9 : memref<80x64xf32, #tpu.memory_space<vmem>>) offsets(%dma_start3A_184 : memref<80xi32, #tpu.memory_space<vmem>>) semaphore(%arg14 : memref<!tpu.dma_semaphore, #tpu.memory_space<semaphore_mem>>)
      } else {
      }
      %dma_wait3A_80 = arith.constant 0 : i32
      %dma_wait3A_81 = tpu.memref_slice %arg5[%add3A_67, %dma_wait3A_80] : memref<125x80xi32, #tpu.memory_space<vmem>> -> memref<1x80xi32, #tpu.memory_space<vmem>>
      %dma_wait3A_82 = tpu.memref_squeeze %dma_wait3A_81 : memref<1x80xi32, #tpu.memory_space<vmem>> -> memref<80xi32, #tpu.memory_space<vmem>>
      %dma_wait3A_83 = arith.constant 0 : i32
      %dma_wait3A_84 = arith.constant 0 : i32
      %dma_wait3A_85 = tpu.memref_slice %arg2[%dma_wait3A_83, %dma_wait3A_84] : memref<10000x64xf32, #tpu.memory_space<hbm>> -> memref<10000x64xf32, #tpu.memory_space<hbm>>
      tpu.wait_indirect_dma semaphore(%arg12 : memref<!tpu.dma_semaphore, #tpu.memory_space<semaphore_mem>>) src(%dma_wait3A_85 : memref<10000x64xf32, #tpu.memory_space<hbm>>) dst(%arg7 : memref<80x64xf32, #tpu.memory_space<vmem>>)
      %mul3A_86 = arith.constant 80 : i32
      %mul3A_87 = arith.muli %add3A_67, %mul3A_86 : i32
      %add3A_88 = arith.addi %mul3A_2, %mul3A_87 : i32
      %dma_start3A_89 = arith.constant 0 : i32
      %dma_start3A_90 = tpu.memref_slice %arg4[%add3A_88, %dma_start3A_89] : memref<320000x64xf32, #tpu.memory_space<hbm>> -> memref<80x64xf32, #tpu.memory_space<hbm>>
      %dma_start3A_91 = arith.constant 0 : i32
      %dma_start3A_92 = tpu.memref_slice %arg4[%add3A_88, %dma_start3A_91] : memref<320000x64xf32, #tpu.memory_space<hbm>> -> memref<80x64xf32, #tpu.memory_space<hbm>>
      tpu.enqueue_dma source(%arg7 : memref<80x64xf32, #tpu.memory_space<vmem>>) target(%dma_start3A_92 : memref<80x64xf32, #tpu.memory_space<hbm>>) target_semaphore(%arg17 : memref<!tpu.dma_semaphore, #tpu.memory_space<semaphore_mem>>)
      %mul3A_93 = arith.constant 5 : i32
      %mul3A_94 = arith.muli %scan3A_38, %mul3A_93 : i32
      %add3A_95 = arith.constant 2 : i32
      %add3A_96 = arith.addi %mul3A_94, %add3A_95 : i32
      %ge3A_97 = arith.constant 3 : i32
      %ge3A_98 = arith.cmpi sge, %add3A_96, %ge3A_97 : i32
      %convert_element_type3A_99 = arith.extui %ge3A_98 : i1 to i32
      %cond3A_100 = arith.constant 0 : i32
      %cond3A_101 = arith.cmpi ne, %convert_element_type3A_99, %cond3A_100 : i32
      scf.if %cond3A_101 {
        %add3A_180 = arith.constant 0 : i32
        %add3A_181 = arith.addi %mul3A_2, %add3A_180 : i32
        %dma_wait3A_182 = arith.constant 0 : i32
        %dma_wait3A_183 = tpu.memref_slice %arg4[%add3A_181, %dma_wait3A_182] : memref<320000x64xf32, #tpu.memory_space<hbm>> -> memref<80x64xf32, #tpu.memory_space<hbm>>
        %dma_wait3A_184 = arith.constant 0 : i32
        %dma_wait3A_185 = tpu.memref_slice %arg4[%add3A_181, %dma_wait3A_184] : memref<320000x64xf32, #tpu.memory_space<hbm>> -> memref<80x64xf32, #tpu.memory_space<hbm>>
        tpu.wait_dma2 semaphore(%arg20 : memref<!tpu.dma_semaphore, #tpu.memory_space<semaphore_mem>>) src(%arg10 : memref<80x64xf32, #tpu.memory_space<vmem>>) dst(%dma_wait3A_185 : memref<80x64xf32, #tpu.memory_space<hbm>>)
      } else {
      }
      %add3A_102 = arith.constant 2 : i32
      %add3A_103 = arith.addi %add3A_96, %add3A_102 : i32
      %lt3A_104 = arith.constant 125 : i32
      %lt3A_105 = arith.cmpi slt, %add3A_103, %lt3A_104 : i32
      %convert_element_type3A_106 = arith.extui %lt3A_105 : i1 to i32
      %cond3A_107 = arith.constant 0 : i32
      %cond3A_108 = arith.cmpi ne, %convert_element_type3A_106, %cond3A_107 : i32
      scf.if %cond3A_108 {
        %add3A_180 = arith.constant 2 : i32
        %add3A_181 = arith.addi %add3A_96, %add3A_180 : i32
        %dma_start3A_182 = arith.constant 0 : i32
        %dma_start3A_183 = tpu.memref_slice %arg5[%add3A_181, %dma_start3A_182] : memref<125x80xi32, #tpu.memory_space<vmem>> -> memref<1x80xi32, #tpu.memory_space<vmem>>
        %dma_start3A_184 = tpu.memref_squeeze %dma_start3A_183 : memref<1x80xi32, #tpu.memory_space<vmem>> -> memref<80xi32, #tpu.memory_space<vmem>>
        %dma_start3A_185 = arith.constant 0 : i32
        %dma_start3A_186 = arith.constant 0 : i32
        %dma_start3A_187 = tpu.memref_slice %arg2[%dma_start3A_185, %dma_start3A_186] : memref<10000x64xf32, #tpu.memory_space<hbm>> -> memref<10000x64xf32, #tpu.memory_space<hbm>>
        tpu.enqueue_indirect_dma source(%dma_start3A_187 : memref<10000x64xf32, #tpu.memory_space<hbm>>) target(%arg10 : memref<80x64xf32, #tpu.memory_space<vmem>>) offsets(%dma_start3A_184 : memref<80xi32, #tpu.memory_space<vmem>>) semaphore(%arg15 : memref<!tpu.dma_semaphore, #tpu.memory_space<semaphore_mem>>)
      } else {
      }
      %dma_wait3A_109 = arith.constant 0 : i32
      %dma_wait3A_110 = tpu.memref_slice %arg5[%add3A_96, %dma_wait3A_109] : memref<125x80xi32, #tpu.memory_space<vmem>> -> memref<1x80xi32, #tpu.memory_space<vmem>>
      %dma_wait3A_111 = tpu.memref_squeeze %dma_wait3A_110 : memref<1x80xi32, #tpu.memory_space<vmem>> -> memref<80xi32, #tpu.memory_space<vmem>>
      %dma_wait3A_112 = arith.constant 0 : i32
      %dma_wait3A_113 = arith.constant 0 : i32
      %dma_wait3A_114 = tpu.memref_slice %arg2[%dma_wait3A_112, %dma_wait3A_113] : memref<10000x64xf32, #tpu.memory_space<hbm>> -> memref<10000x64xf32, #tpu.memory_space<hbm>>
      tpu.wait_indirect_dma semaphore(%arg13 : memref<!tpu.dma_semaphore, #tpu.memory_space<semaphore_mem>>) src(%dma_wait3A_114 : memref<10000x64xf32, #tpu.memory_space<hbm>>) dst(%arg8 : memref<80x64xf32, #tpu.memory_space<vmem>>)
      %mul3A_115 = arith.constant 80 : i32
      %mul3A_116 = arith.muli %add3A_96, %mul3A_115 : i32
      %add3A_117 = arith.addi %mul3A_2, %mul3A_116 : i32
      %dma_start3A_118 = arith.constant 0 : i32
      %dma_start3A_119 = tpu.memref_slice %arg4[%add3A_117, %dma_start3A_118] : memref<320000x64xf32, #tpu.memory_space<hbm>> -> memref<80x64xf32, #tpu.memory_space<hbm>>
      %dma_start3A_120 = arith.constant 0 : i32
      %dma_start3A_121 = tpu.memref_slice %arg4[%add3A_117, %dma_start3A_120] : memref<320000x64xf32, #tpu.memory_space<hbm>> -> memref<80x64xf32, #tpu.memory_space<hbm>>
      tpu.enqueue_dma source(%arg8 : memref<80x64xf32, #tpu.memory_space<vmem>>) target(%dma_start3A_121 : memref<80x64xf32, #tpu.memory_space<hbm>>) target_semaphore(%arg18 : memref<!tpu.dma_semaphore, #tpu.memory_space<semaphore_mem>>)
      %mul3A_122 = arith.constant 5 : i32
      %mul3A_123 = arith.muli %scan3A_38, %mul3A_122 : i32
      %add3A_124 = arith.constant 3 : i32
      %add3A_125 = arith.addi %mul3A_123, %add3A_124 : i32
      %ge3A_126 = arith.constant 3 : i32
      %ge3A_127 = arith.cmpi sge, %add3A_125, %ge3A_126 : i32
      %convert_element_type3A_128 = arith.extui %ge3A_127 : i1 to i32
      %cond3A_129 = arith.constant 0 : i32
      %cond3A_130 = arith.cmpi ne, %convert_element_type3A_128, %cond3A_129 : i32
      scf.if %cond3A_130 {
        %add3A_180 = arith.constant 0 : i32
        %add3A_181 = arith.addi %mul3A_2, %add3A_180 : i32
        %dma_wait3A_182 = arith.constant 0 : i32
        %dma_wait3A_183 = tpu.memref_slice %arg4[%add3A_181, %dma_wait3A_182] : memref<320000x64xf32, #tpu.memory_space<hbm>> -> memref<80x64xf32, #tpu.memory_space<hbm>>
        %dma_wait3A_184 = arith.constant 0 : i32
        %dma_wait3A_185 = tpu.memref_slice %arg4[%add3A_181, %dma_wait3A_184] : memref<320000x64xf32, #tpu.memory_space<hbm>> -> memref<80x64xf32, #tpu.memory_space<hbm>>
        tpu.wait_dma2 semaphore(%arg16 : memref<!tpu.dma_semaphore, #tpu.memory_space<semaphore_mem>>) src(%arg6 : memref<80x64xf32, #tpu.memory_space<vmem>>) dst(%dma_wait3A_185 : memref<80x64xf32, #tpu.memory_space<hbm>>)
      } else {
      }
      %add3A_131 = arith.constant 2 : i32
      %add3A_132 = arith.addi %add3A_125, %add3A_131 : i32
      %lt3A_133 = arith.constant 125 : i32
      %lt3A_134 = arith.cmpi slt, %add3A_132, %lt3A_133 : i32
      %convert_element_type3A_135 = arith.extui %lt3A_134 : i1 to i32
      %cond3A_136 = arith.constant 0 : i32
      %cond3A_137 = arith.cmpi ne, %convert_element_type3A_135, %cond3A_136 : i32
      scf.if %cond3A_137 {
        %add3A_180 = arith.constant 2 : i32
        %add3A_181 = arith.addi %add3A_125, %add3A_180 : i32
        %dma_start3A_182 = arith.constant 0 : i32
        %dma_start3A_183 = tpu.memref_slice %arg5[%add3A_181, %dma_start3A_182] : memref<125x80xi32, #tpu.memory_space<vmem>> -> memref<1x80xi32, #tpu.memory_space<vmem>>
        %dma_start3A_184 = tpu.memref_squeeze %dma_start3A_183 : memref<1x80xi32, #tpu.memory_space<vmem>> -> memref<80xi32, #tpu.memory_space<vmem>>
        %dma_start3A_185 = arith.constant 0 : i32
        %dma_start3A_186 = arith.constant 0 : i32
        %dma_start3A_187 = tpu.memref_slice %arg2[%dma_start3A_185, %dma_start3A_186] : memref<10000x64xf32, #tpu.memory_space<hbm>> -> memref<10000x64xf32, #tpu.memory_space<hbm>>
        tpu.enqueue_indirect_dma source(%dma_start3A_187 : memref<10000x64xf32, #tpu.memory_space<hbm>>) target(%arg6 : memref<80x64xf32, #tpu.memory_space<vmem>>) offsets(%dma_start3A_184 : memref<80xi32, #tpu.memory_space<vmem>>) semaphore(%arg11 : memref<!tpu.dma_semaphore, #tpu.memory_space<semaphore_mem>>)
      } else {
      }
      %dma_wait3A_138 = arith.constant 0 : i32
      %dma_wait3A_139 = tpu.memref_slice %arg5[%add3A_125, %dma_wait3A_138] : memref<125x80xi32, #tpu.memory_space<vmem>> -> memref<1x80xi32, #tpu.memory_space<vmem>>
      %dma_wait3A_140 = tpu.memref_squeeze %dma_wait3A_139 : memref<1x80xi32, #tpu.memory_space<vmem>> -> memref<80xi32, #tpu.memory_space<vmem>>
      %dma_wait3A_141 = arith.constant 0 : i32
      %dma_wait3A_142 = arith.constant 0 : i32
      %dma_wait3A_143 = tpu.memref_slice %arg2[%dma_wait3A_141, %dma_wait3A_142] : memref<10000x64xf32, #tpu.memory_space<hbm>> -> memref<10000x64xf32, #tpu.memory_space<hbm>>
      tpu.wait_indirect_dma semaphore(%arg14 : memref<!tpu.dma_semaphore, #tpu.memory_space<semaphore_mem>>) src(%dma_wait3A_143 : memref<10000x64xf32, #tpu.memory_space<hbm>>) dst(%arg9 : memref<80x64xf32, #tpu.memory_space<vmem>>)
      %mul3A_144 = arith.constant 80 : i32
      %mul3A_145 = arith.muli %add3A_125, %mul3A_144 : i32
      %add3A_146 = arith.addi %mul3A_2, %mul3A_145 : i32
      %dma_start3A_147 = arith.constant 0 : i32
      %dma_start3A_148 = tpu.memref_slice %arg4[%add3A_146, %dma_start3A_147] : memref<320000x64xf32, #tpu.memory_space<hbm>> -> memref<80x64xf32, #tpu.memory_space<hbm>>
      %dma_start3A_149 = arith.constant 0 : i32
      %dma_start3A_150 = tpu.memref_slice %arg4[%add3A_146, %dma_start3A_149] : memref<320000x64xf32, #tpu.memory_space<hbm>> -> memref<80x64xf32, #tpu.memory_space<hbm>>
      tpu.enqueue_dma source(%arg9 : memref<80x64xf32, #tpu.memory_space<vmem>>) target(%dma_start3A_150 : memref<80x64xf32, #tpu.memory_space<hbm>>) target_semaphore(%arg19 : memref<!tpu.dma_semaphore, #tpu.memory_space<semaphore_mem>>)
      %mul3A_151 = arith.constant 5 : i32
      %mul3A_152 = arith.muli %scan3A_38, %mul3A_151 : i32
      %add3A_153 = arith.constant 4 : i32
      %add3A_154 = arith.addi %mul3A_152, %add3A_153 : i32
      %ge3A_155 = arith.constant 3 : i32
      %ge3A_156 = arith.cmpi sge, %add3A_154, %ge3A_155 : i32
      %convert_element_type3A_157 = arith.extui %ge3A_156 : i1 to i32
      %cond3A_158 = arith.constant 0 : i32
      %cond3A_159 = arith.cmpi ne, %convert_element_type3A_157, %cond3A_158 : i32
      scf.if %cond3A_159 {
        %add3A_180 = arith.constant 0 : i32
        %add3A_181 = arith.addi %mul3A_2, %add3A_180 : i32
        %dma_wait3A_182 = arith.constant 0 : i32
        %dma_wait3A_183 = tpu.memref_slice %arg4[%add3A_181, %dma_wait3A_182] : memref<320000x64xf32, #tpu.memory_space<hbm>> -> memref<80x64xf32, #tpu.memory_space<hbm>>
        %dma_wait3A_184 = arith.constant 0 : i32
        %dma_wait3A_185 = tpu.memref_slice %arg4[%add3A_181, %dma_wait3A_184] : memref<320000x64xf32, #tpu.memory_space<hbm>> -> memref<80x64xf32, #tpu.memory_space<hbm>>
        tpu.wait_dma2 semaphore(%arg17 : memref<!tpu.dma_semaphore, #tpu.memory_space<semaphore_mem>>) src(%arg7 : memref<80x64xf32, #tpu.memory_space<vmem>>) dst(%dma_wait3A_185 : memref<80x64xf32, #tpu.memory_space<hbm>>)
      } else {
      }
      %add3A_160 = arith.constant 2 : i32
      %add3A_161 = arith.addi %add3A_154, %add3A_160 : i32
      %lt3A_162 = arith.constant 125 : i32
      %lt3A_163 = arith.cmpi slt, %add3A_161, %lt3A_162 : i32
      %convert_element_type3A_164 = arith.extui %lt3A_163 : i1 to i32
      %cond3A_165 = arith.constant 0 : i32
      %cond3A_166 = arith.cmpi ne, %convert_element_type3A_164, %cond3A_165 : i32
      scf.if %cond3A_166 {
        %add3A_180 = arith.constant 2 : i32
        %add3A_181 = arith.addi %add3A_154, %add3A_180 : i32
        %dma_start3A_182 = arith.constant 0 : i32
        %dma_start3A_183 = tpu.memref_slice %arg5[%add3A_181, %dma_start3A_182] : memref<125x80xi32, #tpu.memory_space<vmem>> -> memref<1x80xi32, #tpu.memory_space<vmem>>
        %dma_start3A_184 = tpu.memref_squeeze %dma_start3A_183 : memref<1x80xi32, #tpu.memory_space<vmem>> -> memref<80xi32, #tpu.memory_space<vmem>>
        %dma_start3A_185 = arith.constant 0 : i32
        %dma_start3A_186 = arith.constant 0 : i32
        %dma_start3A_187 = tpu.memref_slice %arg2[%dma_start3A_185, %dma_start3A_186] : memref<10000x64xf32, #tpu.memory_space<hbm>> -> memref<10000x64xf32, #tpu.memory_space<hbm>>
        tpu.enqueue_indirect_dma source(%dma_start3A_187 : memref<10000x64xf32, #tpu.memory_space<hbm>>) target(%arg7 : memref<80x64xf32, #tpu.memory_space<vmem>>) offsets(%dma_start3A_184 : memref<80xi32, #tpu.memory_space<vmem>>) semaphore(%arg12 : memref<!tpu.dma_semaphore, #tpu.memory_space<semaphore_mem>>)
      } else {
      }
      %dma_wait3A_167 = arith.constant 0 : i32
      %dma_wait3A_168 = tpu.memref_slice %arg5[%add3A_154, %dma_wait3A_167] : memref<125x80xi32, #tpu.memory_space<vmem>> -> memref<1x80xi32, #tpu.memory_space<vmem>>
      %dma_wait3A_169 = tpu.memref_squeeze %dma_wait3A_168 : memref<1x80xi32, #tpu.memory_space<vmem>> -> memref<80xi32, #tpu.memory_space<vmem>>
      %dma_wait3A_170 = arith.constant 0 : i32
      %dma_wait3A_171 = arith.constant 0 : i32
      %dma_wait3A_172 = tpu.memref_slice %arg2[%dma_wait3A_170, %dma_wait3A_171] : memref<10000x64xf32, #tpu.memory_space<hbm>> -> memref<10000x64xf32, #tpu.memory_space<hbm>>
      tpu.wait_indirect_dma semaphore(%arg15 : memref<!tpu.dma_semaphore, #tpu.memory_space<semaphore_mem>>) src(%dma_wait3A_172 : memref<10000x64xf32, #tpu.memory_space<hbm>>) dst(%arg10 : memref<80x64xf32, #tpu.memory_space<vmem>>)
      %mul3A_173 = arith.constant 80 : i32
      %mul3A_174 = arith.muli %add3A_154, %mul3A_173 : i32
      %add3A_175 = arith.addi %mul3A_2, %mul3A_174 : i32
      %dma_start3A_176 = arith.constant 0 : i32
      %dma_start3A_177 = tpu.memref_slice %arg4[%add3A_175, %dma_start3A_176] : memref<320000x64xf32, #tpu.memory_space<hbm>> -> memref<80x64xf32, #tpu.memory_space<hbm>>
      %dma_start3A_178 = arith.constant 0 : i32
      %dma_start3A_179 = tpu.memref_slice %arg4[%add3A_175, %dma_start3A_178] : memref<320000x64xf32, #tpu.memory_space<hbm>> -> memref<80x64xf32, #tpu.memory_space<hbm>>
      tpu.enqueue_dma source(%arg10 : memref<80x64xf32, #tpu.memory_space<vmem>>) target(%dma_start3A_179 : memref<80x64xf32, #tpu.memory_space<hbm>>) target_semaphore(%arg20 : memref<!tpu.dma_semaphore, #tpu.memory_space<semaphore_mem>>)
    }
    %scan3A_20 = arith.constant 25 : i32
    %add3A_21 = arith.constant 0 : i32
    %add3A_22 = arith.addi %mul3A_2, %add3A_21 : i32
    %dma_wait3A = arith.constant 0 : i32
    %dma_wait3A_23 = tpu.memref_slice %arg4[%add3A_22, %dma_wait3A] : memref<320000x64xf32, #tpu.memory_space<hbm>> -> memref<80x64xf32, #tpu.memory_space<hbm>>
    %dma_wait3A_24 = arith.constant 0 : i32
    %dma_wait3A_25 = tpu.memref_slice %arg4[%add3A_22, %dma_wait3A_24] : memref<320000x64xf32, #tpu.memory_space<hbm>> -> memref<80x64xf32, #tpu.memory_space<hbm>>
    tpu.wait_dma2 semaphore(%arg18 : memref<!tpu.dma_semaphore, #tpu.memory_space<semaphore_mem>>) src(%arg8 : memref<80x64xf32, #tpu.memory_space<vmem>>) dst(%dma_wait3A_25 : memref<80x64xf32, #tpu.memory_space<hbm>>)
    %add3A_26 = arith.constant 0 : i32
    %add3A_27 = arith.addi %mul3A_2, %add3A_26 : i32
    %dma_wait3A_28 = arith.constant 0 : i32
    %dma_wait3A_29 = tpu.memref_slice %arg4[%add3A_27, %dma_wait3A_28] : memref<320000x64xf32, #tpu.memory_space<hbm>> -> memref<80x64xf32, #tpu.memory_space<hbm>>
    %dma_wait3A_30 = arith.constant 0 : i32
    %dma_wait3A_31 = tpu.memref_slice %arg4[%add3A_27, %dma_wait3A_30] : memref<320000x64xf32, #tpu.memory_space<hbm>> -> memref<80x64xf32, #tpu.memory_space<hbm>>
    tpu.wait_dma2 semaphore(%arg19 : memref<!tpu.dma_semaphore, #tpu.memory_space<semaphore_mem>>) src(%arg9 : memref<80x64xf32, #tpu.memory_space<vmem>>) dst(%dma_wait3A_31 : memref<80x64xf32, #tpu.memory_space<hbm>>)
    %add3A_32 = arith.constant 0 : i32
    %add3A_33 = arith.addi %mul3A_2, %add3A_32 : i32
    %dma_wait3A_34 = arith.constant 0 : i32
    %dma_wait3A_35 = tpu.memref_slice %arg4[%add3A_33, %dma_wait3A_34] : memref<320000x64xf32, #tpu.memory_space<hbm>> -> memref<80x64xf32, #tpu.memory_space<hbm>>
    %dma_wait3A_36 = arith.constant 0 : i32
    %dma_wait3A_37 = tpu.memref_slice %arg4[%add3A_33, %dma_wait3A_36] : memref<320000x64xf32, #tpu.memory_space<hbm>> -> memref<80x64xf32, #tpu.memory_space<hbm>>
    tpu.wait_dma2 semaphore(%arg20 : memref<!tpu.dma_semaphore, #tpu.memory_space<semaphore_mem>>) src(%arg10 : memref<80x64xf32, #tpu.memory_space<vmem>>) dst(%dma_wait3A_37 : memref<80x64xf32, #tpu.memory_space<hbm>>)
    return
  }
}

#map = affine_map<(d0, d1) -> (0, 0)>
#map1 = affine_map<(d0, d1) -> (0, 0, 0, 0)>
module attributes {stable_mosaic.version = 14 : i64} {
  func.func @k(%arg0: i32, %arg1: i32, %arg2: memref<10000x64xf32, #tpu.memory_space<hbm>>, %arg3: memref<2x16x125x80xi32, #tpu.memory_space<hbm>>, %arg4: memref<320000x64xf32, #tpu.memory_space<hbm>>, %arg5: memref<125x80xi32, #tpu.memory_space<vmem>>, %arg6: memref<80x64xf32, #tpu.memory_space<vmem>>, %arg7: memref<80x64xf32, #tpu.memory_space<vmem>>, %arg8: memref<80x64xf32, #tpu.memory_space<vmem>>, %arg9: memref<80x64xf32, #tpu.memory_space<vmem>>, %arg10: memref<80x64xf32, #tpu.memory_space<vmem>>, %arg11: memref<!tpu.dma_semaphore, #tpu.memory_space<semaphore_mem>>, %arg12: memref<!tpu.dma_semaphore, #tpu.memory_space<semaphore_mem>>, %arg13: memref<!tpu.dma_semaphore, #tpu.memory_space<semaphore_mem>>, %arg14: memref<!tpu.dma_semaphore, #tpu.memory_space<semaphore_mem>>, %arg15: memref<!tpu.dma_semaphore, #tpu.memory_space<semaphore_mem>>, %arg16: memref<!tpu.dma_semaphore, #tpu.memory_space<semaphore_mem>>, %arg17: memref<!tpu.dma_semaphore, #tpu.memory_space<semaphore_mem>>, %arg18: memref<!tpu.dma_semaphore, #tpu.memory_space<semaphore_mem>>, %arg19: memref<!tpu.dma_semaphore, #tpu.memory_space<semaphore_mem>>, %arg20: memref<!tpu.dma_semaphore, #tpu.memory_space<semaphore_mem>>) attributes {dimension_semantics = [#tpu.dimension_semantics<core_parallel>, #tpu.dimension_semantics<subcore_parallel>], iteration_bounds = array<i64: 2, 16>, scalar_prefetch = 0 : i64, scratch_operands = 16 : i64, tpu.core_type = #tpu.core_type<sc_vector_subcore>, window_params = [{transform_indices = #map}, {transform_indices = #map1}, {transform_indices = #map}]} {
    %mul3A = arith.constant 16 : i32
    %mul3A_0 = arith.muli %arg0, %mul3A : i32
    %add3A = arith.addi %mul3A_0, %arg1 : i32
    %mul3A_1 = arith.constant 10000 : i32
    %mul3A_2 = arith.muli %add3A, %mul3A_1 : i32
    "tpu.region"() ({
      %run_scoped3A = tpu.sem_alloc : memref<!tpu.dma_semaphore, #tpu.memory_space<semaphore_mem>>
      %dma_start3A_38 = arith.constant 0 : i32
      %dma_start3A_39 = arith.constant 0 : i32
      %dma_start3A_40 = tpu.memref_slice %arg3[%arg0, %arg1, %dma_start3A_38, %dma_start3A_39] : memref<2x16x125x80xi32, #tpu.memory_space<hbm>> -> memref<1x1x125x80xi32, #tpu.memory_space<hbm>>
      %dma_start3A_41 = tpu.memref_squeeze %dma_start3A_40 : memref<1x1x125x80xi32, #tpu.memory_space<hbm>> -> memref<125x80xi32, #tpu.memory_space<hbm>>
      %dma_start3A_42 = arith.constant 0 : i32
      %dma_start3A_43 = arith.constant 0 : i32
      %dma_start3A_44 = tpu.memref_slice %arg3[%arg0, %arg1, %dma_start3A_42, %dma_start3A_43] : memref<2x16x125x80xi32, #tpu.memory_space<hbm>> -> memref<1x1x125x80xi32, #tpu.memory_space<hbm>>
      %dma_start3A_45 = tpu.memref_squeeze %dma_start3A_44 : memref<1x1x125x80xi32, #tpu.memory_space<hbm>> -> memref<125x80xi32, #tpu.memory_space<hbm>>
      tpu.enqueue_dma source(%dma_start3A_45 : memref<125x80xi32, #tpu.memory_space<hbm>>) target(%arg5 : memref<125x80xi32, #tpu.memory_space<vmem>>) target_semaphore(%run_scoped3A : memref<!tpu.dma_semaphore, #tpu.memory_space<semaphore_mem>>)
      %dma_wait3A_46 = arith.constant 0 : i32
      %dma_wait3A_47 = arith.constant 0 : i32
      %dma_wait3A_48 = tpu.memref_slice %arg3[%arg0, %arg1, %dma_wait3A_46, %dma_wait3A_47] : memref<2x16x125x80xi32, #tpu.memory_space<hbm>> -> memref<1x1x125x80xi32, #tpu.memory_space<hbm>>
      %dma_wait3A_49 = tpu.memref_squeeze %dma_wait3A_48 : memref<1x1x125x80xi32, #tpu.memory_space<hbm>> -> memref<125x80xi32, #tpu.memory_space<hbm>>
      %dma_wait3A_50 = arith.constant 0 : i32
      %dma_wait3A_51 = arith.constant 0 : i32
      %dma_wait3A_52 = tpu.memref_slice %arg3[%arg0, %arg1, %dma_wait3A_50, %dma_wait3A_51] : memref<2x16x125x80xi32, #tpu.memory_space<hbm>> -> memref<1x1x125x80xi32, #tpu.memory_space<hbm>>
      %dma_wait3A_53 = tpu.memref_squeeze %dma_wait3A_52 : memref<1x1x125x80xi32, #tpu.memory_space<hbm>> -> memref<125x80xi32, #tpu.memory_space<hbm>>
      tpu.wait_dma2 semaphore(%run_scoped3A : memref<!tpu.dma_semaphore, #tpu.memory_space<semaphore_mem>>) src(%dma_wait3A_53 : memref<125x80xi32, #tpu.memory_space<hbm>>) dst(%arg5 : memref<125x80xi32, #tpu.memory_space<vmem>>)
      tpu.yield
    }) : () -> ()
    %dma_start3A = arith.constant 0 : i32
    %dma_start3A_3 = arith.constant 0 : i32
    %dma_start3A_4 = tpu.memref_slice %arg5[%dma_start3A, %dma_start3A_3] : memref<125x80xi32, #tpu.memory_space<vmem>> -> memref<1x80xi32, #tpu.memory_space<vmem>>
    %dma_start3A_5 = tpu.memref_squeeze %dma_start3A_4 : memref<1x80xi32, #tpu.memory_space<vmem>> -> memref<80xi32, #tpu.memory_space<vmem>>
    %dma_start3A_6 = arith.constant 0 : i32
    %dma_start3A_7 = arith.constant 0 : i32
    %dma_start3A_8 = tpu.memref_slice %arg2[%dma_start3A_6, %dma_start3A_7] : memref<10000x64xf32, #tpu.memory_space<hbm>> -> memref<10000x64xf32, #tpu.memory_space<hbm>>
    tpu.enqueue_indirect_dma source(%dma_start3A_8 : memref<10000x64xf32, #tpu.memory_space<hbm>>) target(%arg6 : memref<80x64xf32, #tpu.memory_space<vmem>>) offsets(%dma_start3A_5 : memref<80xi32, #tpu.memory_space<vmem>>) semaphore(%arg11 : memref<!tpu.dma_semaphore, #tpu.memory_space<semaphore_mem>>)
    %dma_start3A_9 = arith.constant 1 : i32
    %dma_start3A_10 = arith.constant 0 : i32
    %dma_start3A_11 = tpu.memref_slice %arg5[%dma_start3A_9, %dma_start3A_10] : memref<125x80xi32, #tpu.memory_space<vmem>> -> memref<1x80xi32, #tpu.memory_space<vmem>>
    %dma_start3A_12 = tpu.memref_squeeze %dma_start3A_11 : memref<1x80xi32, #tpu.memory_space<vmem>> -> memref<80xi32, #tpu.memory_space<vmem>>
    %dma_start3A_13 = arith.constant 0 : i32
    %dma_start3A_14 = arith.constant 0 : i32
    %dma_start3A_15 = tpu.memref_slice %arg2[%dma_start3A_13, %dma_start3A_14] : memref<10000x64xf32, #tpu.memory_space<hbm>> -> memref<10000x64xf32, #tpu.memory_space<hbm>>
    tpu.enqueue_indirect_dma source(%dma_start3A_15 : memref<10000x64xf32, #tpu.memory_space<hbm>>) target(%arg7 : memref<80x64xf32, #tpu.memory_space<vmem>>) offsets(%dma_start3A_12 : memref<80xi32, #tpu.memory_space<vmem>>) semaphore(%arg12 : memref<!tpu.dma_semaphore, #tpu.memory_space<semaphore_mem>>)
    %scan3A = arith.constant 0 : i32
    %scan3A_16 = arith.constant 0 : i32
    %scan3A_17 = arith.constant 25 : i32
    %scan3A_18 = arith.addi %scan3A_16, %scan3A_17 : i32
    %scan3A_19 = arith.constant 1 : i32
    scf.for %scan3A_38 = %scan3A_16 to %scan3A_18 step %scan3A_19  : i32 {
      %mul3A_39 = arith.constant 5 : i32
      %mul3A_40 = arith.muli %scan3A_38, %mul3A_39 : i32
      %add3A_41 = arith.constant 0 : i32
      %add3A_42 = arith.addi %mul3A_40, %add3A_41 : i32
      %ge3A = arith.constant 3 : i32
      %ge3A_43 = arith.cmpi sge, %add3A_42, %ge3A : i32
      %convert_element_type3A = arith.extui %ge3A_43 : i1 to i32
      %cond3A = arith.constant 0 : i32
      %cond3A_44 = arith.cmpi ne, %convert_element_type3A, %cond3A : i32
      scf.if %cond3A_44 {
        %add3A_180 = arith.constant 0 : i32
        %add3A_181 = arith.addi %mul3A_2, %add3A_180 : i32
        %dma_wait3A_182 = arith.constant 0 : i32
        %dma_wait3A_183 = tpu.memref_slice %arg4[%add3A_181, %dma_wait3A_182] : memref<320000x64xf32, #tpu.memory_space<hbm>> -> memref<80x64xf32, #tpu.memory_space<hbm>>
        %dma_wait3A_184 = arith.constant 0 : i32
        %dma_wait3A_185 = tpu.memref_slice %arg4[%add3A_181, %dma_wait3A_184] : memref<320000x64xf32, #tpu.memory_space<hbm>> -> memref<80x64xf32, #tpu.memory_space<hbm>>
        tpu.wait_dma2 semaphore(%arg18 : memref<!tpu.dma_semaphore, #tpu.memory_space<semaphore_mem>>) src(%arg8 : memref<80x64xf32, #tpu.memory_space<vmem>>) dst(%dma_wait3A_185 : memref<80x64xf32, #tpu.memory_space<hbm>>)
      } else {
      }
      %add3A_45 = arith.constant 2 : i32
      %add3A_46 = arith.addi %add3A_42, %add3A_45 : i32
      %lt3A = arith.constant 125 : i32
      %lt3A_47 = arith.cmpi slt, %add3A_46, %lt3A : i32
      %convert_element_type3A_48 = arith.extui %lt3A_47 : i1 to i32
      %cond3A_49 = arith.constant 0 : i32
      %cond3A_50 = arith.cmpi ne, %convert_element_type3A_48, %cond3A_49 : i32
      scf.if %cond3A_50 {
        %add3A_180 = arith.constant 2 : i32
        %add3A_181 = arith.addi %add3A_42, %add3A_180 : i32
        %dma_start3A_182 = arith.constant 0 : i32
        %dma_start3A_183 = tpu.memref_slice %arg5[%add3A_181, %dma_start3A_182] : memref<125x80xi32, #tpu.memory_space<vmem>> -> memref<1x80xi32, #tpu.memory_space<vmem>>
        %dma_start3A_184 = tpu.memref_squeeze %dma_start3A_183 : memref<1x80xi32, #tpu.memory_space<vmem>> -> memref<80xi32, #tpu.memory_space<vmem>>
        %dma_start3A_185 = arith.constant 0 : i32
        %dma_start3A_186 = arith.constant 0 : i32
        %dma_start3A_187 = tpu.memref_slice %arg2[%dma_start3A_185, %dma_start3A_186] : memref<10000x64xf32, #tpu.memory_space<hbm>> -> memref<10000x64xf32, #tpu.memory_space<hbm>>
        tpu.enqueue_indirect_dma source(%dma_start3A_187 : memref<10000x64xf32, #tpu.memory_space<hbm>>) target(%arg8 : memref<80x64xf32, #tpu.memory_space<vmem>>) offsets(%dma_start3A_184 : memref<80xi32, #tpu.memory_space<vmem>>) semaphore(%arg13 : memref<!tpu.dma_semaphore, #tpu.memory_space<semaphore_mem>>)
      } else {
      }
      %dma_wait3A_51 = arith.constant 0 : i32
      %dma_wait3A_52 = tpu.memref_slice %arg5[%add3A_42, %dma_wait3A_51] : memref<125x80xi32, #tpu.memory_space<vmem>> -> memref<1x80xi32, #tpu.memory_space<vmem>>
      %dma_wait3A_53 = tpu.memref_squeeze %dma_wait3A_52 : memref<1x80xi32, #tpu.memory_space<vmem>> -> memref<80xi32, #tpu.memory_space<vmem>>
      %dma_wait3A_54 = arith.constant 0 : i32
      %dma_wait3A_55 = arith.constant 0 : i32
      %dma_wait3A_56 = tpu.memref_slice %arg2[%dma_wait3A_54, %dma_wait3A_55] : memref<10000x64xf32, #tpu.memory_space<hbm>> -> memref<10000x64xf32, #tpu.memory_space<hbm>>
      tpu.wait_indirect_dma semaphore(%arg11 : memref<!tpu.dma_semaphore, #tpu.memory_space<semaphore_mem>>) src(%dma_wait3A_56 : memref<10000x64xf32, #tpu.memory_space<hbm>>) dst(%arg6 : memref<80x64xf32, #tpu.memory_space<vmem>>)
      %mul3A_57 = arith.constant 80 : i32
      %mul3A_58 = arith.muli %add3A_42, %mul3A_57 : i32
      %add3A_59 = arith.addi %mul3A_2, %mul3A_58 : i32
      %dma_start3A_60 = arith.constant 0 : i32
      %dma_start3A_61 = tpu.memref_slice %arg4[%add3A_59, %dma_start3A_60] : memref<320000x64xf32, #tpu.memory_space<hbm>> -> memref<80x64xf32, #tpu.memory_space<hbm>>
      %dma_start3A_62 = arith.constant 0 : i32
      %dma_start3A_63 = tpu.memref_slice %arg4[%add3A_59, %dma_start3A_62] : memref<320000x64xf32, #tpu.memory_space<hbm>> -> memref<80x64xf32, #tpu.memory_space<hbm>>
      tpu.enqueue_dma source(%arg6 : memref<80x64xf32, #tpu.memory_space<vmem>>) target(%dma_start3A_63 : memref<80x64xf32, #tpu.memory_space<hbm>>) target_semaphore(%arg16 : memref<!tpu.dma_semaphore, #tpu.memory_space<semaphore_mem>>)
      %mul3A_64 = arith.constant 5 : i32
      %mul3A_65 = arith.muli %scan3A_38, %mul3A_64 : i32
      %add3A_66 = arith.constant 1 : i32
      %add3A_67 = arith.addi %mul3A_65, %add3A_66 : i32
      %ge3A_68 = arith.constant 3 : i32
      %ge3A_69 = arith.cmpi sge, %add3A_67, %ge3A_68 : i32
      %convert_element_type3A_70 = arith.extui %ge3A_69 : i1 to i32
      %cond3A_71 = arith.constant 0 : i32
      %cond3A_72 = arith.cmpi ne, %convert_element_type3A_70, %cond3A_71 : i32
      scf.if %cond3A_72 {
        %add3A_180 = arith.constant 0 : i32
        %add3A_181 = arith.addi %mul3A_2, %add3A_180 : i32
        %dma_wait3A_182 = arith.constant 0 : i32
        %dma_wait3A_183 = tpu.memref_slice %arg4[%add3A_181, %dma_wait3A_182] : memref<320000x64xf32, #tpu.memory_space<hbm>> -> memref<80x64xf32, #tpu.memory_space<hbm>>
        %dma_wait3A_184 = arith.constant 0 : i32
        %dma_wait3A_185 = tpu.memref_slice %arg4[%add3A_181, %dma_wait3A_184] : memref<320000x64xf32, #tpu.memory_space<hbm>> -> memref<80x64xf32, #tpu.memory_space<hbm>>
        tpu.wait_dma2 semaphore(%arg19 : memref<!tpu.dma_semaphore, #tpu.memory_space<semaphore_mem>>) src(%arg9 : memref<80x64xf32, #tpu.memory_space<vmem>>) dst(%dma_wait3A_185 : memref<80x64xf32, #tpu.memory_space<hbm>>)
      } else {
      }
      %add3A_73 = arith.constant 2 : i32
      %add3A_74 = arith.addi %add3A_67, %add3A_73 : i32
      %lt3A_75 = arith.constant 125 : i32
      %lt3A_76 = arith.cmpi slt, %add3A_74, %lt3A_75 : i32
      %convert_element_type3A_77 = arith.extui %lt3A_76 : i1 to i32
      %cond3A_78 = arith.constant 0 : i32
      %cond3A_79 = arith.cmpi ne, %convert_element_type3A_77, %cond3A_78 : i32
      scf.if %cond3A_79 {
        %add3A_180 = arith.constant 2 : i32
        %add3A_181 = arith.addi %add3A_67, %add3A_180 : i32
        %dma_start3A_182 = arith.constant 0 : i32
        %dma_start3A_183 = tpu.memref_slice %arg5[%add3A_181, %dma_start3A_182] : memref<125x80xi32, #tpu.memory_space<vmem>> -> memref<1x80xi32, #tpu.memory_space<vmem>>
        %dma_start3A_184 = tpu.memref_squeeze %dma_start3A_183 : memref<1x80xi32, #tpu.memory_space<vmem>> -> memref<80xi32, #tpu.memory_space<vmem>>
        %dma_start3A_185 = arith.constant 0 : i32
        %dma_start3A_186 = arith.constant 0 : i32
        %dma_start3A_187 = tpu.memref_slice %arg2[%dma_start3A_185, %dma_start3A_186] : memref<10000x64xf32, #tpu.memory_space<hbm>> -> memref<10000x64xf32, #tpu.memory_space<hbm>>
        tpu.enqueue_indirect_dma source(%dma_start3A_187 : memref<10000x64xf32, #tpu.memory_space<hbm>>) target(%arg9 : memref<80x64xf32, #tpu.memory_space<vmem>>) offsets(%dma_start3A_184 : memref<80xi32, #tpu.memory_space<vmem>>) semaphore(%arg14 : memref<!tpu.dma_semaphore, #tpu.memory_space<semaphore_mem>>)
      } else {
      }
      %dma_wait3A_80 = arith.constant 0 : i32
      %dma_wait3A_81 = tpu.memref_slice %arg5[%add3A_67, %dma_wait3A_80] : memref<125x80xi32, #tpu.memory_space<vmem>> -> memref<1x80xi32, #tpu.memory_space<vmem>>
      %dma_wait3A_82 = tpu.memref_squeeze %dma_wait3A_81 : memref<1x80xi32, #tpu.memory_space<vmem>> -> memref<80xi32, #tpu.memory_space<vmem>>
      %dma_wait3A_83 = arith.constant 0 : i32
      %dma_wait3A_84 = arith.constant 0 : i32
      %dma_wait3A_85 = tpu.memref_slice %arg2[%dma_wait3A_83, %dma_wait3A_84] : memref<10000x64xf32, #tpu.memory_space<hbm>> -> memref<10000x64xf32, #tpu.memory_space<hbm>>
      tpu.wait_indirect_dma semaphore(%arg12 : memref<!tpu.dma_semaphore, #tpu.memory_space<semaphore_mem>>) src(%dma_wait3A_85 : memref<10000x64xf32, #tpu.memory_space<hbm>>) dst(%arg7 : memref<80x64xf32, #tpu.memory_space<vmem>>)
      %mul3A_86 = arith.constant 80 : i32
      %mul3A_87 = arith.muli %add3A_67, %mul3A_86 : i32
      %add3A_88 = arith.addi %mul3A_2, %mul3A_87 : i32
      %dma_start3A_89 = arith.constant 0 : i32
      %dma_start3A_90 = tpu.memref_slice %arg4[%add3A_88, %dma_start3A_89] : memref<320000x64xf32, #tpu.memory_space<hbm>> -> memref<80x64xf32, #tpu.memory_space<hbm>>
      %dma_start3A_91 = arith.constant 0 : i32
      %dma_start3A_92 = tpu.memref_slice %arg4[%add3A_88, %dma_start3A_91] : memref<320000x64xf32, #tpu.memory_space<hbm>> -> memref<80x64xf32, #tpu.memory_space<hbm>>
      tpu.enqueue_dma source(%arg7 : memref<80x64xf32, #tpu.memory_space<vmem>>) target(%dma_start3A_92 : memref<80x64xf32, #tpu.memory_space<hbm>>) target_semaphore(%arg17 : memref<!tpu.dma_semaphore, #tpu.memory_space<semaphore_mem>>)
      %mul3A_93 = arith.constant 5 : i32
      %mul3A_94 = arith.muli %scan3A_38, %mul3A_93 : i32
      %add3A_95 = arith.constant 2 : i32
      %add3A_96 = arith.addi %mul3A_94, %add3A_95 : i32
      %ge3A_97 = arith.constant 3 : i32
      %ge3A_98 = arith.cmpi sge, %add3A_96, %ge3A_97 : i32
      %convert_element_type3A_99 = arith.extui %ge3A_98 : i1 to i32
      %cond3A_100 = arith.constant 0 : i32
      %cond3A_101 = arith.cmpi ne, %convert_element_type3A_99, %cond3A_100 : i32
      scf.if %cond3A_101 {
        %add3A_180 = arith.constant 0 : i32
        %add3A_181 = arith.addi %mul3A_2, %add3A_180 : i32
        %dma_wait3A_182 = arith.constant 0 : i32
        %dma_wait3A_183 = tpu.memref_slice %arg4[%add3A_181, %dma_wait3A_182] : memref<320000x64xf32, #tpu.memory_space<hbm>> -> memref<80x64xf32, #tpu.memory_space<hbm>>
        %dma_wait3A_184 = arith.constant 0 : i32
        %dma_wait3A_185 = tpu.memref_slice %arg4[%add3A_181, %dma_wait3A_184] : memref<320000x64xf32, #tpu.memory_space<hbm>> -> memref<80x64xf32, #tpu.memory_space<hbm>>
        tpu.wait_dma2 semaphore(%arg20 : memref<!tpu.dma_semaphore, #tpu.memory_space<semaphore_mem>>) src(%arg10 : memref<80x64xf32, #tpu.memory_space<vmem>>) dst(%dma_wait3A_185 : memref<80x64xf32, #tpu.memory_space<hbm>>)
      } else {
      }
      %add3A_102 = arith.constant 2 : i32
      %add3A_103 = arith.addi %add3A_96, %add3A_102 : i32
      %lt3A_104 = arith.constant 125 : i32
      %lt3A_105 = arith.cmpi slt, %add3A_103, %lt3A_104 : i32
      %convert_element_type3A_106 = arith.extui %lt3A_105 : i1 to i32
      %cond3A_107 = arith.constant 0 : i32
      %cond3A_108 = arith.cmpi ne, %convert_element_type3A_106, %cond3A_107 : i32
      scf.if %cond3A_108 {
        %add3A_180 = arith.constant 2 : i32
        %add3A_181 = arith.addi %add3A_96, %add3A_180 : i32
        %dma_start3A_182 = arith.constant 0 : i32
        %dma_start3A_183 = tpu.memref_slice %arg5[%add3A_181, %dma_start3A_182] : memref<125x80xi32, #tpu.memory_space<vmem>> -> memref<1x80xi32, #tpu.memory_space<vmem>>
        %dma_start3A_184 = tpu.memref_squeeze %dma_start3A_183 : memref<1x80xi32, #tpu.memory_space<vmem>> -> memref<80xi32, #tpu.memory_space<vmem>>
        %dma_start3A_185 = arith.constant 0 : i32
        %dma_start3A_186 = arith.constant 0 : i32
        %dma_start3A_187 = tpu.memref_slice %arg2[%dma_start3A_185, %dma_start3A_186] : memref<10000x64xf32, #tpu.memory_space<hbm>> -> memref<10000x64xf32, #tpu.memory_space<hbm>>
        tpu.enqueue_indirect_dma source(%dma_start3A_187 : memref<10000x64xf32, #tpu.memory_space<hbm>>) target(%arg10 : memref<80x64xf32, #tpu.memory_space<vmem>>) offsets(%dma_start3A_184 : memref<80xi32, #tpu.memory_space<vmem>>) semaphore(%arg15 : memref<!tpu.dma_semaphore, #tpu.memory_space<semaphore_mem>>)
      } else {
      }
      %dma_wait3A_109 = arith.constant 0 : i32
      %dma_wait3A_110 = tpu.memref_slice %arg5[%add3A_96, %dma_wait3A_109] : memref<125x80xi32, #tpu.memory_space<vmem>> -> memref<1x80xi32, #tpu.memory_space<vmem>>
      %dma_wait3A_111 = tpu.memref_squeeze %dma_wait3A_110 : memref<1x80xi32, #tpu.memory_space<vmem>> -> memref<80xi32, #tpu.memory_space<vmem>>
      %dma_wait3A_112 = arith.constant 0 : i32
      %dma_wait3A_113 = arith.constant 0 : i32
      %dma_wait3A_114 = tpu.memref_slice %arg2[%dma_wait3A_112, %dma_wait3A_113] : memref<10000x64xf32, #tpu.memory_space<hbm>> -> memref<10000x64xf32, #tpu.memory_space<hbm>>
      tpu.wait_indirect_dma semaphore(%arg13 : memref<!tpu.dma_semaphore, #tpu.memory_space<semaphore_mem>>) src(%dma_wait3A_114 : memref<10000x64xf32, #tpu.memory_space<hbm>>) dst(%arg8 : memref<80x64xf32, #tpu.memory_space<vmem>>)
      %mul3A_115 = arith.constant 80 : i32
      %mul3A_116 = arith.muli %add3A_96, %mul3A_115 : i32
      %add3A_117 = arith.addi %mul3A_2, %mul3A_116 : i32
      %dma_start3A_118 = arith.constant 0 : i32
      %dma_start3A_119 = tpu.memref_slice %arg4[%add3A_117, %dma_start3A_118] : memref<320000x64xf32, #tpu.memory_space<hbm>> -> memref<80x64xf32, #tpu.memory_space<hbm>>
      %dma_start3A_120 = arith.constant 0 : i32
      %dma_start3A_121 = tpu.memref_slice %arg4[%add3A_117, %dma_start3A_120] : memref<320000x64xf32, #tpu.memory_space<hbm>> -> memref<80x64xf32, #tpu.memory_space<hbm>>
      tpu.enqueue_dma source(%arg8 : memref<80x64xf32, #tpu.memory_space<vmem>>) target(%dma_start3A_121 : memref<80x64xf32, #tpu.memory_space<hbm>>) target_semaphore(%arg18 : memref<!tpu.dma_semaphore, #tpu.memory_space<semaphore_mem>>)
      %mul3A_122 = arith.constant 5 : i32
      %mul3A_123 = arith.muli %scan3A_38, %mul3A_122 : i32
      %add3A_124 = arith.constant 3 : i32
      %add3A_125 = arith.addi %mul3A_123, %add3A_124 : i32
      %ge3A_126 = arith.constant 3 : i32
      %ge3A_127 = arith.cmpi sge, %add3A_125, %ge3A_126 : i32
      %convert_element_type3A_128 = arith.extui %ge3A_127 : i1 to i32
      %cond3A_129 = arith.constant 0 : i32
      %cond3A_130 = arith.cmpi ne, %convert_element_type3A_128, %cond3A_129 : i32
      scf.if %cond3A_130 {
        %add3A_180 = arith.constant 0 : i32
        %add3A_181 = arith.addi %mul3A_2, %add3A_180 : i32
        %dma_wait3A_182 = arith.constant 0 : i32
        %dma_wait3A_183 = tpu.memref_slice %arg4[%add3A_181, %dma_wait3A_182] : memref<320000x64xf32, #tpu.memory_space<hbm>> -> memref<80x64xf32, #tpu.memory_space<hbm>>
        %dma_wait3A_184 = arith.constant 0 : i32
        %dma_wait3A_185 = tpu.memref_slice %arg4[%add3A_181, %dma_wait3A_184] : memref<320000x64xf32, #tpu.memory_space<hbm>> -> memref<80x64xf32, #tpu.memory_space<hbm>>
        tpu.wait_dma2 semaphore(%arg16 : memref<!tpu.dma_semaphore, #tpu.memory_space<semaphore_mem>>) src(%arg6 : memref<80x64xf32, #tpu.memory_space<vmem>>) dst(%dma_wait3A_185 : memref<80x64xf32, #tpu.memory_space<hbm>>)
      } else {
      }
      %add3A_131 = arith.constant 2 : i32
      %add3A_132 = arith.addi %add3A_125, %add3A_131 : i32
      %lt3A_133 = arith.constant 125 : i32
      %lt3A_134 = arith.cmpi slt, %add3A_132, %lt3A_133 : i32
      %convert_element_type3A_135 = arith.extui %lt3A_134 : i1 to i32
      %cond3A_136 = arith.constant 0 : i32
      %cond3A_137 = arith.cmpi ne, %convert_element_type3A_135, %cond3A_136 : i32
      scf.if %cond3A_137 {
        %add3A_180 = arith.constant 2 : i32
        %add3A_181 = arith.addi %add3A_125, %add3A_180 : i32
        %dma_start3A_182 = arith.constant 0 : i32
        %dma_start3A_183 = tpu.memref_slice %arg5[%add3A_181, %dma_start3A_182] : memref<125x80xi32, #tpu.memory_space<vmem>> -> memref<1x80xi32, #tpu.memory_space<vmem>>
        %dma_start3A_184 = tpu.memref_squeeze %dma_start3A_183 : memref<1x80xi32, #tpu.memory_space<vmem>> -> memref<80xi32, #tpu.memory_space<vmem>>
        %dma_start3A_185 = arith.constant 0 : i32
        %dma_start3A_186 = arith.constant 0 : i32
        %dma_start3A_187 = tpu.memref_slice %arg2[%dma_start3A_185, %dma_start3A_186] : memref<10000x64xf32, #tpu.memory_space<hbm>> -> memref<10000x64xf32, #tpu.memory_space<hbm>>
        tpu.enqueue_indirect_dma source(%dma_start3A_187 : memref<10000x64xf32, #tpu.memory_space<hbm>>) target(%arg6 : memref<80x64xf32, #tpu.memory_space<vmem>>) offsets(%dma_start3A_184 : memref<80xi32, #tpu.memory_space<vmem>>) semaphore(%arg11 : memref<!tpu.dma_semaphore, #tpu.memory_space<semaphore_mem>>)
      } else {
      }
      %dma_wait3A_138 = arith.constant 0 : i32
      %dma_wait3A_139 = tpu.memref_slice %arg5[%add3A_125, %dma_wait3A_138] : memref<125x80xi32, #tpu.memory_space<vmem>> -> memref<1x80xi32, #tpu.memory_space<vmem>>
      %dma_wait3A_140 = tpu.memref_squeeze %dma_wait3A_139 : memref<1x80xi32, #tpu.memory_space<vmem>> -> memref<80xi32, #tpu.memory_space<vmem>>
      %dma_wait3A_141 = arith.constant 0 : i32
      %dma_wait3A_142 = arith.constant 0 : i32
      %dma_wait3A_143 = tpu.memref_slice %arg2[%dma_wait3A_141, %dma_wait3A_142] : memref<10000x64xf32, #tpu.memory_space<hbm>> -> memref<10000x64xf32, #tpu.memory_space<hbm>>
      tpu.wait_indirect_dma semaphore(%arg14 : memref<!tpu.dma_semaphore, #tpu.memory_space<semaphore_mem>>) src(%dma_wait3A_143 : memref<10000x64xf32, #tpu.memory_space<hbm>>) dst(%arg9 : memref<80x64xf32, #tpu.memory_space<vmem>>)
      %mul3A_144 = arith.constant 80 : i32
      %mul3A_145 = arith.muli %add3A_125, %mul3A_144 : i32
      %add3A_146 = arith.addi %mul3A_2, %mul3A_145 : i32
      %dma_start3A_147 = arith.constant 0 : i32
      %dma_start3A_148 = tpu.memref_slice %arg4[%add3A_146, %dma_start3A_147] : memref<320000x64xf32, #tpu.memory_space<hbm>> -> memref<80x64xf32, #tpu.memory_space<hbm>>
      %dma_start3A_149 = arith.constant 0 : i32
      %dma_start3A_150 = tpu.memref_slice %arg4[%add3A_146, %dma_start3A_149] : memref<320000x64xf32, #tpu.memory_space<hbm>> -> memref<80x64xf32, #tpu.memory_space<hbm>>
      tpu.enqueue_dma source(%arg9 : memref<80x64xf32, #tpu.memory_space<vmem>>) target(%dma_start3A_150 : memref<80x64xf32, #tpu.memory_space<hbm>>) target_semaphore(%arg19 : memref<!tpu.dma_semaphore, #tpu.memory_space<semaphore_mem>>)
      %mul3A_151 = arith.constant 5 : i32
      %mul3A_152 = arith.muli %scan3A_38, %mul3A_151 : i32
      %add3A_153 = arith.constant 4 : i32
      %add3A_154 = arith.addi %mul3A_152, %add3A_153 : i32
      %ge3A_155 = arith.constant 3 : i32
      %ge3A_156 = arith.cmpi sge, %add3A_154, %ge3A_155 : i32
      %convert_element_type3A_157 = arith.extui %ge3A_156 : i1 to i32
      %cond3A_158 = arith.constant 0 : i32
      %cond3A_159 = arith.cmpi ne, %convert_element_type3A_157, %cond3A_158 : i32
      scf.if %cond3A_159 {
        %add3A_180 = arith.constant 0 : i32
        %add3A_181 = arith.addi %mul3A_2, %add3A_180 : i32
        %dma_wait3A_182 = arith.constant 0 : i32
        %dma_wait3A_183 = tpu.memref_slice %arg4[%add3A_181, %dma_wait3A_182] : memref<320000x64xf32, #tpu.memory_space<hbm>> -> memref<80x64xf32, #tpu.memory_space<hbm>>
        %dma_wait3A_184 = arith.constant 0 : i32
        %dma_wait3A_185 = tpu.memref_slice %arg4[%add3A_181, %dma_wait3A_184] : memref<320000x64xf32, #tpu.memory_space<hbm>> -> memref<80x64xf32, #tpu.memory_space<hbm>>
        tpu.wait_dma2 semaphore(%arg17 : memref<!tpu.dma_semaphore, #tpu.memory_space<semaphore_mem>>) src(%arg7 : memref<80x64xf32, #tpu.memory_space<vmem>>) dst(%dma_wait3A_185 : memref<80x64xf32, #tpu.memory_space<hbm>>)
      } else {
      }
      %add3A_160 = arith.constant 2 : i32
      %add3A_161 = arith.addi %add3A_154, %add3A_160 : i32
      %lt3A_162 = arith.constant 125 : i32
      %lt3A_163 = arith.cmpi slt, %add3A_161, %lt3A_162 : i32
      %convert_element_type3A_164 = arith.extui %lt3A_163 : i1 to i32
      %cond3A_165 = arith.constant 0 : i32
      %cond3A_166 = arith.cmpi ne, %convert_element_type3A_164, %cond3A_165 : i32
      scf.if %cond3A_166 {
        %add3A_180 = arith.constant 2 : i32
        %add3A_181 = arith.addi %add3A_154, %add3A_180 : i32
        %dma_start3A_182 = arith.constant 0 : i32
        %dma_start3A_183 = tpu.memref_slice %arg5[%add3A_181, %dma_start3A_182] : memref<125x80xi32, #tpu.memory_space<vmem>> -> memref<1x80xi32, #tpu.memory_space<vmem>>
        %dma_start3A_184 = tpu.memref_squeeze %dma_start3A_183 : memref<1x80xi32, #tpu.memory_space<vmem>> -> memref<80xi32, #tpu.memory_space<vmem>>
        %dma_start3A_185 = arith.constant 0 : i32
        %dma_start3A_186 = arith.constant 0 : i32
        %dma_start3A_187 = tpu.memref_slice %arg2[%dma_start3A_185, %dma_start3A_186] : memref<10000x64xf32, #tpu.memory_space<hbm>> -> memref<10000x64xf32, #tpu.memory_space<hbm>>
        tpu.enqueue_indirect_dma source(%dma_start3A_187 : memref<10000x64xf32, #tpu.memory_space<hbm>>) target(%arg7 : memref<80x64xf32, #tpu.memory_space<vmem>>) offsets(%dma_start3A_184 : memref<80xi32, #tpu.memory_space<vmem>>) semaphore(%arg12 : memref<!tpu.dma_semaphore, #tpu.memory_space<semaphore_mem>>)
      } else {
      }
      %dma_wait3A_167 = arith.constant 0 : i32
      %dma_wait3A_168 = tpu.memref_slice %arg5[%add3A_154, %dma_wait3A_167] : memref<125x80xi32, #tpu.memory_space<vmem>> -> memref<1x80xi32, #tpu.memory_space<vmem>>
      %dma_wait3A_169 = tpu.memref_squeeze %dma_wait3A_168 : memref<1x80xi32, #tpu.memory_space<vmem>> -> memref<80xi32, #tpu.memory_space<vmem>>
      %dma_wait3A_170 = arith.constant 0 : i32
      %dma_wait3A_171 = arith.constant 0 : i32
      %dma_wait3A_172 = tpu.memref_slice %arg2[%dma_wait3A_170, %dma_wait3A_171] : memref<10000x64xf32, #tpu.memory_space<hbm>> -> memref<10000x64xf32, #tpu.memory_space<hbm>>
      tpu.wait_indirect_dma semaphore(%arg15 : memref<!tpu.dma_semaphore, #tpu.memory_space<semaphore_mem>>) src(%dma_wait3A_172 : memref<10000x64xf32, #tpu.memory_space<hbm>>) dst(%arg10 : memref<80x64xf32, #tpu.memory_space<vmem>>)
      %mul3A_173 = arith.constant 80 : i32
      %mul3A_174 = arith.muli %add3A_154, %mul3A_173 : i32
      %add3A_175 = arith.addi %mul3A_2, %mul3A_174 : i32
      %dma_start3A_176 = arith.constant 0 : i32
      %dma_start3A_177 = tpu.memref_slice %arg4[%add3A_175, %dma_start3A_176] : memref<320000x64xf32, #tpu.memory_space<hbm>> -> memref<80x64xf32, #tpu.memory_space<hbm>>
      %dma_start3A_178 = arith.constant 0 : i32
      %dma_start3A_179 = tpu.memref_slice %arg4[%add3A_175, %dma_start3A_178] : memref<320000x64xf32, #tpu.memory_space<hbm>> -> memref<80x64xf32, #tpu.memory_space<hbm>>
      tpu.enqueue_dma source(%arg10 : memref<80x64xf32, #tpu.memory_space<vmem>>) target(%dma_start3A_179 : memref<80x64xf32, #tpu.memory_space<hbm>>) target_semaphore(%arg20 : memref<!tpu.dma_semaphore, #tpu.memory_space<semaphore_mem>>)
    }
    %scan3A_20 = arith.constant 25 : i32
    %add3A_21 = arith.constant 0 : i32
    %add3A_22 = arith.addi %mul3A_2, %add3A_21 : i32
    %dma_wait3A = arith.constant 0 : i32
    %dma_wait3A_23 = tpu.memref_slice %arg4[%add3A_22, %dma_wait3A] : memref<320000x64xf32, #tpu.memory_space<hbm>> -> memref<80x64xf32, #tpu.memory_space<hbm>>
    %dma_wait3A_24 = arith.constant 0 : i32
    %dma_wait3A_25 = tpu.memref_slice %arg4[%add3A_22, %dma_wait3A_24] : memref<320000x64xf32, #tpu.memory_space<hbm>> -> memref<80x64xf32, #tpu.memory_space<hbm>>
    tpu.wait_dma2 semaphore(%arg18 : memref<!tpu.dma_semaphore, #tpu.memory_space<semaphore_mem>>) src(%arg8 : memref<80x64xf32, #tpu.memory_space<vmem>>) dst(%dma_wait3A_25 : memref<80x64xf32, #tpu.memory_space<hbm>>)
    %add3A_26 = arith.constant 0 : i32
    %add3A_27 = arith.addi %mul3A_2, %add3A_26 : i32
    %dma_wait3A_28 = arith.constant 0 : i32
    %dma_wait3A_29 = tpu.memref_slice %arg4[%add3A_27, %dma_wait3A_28] : memref<320000x64xf32, #tpu.memory_space<hbm>> -> memref<80x64xf32, #tpu.memory_space<hbm>>
    %dma_wait3A_30 = arith.constant 0 : i32
    %dma_wait3A_31 = tpu.memref_slice %arg4[%add3A_27, %dma_wait3A_30] : memref<320000x64xf32, #tpu.memory_space<hbm>> -> memref<80x64xf32, #tpu.memory_space<hbm>>
    tpu.wait_dma2 semaphore(%arg19 : memref<!tpu.dma_semaphore, #tpu.memory_space<semaphore_mem>>) src(%arg9 : memref<80x64xf32, #tpu.memory_space<vmem>>) dst(%dma_wait3A_31 : memref<80x64xf32, #tpu.memory_space<hbm>>)
    %add3A_32 = arith.constant 0 : i32
    %add3A_33 = arith.addi %mul3A_2, %add3A_32 : i32
    %dma_wait3A_34 = arith.constant 0 : i32
    %dma_wait3A_35 = tpu.memref_slice %arg4[%add3A_33, %dma_wait3A_34] : memref<320000x64xf32, #tpu.memory_space<hbm>> -> memref<80x64xf32, #tpu.memory_space<hbm>>
    %dma_wait3A_36 = arith.constant 0 : i32
    %dma_wait3A_37 = tpu.memref_slice %arg4[%add3A_33, %dma_wait3A_36] : memref<320000x64xf32, #tpu.memory_space<hbm>> -> memref<80x64xf32, #tpu.memory_space<hbm>>
    tpu.wait_dma2 semaphore(%arg20 : memref<!tpu.dma_semaphore, #tpu.memory_space<semaphore_mem>>) src(%arg10 : memref<80x64xf32, #tpu.memory_space<vmem>>) dst(%dma_wait3A_37 : memref<80x64xf32, #tpu.memory_space<hbm>>)
    return
  }
}

#map = affine_map<(d0, d1) -> (0, 0)>
#map1 = affine_map<(d0, d1) -> (0, 0, 0, 0)>
#map2 = affine_map<(d0, d1) -> (0, 0, 0)>
module attributes {stable_mosaic.version = 14 : i64} {
  func.func @k(%arg0: i32, %arg1: i32, %arg2: memref<320000x64xf32, #tpu.memory_space<hbm>>, %arg3: memref<2x16x125x80xi32, #tpu.memory_space<hbm>>, %arg4: memref<10240x64xf32, #tpu.memory_space<hbm>>, %arg5: memref<2x10240x64xf32, #tpu.memory_space<hbm>>, %arg6: memref<125x80xi32, #tpu.memory_space<vmem>>, %arg7: memref<80x64xf32, #tpu.memory_space<vmem>>, %arg8: memref<80x64xf32, #tpu.memory_space<vmem>>, %arg9: memref<80x64xf32, #tpu.memory_space<vmem>>, %arg10: memref<80x64xf32, #tpu.memory_space<vmem>>, %arg11: memref<80x64xf32, #tpu.memory_space<vmem>>, %arg12: memref<!tpu.dma_semaphore, #tpu.memory_space<semaphore_mem>>, %arg13: memref<!tpu.dma_semaphore, #tpu.memory_space<semaphore_mem>>, %arg14: memref<!tpu.dma_semaphore, #tpu.memory_space<semaphore_mem>>, %arg15: memref<!tpu.dma_semaphore, #tpu.memory_space<semaphore_mem>>, %arg16: memref<!tpu.dma_semaphore, #tpu.memory_space<semaphore_mem>>, %arg17: memref<!tpu.dma_semaphore, #tpu.memory_space<semaphore_mem>>, %arg18: memref<!tpu.dma_semaphore, #tpu.memory_space<semaphore_mem>>, %arg19: memref<!tpu.dma_semaphore, #tpu.memory_space<semaphore_mem>>, %arg20: memref<!tpu.dma_semaphore, #tpu.memory_space<semaphore_mem>>, %arg21: memref<!tpu.dma_semaphore, #tpu.memory_space<semaphore_mem>>, %arg22: memref<10240x64xf32, #tpu.memory_space<vmem_shared>>) attributes {dimension_semantics = [#tpu.dimension_semantics<core_parallel>, #tpu.dimension_semantics<subcore_parallel>], iteration_bounds = array<i64: 2, 16>, scalar_prefetch = 0 : i64, scratch_operands = 17 : i64, tpu.core_type = #tpu.core_type<sc_vector_subcore>, window_params = [{transform_indices = #map}, {transform_indices = #map1}, {transform_indices = #map}, {transform_indices = #map2}]} {
    %mul3A = arith.constant 16 : i32
    %mul3A_0 = arith.muli %arg0, %mul3A : i32
    %add3A = arith.addi %mul3A_0, %arg1 : i32
    %mul3A_1 = arith.constant 10000 : i32
    %mul3A_2 = arith.muli %add3A, %mul3A_1 : i32
    %mul3A_3 = arith.constant 640 : i32
    %mul3A_4 = arith.muli %arg1, %mul3A_3 : i32
    "tpu.region"() ({
      %run_scoped3A = tpu.sem_alloc : memref<!tpu.dma_semaphore, #tpu.memory_space<semaphore_mem>>
      %dma_start3A_42 = arith.constant 0 : i32
      %dma_start3A_43 = arith.constant 0 : i32
      %dma_start3A_44 = tpu.memref_slice %arg3[%arg0, %arg1, %dma_start3A_42, %dma_start3A_43] : memref<2x16x125x80xi32, #tpu.memory_space<hbm>> -> memref<1x1x125x80xi32, #tpu.memory_space<hbm>>
      %dma_start3A_45 = tpu.memref_squeeze %dma_start3A_44 : memref<1x1x125x80xi32, #tpu.memory_space<hbm>> -> memref<125x80xi32, #tpu.memory_space<hbm>>
      %dma_start3A_46 = arith.constant 0 : i32
      %dma_start3A_47 = arith.constant 0 : i32
      %dma_start3A_48 = tpu.memref_slice %arg3[%arg0, %arg1, %dma_start3A_46, %dma_start3A_47] : memref<2x16x125x80xi32, #tpu.memory_space<hbm>> -> memref<1x1x125x80xi32, #tpu.memory_space<hbm>>
      %dma_start3A_49 = tpu.memref_squeeze %dma_start3A_48 : memref<1x1x125x80xi32, #tpu.memory_space<hbm>> -> memref<125x80xi32, #tpu.memory_space<hbm>>
      tpu.enqueue_dma source(%dma_start3A_49 : memref<125x80xi32, #tpu.memory_space<hbm>>) target(%arg6 : memref<125x80xi32, #tpu.memory_space<vmem>>) target_semaphore(%run_scoped3A : memref<!tpu.dma_semaphore, #tpu.memory_space<semaphore_mem>>)
      %dma_wait3A_50 = arith.constant 0 : i32
      %dma_wait3A_51 = arith.constant 0 : i32
      %dma_wait3A_52 = tpu.memref_slice %arg3[%arg0, %arg1, %dma_wait3A_50, %dma_wait3A_51] : memref<2x16x125x80xi32, #tpu.memory_space<hbm>> -> memref<1x1x125x80xi32, #tpu.memory_space<hbm>>
      %dma_wait3A_53 = tpu.memref_squeeze %dma_wait3A_52 : memref<1x1x125x80xi32, #tpu.memory_space<hbm>> -> memref<125x80xi32, #tpu.memory_space<hbm>>
      %dma_wait3A_54 = arith.constant 0 : i32
      %dma_wait3A_55 = arith.constant 0 : i32
      %dma_wait3A_56 = tpu.memref_slice %arg3[%arg0, %arg1, %dma_wait3A_54, %dma_wait3A_55] : memref<2x16x125x80xi32, #tpu.memory_space<hbm>> -> memref<1x1x125x80xi32, #tpu.memory_space<hbm>>
      %dma_wait3A_57 = tpu.memref_squeeze %dma_wait3A_56 : memref<1x1x125x80xi32, #tpu.memory_space<hbm>> -> memref<125x80xi32, #tpu.memory_space<hbm>>
      tpu.wait_dma2 semaphore(%run_scoped3A : memref<!tpu.dma_semaphore, #tpu.memory_space<semaphore_mem>>) src(%dma_wait3A_57 : memref<125x80xi32, #tpu.memory_space<hbm>>) dst(%arg6 : memref<125x80xi32, #tpu.memory_space<vmem>>)
      tpu.yield
    }) : () -> ()
    "tpu.region"() ({
      %run_scoped3A = tpu.sem_alloc : memref<!tpu.dma_semaphore, #tpu.memory_space<semaphore_mem>>
      %dma_start3A_42 = arith.constant 0 : i32
      %dma_start3A_43 = tpu.memref_slice %arg22[%mul3A_4, %dma_start3A_42] : memref<10240x64xf32, #tpu.memory_space<vmem_shared>> -> memref<640x64xf32, #tpu.memory_space<vmem_shared>>
      %dma_start3A_44 = arith.constant 0 : i32
      %dma_start3A_45 = tpu.memref_slice %arg4[%mul3A_4, %dma_start3A_44] : memref<10240x64xf32, #tpu.memory_space<hbm>> -> memref<640x64xf32, #tpu.memory_space<hbm>>
      tpu.enqueue_dma source(%dma_start3A_45 : memref<640x64xf32, #tpu.memory_space<hbm>>) target(%dma_start3A_43 : memref<640x64xf32, #tpu.memory_space<vmem_shared>>) target_semaphore(%run_scoped3A : memref<!tpu.dma_semaphore, #tpu.memory_space<semaphore_mem>>)
      %dma_wait3A_46 = arith.constant 0 : i32
      %dma_wait3A_47 = tpu.memref_slice %arg22[%mul3A_4, %dma_wait3A_46] : memref<10240x64xf32, #tpu.memory_space<vmem_shared>> -> memref<640x64xf32, #tpu.memory_space<vmem_shared>>
      %dma_wait3A_48 = arith.constant 0 : i32
      %dma_wait3A_49 = tpu.memref_slice %arg4[%mul3A_4, %dma_wait3A_48] : memref<10240x64xf32, #tpu.memory_space<hbm>> -> memref<640x64xf32, #tpu.memory_space<hbm>>
      tpu.wait_dma2 semaphore(%run_scoped3A : memref<!tpu.dma_semaphore, #tpu.memory_space<semaphore_mem>>) src(%dma_wait3A_49 : memref<640x64xf32, #tpu.memory_space<hbm>>) dst(%dma_wait3A_47 : memref<640x64xf32, #tpu.memory_space<vmem_shared>>)
      tpu.yield
    }) : () -> ()
    %barrier3A = arith.constant 0 : index
    tpu.barrier barrier_id(%barrier3A)
    %add3A_5 = arith.constant 0 : i32
    %add3A_6 = arith.addi %mul3A_2, %add3A_5 : i32
    %dma_start3A = arith.constant 0 : i32
    %dma_start3A_7 = tpu.memref_slice %arg2[%add3A_6, %dma_start3A] : memref<320000x64xf32, #tpu.memory_space<hbm>> -> memref<80x64xf32, #tpu.memory_space<hbm>>
    %dma_start3A_8 = arith.constant 0 : i32
    %dma_start3A_9 = tpu.memref_slice %arg2[%add3A_6, %dma_start3A_8] : memref<320000x64xf32, #tpu.memory_space<hbm>> -> memref<80x64xf32, #tpu.memory_space<hbm>>
    tpu.enqueue_dma source(%dma_start3A_9 : memref<80x64xf32, #tpu.memory_space<hbm>>) target(%arg7 : memref<80x64xf32, #tpu.memory_space<vmem>>) target_semaphore(%arg12 : memref<!tpu.dma_semaphore, #tpu.memory_space<semaphore_mem>>)
    %add3A_10 = arith.constant 80 : i32
    %add3A_11 = arith.addi %mul3A_2, %add3A_10 : i32
    %dma_start3A_12 = arith.constant 0 : i32
    %dma_start3A_13 = tpu.memref_slice %arg2[%add3A_11, %dma_start3A_12] : memref<320000x64xf32, #tpu.memory_space<hbm>> -> memref<80x64xf32, #tpu.memory_space<hbm>>
    %dma_start3A_14 = arith.constant 0 : i32
    %dma_start3A_15 = tpu.memref_slice %arg2[%add3A_11, %dma_start3A_14] : memref<320000x64xf32, #tpu.memory_space<hbm>> -> memref<80x64xf32, #tpu.memory_space<hbm>>
    tpu.enqueue_dma source(%dma_start3A_15 : memref<80x64xf32, #tpu.memory_space<hbm>>) target(%arg8 : memref<80x64xf32, #tpu.memory_space<vmem>>) target_semaphore(%arg13 : memref<!tpu.dma_semaphore, #tpu.memory_space<semaphore_mem>>)
    %scan3A = arith.constant 0 : i32
    %scan3A_16 = arith.constant 0 : i32
    %scan3A_17 = arith.constant 25 : i32
    %scan3A_18 = arith.addi %scan3A_16, %scan3A_17 : i32
    %scan3A_19 = arith.constant 1 : i32
    scf.for %scan3A_42 = %scan3A_16 to %scan3A_18 step %scan3A_19  : i32 {
      %mul3A_43 = arith.constant 5 : i32
      %mul3A_44 = arith.muli %scan3A_42, %mul3A_43 : i32
      %add3A_45 = arith.constant 0 : i32
      %add3A_46 = arith.addi %mul3A_44, %add3A_45 : i32
      %ge3A = arith.constant 3 : i32
      %ge3A_47 = arith.cmpi sge, %add3A_46, %ge3A : i32
      %convert_element_type3A = arith.extui %ge3A_47 : i1 to i32
      %cond3A = arith.constant 0 : i32
      %cond3A_48 = arith.cmpi ne, %convert_element_type3A, %cond3A : i32
      scf.if %cond3A_48 {
        %dma_wait3A_184 = arith.constant 0 : i32
        %dma_wait3A_185 = arith.constant 0 : i32
        %dma_wait3A_186 = tpu.memref_slice %arg6[%dma_wait3A_184, %dma_wait3A_185] : memref<125x80xi32, #tpu.memory_space<vmem>> -> memref<1x80xi32, #tpu.memory_space<vmem>>
        %dma_wait3A_187 = tpu.memref_squeeze %dma_wait3A_186 : memref<1x80xi32, #tpu.memory_space<vmem>> -> memref<80xi32, #tpu.memory_space<vmem>>
        %dma_wait3A_188 = arith.constant 0 : i32
        %dma_wait3A_189 = arith.constant 0 : i32
        %dma_wait3A_190 = tpu.memref_slice %arg22[%dma_wait3A_188, %dma_wait3A_189] : memref<10240x64xf32, #tpu.memory_space<vmem_shared>> -> memref<10240x64xf32, #tpu.memory_space<vmem_shared>>
        tpu.wait_indirect_dma semaphore(%arg19 : memref<!tpu.dma_semaphore, #tpu.memory_space<semaphore_mem>>) src(%arg9 : memref<80x64xf32, #tpu.memory_space<vmem>>) dst(%dma_wait3A_190 : memref<10240x64xf32, #tpu.memory_space<vmem_shared>>)
      } else {
      }
      %add3A_49 = arith.constant 2 : i32
      %add3A_50 = arith.addi %add3A_46, %add3A_49 : i32
      %lt3A = arith.constant 125 : i32
      %lt3A_51 = arith.cmpi slt, %add3A_50, %lt3A : i32
      %convert_element_type3A_52 = arith.extui %lt3A_51 : i1 to i32
      %cond3A_53 = arith.constant 0 : i32
      %cond3A_54 = arith.cmpi ne, %convert_element_type3A_52, %cond3A_53 : i32
      scf.if %cond3A_54 {
        %add3A_184 = arith.constant 2 : i32
        %add3A_185 = arith.addi %add3A_46, %add3A_184 : i32
        %mul3A_186 = arith.constant 80 : i32
        %mul3A_187 = arith.muli %add3A_185, %mul3A_186 : i32
        %add3A_188 = arith.addi %mul3A_2, %mul3A_187 : i32
        %dma_start3A_189 = arith.constant 0 : i32
        %dma_start3A_190 = tpu.memref_slice %arg2[%add3A_188, %dma_start3A_189] : memref<320000x64xf32, #tpu.memory_space<hbm>> -> memref<80x64xf32, #tpu.memory_space<hbm>>
        %dma_start3A_191 = arith.constant 0 : i32
        %dma_start3A_192 = tpu.memref_slice %arg2[%add3A_188, %dma_start3A_191] : memref<320000x64xf32, #tpu.memory_space<hbm>> -> memref<80x64xf32, #tpu.memory_space<hbm>>
        tpu.enqueue_dma source(%dma_start3A_192 : memref<80x64xf32, #tpu.memory_space<hbm>>) target(%arg9 : memref<80x64xf32, #tpu.memory_space<vmem>>) target_semaphore(%arg14 : memref<!tpu.dma_semaphore, #tpu.memory_space<semaphore_mem>>)
      } else {
      }
      %mul3A_55 = arith.constant 80 : i32
      %mul3A_56 = arith.muli %add3A_46, %mul3A_55 : i32
      %add3A_57 = arith.addi %mul3A_2, %mul3A_56 : i32
      %dma_wait3A_58 = arith.constant 0 : i32
      %dma_wait3A_59 = tpu.memref_slice %arg2[%add3A_57, %dma_wait3A_58] : memref<320000x64xf32, #tpu.memory_space<hbm>> -> memref<80x64xf32, #tpu.memory_space<hbm>>
      %dma_wait3A_60 = arith.constant 0 : i32
      %dma_wait3A_61 = tpu.memref_slice %arg2[%add3A_57, %dma_wait3A_60] : memref<320000x64xf32, #tpu.memory_space<hbm>> -> memref<80x64xf32, #tpu.memory_space<hbm>>
      tpu.wait_dma2 semaphore(%arg12 : memref<!tpu.dma_semaphore, #tpu.memory_space<semaphore_mem>>) src(%dma_wait3A_61 : memref<80x64xf32, #tpu.memory_space<hbm>>) dst(%arg7 : memref<80x64xf32, #tpu.memory_space<vmem>>)
      %dma_start3A_62 = arith.constant 0 : i32
      %dma_start3A_63 = tpu.memref_slice %arg6[%add3A_46, %dma_start3A_62] : memref<125x80xi32, #tpu.memory_space<vmem>> -> memref<1x80xi32, #tpu.memory_space<vmem>>
      %dma_start3A_64 = tpu.memref_squeeze %dma_start3A_63 : memref<1x80xi32, #tpu.memory_space<vmem>> -> memref<80xi32, #tpu.memory_space<vmem>>
      %dma_start3A_65 = arith.constant 0 : i32
      %dma_start3A_66 = arith.constant 0 : i32
      %dma_start3A_67 = tpu.memref_slice %arg22[%dma_start3A_65, %dma_start3A_66] : memref<10240x64xf32, #tpu.memory_space<vmem_shared>> -> memref<10240x64xf32, #tpu.memory_space<vmem_shared>>
      tpu.enqueue_indirect_dma source(%arg7 : memref<80x64xf32, #tpu.memory_space<vmem>>) target(%dma_start3A_67 : memref<10240x64xf32, #tpu.memory_space<vmem_shared>>) offsets(%dma_start3A_64 : memref<80xi32, #tpu.memory_space<vmem>>) semaphore(%arg17 : memref<!tpu.dma_semaphore, #tpu.memory_space<semaphore_mem>>) {add = true}
      %mul3A_68 = arith.constant 5 : i32
      %mul3A_69 = arith.muli %scan3A_42, %mul3A_68 : i32
      %add3A_70 = arith.constant 1 : i32
      %add3A_71 = arith.addi %mul3A_69, %add3A_70 : i32
      %ge3A_72 = arith.constant 3 : i32
      %ge3A_73 = arith.cmpi sge, %add3A_71, %ge3A_72 : i32
      %convert_element_type3A_74 = arith.extui %ge3A_73 : i1 to i32
      %cond3A_75 = arith.constant 0 : i32
      %cond3A_76 = arith.cmpi ne, %convert_element_type3A_74, %cond3A_75 : i32
      scf.if %cond3A_76 {
        %dma_wait3A_184 = arith.constant 0 : i32
        %dma_wait3A_185 = arith.constant 0 : i32
        %dma_wait3A_186 = tpu.memref_slice %arg6[%dma_wait3A_184, %dma_wait3A_185] : memref<125x80xi32, #tpu.memory_space<vmem>> -> memref<1x80xi32, #tpu.memory_space<vmem>>
        %dma_wait3A_187 = tpu.memref_squeeze %dma_wait3A_186 : memref<1x80xi32, #tpu.memory_space<vmem>> -> memref<80xi32, #tpu.memory_space<vmem>>
        %dma_wait3A_188 = arith.constant 0 : i32
        %dma_wait3A_189 = arith.constant 0 : i32
        %dma_wait3A_190 = tpu.memref_slice %arg22[%dma_wait3A_188, %dma_wait3A_189] : memref<10240x64xf32, #tpu.memory_space<vmem_shared>> -> memref<10240x64xf32, #tpu.memory_space<vmem_shared>>
        tpu.wait_indirect_dma semaphore(%arg20 : memref<!tpu.dma_semaphore, #tpu.memory_space<semaphore_mem>>) src(%arg10 : memref<80x64xf32, #tpu.memory_space<vmem>>) dst(%dma_wait3A_190 : memref<10240x64xf32, #tpu.memory_space<vmem_shared>>)
      } else {
      }
      %add3A_77 = arith.constant 2 : i32
      %add3A_78 = arith.addi %add3A_71, %add3A_77 : i32
      %lt3A_79 = arith.constant 125 : i32
      %lt3A_80 = arith.cmpi slt, %add3A_78, %lt3A_79 : i32
      %convert_element_type3A_81 = arith.extui %lt3A_80 : i1 to i32
      %cond3A_82 = arith.constant 0 : i32
      %cond3A_83 = arith.cmpi ne, %convert_element_type3A_81, %cond3A_82 : i32
      scf.if %cond3A_83 {
        %add3A_184 = arith.constant 2 : i32
        %add3A_185 = arith.addi %add3A_71, %add3A_184 : i32
        %mul3A_186 = arith.constant 80 : i32
        %mul3A_187 = arith.muli %add3A_185, %mul3A_186 : i32
        %add3A_188 = arith.addi %mul3A_2, %mul3A_187 : i32
        %dma_start3A_189 = arith.constant 0 : i32
        %dma_start3A_190 = tpu.memref_slice %arg2[%add3A_188, %dma_start3A_189] : memref<320000x64xf32, #tpu.memory_space<hbm>> -> memref<80x64xf32, #tpu.memory_space<hbm>>
        %dma_start3A_191 = arith.constant 0 : i32
        %dma_start3A_192 = tpu.memref_slice %arg2[%add3A_188, %dma_start3A_191] : memref<320000x64xf32, #tpu.memory_space<hbm>> -> memref<80x64xf32, #tpu.memory_space<hbm>>
        tpu.enqueue_dma source(%dma_start3A_192 : memref<80x64xf32, #tpu.memory_space<hbm>>) target(%arg10 : memref<80x64xf32, #tpu.memory_space<vmem>>) target_semaphore(%arg15 : memref<!tpu.dma_semaphore, #tpu.memory_space<semaphore_mem>>)
      } else {
      }
      %mul3A_84 = arith.constant 80 : i32
      %mul3A_85 = arith.muli %add3A_71, %mul3A_84 : i32
      %add3A_86 = arith.addi %mul3A_2, %mul3A_85 : i32
      %dma_wait3A_87 = arith.constant 0 : i32
      %dma_wait3A_88 = tpu.memref_slice %arg2[%add3A_86, %dma_wait3A_87] : memref<320000x64xf32, #tpu.memory_space<hbm>> -> memref<80x64xf32, #tpu.memory_space<hbm>>
      %dma_wait3A_89 = arith.constant 0 : i32
      %dma_wait3A_90 = tpu.memref_slice %arg2[%add3A_86, %dma_wait3A_89] : memref<320000x64xf32, #tpu.memory_space<hbm>> -> memref<80x64xf32, #tpu.memory_space<hbm>>
      tpu.wait_dma2 semaphore(%arg13 : memref<!tpu.dma_semaphore, #tpu.memory_space<semaphore_mem>>) src(%dma_wait3A_90 : memref<80x64xf32, #tpu.memory_space<hbm>>) dst(%arg8 : memref<80x64xf32, #tpu.memory_space<vmem>>)
      %dma_start3A_91 = arith.constant 0 : i32
      %dma_start3A_92 = tpu.memref_slice %arg6[%add3A_71, %dma_start3A_91] : memref<125x80xi32, #tpu.memory_space<vmem>> -> memref<1x80xi32, #tpu.memory_space<vmem>>
      %dma_start3A_93 = tpu.memref_squeeze %dma_start3A_92 : memref<1x80xi32, #tpu.memory_space<vmem>> -> memref<80xi32, #tpu.memory_space<vmem>>
      %dma_start3A_94 = arith.constant 0 : i32
      %dma_start3A_95 = arith.constant 0 : i32
      %dma_start3A_96 = tpu.memref_slice %arg22[%dma_start3A_94, %dma_start3A_95] : memref<10240x64xf32, #tpu.memory_space<vmem_shared>> -> memref<10240x64xf32, #tpu.memory_space<vmem_shared>>
      tpu.enqueue_indirect_dma source(%arg8 : memref<80x64xf32, #tpu.memory_space<vmem>>) target(%dma_start3A_96 : memref<10240x64xf32, #tpu.memory_space<vmem_shared>>) offsets(%dma_start3A_93 : memref<80xi32, #tpu.memory_space<vmem>>) semaphore(%arg18 : memref<!tpu.dma_semaphore, #tpu.memory_space<semaphore_mem>>) {add = true}
      %mul3A_97 = arith.constant 5 : i32
      %mul3A_98 = arith.muli %scan3A_42, %mul3A_97 : i32
      %add3A_99 = arith.constant 2 : i32
      %add3A_100 = arith.addi %mul3A_98, %add3A_99 : i32
      %ge3A_101 = arith.constant 3 : i32
      %ge3A_102 = arith.cmpi sge, %add3A_100, %ge3A_101 : i32
      %convert_element_type3A_103 = arith.extui %ge3A_102 : i1 to i32
      %cond3A_104 = arith.constant 0 : i32
      %cond3A_105 = arith.cmpi ne, %convert_element_type3A_103, %cond3A_104 : i32
      scf.if %cond3A_105 {
        %dma_wait3A_184 = arith.constant 0 : i32
        %dma_wait3A_185 = arith.constant 0 : i32
        %dma_wait3A_186 = tpu.memref_slice %arg6[%dma_wait3A_184, %dma_wait3A_185] : memref<125x80xi32, #tpu.memory_space<vmem>> -> memref<1x80xi32, #tpu.memory_space<vmem>>
        %dma_wait3A_187 = tpu.memref_squeeze %dma_wait3A_186 : memref<1x80xi32, #tpu.memory_space<vmem>> -> memref<80xi32, #tpu.memory_space<vmem>>
        %dma_wait3A_188 = arith.constant 0 : i32
        %dma_wait3A_189 = arith.constant 0 : i32
        %dma_wait3A_190 = tpu.memref_slice %arg22[%dma_wait3A_188, %dma_wait3A_189] : memref<10240x64xf32, #tpu.memory_space<vmem_shared>> -> memref<10240x64xf32, #tpu.memory_space<vmem_shared>>
        tpu.wait_indirect_dma semaphore(%arg21 : memref<!tpu.dma_semaphore, #tpu.memory_space<semaphore_mem>>) src(%arg11 : memref<80x64xf32, #tpu.memory_space<vmem>>) dst(%dma_wait3A_190 : memref<10240x64xf32, #tpu.memory_space<vmem_shared>>)
      } else {
      }
      %add3A_106 = arith.constant 2 : i32
      %add3A_107 = arith.addi %add3A_100, %add3A_106 : i32
      %lt3A_108 = arith.constant 125 : i32
      %lt3A_109 = arith.cmpi slt, %add3A_107, %lt3A_108 : i32
      %convert_element_type3A_110 = arith.extui %lt3A_109 : i1 to i32
      %cond3A_111 = arith.constant 0 : i32
      %cond3A_112 = arith.cmpi ne, %convert_element_type3A_110, %cond3A_111 : i32
      scf.if %cond3A_112 {
        %add3A_184 = arith.constant 2 : i32
        %add3A_185 = arith.addi %add3A_100, %add3A_184 : i32
        %mul3A_186 = arith.constant 80 : i32
        %mul3A_187 = arith.muli %add3A_185, %mul3A_186 : i32
        %add3A_188 = arith.addi %mul3A_2, %mul3A_187 : i32
        %dma_start3A_189 = arith.constant 0 : i32
        %dma_start3A_190 = tpu.memref_slice %arg2[%add3A_188, %dma_start3A_189] : memref<320000x64xf32, #tpu.memory_space<hbm>> -> memref<80x64xf32, #tpu.memory_space<hbm>>
        %dma_start3A_191 = arith.constant 0 : i32
        %dma_start3A_192 = tpu.memref_slice %arg2[%add3A_188, %dma_start3A_191] : memref<320000x64xf32, #tpu.memory_space<hbm>> -> memref<80x64xf32, #tpu.memory_space<hbm>>
        tpu.enqueue_dma source(%dma_start3A_192 : memref<80x64xf32, #tpu.memory_space<hbm>>) target(%arg11 : memref<80x64xf32, #tpu.memory_space<vmem>>) target_semaphore(%arg16 : memref<!tpu.dma_semaphore, #tpu.memory_space<semaphore_mem>>)
      } else {
      }
      %mul3A_113 = arith.constant 80 : i32
      %mul3A_114 = arith.muli %add3A_100, %mul3A_113 : i32
      %add3A_115 = arith.addi %mul3A_2, %mul3A_114 : i32
      %dma_wait3A_116 = arith.constant 0 : i32
      %dma_wait3A_117 = tpu.memref_slice %arg2[%add3A_115, %dma_wait3A_116] : memref<320000x64xf32, #tpu.memory_space<hbm>> -> memref<80x64xf32, #tpu.memory_space<hbm>>
      %dma_wait3A_118 = arith.constant 0 : i32
      %dma_wait3A_119 = tpu.memref_slice %arg2[%add3A_115, %dma_wait3A_118] : memref<320000x64xf32, #tpu.memory_space<hbm>> -> memref<80x64xf32, #tpu.memory_space<hbm>>
      tpu.wait_dma2 semaphore(%arg14 : memref<!tpu.dma_semaphore, #tpu.memory_space<semaphore_mem>>) src(%dma_wait3A_119 : memref<80x64xf32, #tpu.memory_space<hbm>>) dst(%arg9 : memref<80x64xf32, #tpu.memory_space<vmem>>)
      %dma_start3A_120 = arith.constant 0 : i32
      %dma_start3A_121 = tpu.memref_slice %arg6[%add3A_100, %dma_start3A_120] : memref<125x80xi32, #tpu.memory_space<vmem>> -> memref<1x80xi32, #tpu.memory_space<vmem>>
      %dma_start3A_122 = tpu.memref_squeeze %dma_start3A_121 : memref<1x80xi32, #tpu.memory_space<vmem>> -> memref<80xi32, #tpu.memory_space<vmem>>
      %dma_start3A_123 = arith.constant 0 : i32
      %dma_start3A_124 = arith.constant 0 : i32
      %dma_start3A_125 = tpu.memref_slice %arg22[%dma_start3A_123, %dma_start3A_124] : memref<10240x64xf32, #tpu.memory_space<vmem_shared>> -> memref<10240x64xf32, #tpu.memory_space<vmem_shared>>
      tpu.enqueue_indirect_dma source(%arg9 : memref<80x64xf32, #tpu.memory_space<vmem>>) target(%dma_start3A_125 : memref<10240x64xf32, #tpu.memory_space<vmem_shared>>) offsets(%dma_start3A_122 : memref<80xi32, #tpu.memory_space<vmem>>) semaphore(%arg19 : memref<!tpu.dma_semaphore, #tpu.memory_space<semaphore_mem>>) {add = true}
      %mul3A_126 = arith.constant 5 : i32
      %mul3A_127 = arith.muli %scan3A_42, %mul3A_126 : i32
      %add3A_128 = arith.constant 3 : i32
      %add3A_129 = arith.addi %mul3A_127, %add3A_128 : i32
      %ge3A_130 = arith.constant 3 : i32
      %ge3A_131 = arith.cmpi sge, %add3A_129, %ge3A_130 : i32
      %convert_element_type3A_132 = arith.extui %ge3A_131 : i1 to i32
      %cond3A_133 = arith.constant 0 : i32
      %cond3A_134 = arith.cmpi ne, %convert_element_type3A_132, %cond3A_133 : i32
      scf.if %cond3A_134 {
        %dma_wait3A_184 = arith.constant 0 : i32
        %dma_wait3A_185 = arith.constant 0 : i32
        %dma_wait3A_186 = tpu.memref_slice %arg6[%dma_wait3A_184, %dma_wait3A_185] : memref<125x80xi32, #tpu.memory_space<vmem>> -> memref<1x80xi32, #tpu.memory_space<vmem>>
        %dma_wait3A_187 = tpu.memref_squeeze %dma_wait3A_186 : memref<1x80xi32, #tpu.memory_space<vmem>> -> memref<80xi32, #tpu.memory_space<vmem>>
        %dma_wait3A_188 = arith.constant 0 : i32
        %dma_wait3A_189 = arith.constant 0 : i32
        %dma_wait3A_190 = tpu.memref_slice %arg22[%dma_wait3A_188, %dma_wait3A_189] : memref<10240x64xf32, #tpu.memory_space<vmem_shared>> -> memref<10240x64xf32, #tpu.memory_space<vmem_shared>>
        tpu.wait_indirect_dma semaphore(%arg17 : memref<!tpu.dma_semaphore, #tpu.memory_space<semaphore_mem>>) src(%arg7 : memref<80x64xf32, #tpu.memory_space<vmem>>) dst(%dma_wait3A_190 : memref<10240x64xf32, #tpu.memory_space<vmem_shared>>)
      } else {
      }
      %add3A_135 = arith.constant 2 : i32
      %add3A_136 = arith.addi %add3A_129, %add3A_135 : i32
      %lt3A_137 = arith.constant 125 : i32
      %lt3A_138 = arith.cmpi slt, %add3A_136, %lt3A_137 : i32
      %convert_element_type3A_139 = arith.extui %lt3A_138 : i1 to i32
      %cond3A_140 = arith.constant 0 : i32
      %cond3A_141 = arith.cmpi ne, %convert_element_type3A_139, %cond3A_140 : i32
      scf.if %cond3A_141 {
        %add3A_184 = arith.constant 2 : i32
        %add3A_185 = arith.addi %add3A_129, %add3A_184 : i32
        %mul3A_186 = arith.constant 80 : i32
        %mul3A_187 = arith.muli %add3A_185, %mul3A_186 : i32
        %add3A_188 = arith.addi %mul3A_2, %mul3A_187 : i32
        %dma_start3A_189 = arith.constant 0 : i32
        %dma_start3A_190 = tpu.memref_slice %arg2[%add3A_188, %dma_start3A_189] : memref<320000x64xf32, #tpu.memory_space<hbm>> -> memref<80x64xf32, #tpu.memory_space<hbm>>
        %dma_start3A_191 = arith.constant 0 : i32
        %dma_start3A_192 = tpu.memref_slice %arg2[%add3A_188, %dma_start3A_191] : memref<320000x64xf32, #tpu.memory_space<hbm>> -> memref<80x64xf32, #tpu.memory_space<hbm>>
        tpu.enqueue_dma source(%dma_start3A_192 : memref<80x64xf32, #tpu.memory_space<hbm>>) target(%arg7 : memref<80x64xf32, #tpu.memory_space<vmem>>) target_semaphore(%arg12 : memref<!tpu.dma_semaphore, #tpu.memory_space<semaphore_mem>>)
      } else {
      }
      %mul3A_142 = arith.constant 80 : i32
      %mul3A_143 = arith.muli %add3A_129, %mul3A_142 : i32
      %add3A_144 = arith.addi %mul3A_2, %mul3A_143 : i32
      %dma_wait3A_145 = arith.constant 0 : i32
      %dma_wait3A_146 = tpu.memref_slice %arg2[%add3A_144, %dma_wait3A_145] : memref<320000x64xf32, #tpu.memory_space<hbm>> -> memref<80x64xf32, #tpu.memory_space<hbm>>
      %dma_wait3A_147 = arith.constant 0 : i32
      %dma_wait3A_148 = tpu.memref_slice %arg2[%add3A_144, %dma_wait3A_147] : memref<320000x64xf32, #tpu.memory_space<hbm>> -> memref<80x64xf32, #tpu.memory_space<hbm>>
      tpu.wait_dma2 semaphore(%arg15 : memref<!tpu.dma_semaphore, #tpu.memory_space<semaphore_mem>>) src(%dma_wait3A_148 : memref<80x64xf32, #tpu.memory_space<hbm>>) dst(%arg10 : memref<80x64xf32, #tpu.memory_space<vmem>>)
      %dma_start3A_149 = arith.constant 0 : i32
      %dma_start3A_150 = tpu.memref_slice %arg6[%add3A_129, %dma_start3A_149] : memref<125x80xi32, #tpu.memory_space<vmem>> -> memref<1x80xi32, #tpu.memory_space<vmem>>
      %dma_start3A_151 = tpu.memref_squeeze %dma_start3A_150 : memref<1x80xi32, #tpu.memory_space<vmem>> -> memref<80xi32, #tpu.memory_space<vmem>>
      %dma_start3A_152 = arith.constant 0 : i32
      %dma_start3A_153 = arith.constant 0 : i32
      %dma_start3A_154 = tpu.memref_slice %arg22[%dma_start3A_152, %dma_start3A_153] : memref<10240x64xf32, #tpu.memory_space<vmem_shared>> -> memref<10240x64xf32, #tpu.memory_space<vmem_shared>>
      tpu.enqueue_indirect_dma source(%arg10 : memref<80x64xf32, #tpu.memory_space<vmem>>) target(%dma_start3A_154 : memref<10240x64xf32, #tpu.memory_space<vmem_shared>>) offsets(%dma_start3A_151 : memref<80xi32, #tpu.memory_space<vmem>>) semaphore(%arg20 : memref<!tpu.dma_semaphore, #tpu.memory_space<semaphore_mem>>) {add = true}
      %mul3A_155 = arith.constant 5 : i32
      %mul3A_156 = arith.muli %scan3A_42, %mul3A_155 : i32
      %add3A_157 = arith.constant 4 : i32
      %add3A_158 = arith.addi %mul3A_156, %add3A_157 : i32
      %ge3A_159 = arith.constant 3 : i32
      %ge3A_160 = arith.cmpi sge, %add3A_158, %ge3A_159 : i32
      %convert_element_type3A_161 = arith.extui %ge3A_160 : i1 to i32
      %cond3A_162 = arith.constant 0 : i32
      %cond3A_163 = arith.cmpi ne, %convert_element_type3A_161, %cond3A_162 : i32
      scf.if %cond3A_163 {
        %dma_wait3A_184 = arith.constant 0 : i32
        %dma_wait3A_185 = arith.constant 0 : i32
        %dma_wait3A_186 = tpu.memref_slice %arg6[%dma_wait3A_184, %dma_wait3A_185] : memref<125x80xi32, #tpu.memory_space<vmem>> -> memref<1x80xi32, #tpu.memory_space<vmem>>
        %dma_wait3A_187 = tpu.memref_squeeze %dma_wait3A_186 : memref<1x80xi32, #tpu.memory_space<vmem>> -> memref<80xi32, #tpu.memory_space<vmem>>
        %dma_wait3A_188 = arith.constant 0 : i32
        %dma_wait3A_189 = arith.constant 0 : i32
        %dma_wait3A_190 = tpu.memref_slice %arg22[%dma_wait3A_188, %dma_wait3A_189] : memref<10240x64xf32, #tpu.memory_space<vmem_shared>> -> memref<10240x64xf32, #tpu.memory_space<vmem_shared>>
        tpu.wait_indirect_dma semaphore(%arg18 : memref<!tpu.dma_semaphore, #tpu.memory_space<semaphore_mem>>) src(%arg8 : memref<80x64xf32, #tpu.memory_space<vmem>>) dst(%dma_wait3A_190 : memref<10240x64xf32, #tpu.memory_space<vmem_shared>>)
      } else {
      }
      %add3A_164 = arith.constant 2 : i32
      %add3A_165 = arith.addi %add3A_158, %add3A_164 : i32
      %lt3A_166 = arith.constant 125 : i32
      %lt3A_167 = arith.cmpi slt, %add3A_165, %lt3A_166 : i32
      %convert_element_type3A_168 = arith.extui %lt3A_167 : i1 to i32
      %cond3A_169 = arith.constant 0 : i32
      %cond3A_170 = arith.cmpi ne, %convert_element_type3A_168, %cond3A_169 : i32
      scf.if %cond3A_170 {
        %add3A_184 = arith.constant 2 : i32
        %add3A_185 = arith.addi %add3A_158, %add3A_184 : i32
        %mul3A_186 = arith.constant 80 : i32
        %mul3A_187 = arith.muli %add3A_185, %mul3A_186 : i32
        %add3A_188 = arith.addi %mul3A_2, %mul3A_187 : i32
        %dma_start3A_189 = arith.constant 0 : i32
        %dma_start3A_190 = tpu.memref_slice %arg2[%add3A_188, %dma_start3A_189] : memref<320000x64xf32, #tpu.memory_space<hbm>> -> memref<80x64xf32, #tpu.memory_space<hbm>>
        %dma_start3A_191 = arith.constant 0 : i32
        %dma_start3A_192 = tpu.memref_slice %arg2[%add3A_188, %dma_start3A_191] : memref<320000x64xf32, #tpu.memory_space<hbm>> -> memref<80x64xf32, #tpu.memory_space<hbm>>
        tpu.enqueue_dma source(%dma_start3A_192 : memref<80x64xf32, #tpu.memory_space<hbm>>) target(%arg8 : memref<80x64xf32, #tpu.memory_space<vmem>>) target_semaphore(%arg13 : memref<!tpu.dma_semaphore, #tpu.memory_space<semaphore_mem>>)
      } else {
      }
      %mul3A_171 = arith.constant 80 : i32
      %mul3A_172 = arith.muli %add3A_158, %mul3A_171 : i32
      %add3A_173 = arith.addi %mul3A_2, %mul3A_172 : i32
      %dma_wait3A_174 = arith.constant 0 : i32
      %dma_wait3A_175 = tpu.memref_slice %arg2[%add3A_173, %dma_wait3A_174] : memref<320000x64xf32, #tpu.memory_space<hbm>> -> memref<80x64xf32, #tpu.memory_space<hbm>>
      %dma_wait3A_176 = arith.constant 0 : i32
      %dma_wait3A_177 = tpu.memref_slice %arg2[%add3A_173, %dma_wait3A_176] : memref<320000x64xf32, #tpu.memory_space<hbm>> -> memref<80x64xf32, #tpu.memory_space<hbm>>
      tpu.wait_dma2 semaphore(%arg16 : memref<!tpu.dma_semaphore, #tpu.memory_space<semaphore_mem>>) src(%dma_wait3A_177 : memref<80x64xf32, #tpu.memory_space<hbm>>) dst(%arg11 : memref<80x64xf32, #tpu.memory_space<vmem>>)
      %dma_start3A_178 = arith.constant 0 : i32
      %dma_start3A_179 = tpu.memref_slice %arg6[%add3A_158, %dma_start3A_178] : memref<125x80xi32, #tpu.memory_space<vmem>> -> memref<1x80xi32, #tpu.memory_space<vmem>>
      %dma_start3A_180 = tpu.memref_squeeze %dma_start3A_179 : memref<1x80xi32, #tpu.memory_space<vmem>> -> memref<80xi32, #tpu.memory_space<vmem>>
      %dma_start3A_181 = arith.constant 0 : i32
      %dma_start3A_182 = arith.constant 0 : i32
      %dma_start3A_183 = tpu.memref_slice %arg22[%dma_start3A_181, %dma_start3A_182] : memref<10240x64xf32, #tpu.memory_space<vmem_shared>> -> memref<10240x64xf32, #tpu.memory_space<vmem_shared>>
      tpu.enqueue_indirect_dma source(%arg11 : memref<80x64xf32, #tpu.memory_space<vmem>>) target(%dma_start3A_183 : memref<10240x64xf32, #tpu.memory_space<vmem_shared>>) offsets(%dma_start3A_180 : memref<80xi32, #tpu.memory_space<vmem>>) semaphore(%arg21 : memref<!tpu.dma_semaphore, #tpu.memory_space<semaphore_mem>>) {add = true}
    }
    %scan3A_20 = arith.constant 25 : i32
    %dma_wait3A = arith.constant 0 : i32
    %dma_wait3A_21 = arith.constant 0 : i32
    %dma_wait3A_22 = tpu.memref_slice %arg6[%dma_wait3A, %dma_wait3A_21] : memref<125x80xi32, #tpu.memory_space<vmem>> -> memref<1x80xi32, #tpu.memory_space<vmem>>
    %dma_wait3A_23 = tpu.memref_squeeze %dma_wait3A_22 : memref<1x80xi32, #tpu.memory_space<vmem>> -> memref<80xi32, #tpu.memory_space<vmem>>
    %dma_wait3A_24 = arith.constant 0 : i32
    %dma_wait3A_25 = arith.constant 0 : i32
    %dma_wait3A_26 = tpu.memref_slice %arg22[%dma_wait3A_24, %dma_wait3A_25] : memref<10240x64xf32, #tpu.memory_space<vmem_shared>> -> memref<10240x64xf32, #tpu.memory_space<vmem_shared>>
    tpu.wait_indirect_dma semaphore(%arg19 : memref<!tpu.dma_semaphore, #tpu.memory_space<semaphore_mem>>) src(%arg9 : memref<80x64xf32, #tpu.memory_space<vmem>>) dst(%dma_wait3A_26 : memref<10240x64xf32, #tpu.memory_space<vmem_shared>>)
    %dma_wait3A_27 = arith.constant 0 : i32
    %dma_wait3A_28 = arith.constant 0 : i32
    %dma_wait3A_29 = tpu.memref_slice %arg6[%dma_wait3A_27, %dma_wait3A_28] : memref<125x80xi32, #tpu.memory_space<vmem>> -> memref<1x80xi32, #tpu.memory_space<vmem>>
    %dma_wait3A_30 = tpu.memref_squeeze %dma_wait3A_29 : memref<1x80xi32, #tpu.memory_space<vmem>> -> memref<80xi32, #tpu.memory_space<vmem>>
    %dma_wait3A_31 = arith.constant 0 : i32
    %dma_wait3A_32 = arith.constant 0 : i32
    %dma_wait3A_33 = tpu.memref_slice %arg22[%dma_wait3A_31, %dma_wait3A_32] : memref<10240x64xf32, #tpu.memory_space<vmem_shared>> -> memref<10240x64xf32, #tpu.memory_space<vmem_shared>>
    tpu.wait_indirect_dma semaphore(%arg20 : memref<!tpu.dma_semaphore, #tpu.memory_space<semaphore_mem>>) src(%arg10 : memref<80x64xf32, #tpu.memory_space<vmem>>) dst(%dma_wait3A_33 : memref<10240x64xf32, #tpu.memory_space<vmem_shared>>)
    %dma_wait3A_34 = arith.constant 0 : i32
    %dma_wait3A_35 = arith.constant 0 : i32
    %dma_wait3A_36 = tpu.memref_slice %arg6[%dma_wait3A_34, %dma_wait3A_35] : memref<125x80xi32, #tpu.memory_space<vmem>> -> memref<1x80xi32, #tpu.memory_space<vmem>>
    %dma_wait3A_37 = tpu.memref_squeeze %dma_wait3A_36 : memref<1x80xi32, #tpu.memory_space<vmem>> -> memref<80xi32, #tpu.memory_space<vmem>>
    %dma_wait3A_38 = arith.constant 0 : i32
    %dma_wait3A_39 = arith.constant 0 : i32
    %dma_wait3A_40 = tpu.memref_slice %arg22[%dma_wait3A_38, %dma_wait3A_39] : memref<10240x64xf32, #tpu.memory_space<vmem_shared>> -> memref<10240x64xf32, #tpu.memory_space<vmem_shared>>
    tpu.wait_indirect_dma semaphore(%arg21 : memref<!tpu.dma_semaphore, #tpu.memory_space<semaphore_mem>>) src(%arg11 : memref<80x64xf32, #tpu.memory_space<vmem>>) dst(%dma_wait3A_40 : memref<10240x64xf32, #tpu.memory_space<vmem_shared>>)
    %barrier3A_41 = arith.constant 0 : index
    tpu.barrier barrier_id(%barrier3A_41)
    "tpu.region"() ({
      %run_scoped3A = tpu.sem_alloc : memref<!tpu.dma_semaphore, #tpu.memory_space<semaphore_mem>>
      %dma_start3A_42 = arith.constant 0 : i32
      %dma_start3A_43 = tpu.memref_slice %arg5[%arg0, %mul3A_4, %dma_start3A_42] : memref<2x10240x64xf32, #tpu.memory_space<hbm>> -> memref<1x640x64xf32, #tpu.memory_space<hbm>>
      %dma_start3A_44 = tpu.memref_squeeze %dma_start3A_43 : memref<1x640x64xf32, #tpu.memory_space<hbm>> -> memref<640x64xf32, #tpu.memory_space<hbm>>
      %dma_start3A_45 = arith.constant 0 : i32
      %dma_start3A_46 = tpu.memref_slice %arg22[%mul3A_4, %dma_start3A_45] : memref<10240x64xf32, #tpu.memory_space<vmem_shared>> -> memref<640x64xf32, #tpu.memory_space<vmem_shared>>
      tpu.enqueue_dma source(%dma_start3A_46 : memref<640x64xf32, #tpu.memory_space<vmem_shared>>) target(%dma_start3A_44 : memref<640x64xf32, #tpu.memory_space<hbm>>) target_semaphore(%run_scoped3A : memref<!tpu.dma_semaphore, #tpu.memory_space<semaphore_mem>>)
      %dma_wait3A_47 = arith.constant 0 : i32
      %dma_wait3A_48 = tpu.memref_slice %arg5[%arg0, %mul3A_4, %dma_wait3A_47] : memref<2x10240x64xf32, #tpu.memory_space<hbm>> -> memref<1x640x64xf32, #tpu.memory_space<hbm>>
      %dma_wait3A_49 = tpu.memref_squeeze %dma_wait3A_48 : memref<1x640x64xf32, #tpu.memory_space<hbm>> -> memref<640x64xf32, #tpu.memory_space<hbm>>
      %dma_wait3A_50 = arith.constant 0 : i32
      %dma_wait3A_51 = tpu.memref_slice %arg22[%mul3A_4, %dma_wait3A_50] : memref<10240x64xf32, #tpu.memory_space<vmem_shared>> -> memref<640x64xf32, #tpu.memory_space<vmem_shared>>
      tpu.wait_dma2 semaphore(%run_scoped3A : memref<!tpu.dma_semaphore, #tpu.memory_space<semaphore_mem>>) src(%dma_wait3A_51 : memref<640x64xf32, #tpu.memory_space<vmem_shared>>) dst(%dma_wait3A_49 : memref<640x64xf32, #tpu.memory_space<hbm>>)
      tpu.yield
    }) : () -> ()
    return
  }
}

module attributes {stable_mosaic.version = 14 : i64} {
  func.func @body(%arg0: i32, %arg1: memref<2000x128xf32, #tpu.memory_space<vmem>>, %arg2: memref<128x64xf32, #tpu.memory_space<vmem>>, %arg3: memref<1x64xf32, #tpu.memory_space<vmem>>, %arg4: memref<64x64xf32, #tpu.memory_space<vmem>>, %arg5: memref<1x64xf32, #tpu.memory_space<vmem>>, %arg6: memref<64x64xf32, #tpu.memory_space<vmem>>, %arg7: memref<1x64xf32, #tpu.memory_space<vmem>>, %arg8: memref<2000x64xf32, #tpu.memory_space<vmem>>, %arg9: memref<2000x64xf32, #tpu.memory_space<vmem>>) attributes {dimension_semantics = [#tpu.dimension_semantics<arbitrary>], iteration_bounds = array<i64: 5>, scalar_prefetch = 0 : i64, scratch_operands = 0 : i64, tpu.core_type = #tpu.core_type<tc>, window_params = [{transform_indices = @transform_0, window_bounds = array<i64: 2000, 128>}, {pipeline_mode = #tpu.pipeline_mode<synchronous>, transform_indices = @transform_1, window_bounds = array<i64: 128, 64>}, {pipeline_mode = #tpu.pipeline_mode<synchronous>, transform_indices = @transform_2, window_bounds = array<i64: 1, 64>}, {pipeline_mode = #tpu.pipeline_mode<synchronous>, transform_indices = @transform_3, window_bounds = array<i64: 64, 64>}, {pipeline_mode = #tpu.pipeline_mode<synchronous>, transform_indices = @transform_4, window_bounds = array<i64: 1, 64>}, {pipeline_mode = #tpu.pipeline_mode<synchronous>, transform_indices = @transform_5, window_bounds = array<i64: 64, 64>}, {pipeline_mode = #tpu.pipeline_mode<synchronous>, transform_indices = @transform_6, window_bounds = array<i64: 1, 64>}, {transform_indices = @transform_7, window_bounds = array<i64: 2000, 64>}, {transform_indices = @transform_8, window_bounds = array<i64: 2000, 64>}]} {
    %get3A = arith.constant 0 : index
    %get3A_0 = arith.constant 0 : index
    %get3A_1 = vector.load %arg1[%get3A, %get3A_0] : memref<2000x128xf32, #tpu.memory_space<vmem>>, vector<2000x128xf32>
    %get3A_2 = arith.constant 0 : index
    %get3A_3 = arith.constant 0 : index
    %get3A_4 = vector.load %arg2[%get3A_2, %get3A_3] : memref<128x64xf32, #tpu.memory_space<vmem>>, vector<128x64xf32>
    %dot_general3A = arith.constant dense<0.000000e+00> : vector<2000x64xf32>
    %dot_general3A_5 = tpu.matmul %get3A_1, %get3A_4, %dot_general3A {dimension_numbers = #tpu.dot_dimension_numbers<[1], [0], [0], [1], [0, 0, 1, 1], [], []>, transpose_lhs_hint = false} : vector<2000x128xf32>, vector<128x64xf32>, vector<2000x64xf32> -> vector<2000x64xf32>
    %get3A_6 = arith.constant 0 : index
    %get3A_7 = arith.constant 0 : index
    %get3A_8 = vector.load %arg3[%get3A_6, %get3A_7] : memref<1x64xf32, #tpu.memory_space<vmem>>, vector<1x64xf32>
    %add3A = vector.broadcast %get3A_8 : vector<1x64xf32> to vector<2000x64xf32>
    %add3A_9 = arith.addf %dot_general3A_5, %add3A : vector<2000x64xf32>
    %max3A = arith.constant 0.000000e+00 : f32
    %max3A_10 = vector.broadcast %max3A : f32 to vector<2000x64xf32>
    %max3A_11 = arith.maximumf %add3A_9, %max3A_10 : vector<2000x64xf32>
    %get3A_12 = arith.constant 0 : index
    %get3A_13 = arith.constant 0 : index
    %get3A_14 = vector.load %arg4[%get3A_12, %get3A_13] : memref<64x64xf32, #tpu.memory_space<vmem>>, vector<64x64xf32>
    %dot_general3A_15 = arith.constant dense<0.000000e+00> : vector<2000x64xf32>
    %dot_general3A_16 = tpu.matmul %max3A_11, %get3A_14, %dot_general3A_15 {dimension_numbers = #tpu.dot_dimension_numbers<[1], [0], [0], [1], [0, 0, 1, 1], [], []>, transpose_lhs_hint = false} : vector<2000x64xf32>, vector<64x64xf32>, vector<2000x64xf32> -> vector<2000x64xf32>
    %get3A_17 = arith.constant 0 : index
    %get3A_18 = arith.constant 0 : index
    %get3A_19 = vector.load %arg5[%get3A_17, %get3A_18] : memref<1x64xf32, #tpu.memory_space<vmem>>, vector<1x64xf32>
    %add3A_20 = vector.broadcast %get3A_19 : vector<1x64xf32> to vector<2000x64xf32>
    %add3A_21 = arith.addf %dot_general3A_16, %add3A_20 : vector<2000x64xf32>
    %max3A_22 = arith.constant 0.000000e+00 : f32
    %max3A_23 = vector.broadcast %max3A_22 : f32 to vector<2000x64xf32>
    %max3A_24 = arith.maximumf %add3A_21, %max3A_23 : vector<2000x64xf32>
    %swap3A = arith.constant 0 : index
    %swap3A_25 = arith.constant 0 : index
    %swap3A_26 = vector.load %arg8[%swap3A, %swap3A_25] : memref<2000x64xf32, #tpu.memory_space<vmem>>, vector<2000x64xf32>
    tpu.vector_store %arg8[%swap3A, %swap3A_25], %max3A_24 {strides = array<i32>} : memref<2000x64xf32, #tpu.memory_space<vmem>>, vector<2000x64xf32>,
    %get3A_27 = arith.constant 0 : index
    %get3A_28 = arith.constant 0 : index
    %get3A_29 = vector.load %arg6[%get3A_27, %get3A_28] : memref<64x64xf32, #tpu.memory_space<vmem>>, vector<64x64xf32>
    %dot_general3A_30 = arith.constant dense<0.000000e+00> : vector<2000x64xf32>
    %dot_general3A_31 = tpu.matmul %max3A_24, %get3A_29, %dot_general3A_30 {dimension_numbers = #tpu.dot_dimension_numbers<[1], [0], [0], [1], [0, 0, 1, 1], [], []>, transpose_lhs_hint = false} : vector<2000x64xf32>, vector<64x64xf32>, vector<2000x64xf32> -> vector<2000x64xf32>
    %get3A_32 = arith.constant 0 : index
    %get3A_33 = arith.constant 0 : index
    %get3A_34 = vector.load %arg7[%get3A_32, %get3A_33] : memref<1x64xf32, #tpu.memory_space<vmem>>, vector<1x64xf32>
    %add3A_35 = vector.broadcast %get3A_34 : vector<1x64xf32> to vector<2000x64xf32>
    %add3A_36 = arith.addf %dot_general3A_31, %add3A_35 : vector<2000x64xf32>
    %swap3A_37 = arith.constant 0 : index
    %swap3A_38 = arith.constant 0 : index
    %swap3A_39 = vector.load %arg9[%swap3A_37, %swap3A_38] : memref<2000x64xf32, #tpu.memory_space<vmem>>, vector<2000x64xf32>
    tpu.vector_store %arg9[%swap3A_37, %swap3A_38], %add3A_36 {strides = array<i32>} : memref<2000x64xf32, #tpu.memory_space<vmem>>, vector<2000x64xf32>,
    return
  }
  func.func @transform_0(%arg0: i32) -> (i32, i32) {
    %c0_i32 = arith.constant 0 : i32
    %c0_i32_0 = arith.constant 0 : i32
    return %arg0, %c0_i32 : i32, i32
  }
  func.func @transform_1(%arg0: i32) -> (i32, i32) {
    %c0_i32 = arith.constant 0 : i32
    %c0_i32_0 = arith.constant 0 : i32
    %c0_i32_1 = arith.constant 0 : i32
    return %c0_i32, %c0_i32_0 : i32, i32
  }
  func.func @transform_2(%arg0: i32) -> (i32, i32) {
    %c0_i32 = arith.constant 0 : i32
    %c0_i32_0 = arith.constant 0 : i32
    %c0_i32_1 = arith.constant 0 : i32
    return %c0_i32, %c0_i32_0 : i32, i32
  }
  func.func @transform_3(%arg0: i32) -> (i32, i32) {
    %c0_i32 = arith.constant 0 : i32
    %c0_i32_0 = arith.constant 0 : i32
    %c0_i32_1 = arith.constant 0 : i32
    return %c0_i32, %c0_i32_0 : i32, i32
  }
  func.func @transform_4(%arg0: i32) -> (i32, i32) {
    %c0_i32 = arith.constant 0 : i32
    %c0_i32_0 = arith.constant 0 : i32
    %c0_i32_1 = arith.constant 0 : i32
    return %c0_i32, %c0_i32_0 : i32, i32
  }
  func.func @transform_5(%arg0: i32) -> (i32, i32) {
    %c0_i32 = arith.constant 0 : i32
    %c0_i32_0 = arith.constant 0 : i32
    %c0_i32_1 = arith.constant 0 : i32
    return %c0_i32, %c0_i32_0 : i32, i32
  }
  func.func @transform_6(%arg0: i32) -> (i32, i32) {
    %c0_i32 = arith.constant 0 : i32
    %c0_i32_0 = arith.constant 0 : i32
    %c0_i32_1 = arith.constant 0 : i32
    return %c0_i32, %c0_i32_0 : i32, i32
  }
  func.func @transform_7(%arg0: i32) -> (i32, i32) {
    %c0_i32 = arith.constant 0 : i32
    %c0_i32_0 = arith.constant 0 : i32
    return %arg0, %c0_i32 : i32, i32
  }
  func.func @transform_8(%arg0: i32) -> (i32, i32) {
    %c0_i32 = arith.constant 0 : i32
    %c0_i32_0 = arith.constant 0 : i32
    return %arg0, %c0_i32 : i32, i32
  }
}

module attributes {stable_mosaic.version = 14 : i64} {
  func.func @body(%arg0: i32, %arg1: memref<4000x64xf32, #tpu.memory_space<vmem>>, %arg2: memref<4000x16xf32, #tpu.memory_space<vmem>>, %arg3: memref<16x64xf32, #tpu.memory_space<vmem>>, %arg4: memref<1x64xf32, #tpu.memory_space<vmem>>, %arg5: memref<64x64xf32, #tpu.memory_space<vmem>>, %arg6: memref<64x64xf32, #tpu.memory_space<vmem>>, %arg7: memref<1x64xf32, #tpu.memory_space<vmem>>, %arg8: memref<4000x64xf32, #tpu.memory_space<vmem>>) attributes {dimension_semantics = [#tpu.dimension_semantics<arbitrary>], iteration_bounds = array<i64: 80>, scalar_prefetch = 0 : i64, scratch_operands = 0 : i64, tpu.core_type = #tpu.core_type<tc>, window_params = [{transform_indices = @transform_0, window_bounds = array<i64: 4000, 64>}, {transform_indices = @transform_1, window_bounds = array<i64: 4000, 16>}, {pipeline_mode = #tpu.pipeline_mode<synchronous>, transform_indices = @transform_2, window_bounds = array<i64: 16, 64>}, {pipeline_mode = #tpu.pipeline_mode<synchronous>, transform_indices = @transform_3, window_bounds = array<i64: 1, 64>}, {pipeline_mode = #tpu.pipeline_mode<synchronous>, transform_indices = @transform_4, window_bounds = array<i64: 64, 64>}, {pipeline_mode = #tpu.pipeline_mode<synchronous>, transform_indices = @transform_5, window_bounds = array<i64: 64, 64>}, {pipeline_mode = #tpu.pipeline_mode<synchronous>, transform_indices = @transform_6, window_bounds = array<i64: 1, 64>}, {transform_indices = @transform_7, window_bounds = array<i64: 4000, 64>}]} {
    %get3A = arith.constant 0 : index
    %get3A_0 = arith.constant 0 : index
    %get3A_1 = vector.load %arg2[%get3A, %get3A_0] : memref<4000x16xf32, #tpu.memory_space<vmem>>, vector<4000x16xf32>
    %get3A_2 = arith.constant 0 : index
    %get3A_3 = arith.constant 0 : index
    %get3A_4 = vector.load %arg3[%get3A_2, %get3A_3] : memref<16x64xf32, #tpu.memory_space<vmem>>, vector<16x64xf32>
    %dot_general3A = arith.constant dense<0.000000e+00> : vector<4000x64xf32>
    %dot_general3A_5 = tpu.matmul %get3A_1, %get3A_4, %dot_general3A {dimension_numbers = #tpu.dot_dimension_numbers<[1], [0], [0], [1], [0, 0, 1, 1], [], []>, transpose_lhs_hint = false} : vector<4000x16xf32>, vector<16x64xf32>, vector<4000x64xf32> -> vector<4000x64xf32>
    %get3A_6 = arith.constant 0 : index
    %get3A_7 = arith.constant 0 : index
    %get3A_8 = vector.load %arg4[%get3A_6, %get3A_7] : memref<1x64xf32, #tpu.memory_space<vmem>>, vector<1x64xf32>
    %add3A = vector.broadcast %get3A_8 : vector<1x64xf32> to vector<4000x64xf32>
    %add3A_9 = arith.addf %dot_general3A_5, %add3A : vector<4000x64xf32>
    %max3A = arith.constant 0.000000e+00 : f32
    %max3A_10 = vector.broadcast %max3A : f32 to vector<4000x64xf32>
    %max3A_11 = arith.maximumf %add3A_9, %max3A_10 : vector<4000x64xf32>
    %get3A_12 = arith.constant 0 : index
    %get3A_13 = arith.constant 0 : index
    %get3A_14 = vector.load %arg1[%get3A_12, %get3A_13] : memref<4000x64xf32, #tpu.memory_space<vmem>>, vector<4000x64xf32>
    %get3A_15 = arith.constant 0 : index
    %get3A_16 = arith.constant 0 : index
    %get3A_17 = vector.load %arg5[%get3A_15, %get3A_16] : memref<64x64xf32, #tpu.memory_space<vmem>>, vector<64x64xf32>
    %dot_general3A_18 = arith.constant dense<0.000000e+00> : vector<4000x64xf32>
    %dot_general3A_19 = tpu.matmul %max3A_11, %get3A_17, %dot_general3A_18 {dimension_numbers = #tpu.dot_dimension_numbers<[1], [0], [0], [1], [0, 0, 1, 1], [], []>, transpose_lhs_hint = false} : vector<4000x64xf32>, vector<64x64xf32>, vector<4000x64xf32> -> vector<4000x64xf32>
    %add3A_20 = arith.addf %get3A_14, %dot_general3A_19 : vector<4000x64xf32>
    %max3A_21 = arith.constant 0.000000e+00 : f32
    %max3A_22 = vector.broadcast %max3A_21 : f32 to vector<4000x64xf32>
    %max3A_23 = arith.maximumf %add3A_20, %max3A_22 : vector<4000x64xf32>
    %get3A_24 = arith.constant 0 : index
    %get3A_25 = arith.constant 0 : index
    %get3A_26 = vector.load %arg6[%get3A_24, %get3A_25] : memref<64x64xf32, #tpu.memory_space<vmem>>, vector<64x64xf32>
    %dot_general3A_27 = arith.constant dense<0.000000e+00> : vector<4000x64xf32>
    %dot_general3A_28 = tpu.matmul %max3A_23, %get3A_26, %dot_general3A_27 {dimension_numbers = #tpu.dot_dimension_numbers<[1], [0], [0], [1], [0, 0, 1, 1], [], []>, transpose_lhs_hint = false} : vector<4000x64xf32>, vector<64x64xf32>, vector<4000x64xf32> -> vector<4000x64xf32>
    %get3A_29 = arith.constant 0 : index
    %get3A_30 = arith.constant 0 : index
    %get3A_31 = vector.load %arg7[%get3A_29, %get3A_30] : memref<1x64xf32, #tpu.memory_space<vmem>>, vector<1x64xf32>
    %add3A_32 = vector.broadcast %get3A_31 : vector<1x64xf32> to vector<4000x64xf32>
    %add3A_33 = arith.addf %dot_general3A_28, %add3A_32 : vector<4000x64xf32>
    %max3A_34 = arith.constant 0.000000e+00 : f32
    %max3A_35 = vector.broadcast %max3A_34 : f32 to vector<4000x64xf32>
    %max3A_36 = arith.maximumf %add3A_33, %max3A_35 : vector<4000x64xf32>
    %swap3A = arith.constant 0 : index
    %swap3A_37 = arith.constant 0 : index
    %swap3A_38 = vector.load %arg8[%swap3A, %swap3A_37] : memref<4000x64xf32, #tpu.memory_space<vmem>>, vector<4000x64xf32>
    tpu.vector_store %arg8[%swap3A, %swap3A_37], %max3A_36 {strides = array<i32>} : memref<4000x64xf32, #tpu.memory_space<vmem>>, vector<4000x64xf32>,
    return
  }
  func.func @transform_0(%arg0: i32) -> (i32, i32) {
    %c0_i32 = arith.constant 0 : i32
    %c0_i32_0 = arith.constant 0 : i32
    return %arg0, %c0_i32 : i32, i32
  }
  func.func @transform_1(%arg0: i32) -> (i32, i32) {
    %c0_i32 = arith.constant 0 : i32
    %c0_i32_0 = arith.constant 0 : i32
    return %arg0, %c0_i32 : i32, i32
  }
  func.func @transform_2(%arg0: i32) -> (i32, i32) {
    %c0_i32 = arith.constant 0 : i32
    %c0_i32_0 = arith.constant 0 : i32
    %c0_i32_1 = arith.constant 0 : i32
    return %c0_i32, %c0_i32_0 : i32, i32
  }
  func.func @transform_3(%arg0: i32) -> (i32, i32) {
    %c0_i32 = arith.constant 0 : i32
    %c0_i32_0 = arith.constant 0 : i32
    %c0_i32_1 = arith.constant 0 : i32
    return %c0_i32, %c0_i32_0 : i32, i32
  }
  func.func @transform_4(%arg0: i32) -> (i32, i32) {
    %c0_i32 = arith.constant 0 : i32
    %c0_i32_0 = arith.constant 0 : i32
    %c0_i32_1 = arith.constant 0 : i32
    return %c0_i32, %c0_i32_0 : i32, i32
  }
  func.func @transform_5(%arg0: i32) -> (i32, i32) {
    %c0_i32 = arith.constant 0 : i32
    %c0_i32_0 = arith.constant 0 : i32
    %c0_i32_1 = arith.constant 0 : i32
    return %c0_i32, %c0_i32_0 : i32, i32
  }
  func.func @transform_6(%arg0: i32) -> (i32, i32) {
    %c0_i32 = arith.constant 0 : i32
    %c0_i32_0 = arith.constant 0 : i32
    %c0_i32_1 = arith.constant 0 : i32
    return %c0_i32, %c0_i32_0 : i32, i32
  }
  func.func @transform_7(%arg0: i32) -> (i32, i32) {
    %c0_i32 = arith.constant 0 : i32
    %c0_i32_0 = arith.constant 0 : i32
    return %arg0, %c0_i32 : i32, i32
  }
}

module attributes {stable_mosaic.version = 14 : i64} {
  func.func @body(%arg0: i32, %arg1: memref<2000x64xf32, #tpu.memory_space<vmem>>, %arg2: memref<2000x64xf32, #tpu.memory_space<vmem>>, %arg3: memref<2000x64xf32, #tpu.memory_space<vmem>>, %arg4: memref<2000x16xf32, #tpu.memory_space<vmem>>, %arg5: memref<2000x16xf32, #tpu.memory_space<vmem>>, %arg6: memref<64x64xf32, #tpu.memory_space<vmem>>, %arg7: memref<64x64xf32, #tpu.memory_space<vmem>>, %arg8: memref<1x64xf32, #tpu.memory_space<vmem>>, %arg9: memref<64x64xf32, #tpu.memory_space<vmem>>, %arg10: memref<1x64xf32, #tpu.memory_space<vmem>>, %arg11: memref<64x64xf32, #tpu.memory_space<vmem>>, %arg12: memref<1x64xf32, #tpu.memory_space<vmem>>, %arg13: memref<2000x64xf32, #tpu.memory_space<vmem>>, %arg14: memref<2000x64xf32, #tpu.memory_space<vmem>>) attributes {dimension_semantics = [#tpu.dimension_semantics<arbitrary>], iteration_bounds = array<i64: 5>, scalar_prefetch = 0 : i64, scratch_operands = 0 : i64, tpu.core_type = #tpu.core_type<tc>, window_params = [{transform_indices = @transform_0, window_bounds = array<i64: 2000, 64>}, {transform_indices = @transform_1, window_bounds = array<i64: 2000, 64>}, {transform_indices = @transform_2, window_bounds = array<i64: 2000, 64>}, {transform_indices = @transform_3, window_bounds = array<i64: 2000, 16>}, {transform_indices = @transform_4, window_bounds = array<i64: 2000, 16>}, {pipeline_mode = #tpu.pipeline_mode<synchronous>, transform_indices = @transform_5, window_bounds = array<i64: 64, 64>}, {pipeline_mode = #tpu.pipeline_mode<synchronous>, transform_indices = @transform_6, window_bounds = array<i64: 64, 64>}, {pipeline_mode = #tpu.pipeline_mode<synchronous>, transform_indices = @transform_7, window_bounds = array<i64: 1, 64>}, {pipeline_mode = #tpu.pipeline_mode<synchronous>, transform_indices = @transform_8, window_bounds = array<i64: 64, 64>}, {pipeline_mode = #tpu.pipeline_mode<synchronous>, transform_indices = @transform_9, window_bounds = array<i64: 1, 64>}, {pipeline_mode = #tpu.pipeline_mode<synchronous>, transform_indices = @transform_10, window_bounds = array<i64: 64, 64>}, {pipeline_mode = #tpu.pipeline_mode<synchronous>, transform_indices = @transform_11, window_bounds = array<i64: 1, 64>}, {transform_indices = @transform_12, window_bounds = array<i64: 2000, 64>}, {transform_indices = @transform_13, window_bounds = array<i64: 2000, 64>}]} {
    %get3A = arith.constant 0 : index
    %get3A_0 = arith.constant 0 : index
    %get3A_1 = vector.load %arg4[%get3A, %get3A_0] : memref<2000x16xf32, #tpu.memory_space<vmem>>, vector<2000x16xf32>
    %get3A_2 = arith.constant 0 : index
    %get3A_3 = arith.constant 0 : index
    %get3A_4 = vector.load %arg5[%get3A_2, %get3A_3] : memref<2000x16xf32, #tpu.memory_space<vmem>>, vector<2000x16xf32>
    %add3A = arith.addf %get3A_1, %get3A_4 : vector<2000x16xf32>
    %get3A_5 = arith.constant 0 : index
    %get3A_6 = arith.constant 0 : index
    %get3A_7 = vector.load %arg2[%get3A_5, %get3A_6] : memref<2000x64xf32, #tpu.memory_space<vmem>>, vector<2000x64xf32>
    %get3A_8 = arith.constant 0 : index
    %get3A_9 = arith.constant 0 : index
    %get3A_10 = vector.load %arg3[%get3A_8, %get3A_9] : memref<2000x64xf32, #tpu.memory_space<vmem>>, vector<2000x64xf32>
    %add3A_11 = arith.addf %get3A_7, %get3A_10 : vector<2000x64xf32>
    %slice3A = vector.extract_strided_slice %add3A {offsets = [0, 0], sizes = [2000, 1], strides = [1, 1]} : vector<2000x16xf32> to vector<2000x1xf32>
    %max3A = arith.constant 1.000000e+00 : f32
    %max3A_12 = vector.broadcast %max3A : f32 to vector<2000x1xf32>
    %max3A_13 = arith.maximumf %slice3A, %max3A_12 : vector<2000x1xf32>
    %div3A = vector.broadcast %max3A_13 : vector<2000x1xf32> to vector<2000x64xf32>
    %div3A_14 = arith.divf %add3A_11, %div3A : vector<2000x64xf32>
    %get3A_15 = arith.constant 0 : index
    %get3A_16 = arith.constant 0 : index
    %get3A_17 = vector.load %arg1[%get3A_15, %get3A_16] : memref<2000x64xf32, #tpu.memory_space<vmem>>, vector<2000x64xf32>
    %get3A_18 = arith.constant 0 : index
    %get3A_19 = arith.constant 0 : index
    %get3A_20 = vector.load %arg6[%get3A_18, %get3A_19] : memref<64x64xf32, #tpu.memory_space<vmem>>, vector<64x64xf32>
    %dot_general3A = arith.constant dense<0.000000e+00> : vector<2000x64xf32>
    %dot_general3A_21 = tpu.matmul %get3A_17, %get3A_20, %dot_general3A {dimension_numbers = #tpu.dot_dimension_numbers<[1], [0], [0], [1], [0, 0, 1, 1], [], []>, transpose_lhs_hint = false} : vector<2000x64xf32>, vector<64x64xf32>, vector<2000x64xf32> -> vector<2000x64xf32>
    %get3A_22 = arith.constant 0 : index
    %get3A_23 = arith.constant 0 : index
    %get3A_24 = vector.load %arg7[%get3A_22, %get3A_23] : memref<64x64xf32, #tpu.memory_space<vmem>>, vector<64x64xf32>
    %dot_general3A_25 = arith.constant dense<0.000000e+00> : vector<2000x64xf32>
    %dot_general3A_26 = tpu.matmul %div3A_14, %get3A_24, %dot_general3A_25 {dimension_numbers = #tpu.dot_dimension_numbers<[1], [0], [0], [1], [0, 0, 1, 1], [], []>, transpose_lhs_hint = false} : vector<2000x64xf32>, vector<64x64xf32>, vector<2000x64xf32> -> vector<2000x64xf32>
    %add3A_27 = arith.addf %dot_general3A_21, %dot_general3A_26 : vector<2000x64xf32>
    %get3A_28 = arith.constant 0 : index
    %get3A_29 = arith.constant 0 : index
    %get3A_30 = vector.load %arg8[%get3A_28, %get3A_29] : memref<1x64xf32, #tpu.memory_space<vmem>>, vector<1x64xf32>
    %add3A_31 = vector.broadcast %get3A_30 : vector<1x64xf32> to vector<2000x64xf32>
    %add3A_32 = arith.addf %add3A_27, %add3A_31 : vector<2000x64xf32>
    %max3A_33 = arith.constant 0.000000e+00 : f32
    %max3A_34 = vector.broadcast %max3A_33 : f32 to vector<2000x64xf32>
    %max3A_35 = arith.maximumf %add3A_32, %max3A_34 : vector<2000x64xf32>
    %get3A_36 = arith.constant 0 : index
    %get3A_37 = arith.constant 0 : index
    %get3A_38 = vector.load %arg9[%get3A_36, %get3A_37] : memref<64x64xf32, #tpu.memory_space<vmem>>, vector<64x64xf32>
    %dot_general3A_39 = arith.constant dense<0.000000e+00> : vector<2000x64xf32>
    %dot_general3A_40 = tpu.matmul %max3A_35, %get3A_38, %dot_general3A_39 {dimension_numbers = #tpu.dot_dimension_numbers<[1], [0], [0], [1], [0, 0, 1, 1], [], []>, transpose_lhs_hint = false} : vector<2000x64xf32>, vector<64x64xf32>, vector<2000x64xf32> -> vector<2000x64xf32>
    %get3A_41 = arith.constant 0 : index
    %get3A_42 = arith.constant 0 : index
    %get3A_43 = vector.load %arg10[%get3A_41, %get3A_42] : memref<1x64xf32, #tpu.memory_space<vmem>>, vector<1x64xf32>
    %add3A_44 = vector.broadcast %get3A_43 : vector<1x64xf32> to vector<2000x64xf32>
    %add3A_45 = arith.addf %dot_general3A_40, %add3A_44 : vector<2000x64xf32>
    %max3A_46 = arith.constant 0.000000e+00 : f32
    %max3A_47 = vector.broadcast %max3A_46 : f32 to vector<2000x64xf32>
    %max3A_48 = arith.maximumf %add3A_45, %max3A_47 : vector<2000x64xf32>
    %swap3A = arith.constant 0 : index
    %swap3A_49 = arith.constant 0 : index
    %swap3A_50 = vector.load %arg13[%swap3A, %swap3A_49] : memref<2000x64xf32, #tpu.memory_space<vmem>>, vector<2000x64xf32>
    tpu.vector_store %arg13[%swap3A, %swap3A_49], %max3A_48 {strides = array<i32>} : memref<2000x64xf32, #tpu.memory_space<vmem>>, vector<2000x64xf32>,
    %get3A_51 = arith.constant 0 : index
    %get3A_52 = arith.constant 0 : index
    %get3A_53 = vector.load %arg11[%get3A_51, %get3A_52] : memref<64x64xf32, #tpu.memory_space<vmem>>, vector<64x64xf32>
    %dot_general3A_54 = arith.constant dense<0.000000e+00> : vector<2000x64xf32>
    %dot_general3A_55 = tpu.matmul %max3A_48, %get3A_53, %dot_general3A_54 {dimension_numbers = #tpu.dot_dimension_numbers<[1], [0], [0], [1], [0, 0, 1, 1], [], []>, transpose_lhs_hint = false} : vector<2000x64xf32>, vector<64x64xf32>, vector<2000x64xf32> -> vector<2000x64xf32>
    %get3A_56 = arith.constant 0 : index
    %get3A_57 = arith.constant 0 : index
    %get3A_58 = vector.load %arg12[%get3A_56, %get3A_57] : memref<1x64xf32, #tpu.memory_space<vmem>>, vector<1x64xf32>
    %add3A_59 = vector.broadcast %get3A_58 : vector<1x64xf32> to vector<2000x64xf32>
    %add3A_60 = arith.addf %dot_general3A_55, %add3A_59 : vector<2000x64xf32>
    %swap3A_61 = arith.constant 0 : index
    %swap3A_62 = arith.constant 0 : index
    %swap3A_63 = vector.load %arg14[%swap3A_61, %swap3A_62] : memref<2000x64xf32, #tpu.memory_space<vmem>>, vector<2000x64xf32>
    tpu.vector_store %arg14[%swap3A_61, %swap3A_62], %add3A_60 {strides = array<i32>} : memref<2000x64xf32, #tpu.memory_space<vmem>>, vector<2000x64xf32>,
    return
  }
  func.func @transform_0(%arg0: i32) -> (i32, i32) {
    %c0_i32 = arith.constant 0 : i32
    %c0_i32_0 = arith.constant 0 : i32
    return %arg0, %c0_i32 : i32, i32
  }
  func.func @transform_1(%arg0: i32) -> (i32, i32) {
    %c0_i32 = arith.constant 0 : i32
    %c0_i32_0 = arith.constant 0 : i32
    return %arg0, %c0_i32 : i32, i32
  }
  func.func @transform_2(%arg0: i32) -> (i32, i32) {
    %c0_i32 = arith.constant 0 : i32
    %c0_i32_0 = arith.constant 0 : i32
    return %arg0, %c0_i32 : i32, i32
  }
  func.func @transform_3(%arg0: i32) -> (i32, i32) {
    %c0_i32 = arith.constant 0 : i32
    %c0_i32_0 = arith.constant 0 : i32
    return %arg0, %c0_i32 : i32, i32
  }
  func.func @transform_4(%arg0: i32) -> (i32, i32) {
    %c0_i32 = arith.constant 0 : i32
    %c0_i32_0 = arith.constant 0 : i32
    return %arg0, %c0_i32 : i32, i32
  }
  func.func @transform_5(%arg0: i32) -> (i32, i32) {
    %c0_i32 = arith.constant 0 : i32
    %c0_i32_0 = arith.constant 0 : i32
    %c0_i32_1 = arith.constant 0 : i32
    return %c0_i32, %c0_i32_0 : i32, i32
  }
  func.func @transform_6(%arg0: i32) -> (i32, i32) {
    %c0_i32 = arith.constant 0 : i32
    %c0_i32_0 = arith.constant 0 : i32
    %c0_i32_1 = arith.constant 0 : i32
    return %c0_i32, %c0_i32_0 : i32, i32
  }
  func.func @transform_7(%arg0: i32) -> (i32, i32) {
    %c0_i32 = arith.constant 0 : i32
    %c0_i32_0 = arith.constant 0 : i32
    %c0_i32_1 = arith.constant 0 : i32
    return %c0_i32, %c0_i32_0 : i32, i32
  }
  func.func @transform_8(%arg0: i32) -> (i32, i32) {
    %c0_i32 = arith.constant 0 : i32
    %c0_i32_0 = arith.constant 0 : i32
    %c0_i32_1 = arith.constant 0 : i32
    return %c0_i32, %c0_i32_0 : i32, i32
  }
  func.func @transform_9(%arg0: i32) -> (i32, i32) {
    %c0_i32 = arith.constant 0 : i32
    %c0_i32_0 = arith.constant 0 : i32
    %c0_i32_1 = arith.constant 0 : i32
    return %c0_i32, %c0_i32_0 : i32, i32
  }
  func.func @transform_10(%arg0: i32) -> (i32, i32) {
    %c0_i32 = arith.constant 0 : i32
    %c0_i32_0 = arith.constant 0 : i32
    %c0_i32_1 = arith.constant 0 : i32
    return %c0_i32, %c0_i32_0 : i32, i32
  }
  func.func @transform_11(%arg0: i32) -> (i32, i32) {
    %c0_i32 = arith.constant 0 : i32
    %c0_i32_0 = arith.constant 0 : i32
    %c0_i32_1 = arith.constant 0 : i32
    return %c0_i32, %c0_i32_0 : i32, i32
  }
  func.func @transform_12(%arg0: i32) -> (i32, i32) {
    %c0_i32 = arith.constant 0 : i32
    %c0_i32_0 = arith.constant 0 : i32
    return %arg0, %c0_i32 : i32, i32
  }
  func.func @transform_13(%arg0: i32) -> (i32, i32) {
    %c0_i32 = arith.constant 0 : i32
    %c0_i32_0 = arith.constant 0 : i32
    return %arg0, %c0_i32 : i32, i32
  }
}

module attributes {stable_mosaic.version = 14 : i64} {
  func.func @body(%arg0: i32, %arg1: memref<2000x64xf32, #tpu.memory_space<vmem>>, %arg2: memref<2000x64xf32, #tpu.memory_space<vmem>>, %arg3: memref<2000x64xf32, #tpu.memory_space<vmem>>, %arg4: memref<2000x16xf32, #tpu.memory_space<vmem>>, %arg5: memref<2000x16xf32, #tpu.memory_space<vmem>>, %arg6: memref<64x64xf32, #tpu.memory_space<vmem>>, %arg7: memref<64x64xf32, #tpu.memory_space<vmem>>, %arg8: memref<1x64xf32, #tpu.memory_space<vmem>>, %arg9: memref<64x64xf32, #tpu.memory_space<vmem>>, %arg10: memref<1x64xf32, #tpu.memory_space<vmem>>, %arg11: memref<64x64xf32, #tpu.memory_space<vmem>>, %arg12: memref<1x64xf32, #tpu.memory_space<vmem>>, %arg13: memref<64x128xf32, #tpu.memory_space<vmem>>, %arg14: memref<1x128xf32, #tpu.memory_space<vmem>>, %arg15: memref<2000x128xf32, #tpu.memory_space<vmem>>) attributes {dimension_semantics = [#tpu.dimension_semantics<arbitrary>], iteration_bounds = array<i64: 5>, scalar_prefetch = 0 : i64, scratch_operands = 0 : i64, tpu.core_type = #tpu.core_type<tc>, window_params = [{transform_indices = @transform_0, window_bounds = array<i64: 2000, 64>}, {transform_indices = @transform_1, window_bounds = array<i64: 2000, 64>}, {transform_indices = @transform_2, window_bounds = array<i64: 2000, 64>}, {transform_indices = @transform_3, window_bounds = array<i64: 2000, 16>}, {transform_indices = @transform_4, window_bounds = array<i64: 2000, 16>}, {pipeline_mode = #tpu.pipeline_mode<synchronous>, transform_indices = @transform_5, window_bounds = array<i64: 64, 64>}, {pipeline_mode = #tpu.pipeline_mode<synchronous>, transform_indices = @transform_6, window_bounds = array<i64: 64, 64>}, {pipeline_mode = #tpu.pipeline_mode<synchronous>, transform_indices = @transform_7, window_bounds = array<i64: 1, 64>}, {pipeline_mode = #tpu.pipeline_mode<synchronous>, transform_indices = @transform_8, window_bounds = array<i64: 64, 64>}, {pipeline_mode = #tpu.pipeline_mode<synchronous>, transform_indices = @transform_9, window_bounds = array<i64: 1, 64>}, {pipeline_mode = #tpu.pipeline_mode<synchronous>, transform_indices = @transform_10, window_bounds = array<i64: 64, 64>}, {pipeline_mode = #tpu.pipeline_mode<synchronous>, transform_indices = @transform_11, window_bounds = array<i64: 1, 64>}, {pipeline_mode = #tpu.pipeline_mode<synchronous>, transform_indices = @transform_12, window_bounds = array<i64: 64, 128>}, {pipeline_mode = #tpu.pipeline_mode<synchronous>, transform_indices = @transform_13, window_bounds = array<i64: 1, 128>}, {transform_indices = @transform_14, window_bounds = array<i64: 2000, 128>}]} {
    %get3A = arith.constant 0 : index
    %get3A_0 = arith.constant 0 : index
    %get3A_1 = vector.load %arg4[%get3A, %get3A_0] : memref<2000x16xf32, #tpu.memory_space<vmem>>, vector<2000x16xf32>
    %get3A_2 = arith.constant 0 : index
    %get3A_3 = arith.constant 0 : index
    %get3A_4 = vector.load %arg5[%get3A_2, %get3A_3] : memref<2000x16xf32, #tpu.memory_space<vmem>>, vector<2000x16xf32>
    %add3A = arith.addf %get3A_1, %get3A_4 : vector<2000x16xf32>
    %get3A_5 = arith.constant 0 : index
    %get3A_6 = arith.constant 0 : index
    %get3A_7 = vector.load %arg2[%get3A_5, %get3A_6] : memref<2000x64xf32, #tpu.memory_space<vmem>>, vector<2000x64xf32>
    %get3A_8 = arith.constant 0 : index
    %get3A_9 = arith.constant 0 : index
    %get3A_10 = vector.load %arg3[%get3A_8, %get3A_9] : memref<2000x64xf32, #tpu.memory_space<vmem>>, vector<2000x64xf32>
    %add3A_11 = arith.addf %get3A_7, %get3A_10 : vector<2000x64xf32>
    %slice3A = vector.extract_strided_slice %add3A {offsets = [0, 0], sizes = [2000, 1], strides = [1, 1]} : vector<2000x16xf32> to vector<2000x1xf32>
    %max3A = arith.constant 1.000000e+00 : f32
    %max3A_12 = vector.broadcast %max3A : f32 to vector<2000x1xf32>
    %max3A_13 = arith.maximumf %slice3A, %max3A_12 : vector<2000x1xf32>
    %div3A = vector.broadcast %max3A_13 : vector<2000x1xf32> to vector<2000x64xf32>
    %div3A_14 = arith.divf %add3A_11, %div3A : vector<2000x64xf32>
    %get3A_15 = arith.constant 0 : index
    %get3A_16 = arith.constant 0 : index
    %get3A_17 = vector.load %arg1[%get3A_15, %get3A_16] : memref<2000x64xf32, #tpu.memory_space<vmem>>, vector<2000x64xf32>
    %get3A_18 = arith.constant 0 : index
    %get3A_19 = arith.constant 0 : index
    %get3A_20 = vector.load %arg6[%get3A_18, %get3A_19] : memref<64x64xf32, #tpu.memory_space<vmem>>, vector<64x64xf32>
    %dot_general3A = arith.constant dense<0.000000e+00> : vector<2000x64xf32>
    %dot_general3A_21 = tpu.matmul %get3A_17, %get3A_20, %dot_general3A {dimension_numbers = #tpu.dot_dimension_numbers<[1], [0], [0], [1], [0, 0, 1, 1], [], []>, transpose_lhs_hint = false} : vector<2000x64xf32>, vector<64x64xf32>, vector<2000x64xf32> -> vector<2000x64xf32>
    %get3A_22 = arith.constant 0 : index
    %get3A_23 = arith.constant 0 : index
    %get3A_24 = vector.load %arg7[%get3A_22, %get3A_23] : memref<64x64xf32, #tpu.memory_space<vmem>>, vector<64x64xf32>
    %dot_general3A_25 = arith.constant dense<0.000000e+00> : vector<2000x64xf32>
    %dot_general3A_26 = tpu.matmul %div3A_14, %get3A_24, %dot_general3A_25 {dimension_numbers = #tpu.dot_dimension_numbers<[1], [0], [0], [1], [0, 0, 1, 1], [], []>, transpose_lhs_hint = false} : vector<2000x64xf32>, vector<64x64xf32>, vector<2000x64xf32> -> vector<2000x64xf32>
    %add3A_27 = arith.addf %dot_general3A_21, %dot_general3A_26 : vector<2000x64xf32>
    %get3A_28 = arith.constant 0 : index
    %get3A_29 = arith.constant 0 : index
    %get3A_30 = vector.load %arg8[%get3A_28, %get3A_29] : memref<1x64xf32, #tpu.memory_space<vmem>>, vector<1x64xf32>
    %add3A_31 = vector.broadcast %get3A_30 : vector<1x64xf32> to vector<2000x64xf32>
    %add3A_32 = arith.addf %add3A_27, %add3A_31 : vector<2000x64xf32>
    %max3A_33 = arith.constant 0.000000e+00 : f32
    %max3A_34 = vector.broadcast %max3A_33 : f32 to vector<2000x64xf32>
    %max3A_35 = arith.maximumf %add3A_32, %max3A_34 : vector<2000x64xf32>
    %get3A_36 = arith.constant 0 : index
    %get3A_37 = arith.constant 0 : index
    %get3A_38 = vector.load %arg9[%get3A_36, %get3A_37] : memref<64x64xf32, #tpu.memory_space<vmem>>, vector<64x64xf32>
    %dot_general3A_39 = arith.constant dense<0.000000e+00> : vector<2000x64xf32>
    %dot_general3A_40 = tpu.matmul %max3A_35, %get3A_38, %dot_general3A_39 {dimension_numbers = #tpu.dot_dimension_numbers<[1], [0], [0], [1], [0, 0, 1, 1], [], []>, transpose_lhs_hint = false} : vector<2000x64xf32>, vector<64x64xf32>, vector<2000x64xf32> -> vector<2000x64xf32>
    %get3A_41 = arith.constant 0 : index
    %get3A_42 = arith.constant 0 : index
    %get3A_43 = vector.load %arg10[%get3A_41, %get3A_42] : memref<1x64xf32, #tpu.memory_space<vmem>>, vector<1x64xf32>
    %add3A_44 = vector.broadcast %get3A_43 : vector<1x64xf32> to vector<2000x64xf32>
    %add3A_45 = arith.addf %dot_general3A_40, %add3A_44 : vector<2000x64xf32>
    %max3A_46 = arith.constant 0.000000e+00 : f32
    %max3A_47 = vector.broadcast %max3A_46 : f32 to vector<2000x64xf32>
    %max3A_48 = arith.maximumf %add3A_45, %max3A_47 : vector<2000x64xf32>
    %get3A_49 = arith.constant 0 : index
    %get3A_50 = arith.constant 0 : index
    %get3A_51 = vector.load %arg11[%get3A_49, %get3A_50] : memref<64x64xf32, #tpu.memory_space<vmem>>, vector<64x64xf32>
    %dot_general3A_52 = arith.constant dense<0.000000e+00> : vector<2000x64xf32>
    %dot_general3A_53 = tpu.matmul %max3A_48, %get3A_51, %dot_general3A_52 {dimension_numbers = #tpu.dot_dimension_numbers<[1], [0], [0], [1], [0, 0, 1, 1], [], []>, transpose_lhs_hint = false} : vector<2000x64xf32>, vector<64x64xf32>, vector<2000x64xf32> -> vector<2000x64xf32>
    %get3A_54 = arith.constant 0 : index
    %get3A_55 = arith.constant 0 : index
    %get3A_56 = vector.load %arg12[%get3A_54, %get3A_55] : memref<1x64xf32, #tpu.memory_space<vmem>>, vector<1x64xf32>
    %add3A_57 = vector.broadcast %get3A_56 : vector<1x64xf32> to vector<2000x64xf32>
    %add3A_58 = arith.addf %dot_general3A_53, %add3A_57 : vector<2000x64xf32>
    %max3A_59 = arith.constant 0.000000e+00 : f32
    %max3A_60 = vector.broadcast %max3A_59 : f32 to vector<2000x64xf32>
    %max3A_61 = arith.maximumf %add3A_58, %max3A_60 : vector<2000x64xf32>
    %get3A_62 = arith.constant 0 : index
    %get3A_63 = arith.constant 0 : index
    %get3A_64 = vector.load %arg13[%get3A_62, %get3A_63] : memref<64x128xf32, #tpu.memory_space<vmem>>, vector<64x128xf32>
    %dot_general3A_65 = arith.constant dense<0.000000e+00> : vector<2000x128xf32>
    %dot_general3A_66 = tpu.matmul %max3A_61, %get3A_64, %dot_general3A_65 {dimension_numbers = #tpu.dot_dimension_numbers<[1], [0], [0], [1], [0, 0, 1, 1], [], []>, transpose_lhs_hint = false} : vector<2000x64xf32>, vector<64x128xf32>, vector<2000x128xf32> -> vector<2000x128xf32>
    %get3A_67 = arith.constant 0 : index
    %get3A_68 = arith.constant 0 : index
    %get3A_69 = vector.load %arg14[%get3A_67, %get3A_68] : memref<1x128xf32, #tpu.memory_space<vmem>>, vector<1x128xf32>
    %add3A_70 = vector.broadcast %get3A_69 : vector<1x128xf32> to vector<2000x128xf32>
    %add3A_71 = arith.addf %dot_general3A_66, %add3A_70 : vector<2000x128xf32>
    %neg3A = arith.constant 0.000000e+00 : f32
    %neg3A_72 = vector.broadcast %neg3A : f32 to vector<2000x128xf32>
    %neg3A_73 = arith.subf %neg3A_72, %add3A_71 : vector<2000x128xf32>
    %exp3A = math.exp %neg3A_73 : vector<2000x128xf32>
    %add3A_74 = arith.constant 1.000000e+00 : f32
    %add3A_75 = vector.broadcast %add3A_74 : f32 to vector<2000x128xf32>
    %add3A_76 = arith.addf %add3A_75, %exp3A : vector<2000x128xf32>
    %div3A_77 = arith.constant 6.28318548 : f32
    %div3A_78 = vector.broadcast %div3A_77 : f32 to vector<2000x128xf32>
    %div3A_79 = arith.divf %div3A_78, %add3A_76 : vector<2000x128xf32>
    %swap3A = arith.constant 0 : index
    %swap3A_80 = arith.constant 0 : index
    %swap3A_81 = vector.load %arg15[%swap3A, %swap3A_80] : memref<2000x128xf32, #tpu.memory_space<vmem>>, vector<2000x128xf32>
    tpu.vector_store %arg15[%swap3A, %swap3A_80], %div3A_79 {strides = array<i32>} : memref<2000x128xf32, #tpu.memory_space<vmem>>, vector<2000x128xf32>,
    return
  }
  func.func @transform_0(%arg0: i32) -> (i32, i32) {
    %c0_i32 = arith.constant 0 : i32
    %c0_i32_0 = arith.constant 0 : i32
    return %arg0, %c0_i32 : i32, i32
  }
  func.func @transform_1(%arg0: i32) -> (i32, i32) {
    %c0_i32 = arith.constant 0 : i32
    %c0_i32_0 = arith.constant 0 : i32
    return %arg0, %c0_i32 : i32, i32
  }
  func.func @transform_2(%arg0: i32) -> (i32, i32) {
    %c0_i32 = arith.constant 0 : i32
    %c0_i32_0 = arith.constant 0 : i32
    return %arg0, %c0_i32 : i32, i32
  }
  func.func @transform_3(%arg0: i32) -> (i32, i32) {
    %c0_i32 = arith.constant 0 : i32
    %c0_i32_0 = arith.constant 0 : i32
    return %arg0, %c0_i32 : i32, i32
  }
  func.func @transform_4(%arg0: i32) -> (i32, i32) {
    %c0_i32 = arith.constant 0 : i32
    %c0_i32_0 = arith.constant 0 : i32
    return %arg0, %c0_i32 : i32, i32
  }
  func.func @transform_5(%arg0: i32) -> (i32, i32) {
    %c0_i32 = arith.constant 0 : i32
    %c0_i32_0 = arith.constant 0 : i32
    %c0_i32_1 = arith.constant 0 : i32
    return %c0_i32, %c0_i32_0 : i32, i32
  }
  func.func @transform_6(%arg0: i32) -> (i32, i32) {
    %c0_i32 = arith.constant 0 : i32
    %c0_i32_0 = arith.constant 0 : i32
    %c0_i32_1 = arith.constant 0 : i32
    return %c0_i32, %c0_i32_0 : i32, i32
  }
  func.func @transform_7(%arg0: i32) -> (i32, i32) {
    %c0_i32 = arith.constant 0 : i32
    %c0_i32_0 = arith.constant 0 : i32
    %c0_i32_1 = arith.constant 0 : i32
    return %c0_i32, %c0_i32_0 : i32, i32
  }
  func.func @transform_8(%arg0: i32) -> (i32, i32) {
    %c0_i32 = arith.constant 0 : i32
    %c0_i32_0 = arith.constant 0 : i32
    %c0_i32_1 = arith.constant 0 : i32
    return %c0_i32, %c0_i32_0 : i32, i32
  }
  func.func @transform_9(%arg0: i32) -> (i32, i32) {
    %c0_i32 = arith.constant 0 : i32
    %c0_i32_0 = arith.constant 0 : i32
    %c0_i32_1 = arith.constant 0 : i32
    return %c0_i32, %c0_i32_0 : i32, i32
  }
  func.func @transform_10(%arg0: i32) -> (i32, i32) {
    %c0_i32 = arith.constant 0 : i32
    %c0_i32_0 = arith.constant 0 : i32
    %c0_i32_1 = arith.constant 0 : i32
    return %c0_i32, %c0_i32_0 : i32, i32
  }
  func.func @transform_11(%arg0: i32) -> (i32, i32) {
    %c0_i32 = arith.constant 0 : i32
    %c0_i32_0 = arith.constant 0 : i32
    %c0_i32_1 = arith.constant 0 : i32
    return %c0_i32, %c0_i32_0 : i32, i32
  }
  func.func @transform_12(%arg0: i32) -> (i32, i32) {
    %c0_i32 = arith.constant 0 : i32
    %c0_i32_0 = arith.constant 0 : i32
    %c0_i32_1 = arith.constant 0 : i32
    return %c0_i32, %c0_i32_0 : i32, i32
  }
  func.func @transform_13(%arg0: i32) -> (i32, i32) {
    %c0_i32 = arith.constant 0 : i32
    %c0_i32_0 = arith.constant 0 : i32
    %c0_i32_1 = arith.constant 0 : i32
    return %c0_i32, %c0_i32_0 : i32, i32
  }
  func.func @transform_14(%arg0: i32) -> (i32, i32) {
    %c0_i32 = arith.constant 0 : i32
    %c0_i32_0 = arith.constant 0 : i32
    return %arg0, %c0_i32 : i32, i32
  }
}

</mosaic_0001>

<sc_bundles>
// kernel: kernel.15.cloned.1.call-start
scs
__scs_entry_jumppad:
0x0: {  	(pc) =	sbr.rel $0x88, $3  }
0x1: {  	(tag) =	ssettag $0x0;
	lr =	simm.s32 $0x1  }
0x2: {  	[smem:$0x3F8C] =	sst lr;
	_ =	strace $0xD0000000  }
0x3: {  	_ = 	snop  }
0x4: {  	_ = 	snop  }
0x5: {  	_ = 	snop  }
0x6: {  	_ = 	snop  }
0x7: {  	_ = 	snop  }
__scs_overlays_trampoline_lowered:
0x8: {  	[smem:$0x3F9B] =	sst s0  }
0x9: {  	[smem:$0x3F9C] =	sst s1  }
0xa: {  	[smem:$0x3F9D] =	sst s2  }
0xb: {  	[smem:$0x3F9E] =	sst s3  }
0xc: {  	[smem:$0x3F9F] =	sst s4  }
0xd: {  	[smem:$0x3FA0] =	sst s5  }
0xe: {  	[smem:$0x3FA1] =	sst s6  }
0xf: {  	[smem:$0x3FA2] =	sst s7  }
0x10: {  	[smem:$0x3FA3] =	sst s8  }
0x11: {  	[smem:$0x3FA4] =	sst s9;
	s0 =	simm.s32 @!p0 $0x0  }
0x12: {  	s1 =	sld [smem:$0x3F8A];
	s0 =	simm.s32 @p0 $0x1  }
0x13: {  	[smem:$0x3FA5] =	sst s0;
	s0 =	simm.s32 @!p1 $0x0  }
0x14: {  	s2 =	sld [smem:$0x3F89];
	s0 =	simm.s32 @p1 $0x1  }
0x15: {  	[smem:$0x3FA6] =	sst s0;
	s0 =	simm.s32 @!p2 $0x0  }
0x16: {  	s3 =	sld [smem:$0x3FDB];
	s0 =	simm.s32 @p2 $0x1  }
0x17: {  	s4 =	simm.s32 $0x1BF5;
	[smem:$0x3FA8] =	sst s0  }
0x18: {  	s0 =	sld [smem:$0x3F8B];
	_ =	swait.ge [sflag:s4], $0x0  }
0x19: {  	s7 =	sld [smem:$0x3F8C]  }
0x1a: {  	s8 =	sadd.s32 $0xFFFFE003, lr  }
0x1b: {  	s9 =	sadd.s32 $0xFFFFFEF7, lr;
	s5 =	simm.s32 $0xFFFFFFFF;
	p2 =	slt.u32 s8, $0xFFFFF086  }
0x1c: {  	p1 =	slt.u32 s9, $0xF7A;
	s5 =	simm.s32 @!p2 $0x0  }
0x1d: {  	s5 =	simm.s32 @p1 $0x1;
	p0 =	seq.s32 s7, s2  }
0x1e: {  	s7 =	smul.u32 @!p0 $0xF7A, s2;
	p2 =	seq.s32 @!p0 s5, $0x0  }
0x1f: {  	s9 =	smul.u32 $0xF7A, s1;
	s8 =	simm.s32 @!p0 $0x1BF5;
	p2 =	por !p2, p0  }
0x20: {  	[sflag:s8] =	ssyncset.s32 @!p0 $0xFFFFF086;
	s6 =	sadd.s32 @!p0 s3, s7;
	s7 =	simm.s32 @!p0 $0x108  }
0x21: {  	s3 =	sadd.s32 s3, s9;
	s6 =	sadd.s32 @!p0 $0x88, s6;
	s7 =	simm.s32 @p2 $0x1082  }
0x22: {  	[simem:s7], [sflag:s8] =	dma.local @!p0 [hbm:s6], $0xF7A  }
0x23: {  	s9 =	sor.u32 $0xD0000000, s2;
	s6 =	simm.s32 $0x108;
	_ =	swait.ge @!p0 [sflag:s8], $0x0  }
0x24: {  	s3 =	sadd.s32 $0x88, s3;
	s6 =	simm.s32 @!p1 $0x1082;
	[sflag:s4] =	ssyncset.s32 $0xFFFFF086  }
0x25: {  	[simem:s6], [sflag:s4] =	dma.local [hbm:s3], $0xF7A  }
0x26: {  	[smem:$0x3F8C] =	sst s1;
	(tag) =	ssettag s2;
	_ =	strace s9  }
0x27: {  	s1 =	sld [smem:$0x3F9C]  }
0x28: {  	s2 =	sld [smem:$0x3F9D]  }
0x29: {  	s4 =	sld [smem:$0x3F9F]  }
0x2a: {  	p0 =	seq.s32 s5, $0x0;
	s5 =	sld [smem:$0x3FA0]  }
0x2b: {  	s6 =	sld [smem:$0x3FA1]  }
0x2c: {  	s7 =	sld [smem:$0x3FA2]  }
0x2d: {  	s3 =	simm.s32 $0x108;
	s8 =	sld [smem:$0x3FA3]  }
0x2e: {  	s3 =	simm.s32 @!p0 $0x1082;
	s9 =	sld [smem:$0x3FA4]  }
0x2f: {  	lr =	sadd.s32 s0, s3;
	s0 =	sld [smem:$0x3F9B]  }
0x30: {  	s3 =	sld [smem:$0x3F9E]  }
0x31: {  	[smem:$0x3FA7] =	sst s10  }
0x32: {  	s10 =	sld [smem:$0x3FA5];
	_ =	sdelay $0x3  }
0x33: {  	p0 =	seq.s32 s10, $0x1;
	s10 =	sld [smem:$0x3FA7];
	_ =	sdelay $0x3  }
0x34: {  	[smem:$0x3FA7] =	sst s10  }
0x35: {  	s10 =	sld [smem:$0x3FA6];
	_ =	sdelay $0x3  }
0x36: {  	p1 =	seq.s32 s10, $0x1;
	s10 =	sld [smem:$0x3FA7];
	_ =	sdelay $0x3  }
0x37: {  	[smem:$0x3FA7] =	sst s10  }
0x38: {  	s10 =	sld [smem:$0x3FA8]  }
0x39: {  	_ = 	snop;
	(pc) =	sbr.ind lr, $3  }
0x3a: {  	_ = 	snop  }
0x3b: {  	_ = 	snop  }
0x3c: {  	p2 =	seq.s32 s10, $0x1;
	s10 =	sld [smem:$0x3FA7]  }
0x3d: {  	_ =	shalt  }
0x3e: {  	_ =	shalt  }
0x3f: {  	_ =	shalt  }
0x40: {  	_ =	shalt  }
0x41: {  	_ =	shalt  }
0x42: {  	_ =	shalt  }
0x43: {  	_ =	shalt  }
0x44: {  	_ =	shalt  }
0x45: {  	_ =	shalt  }
0x46: {  	_ =	shalt  }
0x47: {  	_ =	shalt  }
0x48: {  	_ =	shalt  }
0x49: {  	_ =	shalt  }
0x4a: {  	_ =	shalt  }
0x4b: {  	_ =	shalt  }
0x4c: {  	_ =	shalt  }
0x4d: {  	_ =	shalt  }
0x4e: {  	_ =	shalt  }
0x4f: {  	_ =	shalt  }
0x50: {  	_ =	shalt  }
0x51: {  	_ =	shalt  }
0x52: {  	_ =	shalt  }
0x53: {  	_ =	shalt  }
0x54: {  	_ =	shalt  }
0x55: {  	_ =	shalt  }
0x56: {  	_ =	shalt  }
0x57: {  	_ =	shalt  }
0x58: {  	_ =	shalt  }
0x59: {  	_ =	shalt  }
0x5a: {  	_ =	shalt  }
0x5b: {  	_ =	shalt  }
0x5c: {  	_ =	shalt  }
0x5d: {  	_ =	shalt  }
0x5e: {  	_ =	shalt  }
0x5f: {  	_ =	shalt  }
0x60: {  	_ =	shalt  }
0x61: {  	_ =	shalt  }
0x62: {  	_ =	shalt  }
0x63: {  	_ =	shalt  }
0x64: {  	_ =	shalt  }
0x65: {  	_ =	shalt  }
0x66: {  	_ =	shalt  }
0x67: {  	_ =	shalt  }
0x68: {  	_ =	shalt  }
0x69: {  	_ =	shalt  }
0x6a: {  	_ =	shalt  }
0x6b: {  	_ =	shalt  }
0x6c: {  	_ =	shalt  }
0x6d: {  	_ =	shalt  }
0x6e: {  	_ =	shalt  }
0x6f: {  	_ =	shalt  }
0x70: {  	_ =	shalt  }
0x71: {  	_ =	shalt  }
0x72: {  	_ =	shalt  }
0x73: {  	_ =	shalt  }
0x74: {  	_ =	shalt  }
0x75: {  	_ =	shalt  }
0x76: {  	_ =	shalt  }
0x77: {  	_ =	shalt  }
0x78: {  	_ =	shalt  }
0x79: {  	_ =	shalt  }
0x7a: {  	_ =	shalt  }
0x7b: {  	_ =	shalt  }
0x7c: {  	_ =	shalt  }
0x7d: {  	_ =	shalt  }
0x7e: {  	_ =	shalt  }
0x7f: {  	_ =	shalt  }
0x80: {  	_ =	shalt  }
0x81: {  	_ =	shalt  }
0x82: {  	_ =	shalt  }
0x83: {  	_ =	shalt  }
0x84: {  	_ =	shalt  }
0x85: {  	_ =	shalt  }
0x86: {  	_ =	shalt  }
0x87: {  	_ =	shalt  }
.Lfunc_end0:
.L_simem_size_0:
called_computation_lowered:
.L_overlay_start_0:
0x88: {  	s2 =	sld [smem:$0x3FD9]  }
0x89: {  	s3 =	sld [smem:$0x3FFE];
	_ =	sdelay $0x1  }
0x8a: {  	s1 =	srdreg.scid  }
0x8b: {  	s0 =	sand.u32 $0x1, s1  }
0x8c: {  	s16 =	sshll.u32 s0, $0xA;
	s2 =	sadd.s32 s3, s2  }
0x8d: {  	s2 =	sadd.s32 s2, s16  }
0x8e: {  	[smem:$0x3FB3] =	sst s2  }
0x8f: {  	_ = 	snop  }
0x90: {  	(tm) =	ssettm $0x1  }
0x91: {  	s17 =	sld [smem:$0x3FFB];
	_ =	sdelay $0x3  }
0x92: {  	_ =	strace s17  }
0x93: {  	s2 =	sld [smem:$0x3FFC];
	_ =	sdelay $0x3  }
0x94: {  	_ =	strace s2  }
0x95: {  	s2 =	sld [smem:$0x3FFD];
	_ =	sdelay $0x3  }
0x96: {  	_ =	strace s2  }
0x97: {  	_ =	strace $0x8FFFFFFF  }
0x98: {  	s18 =	sld [smem:$0x3FDB];
	_ =	sdelay $0x1  }
0x99: {  	s19 =	simm.s32 $_scs_section_size  }
0x9a: {  	s4 =	simm.s32 $_size__tile_overlayer_lowered;
	s5 =	simm.s32 $_tile_overlayer_lowered  }
0x9b: {  	s22 =	simm.s32 $0x1BFF;
	s21 =	sshll.u32 s5, $0x1;
	s2 =	sadd.s32 s19, s18  }
0x9c: {  	s6 =	simm.s32 $0x0;
	s20 =	sshll.u32 s4, $0x1;
	s4 =	sadd.s32 s21, s2  }
0x9d: {  	[timem:s6], [sflag:s22] =	dma.local [hbm:s4], s20  }
0x9e: {  	_ =	swait.ge [sflag:s22], s20  }
0x9f: {  	s3 =	ssub.s32 $0x0, s20;
	[sflag:s22] =	ssyncset.done $0x0  }
0xa0: {  	[sflag:s22] =	ssyncadd.s32 s3;
	_ =	sdelay $0x1  }
0xa1: {  	s23 =	simm.s32 $0x1B8B  }
0xa2: {  	_ =	swait.ge [sflag:s23], $0x1  }
0xa3: {  	[sflag:s23] =	ssyncset.done $0x0  }
0xa4: {  	s25 =	simm.s32 $0x1B8E;
	s24 =	sld [smem:$0x3FFE];
	[sflag:s23] =	ssyncadd.s32 $0xFFFFFFFF  }
0xa5: {  	s26 =	simm.s32 $execute0_lowered;
	[smem:$0x3FD2] =	sst s25  }
0xa6: {  	s4 =	sshll.u32 s26, $0x1;
	_ =	strace $0x80000046;
	[dreg:$0x1] =	wrdreg $0xFFFFFFFF  }
0xa7: {  	s28 =	simm.s32 $_size_execute0_lowered;
	s2 =	sadd.s32 s2, s4;
	[dreg:$0x0] =	wrdreg $0x0  }
0xa8: {  	s4 =	sshll.u32 s28, $0x1;
	[dreg:$0x2] =	wrdreg s2  }
0xa9: {  	[dreg:$0x3] =	wrdreg s4  }
0xaa: {  	[dreg:$0x4] =	wrdreg $0xC0  }
0xab: {  	_ =	task [dreg:s6], $0x5FFFF  }
0xac: {  	[dreg:$0x1] =	wrdreg $0xFFFFFFFF  }
0xad: {  	[dreg:$0x0] =	wrdreg $0x60  }
0xae: {  	[dreg:$0x2] =	wrdreg s24  }
0xaf: {  	[dreg:$0x3] =	wrdreg $0x9  }
0xb0: {  	_ =	task.clear_ibuf [dreg:s6], $0x4FFFF;
	_ =	strace $0x90000046  }
0xb1: {  	s29 =	simm.s32 $0x9;
	_ =	strace $0x80000048  }
0xb2: {  	_ =	swait.ge [sflag:s29], $0x1  }
0xb3: {  	[sflag:s29] =	ssyncadd.s32 $0xFFFFFFFF  }
0xb4: {  	_ =	strace $0x90000048  }
0xb5: {  	_ =	sfence  }
0xb6: {  	s30 =	sld [smem:$0x0];
	_ =	sdelay $0x2  }
0xb7: {  	s31 =	sshll.u32 s1, $0xD;
	s1 =	sshrl.u32 s1, $0x2  }
0xb8: {  	s3 =	sand.u32 $0x4000, s31;
	s1 =	sadd.s32 s1, s30  }
0xb9: {  	s0 =	sor.u32 s3, s0;
	s1 =	sshll.u32 s1, $0x11  }
0xba: {  	s0 =	sor.u32 s1, s0  }
0xbb: {  	s0 =	sadd.s32 $0x8F2B, s0  }
0xbc: {  	[sflag:s0] =	ssyncadd.remote.s32 $0x1  }
0xbd: {  	_ =	sfence.sel $0xFFFF  }
0xbe: {  	[dreg:$0x0] =	wrdreg $0xFFFFFFFF;
	(pc) =	sbr.abs _section_cstart, $3  }
0xbf: {  	[dreg:$0x1] =	wrdreg $0xFFFFFFFF  }
0xc0: {  	_ =	task.clear_ibuf [dreg:s6], $0x2FFFF;
	_ =	strace $0x9FFFFFFF  }
0xc1: {  	(tm) =	ssettm $0x7FFFFFFF  }
tec
execute0_lowered:
.L_overlay_start_1:
0x0: {  	(tag) =	ssettag $0x1  }
0x1: {  	s0 =	srdreg.scid;
	s8 =	stileid.u32  }
0x2: {  	s4 =	rddreg [dreg:$0x0];
	s2 =	simm.s32 $0x0;
	s12 =	simm.s32 $0x50  }
0x3: {  	s13 =	simm.s32 $0x2710;
	s14 =	simm.s32 $0x3B10;
	s15 =	simm.s32 $0x4F10  }
0x4: {  	s16 =	simm.s32 $0x1;
	s17 =	simm.s32 $0x6310;
	s18 =	simm.s32 $0x2  }
0x5: {  	s19 =	simm.s32 $0x7710;
	s20 =	simm.s32 $0x3;
	s21 =	simm.s32 $0x6  }
0x6: {  	s22 =	simm.s32 $0x4;
	s23 =	simm.s32 $0x7;
	s3 =	smul.u32 $0x2710, s8  }
0x7: {  	s24 =	simm.s32 $0x5;
	s0 =	sand.u32 $0x1, s0;
	s28 =	smul.u32 $0x13880, s8  }
0x8: {  	s29 =	simm.s32 $0x0;
	[smem:$0x7FF] =	sst s2;
	s1 =	smul.u32 $0x27100, s0  }
0x9: {  	_ =	strace $0x80000047;
	s6 =	ssub.s32 $0x2, s0;
	s0 =	smul.u32 $0x138800, s0  }
0xa: {  	s7 =	sshrl.u32 s6, $0x1;
	s1 =	sadd.s32 s3, s1;
	s3 =	sadd.s32 $0x33E00, s4  }
0xb: {  	s6 =	ssub.s32 s6, s7;
	s5 =	sshrl.u32 s1, $0x3;
	s1 =	sshll.u32 s1, $0x3  }
0xc: {  	s30 =	smax.u32 s6, $0x1;
	s5 =	sadd.s32 s5, s4;
	s4 =	sadd.s32 $0x5B400, s4  }
0xd: {  	[dreg:$0x3] =	wrdreg s30;
	s5 =	sadd.s32 $0x47800, s5;
	s1 =	sadd.s32 s4, s1  }
0xe: {  	s0 =	sadd.s32 s0, s4;
	[dreg:$0x2] =	wrdreg s5;
	s31 =	sadd.s32 $0x280, s1  }
0xf: {  	s0 =	sadd.s32 s28, s0;
	s25 =	sadd.s32 $0xA00, s1;
	[dreg:$0x4] =	wrdreg s31  }
0x10: {  	s9 =	sadd.s32 $0x780, s1;
	s10 =	sadd.s32 $0x500, s1;
	[dreg:$0x5] =	wrdreg s0  }
.LBB2_1:
0x11: {  	s0 =	rddreg [dreg:$0x2];
	s8 =	simm.s32 $0xB  }
0x12: {  	[tilespmem:s2], [sflag:$0xB] =	stream.linear.gather [hbm4b:s0+s2], $0x2710, $0x38;
	[tilespmem:$0x8B10] =	vst v63  }
0x13: {  	_ =	swait.ge [sflag:s8], $0x2710  }
0x14: {  	[sflag:s8] =	ssyncset.done $0x0  }
0x15: {  	p0 =	por $0x1, $0x1;
	[sflag:s8] =	ssyncadd.s32 $0xFFFFD8F0  }
0x16: {  	[tilespmem:s13], [sflag:$0x1] =	stream.indirect.gather [hbm4b:s3+s12], $0x40, s2, s12, $0xb8;
	[tilespmem:$0x8B10] =	vst v63  }
0x17: {  	s0 =	simm.s32 @!p0 $0x8  }
0x18: {  	[tilespmem:s14], [sflag:$0x2] =	stream.indirect.gather [hbm4b:s3+s12], $0x40, s12, s12, $0xb8;
	[tilespmem:$0x8B10] =	vst v63  }
0x19: {  	_ =	swait.ge @!p0 [sflag:s0], $0x1400  }
0x1a: {  	[sflag:s0] =	ssyncset.done @!p0 $0x0  }
0x1b: {  	s11 =	simm.s32 $0xA0;
	[sflag:s0] =	ssyncadd.s32 @!p0 $0xFFFFEC00  }
0x1c: {  	[tilespmem:s15], [sflag:$0x3] =	stream.indirect.gather [hbm4b:s3+s12], $0x40, s11, s12, $0xb8;
	[tilespmem:$0x8B10] =	vst v63  }
0x1d: {  	_ =	swait.ge [sflag:s16], $0x1400  }
0x1e: {  	[sflag:s16] =	ssyncset.done $0x0  }
0x1f: {  	s0 =	simm.s32 @!p0 $0x9;
	s7 =	rddreg [dreg:$0x5];
	[sflag:s16] =	ssyncadd.s32 $0xFFFFEC00  }
0x20: {  	[hbm4b:s7+s2] =	stream.linear.scatter [tilespmem:s13], [sflag:$0x6], $0x1400, $0x38;
	[tilespmem:$0x8B10] =	vst v63  }
0x21: {  	_ =	swait.ge @!p0 [sflag:s0], $0x1400  }
0x22: {  	[sflag:s0] =	ssyncset.done @!p0 $0x0  }
0x23: {  	s26 =	simm.s32 $0xF0;
	[sflag:s0] =	ssyncadd.s32 @!p0 $0xFFFFEC00  }
0x24: {  	[tilespmem:s17], [sflag:$0x4] =	stream.indirect.gather [hbm4b:s3+s12], $0x40, s26, s12, $0xb8;
	[tilespmem:$0x8B10] =	vst v63  }
0x25: {  	_ =	swait.ge [sflag:s18], $0x1400  }
0x26: {  	[sflag:s18] =	ssyncset.done $0x0  }
0x27: {  	s0 =	simm.s32 @!p0 $0xA;
	s6 =	rddreg [dreg:$0x4];
	[sflag:s18] =	ssyncadd.s32 $0xFFFFEC00  }
0x28: {  	[hbm4b:s6+s2] =	stream.linear.scatter [tilespmem:s14], [sflag:$0x7], $0x1400, $0x38;
	[tilespmem:$0x8B10] =	vst v63  }
0x29: {  	_ =	swait.ge @!p0 [sflag:s0], $0x1400  }
0x2a: {  	[sflag:s0] =	ssyncset.done @!p0 $0x0  }
0x2b: {  	s28 =	simm.s32 $0x140;
	[sflag:s0] =	ssyncadd.s32 @!p0 $0xFFFFEC00  }
0x2c: {  	[tilespmem:s19], [sflag:$0x5] =	stream.indirect.gather [hbm4b:s3+s12], $0x40, s28, s12, $0xb8;
	[tilespmem:$0x8B10] =	vst v63  }
0x2d: {  	_ =	swait.ge [sflag:s20], $0x1400  }
0x2e: {  	[sflag:s20] =	ssyncset.done $0x0  }
0x2f: {  	[sflag:s20] =	ssyncadd.s32 $0xFFFFEC00  }
0x30: {  	[hbm4b:s10+s2] =	stream.linear.scatter [tilespmem:s15], [sflag:$0x8], $0x1400, $0x38;
	[tilespmem:$0x8B10] =	vst v63  }
0x31: {  	p0 =	por $0x0, $0x0;
	_ =	swait.ge [sflag:s21], $0x1400  }
0x32: {  	s0 =	simm.s32 @!p0 $0x2710;
	[sflag:s21] =	ssyncset.done $0x0  }
0x33: {  	s1 =	simm.s32 @!p0 $0x190;
	s4 =	simm.s32 @!p0 $0x50;
	[sflag:s21] =	ssyncadd.s32 $0xFFFFEC00  }
0x34: {  	[tilespmem:s0], [sflag:$0x1] =	stream.indirect.gather @!p0 [hbm4b:s3+s4], $0x40, s1, s4, $0xb8;
	[tilespmem:$0x8B10] =	vst v63  }
0x35: {  	_ =	swait.ge [sflag:s22], $0x1400  }
0x36: {  	[sflag:s22] =	ssyncset.done $0x0  }
0x37: {  	s31 =	sadd.s32 $0xC80, s9;
	[sflag:s22] =	ssyncadd.s32 $0xFFFFEC00  }
0x38: {  	[hbm4b:s9+s2] =	stream.linear.scatter [tilespmem:s17], [sflag:$0x9], $0x1400, $0x38;
	[tilespmem:$0x8B10] =	vst v63  }
0x39: {  	s30 =	sadd.s32 $0xC80, s25;
	p1 =	por $0x0, $0x0;
	_ =	swait.ge [sflag:s23], $0x1400  }
0x3a: {  	s11 =	simm.s32 $0xC80;
	s5 =	simm.s32 @!p0 $0x1E0;
	[sflag:s23] =	ssyncset.done $0x0  }
0x3b: {  	s8 =	simm.s32 @!p0 $0x3B10;
	s0 =	simm.s32 $0x640;
	[sflag:s23] =	ssyncadd.s32 $0xFFFFEC00  }
0x3c: {  	[tilespmem:s8], [sflag:$0x2] =	stream.indirect.gather @!p0 [hbm4b:s3+s4], $0x40, s5, s4, $0xb8;
	[tilespmem:$0x8B10] =	vst v63  }
0x3d: {  	s1 =	sadd.s32 $0xC80, s10;
	s5 =	sadd.s32 $0xC80, s7;
	_ =	swait.ge [sflag:s24], $0x1400  }
0x3e: {  	s4 =	sadd.s32 $0xC80, s6;
	s8 =	smov.u32 s25;
	[sflag:s24] =	ssyncset.done $0x0  }
.LBB2_2:
0x3f: {  	s28 =	simm.s32 @!p1 $0x8  }
0x40: {  	[sflag:s24] =	ssyncadd.s32 $0xFFFFEC00;
	s26 =	smov.u32 s11;
	s11 =	sadd.s32 $0x640, s11  }
0x41: {  	[hbm4b:s8+s2] =	stream.linear.scatter [tilespmem:s19], [sflag:$0xA], $0x1400, $0x38;
	[tilespmem:$0x8B10] =	vst v63  }
0x42: {  	p0 =	sne.s32 s11, $0x9C40;
	s8 =	smov.u32 s30;
	_ =	swait.ge @!p1 [sflag:s28], $0x1400  }
0x43: {  	s6 =	sshra.s32 s0, $0x2;
	[sflag:s28] =	ssyncset.done @!p1 $0x0  }
0x44: {  	[sflag:s28] =	ssyncadd.s32 @!p1 $0xFFFFEC00;
	s28 =	sadd.s32 $0xA0, s6  }
0x45: {  	[tilespmem:s15], [sflag:$0x3] =	stream.indirect.gather [hbm4b:s3+s12], $0x40, s28, s12, $0xb8;
	[tilespmem:$0x8B10] =	vst v63  }
0x46: {  	_ =	swait.ge [sflag:s16], $0x1400  }
0x47: {  	[sflag:s16] =	ssyncset.done $0x0  }
0x48: {  	s28 =	simm.s32 @!p1 $0x9;
	[sflag:s16] =	ssyncadd.s32 $0xFFFFEC00  }
0x49: {  	[hbm4b:s5+s2] =	stream.linear.scatter [tilespmem:s13], [sflag:$0x6], $0x1400, $0x38;
	[tilespmem:$0x8B10] =	vst v63  }
0x4a: {  	_ =	swait.ge @!p1 [sflag:s28], $0x1400  }
0x4b: {  	[sflag:s28] =	ssyncset.done @!p1 $0x0  }
0x4c: {  	[sflag:s28] =	ssyncadd.s32 @!p1 $0xFFFFEC00;
	s28 =	sadd.s32 $0xF0, s6  }
0x4d: {  	[tilespmem:s17], [sflag:$0x4] =	stream.indirect.gather [hbm4b:s3+s12], $0x40, s28, s12, $0xb8;
	[tilespmem:$0x8B10] =	vst v63  }
0x4e: {  	_ =	swait.ge [sflag:s18], $0x1400  }
0x4f: {  	[sflag:s18] =	ssyncset.done $0x0  }
0x50: {  	s28 =	simm.s32 @!p1 $0xA;
	[sflag:s18] =	ssyncadd.s32 $0xFFFFEC00  }
0x51: {  	[hbm4b:s4+s2] =	stream.linear.scatter [tilespmem:s14], [sflag:$0x7], $0x1400, $0x38;
	[tilespmem:$0x8B10] =	vst v63  }
0x52: {  	_ =	swait.ge @!p1 [sflag:s28], $0x1400  }
0x53: {  	[sflag:s28] =	ssyncset.done @!p1 $0x0  }
0x54: {  	s6 =	sadd.s32 $0x140, s6;
	[sflag:s28] =	ssyncadd.s32 @!p1 $0xFFFFEC00  }
0x55: {  	[tilespmem:s19], [sflag:$0x5] =	stream.indirect.gather [hbm4b:s3+s12], $0x40, s6, s12, $0xb8;
	[tilespmem:$0x8B10] =	vst v63  }
0x56: {  	_ =	swait.ge [sflag:s20], $0x1400  }
0x57: {  	[sflag:s20] =	ssyncset.done $0x0  }
0x58: {  	[sflag:s20] =	ssyncadd.s32 $0xFFFFEC00  }
0x59: {  	[hbm4b:s1+s2] =	stream.linear.scatter [tilespmem:s15], [sflag:$0x8], $0x1400, $0x38;
	[tilespmem:$0x8B10] =	vst v63  }
0x5a: {  	p1 =	seq.s32 s0, $0x9600;
	_ =	swait.ge [sflag:s21], $0x1400  }
0x5b: {  	s0 =	sshra.s32 @!p1 s0, $0x2;
	s6 =	simm.s32 @!p1 $0x2710;
	[sflag:s21] =	ssyncset.done $0x0  }
0x5c: {  	s7 =	simm.s32 @!p1 $0x50;
	s28 =	sadd.s32 @!p1 $0x190, s0;
	[sflag:s21] =	ssyncadd.s32 $0xFFFFEC00  }
0x5d: {  	[tilespmem:s6], [sflag:$0x1] =	stream.indirect.gather @!p1 [hbm4b:s3+s7], $0x40, s28, s7, $0xb8;
	[tilespmem:$0x8B10] =	vst v63  }
0x5e: {  	s6 =	sadd.s32 @!p1 $0x1E0, s0;
	s0 =	smov.u32 s26;
	_ =	swait.ge [sflag:s22], $0x1400  }
0x5f: {  	[sflag:s22] =	ssyncset.done $0x0  }
0x60: {  	[sflag:s22] =	ssyncadd.s32 $0xFFFFEC00  }
0x61: {  	[hbm4b:s31+s2] =	stream.linear.scatter [tilespmem:s17], [sflag:$0x9], $0x1400, $0x38;
	[tilespmem:$0x8B10] =	vst v63  }
0x62: {  	_ =	swait.ge [sflag:s23], $0x1400  }
.Ltmp0:
0x63: {  	s1 =	sadd.s32 $0xC80, s1;
	[sflag:s23] =	ssyncset.done $0x0;
	(pc) =	sbr.rel @p0 .LBB2_2-.Ltmp0, $4  }
0x64: {  	s26 =	simm.s32 @!p1 $0x3B10;
	s31 =	sadd.s32 $0xC80, s31;
	[sflag:s23] =	ssyncadd.s32 $0xFFFFEC00  }
0x65: {  	[tilespmem:s26], [sflag:$0x2] =	stream.indirect.gather @!p1 [hbm4b:s3+s7], $0x40, s6, s7, $0xb8;
	[tilespmem:$0x8B10] =	vst v63  }
0x66: {  	s30 =	sadd.s32 $0xC80, s30;
	s5 =	sadd.s32 $0xC80, s5;
	_ =	swait.ge [sflag:s24], $0x1400  }
0x67: {  	s4 =	sadd.s32 $0xC80, s4;
	p1 =	seq.s32 s0, $0x0;
	[sflag:s24] =	ssyncset.done $0x0  }
0x68: {  	s6 =	simm.s32 @!p1 $0x8;
	[sflag:s24] =	ssyncadd.s32 $0xFFFFEC00  }
0x69: {  	[hbm4b:s8+s2] =	stream.linear.scatter [tilespmem:s19], [sflag:$0xA], $0x1400, $0x38;
	[tilespmem:$0x8B10] =	vst v63  }
0x6a: {  	_ =	swait.ge @!p1 [sflag:s6], $0x1400  }
0x6b: {  	s7 =	sshra.s32 s0, $0x2;
	[sflag:s6] =	ssyncset.done @!p1 $0x0  }
0x6c: {  	s28 =	sadd.s32 $0xA0, s7;
	[sflag:s6] =	ssyncadd.s32 @!p1 $0xFFFFEC00  }
0x6d: {  	[tilespmem:s15], [sflag:$0x3] =	stream.indirect.gather [hbm4b:s3+s12], $0x40, s28, s12, $0xb8;
	[tilespmem:$0x8B10] =	vst v63  }
0x6e: {  	_ =	swait.ge [sflag:s16], $0x1400  }
0x6f: {  	[sflag:s16] =	ssyncset.done $0x0  }
0x70: {  	[sflag:s16] =	ssyncadd.s32 $0xFFFFEC00  }
0x71: {  	[hbm4b:s5+s2] =	stream.linear.scatter [tilespmem:s13], [sflag:$0x6], $0x1400, $0x38;
	[tilespmem:$0x8B10] =	vst v63  }
0x72: {  	s5 =	simm.s32 @!p1 $0x9  }
0x73: {  	_ =	swait.ge @!p1 [sflag:s5], $0x1400  }
0x74: {  	[sflag:s5] =	ssyncset.done @!p1 $0x0  }
0x75: {  	s8 =	sadd.s32 $0xF0, s7;
	[sflag:s5] =	ssyncadd.s32 @!p1 $0xFFFFEC00  }
0x76: {  	[tilespmem:s17], [sflag:$0x4] =	stream.indirect.gather [hbm4b:s3+s12], $0x40, s8, s12, $0xb8;
	[tilespmem:$0x8B10] =	vst v63  }
0x77: {  	_ =	swait.ge [sflag:s18], $0x1400  }
0x78: {  	[sflag:s18] =	ssyncset.done $0x0  }
0x79: {  	[sflag:s18] =	ssyncadd.s32 $0xFFFFEC00  }
0x7a: {  	[hbm4b:s4+s2] =	stream.linear.scatter [tilespmem:s14], [sflag:$0x7], $0x1400, $0x38;
	[tilespmem:$0x8B10] =	vst v63  }
0x7b: {  	s4 =	simm.s32 @!p1 $0xA  }
0x7c: {  	_ =	swait.ge @!p1 [sflag:s4], $0x1400  }
0x7d: {  	[sflag:s4] =	ssyncset.done @!p1 $0x0  }
0x7e: {  	s11 =	sadd.s32 $0x140, s7;
	[sflag:s4] =	ssyncadd.s32 @!p1 $0xFFFFEC00  }
0x7f: {  	[tilespmem:s19], [sflag:$0x5] =	stream.indirect.gather [hbm4b:s3+s12], $0x40, s11, s12, $0xb8;
	[tilespmem:$0x8B10] =	vst v63  }
0x80: {  	_ =	swait.ge [sflag:s20], $0x1400  }
0x81: {  	[sflag:s20] =	ssyncset.done $0x0  }
0x82: {  	[sflag:s20] =	ssyncadd.s32 $0xFFFFEC00  }
0x83: {  	[hbm4b:s1+s2] =	stream.linear.scatter [tilespmem:s15], [sflag:$0x8], $0x1400, $0x38;
	[tilespmem:$0x8B10] =	vst v63  }
0x84: {  	p0 =	seq.s32 s0, $0x9600;
	_ =	swait.ge [sflag:s21], $0x1400  }
0x85: {  	s0 =	sshra.s32 @!p0 s0, $0x2;
	s5 =	simm.s32 @!p0 $0x50;
	[sflag:s21] =	ssyncset.done $0x0  }
0x86: {  	s4 =	sadd.s32 @!p0 $0x190, s0;
	s1 =	simm.s32 @!p0 $0x2710;
	[sflag:s21] =	ssyncadd.s32 $0xFFFFEC00  }
0x87: {  	[tilespmem:s1], [sflag:$0x1] =	stream.indirect.gather @!p0 [hbm4b:s3+s5], $0x40, s4, s5, $0xb8;
	[tilespmem:$0x8B10] =	vst v63  }
0x88: {  	_ =	swait.ge [sflag:s22], $0x1400  }
0x89: {  	[sflag:s22] =	ssyncset.done $0x0  }
0x8a: {  	[sflag:s22] =	ssyncadd.s32 $0xFFFFEC00  }
0x8b: {  	[hbm4b:s31+s2] =	stream.linear.scatter [tilespmem:s17], [sflag:$0x9], $0x1400, $0x38;
	[tilespmem:$0x8B10] =	vst v63  }
0x8c: {  	_ =	swait.ge [sflag:s23], $0x1400  }
0x8d: {  	[sflag:s23] =	ssyncset.done $0x0  }
0x8e: {  	s0 =	sadd.s32 @!p0 $0x1E0, s0;
	s1 =	simm.s32 @!p0 $0x3B10;
	[sflag:s23] =	ssyncadd.s32 $0xFFFFEC00  }
0x8f: {  	[tilespmem:s1], [sflag:$0x2] =	stream.indirect.gather @!p0 [hbm4b:s3+s5], $0x40, s0, s5, $0xb8;
	[tilespmem:$0x8B10] =	vst v63  }
0x90: {  	_ =	swait.ge [sflag:s24], $0x1400  }
0x91: {  	[sflag:s24] =	ssyncset.done $0x0  }
0x92: {  	s26 =	simm.s32 $0x8;
	[sflag:s24] =	ssyncadd.s32 $0xFFFFEC00  }
0x93: {  	[hbm4b:s30+s2] =	stream.linear.scatter [tilespmem:s19], [sflag:$0xA], $0x1400, $0x38;
	[tilespmem:$0x8B10] =	vst v63  }
0x94: {  	_ =	swait.ge [sflag:s26], $0x1400  }
0x95: {  	[sflag:s26] =	ssyncset.done $0x0  }
0x96: {  	s28 =	simm.s32 $0x9;
	[sflag:s26] =	ssyncadd.s32 $0xFFFFEC00  }
0x97: {  	_ =	swait.ge [sflag:s28], $0x1400  }
0x98: {  	[sflag:s28] =	ssyncset.done $0x0  }
0x99: {  	s30 =	simm.s32 $0xA;
	[sflag:s28] =	ssyncadd.s32 $0xFFFFEC00  }
0x9a: {  	_ =	swait.ge [sflag:s30], $0x1400  }
0x9b: {  	s29 =	sadd.s32 $0x1, s29;
	s31 =	rddreg [dreg:$0x3]  }
0x9c: {  	p0 =	sne.s32 s29, s31  }
.Ltmp1:
0x9d: {  	_ = 	snop;
	(pc) =	sbr.rel @p0 .LBB2_1-.Ltmp1, $3  }
0x9e: {  	_ =	sdelay $0x1  }
0x9f: {  	[sflag:s30] =	ssyncset.done $0x0  }
0xa0: {  	[sflag:s30] =	ssyncadd.s32 $0xFFFFEC00  }
0xa1: {  	_ =	sfence.sel $0x180000  }
0xa2: {  	[bflag:$0x0] =	sbarrier.arrive $0xFFFF  }
0xa3: {  	_ =	strace $0x90000047  }
0xa4: {  	s0 =	stileid.u32;
	[bflag:$0x2] =	sbarrier.arrive $0xFFFF  }
0xa5: {  	p0 =	sne.s32 s0, $0x0;
	s0 =	rddreg [dreg:$0x1]  }
0xa6: {  	s0 =	sadd.s32 @!p0 $0x100000, s0  }
0xa7: {  	[sflag:s0] =	ssyncadd.tile.s32 @!p0 $0x1;
	_ =	shalt  }
.Lfunc_end2:
_tile_overlayer_lowered:
.L_overlay_start_2:
0xa8: {  	(tag) =	ssettag $0x2  }
0xa9: {  	s0 =	rddreg [dreg:$0x0];
	s2 =	stileid.u32  }
0xaa: {  	s1 =	rddreg [dreg:$0x1];
	p0 =	sne.s32 s2, $0x0  }
0xab: {  	s3 =	rddreg [dreg:$0x2];
	[bflag:$0x3] =	sbarrier.arrive $0xFFFF;
	s2 =	simm.s32 @!p0 $0x1C0B  }
0xac: {  	[timem:s3], [sflag:s2] =	dma.local @!p0 [hbm:s0], s1  }
0xad: {  	s0 =	simm.s32 @!p0 $0xB  }
0xae: {  	_ =	swait.ge @!p0 [sflag:s0], s1  }
0xaf: {  	s1 =	ssub.s32 @!p0 $0x0, s1;
	[sflag:s0] =	ssyncset.done @!p0 $0x0  }
0xb0: {  	[sflag:s0] =	ssyncadd.s32 @!p0 s1  }
0xb1: {  	[bflag:$0x3] =	sbarrier.arrive $0xFFFF  }
0xb2: {  	_ =	shalt  }

// kernel: kernel.18.cloned.1.call-start
scs
__scs_entry_jumppad:
0x0: {  	(pc) =	sbr.rel $0x88, $3  }
0x1: {  	(tag) =	ssettag $0x0;
	lr =	simm.s32 $0x1  }
0x2: {  	[smem:$0x3F8C] =	sst lr;
	_ =	strace $0xD0000000  }
0x3: {  	_ = 	snop  }
0x4: {  	_ = 	snop  }
0x5: {  	_ = 	snop  }
0x6: {  	_ = 	snop  }
0x7: {  	_ = 	snop  }
__scs_overlays_trampoline_lowered:
0x8: {  	[smem:$0x3F9B] =	sst s0  }
0x9: {  	[smem:$0x3F9C] =	sst s1  }
0xa: {  	[smem:$0x3F9D] =	sst s2  }
0xb: {  	[smem:$0x3F9E] =	sst s3  }
0xc: {  	[smem:$0x3F9F] =	sst s4  }
0xd: {  	[smem:$0x3FA0] =	sst s5  }
0xe: {  	[smem:$0x3FA1] =	sst s6  }
0xf: {  	[smem:$0x3FA2] =	sst s7  }
0x10: {  	[smem:$0x3FA3] =	sst s8  }
0x11: {  	[smem:$0x3FA4] =	sst s9;
	s0 =	simm.s32 @!p0 $0x0  }
0x12: {  	s1 =	sld [smem:$0x3F8A];
	s0 =	simm.s32 @p0 $0x1  }
0x13: {  	[smem:$0x3FA5] =	sst s0;
	s0 =	simm.s32 @!p1 $0x0  }
0x14: {  	s2 =	sld [smem:$0x3F89];
	s0 =	simm.s32 @p1 $0x1  }
0x15: {  	[smem:$0x3FA6] =	sst s0;
	s0 =	simm.s32 @!p2 $0x0  }
0x16: {  	s3 =	sld [smem:$0x3FDB];
	s0 =	simm.s32 @p2 $0x1  }
0x17: {  	s4 =	simm.s32 $0x1BF5;
	[smem:$0x3FA8] =	sst s0  }
0x18: {  	s0 =	sld [smem:$0x3F8B];
	_ =	swait.ge [sflag:s4], $0x0  }
0x19: {  	s7 =	sld [smem:$0x3F8C]  }
0x1a: {  	s8 =	sadd.s32 $0xFFFFE003, lr  }
0x1b: {  	s9 =	sadd.s32 $0xFFFFFEF7, lr;
	s5 =	simm.s32 $0xFFFFFFFF;
	p2 =	slt.u32 s8, $0xFFFFF086  }
0x1c: {  	p1 =	slt.u32 s9, $0xF7A;
	s5 =	simm.s32 @!p2 $0x0  }
0x1d: {  	s5 =	simm.s32 @p1 $0x1;
	p0 =	seq.s32 s7, s2  }
0x1e: {  	s7 =	smul.u32 @!p0 $0xF7A, s2;
	p2 =	seq.s32 @!p0 s5, $0x0  }
0x1f: {  	s9 =	smul.u32 $0xF7A, s1;
	s8 =	simm.s32 @!p0 $0x1BF5;
	p2 =	por !p2, p0  }
0x20: {  	[sflag:s8] =	ssyncset.s32 @!p0 $0xFFFFF086;
	s6 =	sadd.s32 @!p0 s3, s7;
	s7 =	simm.s32 @!p0 $0x108  }
0x21: {  	s3 =	sadd.s32 s3, s9;
	s6 =	sadd.s32 @!p0 $0x88, s6;
	s7 =	simm.s32 @p2 $0x1082  }
0x22: {  	[simem:s7], [sflag:s8] =	dma.local @!p0 [hbm:s6], $0xF7A  }
0x23: {  	s9 =	sor.u32 $0xD0000000, s2;
	s6 =	simm.s32 $0x108;
	_ =	swait.ge @!p0 [sflag:s8], $0x0  }
0x24: {  	s3 =	sadd.s32 $0x88, s3;
	s6 =	simm.s32 @!p1 $0x1082;
	[sflag:s4] =	ssyncset.s32 $0xFFFFF086  }
0x25: {  	[simem:s6], [sflag:s4] =	dma.local [hbm:s3], $0xF7A  }
0x26: {  	[smem:$0x3F8C] =	sst s1;
	(tag) =	ssettag s2;
	_ =	strace s9  }
0x27: {  	s1 =	sld [smem:$0x3F9C]  }
0x28: {  	s2 =	sld [smem:$0x3F9D]  }
0x29: {  	s4 =	sld [smem:$0x3F9F]  }
0x2a: {  	p0 =	seq.s32 s5, $0x0;
	s5 =	sld [smem:$0x3FA0]  }
0x2b: {  	s6 =	sld [smem:$0x3FA1]  }
0x2c: {  	s7 =	sld [smem:$0x3FA2]  }
0x2d: {  	s3 =	simm.s32 $0x108;
	s8 =	sld [smem:$0x3FA3]  }
0x2e: {  	s3 =	simm.s32 @!p0 $0x1082;
	s9 =	sld [smem:$0x3FA4]  }
0x2f: {  	lr =	sadd.s32 s0, s3;
	s0 =	sld [smem:$0x3F9B]  }
0x30: {  	s3 =	sld [smem:$0x3F9E]  }
0x31: {  	[smem:$0x3FA7] =	sst s10  }
0x32: {  	s10 =	sld [smem:$0x3FA5];
	_ =	sdelay $0x3  }
0x33: {  	p0 =	seq.s32 s10, $0x1;
	s10 =	sld [smem:$0x3FA7];
	_ =	sdelay $0x3  }
0x34: {  	[smem:$0x3FA7] =	sst s10  }
0x35: {  	s10 =	sld [smem:$0x3FA6];
	_ =	sdelay $0x3  }
0x36: {  	p1 =	seq.s32 s10, $0x1;
	s10 =	sld [smem:$0x3FA7];
	_ =	sdelay $0x3  }
0x37: {  	[smem:$0x3FA7] =	sst s10  }
0x38: {  	s10 =	sld [smem:$0x3FA8]  }
0x39: {  	_ = 	snop;
	(pc) =	sbr.ind lr, $3  }
0x3a: {  	_ = 	snop  }
0x3b: {  	_ = 	snop  }
0x3c: {  	p2 =	seq.s32 s10, $0x1;
	s10 =	sld [smem:$0x3FA7]  }
0x3d: {  	_ =	shalt  }
0x3e: {  	_ =	shalt  }
0x3f: {  	_ =	shalt  }
0x40: {  	_ =	shalt  }
0x41: {  	_ =	shalt  }
0x42: {  	_ =	shalt  }
0x43: {  	_ =	shalt  }
0x44: {  	_ =	shalt  }
0x45: {  	_ =	shalt  }
0x46: {  	_ =	shalt  }
0x47: {  	_ =	shalt  }
0x48: {  	_ =	shalt  }
0x49: {  	_ =	shalt  }
0x4a: {  	_ =	shalt  }
0x4b: {  	_ =	shalt  }
0x4c: {  	_ =	shalt  }
0x4d: {  	_ =	shalt  }
0x4e: {  	_ =	shalt  }
0x4f: {  	_ =	shalt  }
0x50: {  	_ =	shalt  }
0x51: {  	_ =	shalt  }
0x52: {  	_ =	shalt  }
0x53: {  	_ =	shalt  }
0x54: {  	_ =	shalt  }
0x55: {  	_ =	shalt  }
0x56: {  	_ =	shalt  }
0x57: {  	_ =	shalt  }
0x58: {  	_ =	shalt  }
0x59: {  	_ =	shalt  }
0x5a: {  	_ =	shalt  }
0x5b: {  	_ =	shalt  }
0x5c: {  	_ =	shalt  }
0x5d: {  	_ =	shalt  }
0x5e: {  	_ =	shalt  }
0x5f: {  	_ =	shalt  }
0x60: {  	_ =	shalt  }
0x61: {  	_ =	shalt  }
0x62: {  	_ =	shalt  }
0x63: {  	_ =	shalt  }
0x64: {  	_ =	shalt  }
0x65: {  	_ =	shalt  }
0x66: {  	_ =	shalt  }
0x67: {  	_ =	shalt  }
0x68: {  	_ =	shalt  }
0x69: {  	_ =	shalt  }
0x6a: {  	_ =	shalt  }
0x6b: {  	_ =	shalt  }
0x6c: {  	_ =	shalt  }
0x6d: {  	_ =	shalt  }
0x6e: {  	_ =	shalt  }
0x6f: {  	_ =	shalt  }
0x70: {  	_ =	shalt  }
0x71: {  	_ =	shalt  }
0x72: {  	_ =	shalt  }
0x73: {  	_ =	shalt  }
0x74: {  	_ =	shalt  }
0x75: {  	_ =	shalt  }
0x76: {  	_ =	shalt  }
0x77: {  	_ =	shalt  }
0x78: {  	_ =	shalt  }
0x79: {  	_ =	shalt  }
0x7a: {  	_ =	shalt  }
0x7b: {  	_ =	shalt  }
0x7c: {  	_ =	shalt  }
0x7d: {  	_ =	shalt  }
0x7e: {  	_ =	shalt  }
0x7f: {  	_ =	shalt  }
0x80: {  	_ =	shalt  }
0x81: {  	_ =	shalt  }
0x82: {  	_ =	shalt  }
0x83: {  	_ =	shalt  }
0x84: {  	_ =	shalt  }
0x85: {  	_ =	shalt  }
0x86: {  	_ =	shalt  }
0x87: {  	_ =	shalt  }
.Lfunc_end0:
.L_simem_size_0:
called_computation.1_lowered:
.L_overlay_start_0:
0x88: {  	s2 =	sld [smem:$0x3FD9]  }
0x89: {  	s3 =	sld [smem:$0x3FFE];
	_ =	sdelay $0x1  }
0x8a: {  	s1 =	srdreg.scid  }
0x8b: {  	s0 =	sand.u32 $0x1, s1  }
0x8c: {  	s16 =	sshll.u32 s0, $0xA;
	s2 =	sadd.s32 s3, s2  }
0x8d: {  	s2 =	sadd.s32 s2, s16  }
0x8e: {  	[smem:$0x3FB3] =	sst s2  }
0x8f: {  	_ = 	snop  }
0x90: {  	(tm) =	ssettm $0x1  }
0x91: {  	s17 =	sld [smem:$0x3FFB];
	_ =	sdelay $0x3  }
0x92: {  	_ =	strace s17  }
0x93: {  	s2 =	sld [smem:$0x3FFC];
	_ =	sdelay $0x3  }
0x94: {  	_ =	strace s2  }
0x95: {  	s2 =	sld [smem:$0x3FFD];
	_ =	sdelay $0x3  }
0x96: {  	_ =	strace s2  }
0x97: {  	_ =	strace $0x8FFFFFFF  }
0x98: {  	s18 =	sld [smem:$0x3FDB];
	_ =	sdelay $0x1  }
0x99: {  	s19 =	simm.s32 $_scs_section_size  }
0x9a: {  	s4 =	simm.s32 $_size__tile_overlayer_lowered;
	s5 =	simm.s32 $_tile_overlayer_lowered  }
0x9b: {  	s22 =	simm.s32 $0x1BFF;
	s21 =	sshll.u32 s5, $0x1;
	s2 =	sadd.s32 s19, s18  }
0x9c: {  	s6 =	simm.s32 $0x0;
	s20 =	sshll.u32 s4, $0x1;
	s4 =	sadd.s32 s21, s2  }
0x9d: {  	[timem:s6], [sflag:s22] =	dma.local [hbm:s4], s20  }
0x9e: {  	_ =	swait.ge [sflag:s22], s20  }
0x9f: {  	s3 =	ssub.s32 $0x0, s20;
	[sflag:s22] =	ssyncset.done $0x0  }
0xa0: {  	[sflag:s22] =	ssyncadd.s32 s3;
	_ =	sdelay $0x1  }
0xa1: {  	s23 =	simm.s32 $0x1B8B  }
0xa2: {  	_ =	swait.ge [sflag:s23], $0x1  }
0xa3: {  	[sflag:s23] =	ssyncset.done $0x0  }
0xa4: {  	s25 =	simm.s32 $0x1B8E;
	s24 =	sld [smem:$0x3FFE];
	[sflag:s23] =	ssyncadd.s32 $0xFFFFFFFF  }
0xa5: {  	s26 =	simm.s32 $execute0_lowered;
	[smem:$0x3FD2] =	sst s25  }
0xa6: {  	s4 =	sshll.u32 s26, $0x1;
	_ =	strace $0x80000049;
	[dreg:$0x1] =	wrdreg $0xFFFFFFFF  }
0xa7: {  	s28 =	simm.s32 $_size_execute0_lowered;
	s2 =	sadd.s32 s2, s4;
	[dreg:$0x0] =	wrdreg $0x0  }
0xa8: {  	s4 =	sshll.u32 s28, $0x1;
	[dreg:$0x2] =	wrdreg s2  }
0xa9: {  	[dreg:$0x3] =	wrdreg s4  }
0xaa: {  	[dreg:$0x4] =	wrdreg $0xC0  }
0xab: {  	_ =	task [dreg:s6], $0x5FFFF  }
0xac: {  	[dreg:$0x1] =	wrdreg $0xFFFFFFFF  }
0xad: {  	[dreg:$0x0] =	wrdreg $0x60  }
0xae: {  	[dreg:$0x2] =	wrdreg s24  }
0xaf: {  	[dreg:$0x3] =	wrdreg $0x90100  }
0xb0: {  	[dreg:$0x4] =	wrdreg $0x130100  }
0xb1: {  	[dreg:$0x5] =	wrdreg $0x9  }
0xb2: {  	_ =	task.clear_ibuf [dreg:s6], $0x6FFFF;
	_ =	strace $0x90000049  }
0xb3: {  	s29 =	simm.s32 $0x9;
	_ =	strace $0x8000004B  }
0xb4: {  	_ =	swait.ge [sflag:s29], $0x1  }
0xb5: {  	[sflag:s29] =	ssyncadd.s32 $0xFFFFFFFF  }
0xb6: {  	_ =	strace $0x9000004B  }
0xb7: {  	_ =	sfence  }
0xb8: {  	s30 =	sld [smem:$0x0];
	_ =	sdelay $0x2  }
0xb9: {  	s31 =	sshll.u32 s1, $0xD;
	s1 =	sshrl.u32 s1, $0x2  }
0xba: {  	s3 =	sand.u32 $0x4000, s31;
	s1 =	sadd.s32 s1, s30  }
0xbb: {  	s0 =	sor.u32 s3, s0;
	s1 =	sshll.u32 s1, $0x11  }
0xbc: {  	s0 =	sor.u32 s1, s0  }
0xbd: {  	s0 =	sadd.s32 $0x8F2B, s0  }
0xbe: {  	[sflag:s0] =	ssyncadd.remote.s32 $0x1  }
0xbf: {  	_ =	sfence.sel $0xFFFF  }
0xc0: {  	[dreg:$0x0] =	wrdreg $0xFFFFFFFF;
	(pc) =	sbr.abs _section_cstart, $3  }
0xc1: {  	[dreg:$0x1] =	wrdreg $0xFFFFFFFF  }
0xc2: {  	_ =	task.clear_ibuf [dreg:s6], $0x2FFFF;
	_ =	strace $0x9FFFFFFF  }
0xc3: {  	(tm) =	ssettm $0x7FFFFFFF  }
tec
execute0_lowered:
.L_overlay_start_1:
0x0: {  	(tag) =	ssettag $0x1  }
0x1: {  	s0 =	rddreg [dreg:$0x0];
	s1 =	srdreg.scid  }
0x2: {  	s2 =	rddreg [dreg:$0x1];
	s15 =	stileid.u32  }
0x3: {  	s3 =	rddreg [dreg:$0x2];
	s6 =	smul.u32 $0x2710, s15  }
0x4: {  	s4 =	simm.s32 $0x0;
	s28 =	simm.s32 $0x3;
	s24 =	smul.u32 $0xA000, s15  }
0x5: {  	s29 =	simm.s32 $0x6;
	s1 =	sand.u32 $0x1, s1;
	s8 =	smul.u32 $0x2800, s15  }
0x6: {  	s30 =	simm.s32 $0x4;
	s31 =	simm.s32 $0x7;
	s5 =	smul.u32 $0x27100, s1  }
0x7: {  	[smem:$0x7FF] =	sst s4;
	s9 =	sadd.s32 $0x5B400, s0;
	s10 =	smul.u32 $0xA0000, s1  }
0x8: {  	s14 =	sadd.s32 $0x38E00, s0;
	_ =	strace $0x8000004A;
	s13 =	smul.u32 $0x28000, s1  }
0x9: {  	[dreg:$0x9] =	wrdreg s14;
	s25 =	ssub.s32 $0x2, s1;
	s1 =	sshll.u32 s1, $0x4  }
0xa: {  	s11 =	sshrl.u32 s24, $0x3;
	s12 =	sshrl.u32 s8, $0x3;
	s26 =	sshrl.u32 s25, $0x1  }
0xb: {  	s1 =	sor.u32 s15, s1;
	s17 =	sadd.s32 s8, s3;
	s5 =	sadd.s32 s6, s5  }
0xc: {  	s11 =	sadd.s32 s11, s0;
	s12 =	sadd.s32 s12, s0;
	s10 =	sadd.s32 s24, s10  }
0xd: {  	s13 =	sadd.s32 s8, s13;
	s6 =	sadd.s32 s24, s2;
	s16 =	smul.u32 $0x9C400, s1  }
0xe: {  	[dreg:$0xd] =	wrdreg s17;
	s1 =	smul.u32 $0x13880, s1;
	s17 =	simm.s32 $0x8B10  }
0xf: {  	s7 =	sshrl.u32 s5, $0x3;
	s10 =	sshrl.u32 s10, $0x3;
	s13 =	sshrl.u32 s13, $0x3  }
0x10: {  	[dreg:$0xb] =	wrdreg s6;
	s15 =	sadd.s32 $0x7AEC00, s11;
	s5 =	sshll.u32 s5, $0x3  }
0x11: {  	s18 =	sadd.s32 $0x33E00, s12;
	s7 =	sadd.s32 s7, s0;
	[dreg:$0xc] =	wrdreg s15  }
0x12: {  	s10 =	sadd.s32 s10, s0;
	[dreg:$0xe] =	wrdreg s18;
	s1 =	sadd.s32 s9, s1  }
0x13: {  	s5 =	sadd.s32 s9, s5;
	s7 =	sadd.s32 $0x51600, s7;
	[dreg:$0xf] =	wrdreg s1  }
0x14: {  	s0 =	sadd.s32 s13, s0;
	s20 =	sadd.s32 $0xF00, s5;
	[dreg:$0xa] =	wrdreg s7  }
0x15: {  	s13 =	ssub.s32 s25, s26;
	s22 =	sadd.s32 $0x7C2C00, s10;
	[dreg:$0x4] =	wrdreg s20  }
0x16: {  	s6 =	sshrl.u32 s16, $0x3;
	s21 =	sadd.s32 $0xC80, s5;
	[dreg:$0x11] =	wrdreg s22  }
0x17: {  	s16 =	simm.s32 $0xC;
	s0 =	sadd.s32 $0x39000, s0;
	[dreg:$0x5] =	wrdreg s21  }
0x18: {  	s18 =	simm.s32 $0x2710;
	s23 =	sadd.s32 $0xA00, s5;
	[dreg:$0x12] =	wrdreg s0  }
0x19: {  	s19 =	sadd.s32 s9, s6;
	s25 =	smax.u32 s13, $0x1;
	[dreg:$0x6] =	wrdreg s23  }
0x1a: {  	s24 =	sadd.s32 $0x780, s5;
	s26 =	sadd.s32 $0x500, s5;
	[dreg:$0x13] =	wrdreg s25  }
0x1b: {  	s6 =	simm.s32 $0xA;
	s1 =	sadd.s32 $0x280, s19;
	[dreg:$0x7] =	wrdreg s24  }
0x1c: {  	[dreg:$0x8] =	wrdreg s26;
	s19 =	simm.s32 $0x3B10;
	s20 =	simm.s32 $0x4F10  }
0x1d: {  	s21 =	simm.s32 $0x1;
	s22 =	simm.s32 $0x50;
	s23 =	simm.s32 $0x6310  }
0x1e: {  	s24 =	simm.s32 $0xB;
	s25 =	simm.s32 $0x2;
	s26 =	simm.s32 $0x7710  }
0x1f: {  	s7 =	simm.s32 $0x0;
	[dreg:$0x10] =	wrdreg s1;
	s1 =	simm.s32 $0x5  }
.LBB2_1:
0x20: {  	s0 =	rddreg [dreg:$0xa]  }
0x21: {  	[tilespmem:s4], [sflag:$0xC] =	stream.linear.gather [hbm4b:s0+s4], $0x2710, $0x38;
	[tilespmem:$0x15810] =	vst v63  }
0x22: {  	_ =	swait.ge [sflag:s16], $0x2710  }
0x23: {  	[sflag:s16] =	ssyncset.done $0x0  }
0x24: {  	s8 =	stileid.u32;
	s5 =	rddreg [dreg:$0x9];
	[sflag:s16] =	ssyncadd.s32 $0xFFFFD8F0  }
0x25: {  	[tilespmem:s17], [sflag:$0xC] =	stream.linear.gather [hbm4b:s5+s4], $0x500, $0x38;
	[tilespmem:$0x15810] =	vst v63  }
0x26: {  	s8 =	sshll.u32 s8, $0x6;
	_ =	swait.ge [sflag:s16], $0x500  }
0x27: {  	s8 =	sor.u32 $0x1C0C, s8;
	[sflag:s16] =	ssyncset.done $0x0;
	s9 =	rddreg [dreg:$0xb]  }
0x28: {  	s10 =	rddreg [dreg:$0xc];
	[sflag:s16] =	ssyncadd.s32 $0xFFFFFB00;
	s9 =	sshrl.u32 s9, $0x3  }
0x29: {  	[spmem:s9], [sflag:s8] =	dma.local [hbm:s10], $0x1400  }
0x2a: {  	_ =	swait.ge [sflag:s16], $0x1400  }
0x2b: {  	[sflag:s16] =	ssyncset.done $0x0;
	s11 =	rddreg [dreg:$0xd]  }
0x2c: {  	s12 =	rddreg [dreg:$0xe];
	[sflag:s16] =	ssyncadd.s32 $0xFFFFEC00;
	s10 =	sshrl.u32 s11, $0x3  }
0x2d: {  	[spmem:s10], [sflag:s8] =	dma.local [hbm:s12], $0x500  }
0x2e: {  	_ =	swait.ge [sflag:s16], $0x500  }
0x2f: {  	[sflag:s16] =	ssyncset.done $0x0  }
0x30: {  	[sflag:s16] =	ssyncadd.s32 $0xFFFFFB00  }
0x31: {  	[bflag:$0x0] =	sbarrier.arrive $0xFFFF  }
0x32: {  	p0 =	por $0x1, $0x1;
	s13 =	rddreg [dreg:$0xf]  }
0x33: {  	[tilespmem:s18], [sflag:$0x1] =	stream.linear.gather [hbm4b:s13+s4], $0x1400, $0x38;
	[tilespmem:$0x15810] =	vst v63  }
0x34: {  	s11 =	simm.s32 @!p0 $0x8;
	s14 =	rddreg [dreg:$0x10]  }
0x35: {  	[tilespmem:s19], [sflag:$0x2] =	stream.linear.gather [hbm4b:s14+s4], $0x1400, $0x38;
	[tilespmem:$0x15810] =	vst v63  }
0x36: {  	_ =	swait.ge @!p0 [sflag:s11], $0x1400  }
0x37: {  	s12 =	rddreg [dreg:$0x8];
	[sflag:s11] =	ssyncset.done @!p0 $0x0  }
0x38: {  	[sflag:s11] =	ssyncadd.s32 @!p0 $0xFFFFEC00;
	s11 =	simm.s32 @!p0 $0xB;
	s12 =	sadd.s32 $0x0, s12  }
0x39: {  	[tilespmem:s20], [sflag:$0x3] =	stream.linear.gather [hbm4b:s12+s4], $0x1400, $0x38;
	[tilespmem:$0x15810] =	vst v63  }
0x3a: {  	_ =	swait.ge @!p0 [sflag:s11], $0x500  }
0x3b: {  	[sflag:s11] =	ssyncset.done @!p0 $0x0  }
0x3c: {  	[sflag:s11] =	ssyncadd.s32 @!p0 $0xFFFFFB00  }
0x3d: {  	_ =	swait.ge [sflag:s21], $0x1400  }
0x3e: {  	[sflag:s21] =	ssyncset.done $0x0  }
0x3f: {  	[sflag:s21] =	ssyncadd.s32 $0xFFFFEC00  }
0x40: {  	[spmem:s2] =	stream.indirect.scatter.add.f32 [tilespmem:s18], [sflag:$0x6], $0x40, s4, s22, $0xb8;
	[tilespmem:$0x15810] =	vst v63  }
0x41: {  	s11 =	simm.s32 @!p0 $0x9  }
0x42: {  	[spmem:s3] =	stream.indirect.scatter.add.f32 [tilespmem:s17], [sflag:$0xB], $0x10, s4, s22, $0xb8;
	[tilespmem:$0x15810] =	vst v63  }
0x43: {  	_ =	swait.ge @!p0 [sflag:s11], $0x1400  }
0x44: {  	s15 =	rddreg [dreg:$0x7];
	[sflag:s11] =	ssyncset.done @!p0 $0x0  }
0x45: {  	[sflag:s11] =	ssyncadd.s32 @!p0 $0xFFFFEC00;
	s0 =	sadd.s32 $0x0, s15  }
0x46: {  	[tilespmem:s23], [sflag:$0x4] =	stream.linear.gather [hbm4b:s0+s4], $0x1400, $0x38;
	[tilespmem:$0x15810] =	vst v63  }
0x47: {  	_ =	swait.ge [sflag:s24], $0x500  }
0x48: {  	[sflag:s24] =	ssyncset.done $0x0  }
0x49: {  	[sflag:s24] =	ssyncadd.s32 $0xFFFFFB00  }
0x4a: {  	_ =	swait.ge [sflag:s25], $0x1400  }
0x4b: {  	[sflag:s25] =	ssyncset.done $0x0  }
0x4c: {  	s5 =	simm.s32 $0x50;
	[sflag:s25] =	ssyncadd.s32 $0xFFFFEC00  }
0x4d: {  	[spmem:s2] =	stream.indirect.scatter.add.f32 [tilespmem:s19], [sflag:$0x7], $0x40, s5, s22, $0xb8;
	[tilespmem:$0x15810] =	vst v63  }
0x4e: {  	s12 =	simm.s32 @!p0 $0xA  }
0x4f: {  	[spmem:s3] =	stream.indirect.scatter.add.f32 [tilespmem:s17], [sflag:$0xB], $0x10, s5, s22, $0xb8;
	[tilespmem:$0x15810] =	vst v63  }
0x50: {  	_ =	swait.ge @!p0 [sflag:s12], $0x1400  }
0x51: {  	s13 =	rddreg [dreg:$0x6];
	[sflag:s12] =	ssyncset.done @!p0 $0x0  }
0x52: {  	[sflag:s12] =	ssyncadd.s32 @!p0 $0xFFFFEC00;
	s11 =	sadd.s32 $0x0, s13  }
0x53: {  	[tilespmem:s26], [sflag:$0x5] =	stream.linear.gather [hbm4b:s11+s4], $0x1400, $0x38;
	[tilespmem:$0x15810] =	vst v63  }
0x54: {  	_ =	swait.ge [sflag:s24], $0x500  }
0x55: {  	[sflag:s24] =	ssyncset.done $0x0  }
0x56: {  	[sflag:s24] =	ssyncadd.s32 $0xFFFFFB00  }
0x57: {  	_ =	swait.ge [sflag:s28], $0x1400  }
0x58: {  	[sflag:s28] =	ssyncset.done $0x0  }
0x59: {  	s14 =	simm.s32 $0xA0;
	[sflag:s28] =	ssyncadd.s32 $0xFFFFEC00  }
0x5a: {  	[spmem:s2] =	stream.indirect.scatter.add.f32 [tilespmem:s20], [sflag:$0x8], $0x40, s14, s22, $0xb8;
	[tilespmem:$0x15810] =	vst v63  }
0x5b: {  	_ = 	snop  }
0x5c: {  	[spmem:s3] =	stream.indirect.scatter.add.f32 [tilespmem:s17], [sflag:$0xB], $0x10, s14, s22, $0xb8;
	[tilespmem:$0x15810] =	vst v63  }
0x5d: {  	p0 =	por $0x0, $0x0;
	_ =	swait.ge [sflag:s29], $0x1400  }
0x5e: {  	s12 =	simm.s32 @!p0 $0x0;
	s11 =	rddreg [dreg:$0x5];
	[sflag:s29] =	ssyncset.done $0x0  }
0x5f: {  	s13 =	simm.s32 @!p0 $0x2710;
	[sflag:s29] =	ssyncadd.s32 $0xFFFFEC00;
	s11 =	sadd.s32 @!p0 $0x0, s11  }
0x60: {  	[tilespmem:s13], [sflag:$0x1] =	stream.linear.gather @!p0 [hbm4b:s11+s12], $0x1400, $0x38;
	[tilespmem:$0x15810] =	vst v63  }
0x61: {  	_ =	swait.ge [sflag:s24], $0x500  }
0x62: {  	[sflag:s24] =	ssyncset.done $0x0  }
0x63: {  	[sflag:s24] =	ssyncadd.s32 $0xFFFFFB00  }
0x64: {  	_ =	swait.ge [sflag:s30], $0x1400  }
0x65: {  	[sflag:s30] =	ssyncset.done $0x0  }
0x66: {  	s15 =	simm.s32 $0xF0;
	[sflag:s30] =	ssyncadd.s32 $0xFFFFEC00  }
0x67: {  	[spmem:s2] =	stream.indirect.scatter.add.f32 [tilespmem:s23], [sflag:$0x9], $0x40, s15, s22, $0xb8;
	[tilespmem:$0x15810] =	vst v63  }
0x68: {  	_ = 	snop  }
0x69: {  	[spmem:s3] =	stream.indirect.scatter.add.f32 [tilespmem:s17], [sflag:$0xB], $0x10, s15, s22, $0xb8;
	[tilespmem:$0x15810] =	vst v63  }
0x6a: {  	_ =	swait.ge [sflag:s31], $0x1400  }
0x6b: {  	s11 =	rddreg [dreg:$0x4];
	[sflag:s31] =	ssyncset.done $0x0  }
0x6c: {  	s13 =	simm.s32 @!p0 $0x3B10;
	[sflag:s31] =	ssyncadd.s32 $0xFFFFEC00;
	s11 =	sadd.s32 @!p0 $0x0, s11  }
0x6d: {  	[tilespmem:s13], [sflag:$0x2] =	stream.linear.gather @!p0 [hbm4b:s11+s12], $0x1400, $0x38;
	[tilespmem:$0x15810] =	vst v63  }
0x6e: {  	_ =	swait.ge [sflag:s24], $0x500  }
0x6f: {  	[sflag:s24] =	ssyncset.done $0x0  }
0x70: {  	[sflag:s24] =	ssyncadd.s32 $0xFFFFFB00  }
0x71: {  	p1 =	por $0x0, $0x0;
	_ =	swait.ge [sflag:s1], $0x1400  }
0x72: {  	s15 =	simm.s32 $0x140;
	s12 =	simm.s32 $0xC80;
	[sflag:s1] =	ssyncset.done $0x0  }
0x73: {  	s13 =	simm.s32 $0x1900;
	s11 =	simm.s32 $0x190;
	[sflag:s1] =	ssyncadd.s32 $0xFFFFEC00  }
.LBB2_2:
0x74: {  	[spmem:s2] =	stream.indirect.scatter.add.f32 [tilespmem:s26], [sflag:$0xA], $0x40, s15, s22, $0xb8;
	[tilespmem:$0x15810] =	vst v63  }
0x75: {  	s0 =	simm.s32 @!p1 $0x8  }
0x76: {  	[spmem:s3] =	stream.indirect.scatter.add.f32 [tilespmem:s17], [sflag:$0xB], $0x10, s15, s22, $0xb8;
	[tilespmem:$0x15810] =	vst v63  }
0x77: {  	_ =	swait.ge @!p1 [sflag:s0], $0x1400  }
0x78: {  	[sflag:s0] =	ssyncset.done @!p1 $0x0;
	s5 =	rddreg [dreg:$0x8]  }
0x79: {  	[sflag:s0] =	ssyncadd.s32 @!p1 $0xFFFFEC00;
	s0 =	simm.s32 @!p1 $0xB;
	s15 =	sadd.s32 s12, s5  }
0x7a: {  	[tilespmem:s20], [sflag:$0x3] =	stream.linear.gather [hbm4b:s15+s4], $0x1400, $0x38;
	[tilespmem:$0x15810] =	vst v63  }
0x7b: {  	_ =	swait.ge @!p1 [sflag:s0], $0x500  }
0x7c: {  	[sflag:s0] =	ssyncset.done @!p1 $0x0  }
0x7d: {  	[sflag:s0] =	ssyncadd.s32 @!p1 $0xFFFFFB00  }
0x7e: {  	_ =	swait.ge [sflag:s21], $0x1400  }
0x7f: {  	[sflag:s21] =	ssyncset.done $0x0  }
0x80: {  	[sflag:s21] =	ssyncadd.s32 $0xFFFFEC00  }
0x81: {  	[spmem:s2] =	stream.indirect.scatter.add.f32 [tilespmem:s18], [sflag:$0x6], $0x40, s11, s22, $0xb8;
	[tilespmem:$0x15810] =	vst v63  }
0x82: {  	s0 =	simm.s32 @!p1 $0x9  }
0x83: {  	[spmem:s3] =	stream.indirect.scatter.add.f32 [tilespmem:s17], [sflag:$0xB], $0x10, s11, s22, $0xb8;
	[tilespmem:$0x15810] =	vst v63  }
0x84: {  	_ =	swait.ge @!p1 [sflag:s0], $0x1400  }
0x85: {  	s5 =	rddreg [dreg:$0x7];
	[sflag:s0] =	ssyncset.done @!p1 $0x0  }
0x86: {  	[sflag:s0] =	ssyncadd.s32 @!p1 $0xFFFFEC00;
	s15 =	sadd.s32 s12, s5  }
0x87: {  	[tilespmem:s23], [sflag:$0x4] =	stream.linear.gather [hbm4b:s15+s4], $0x1400, $0x38;
	[tilespmem:$0x15810] =	vst v63  }
0x88: {  	_ =	swait.ge [sflag:s24], $0x500  }
0x89: {  	[sflag:s24] =	ssyncset.done $0x0  }
0x8a: {  	[sflag:s24] =	ssyncadd.s32 $0xFFFFFB00  }
0x8b: {  	_ =	swait.ge [sflag:s25], $0x1400  }
0x8c: {  	[sflag:s25] =	ssyncset.done $0x0  }
0x8d: {  	s5 =	sadd.s32 $0x50, s11;
	[sflag:s25] =	ssyncadd.s32 $0xFFFFEC00  }
0x8e: {  	[spmem:s2] =	stream.indirect.scatter.add.f32 [tilespmem:s19], [sflag:$0x7], $0x40, s5, s22, $0xb8;
	[tilespmem:$0x15810] =	vst v63  }
0x8f: {  	s15 =	simm.s32 @!p1 $0xA  }
0x90: {  	[spmem:s3] =	stream.indirect.scatter.add.f32 [tilespmem:s17], [sflag:$0xB], $0x10, s5, s22, $0xb8;
	[tilespmem:$0x15810] =	vst v63  }
0x91: {  	_ =	swait.ge @!p1 [sflag:s15], $0x1400  }
0x92: {  	s5 =	rddreg [dreg:$0x6];
	[sflag:s15] =	ssyncset.done @!p1 $0x0  }
0x93: {  	[sflag:s15] =	ssyncadd.s32 @!p1 $0xFFFFEC00;
	s0 =	sadd.s32 s12, s5  }
0x94: {  	[tilespmem:s26], [sflag:$0x5] =	stream.linear.gather [hbm4b:s0+s4], $0x1400, $0x38;
	[tilespmem:$0x15810] =	vst v63  }
0x95: {  	_ =	swait.ge [sflag:s24], $0x500  }
0x96: {  	[sflag:s24] =	ssyncset.done $0x0  }
0x97: {  	[sflag:s24] =	ssyncadd.s32 $0xFFFFFB00  }
0x98: {  	_ =	swait.ge [sflag:s28], $0x1400  }
0x99: {  	[sflag:s28] =	ssyncset.done $0x0  }
0x9a: {  	s15 =	sadd.s32 $0xA0, s11;
	[sflag:s28] =	ssyncadd.s32 $0xFFFFEC00  }
0x9b: {  	[spmem:s2] =	stream.indirect.scatter.add.f32 [tilespmem:s20], [sflag:$0x8], $0x40, s15, s22, $0xb8;
	[tilespmem:$0x15810] =	vst v63  }
0x9c: {  	_ = 	snop  }
0x9d: {  	[spmem:s3] =	stream.indirect.scatter.add.f32 [tilespmem:s17], [sflag:$0xB], $0x10, s15, s22, $0xb8;
	[tilespmem:$0x15810] =	vst v63  }
0x9e: {  	p1 =	seq.s32 s12, $0x12C00;
	_ =	swait.ge [sflag:s29], $0x1400  }
0x9f: {  	s5 =	simm.s32 @!p1 $0x2710;
	s0 =	rddreg [dreg:$0x5];
	[sflag:s29] =	ssyncset.done $0x0  }
0xa0: {  	s15 =	simm.s32 @!p1 $0x0;
	[sflag:s29] =	ssyncadd.s32 $0xFFFFEC00;
	s0 =	sadd.s32 @!p1 s12, s0  }
0xa1: {  	[tilespmem:s5], [sflag:$0x1] =	stream.linear.gather @!p1 [hbm4b:s0+s15], $0x1400, $0x38;
	[tilespmem:$0x15810] =	vst v63  }
0xa2: {  	_ =	swait.ge [sflag:s24], $0x500  }
0xa3: {  	[sflag:s24] =	ssyncset.done $0x0  }
0xa4: {  	[sflag:s24] =	ssyncadd.s32 $0xFFFFFB00  }
0xa5: {  	_ =	swait.ge [sflag:s30], $0x1400  }
0xa6: {  	[sflag:s30] =	ssyncset.done $0x0  }
0xa7: {  	s5 =	sadd.s32 $0xF0, s11;
	[sflag:s30] =	ssyncadd.s32 $0xFFFFEC00  }
0xa8: {  	[spmem:s2] =	stream.indirect.scatter.add.f32 [tilespmem:s23], [sflag:$0x9], $0x40, s5, s22, $0xb8;
	[tilespmem:$0x15810] =	vst v63  }
0xa9: {  	_ = 	snop  }
0xaa: {  	[spmem:s3] =	stream.indirect.scatter.add.f32 [tilespmem:s17], [sflag:$0xB], $0x10, s5, s22, $0xb8;
	[tilespmem:$0x15810] =	vst v63  }
0xab: {  	s14 =	smov.u32 s13;
	_ =	swait.ge [sflag:s31], $0x1400  }
0xac: {  	s13 =	sadd.s32 $0xC80, s13;
	s0 =	rddreg [dreg:$0x4];
	[sflag:s31] =	ssyncset.done $0x0  }
0xad: {  	s5 =	simm.s32 @!p1 $0x3B10;
	[sflag:s31] =	ssyncadd.s32 $0xFFFFEC00;
	s0 =	sadd.s32 @!p1 s12, s0  }
0xae: {  	[tilespmem:s5], [sflag:$0x2] =	stream.linear.gather @!p1 [hbm4b:s0+s15], $0x1400, $0x38;
	[tilespmem:$0x15810] =	vst v63  }
0xaf: {  	p0 =	sne.s32 s13, $0x13880;
	_ =	swait.ge [sflag:s24], $0x500  }
.Ltmp0:
0xb0: {  	[sflag:s24] =	ssyncset.done $0x0;
	(pc) =	sbr.rel @p0 .LBB2_2-.Ltmp0, $4  }
0xb1: {  	[sflag:s24] =	ssyncadd.s32 $0xFFFFFB00  }
0xb2: {  	s12 =	smov.u32 s14;
	_ =	swait.ge [sflag:s1], $0x1400  }
0xb3: {  	p1 =	seq.s32 s12, $0x0;
	[sflag:s1] =	ssyncset.done $0x0  }
0xb4: {  	s15 =	sadd.s32 $0x140, s11;
	s11 =	sadd.s32 $0x190, s11;
	[sflag:s1] =	ssyncadd.s32 $0xFFFFEC00  }
0xb5: {  	[spmem:s2] =	stream.indirect.scatter.add.f32 [tilespmem:s26], [sflag:$0xA], $0x40, s15, s22, $0xb8;
	[tilespmem:$0x15810] =	vst v63  }
0xb6: {  	s0 =	simm.s32 @!p1 $0x8  }
0xb7: {  	[spmem:s3] =	stream.indirect.scatter.add.f32 [tilespmem:s17], [sflag:$0xB], $0x10, s15, s22, $0xb8;
	[tilespmem:$0x15810] =	vst v63  }
0xb8: {  	_ =	swait.ge @!p1 [sflag:s0], $0x1400  }
0xb9: {  	s5 =	rddreg [dreg:$0x8];
	[sflag:s0] =	ssyncset.done @!p1 $0x0  }
0xba: {  	[sflag:s0] =	ssyncadd.s32 @!p1 $0xFFFFEC00;
	s0 =	simm.s32 @!p1 $0xB;
	s5 =	sadd.s32 s12, s5  }
0xbb: {  	[tilespmem:s20], [sflag:$0x3] =	stream.linear.gather [hbm4b:s5+s4], $0x1400, $0x38;
	[tilespmem:$0x15810] =	vst v63  }
0xbc: {  	_ =	swait.ge @!p1 [sflag:s0], $0x500  }
0xbd: {  	[sflag:s0] =	ssyncset.done @!p1 $0x0  }
0xbe: {  	[sflag:s0] =	ssyncadd.s32 @!p1 $0xFFFFFB00  }
0xbf: {  	_ =	swait.ge [sflag:s21], $0x1400  }
0xc0: {  	[sflag:s21] =	ssyncset.done $0x0  }
0xc1: {  	[sflag:s21] =	ssyncadd.s32 $0xFFFFEC00  }
0xc2: {  	[spmem:s2] =	stream.indirect.scatter.add.f32 [tilespmem:s18], [sflag:$0x6], $0x40, s11, s22, $0xb8;
	[tilespmem:$0x15810] =	vst v63  }
0xc3: {  	s0 =	simm.s32 @!p1 $0x9  }
0xc4: {  	[spmem:s3] =	stream.indirect.scatter.add.f32 [tilespmem:s17], [sflag:$0xB], $0x10, s11, s22, $0xb8;
	[tilespmem:$0x15810] =	vst v63  }
0xc5: {  	_ =	swait.ge @!p1 [sflag:s0], $0x1400  }
0xc6: {  	s13 =	rddreg [dreg:$0x7];
	[sflag:s0] =	ssyncset.done @!p1 $0x0  }
0xc7: {  	[sflag:s0] =	ssyncadd.s32 @!p1 $0xFFFFEC00;
	s14 =	sadd.s32 s12, s13  }
0xc8: {  	[tilespmem:s23], [sflag:$0x4] =	stream.linear.gather [hbm4b:s14+s4], $0x1400, $0x38;
	[tilespmem:$0x15810] =	vst v63  }
0xc9: {  	_ =	swait.ge [sflag:s24], $0x500  }
0xca: {  	[sflag:s24] =	ssyncset.done $0x0  }
0xcb: {  	[sflag:s24] =	ssyncadd.s32 $0xFFFFFB00  }
0xcc: {  	_ =	swait.ge [sflag:s25], $0x1400  }
0xcd: {  	[sflag:s25] =	ssyncset.done $0x0  }
0xce: {  	s15 =	sadd.s32 $0x50, s11;
	[sflag:s25] =	ssyncadd.s32 $0xFFFFEC00  }
0xcf: {  	[spmem:s2] =	stream.indirect.scatter.add.f32 [tilespmem:s19], [sflag:$0x7], $0x40, s15, s22, $0xb8;
	[tilespmem:$0x15810] =	vst v63  }
0xd0: {  	s5 =	simm.s32 @!p1 $0xA  }
0xd1: {  	[spmem:s3] =	stream.indirect.scatter.add.f32 [tilespmem:s17], [sflag:$0xB], $0x10, s15, s22, $0xb8;
	[tilespmem:$0x15810] =	vst v63  }
0xd2: {  	_ =	swait.ge @!p1 [sflag:s5], $0x1400  }
0xd3: {  	s13 =	rddreg [dreg:$0x6];
	[sflag:s5] =	ssyncset.done @!p1 $0x0  }
0xd4: {  	[sflag:s5] =	ssyncadd.s32 @!p1 $0xFFFFEC00;
	s0 =	sadd.s32 s12, s13  }
0xd5: {  	[tilespmem:s26], [sflag:$0x5] =	stream.linear.gather [hbm4b:s0+s4], $0x1400, $0x38;
	[tilespmem:$0x15810] =	vst v63  }
0xd6: {  	_ =	swait.ge [sflag:s24], $0x500  }
0xd7: {  	[sflag:s24] =	ssyncset.done $0x0  }
0xd8: {  	[sflag:s24] =	ssyncadd.s32 $0xFFFFFB00  }
0xd9: {  	_ =	swait.ge [sflag:s28], $0x1400  }
0xda: {  	[sflag:s28] =	ssyncset.done $0x0  }
0xdb: {  	s14 =	sadd.s32 $0xA0, s11;
	[sflag:s28] =	ssyncadd.s32 $0xFFFFEC00  }
0xdc: {  	[spmem:s2] =	stream.indirect.scatter.add.f32 [tilespmem:s20], [sflag:$0x8], $0x40, s14, s22, $0xb8;
	[tilespmem:$0x15810] =	vst v63  }
0xdd: {  	_ = 	snop  }
0xde: {  	[spmem:s3] =	stream.indirect.scatter.add.f32 [tilespmem:s17], [sflag:$0xB], $0x10, s14, s22, $0xb8;
	[tilespmem:$0x15810] =	vst v63  }
0xdf: {  	p0 =	seq.s32 s12, $0x12C00;
	_ =	swait.ge [sflag:s29], $0x1400  }
0xe0: {  	s5 =	simm.s32 @!p0 $0x0;
	s0 =	rddreg [dreg:$0x5];
	[sflag:s29] =	ssyncset.done $0x0  }
0xe1: {  	s13 =	simm.s32 @!p0 $0x2710;
	[sflag:s29] =	ssyncadd.s32 $0xFFFFEC00;
	s0 =	sadd.s32 @!p0 s12, s0  }
0xe2: {  	[tilespmem:s13], [sflag:$0x1] =	stream.linear.gather @!p0 [hbm4b:s0+s5], $0x1400, $0x38;
	[tilespmem:$0x15810] =	vst v63  }
0xe3: {  	_ =	swait.ge [sflag:s24], $0x500  }
0xe4: {  	[sflag:s24] =	ssyncset.done $0x0  }
0xe5: {  	[sflag:s24] =	ssyncadd.s32 $0xFFFFFB00  }
0xe6: {  	_ =	swait.ge [sflag:s30], $0x1400  }
0xe7: {  	[sflag:s30] =	ssyncset.done $0x0  }
0xe8: {  	s15 =	sadd.s32 $0xF0, s11;
	[sflag:s30] =	ssyncadd.s32 $0xFFFFEC00  }
0xe9: {  	[spmem:s2] =	stream.indirect.scatter.add.f32 [tilespmem:s23], [sflag:$0x9], $0x40, s15, s22, $0xb8;
	[tilespmem:$0x15810] =	vst v63  }
0xea: {  	_ = 	snop  }
0xeb: {  	[spmem:s3] =	stream.indirect.scatter.add.f32 [tilespmem:s17], [sflag:$0xB], $0x10, s15, s22, $0xb8;
	[tilespmem:$0x15810] =	vst v63  }
0xec: {  	_ =	swait.ge [sflag:s31], $0x1400  }
0xed: {  	s0 =	rddreg [dreg:$0x4];
	[sflag:s31] =	ssyncset.done $0x0  }
0xee: {  	[sflag:s31] =	ssyncadd.s32 $0xFFFFEC00;
	s0 =	sadd.s32 @!p0 s12, s0;
	s12 =	simm.s32 @!p0 $0x3B10  }
0xef: {  	[tilespmem:s12], [sflag:$0x2] =	stream.linear.gather @!p0 [hbm4b:s0+s5], $0x1400, $0x38;
	[tilespmem:$0x15810] =	vst v63  }
0xf0: {  	_ =	swait.ge [sflag:s24], $0x500  }
0xf1: {  	[sflag:s24] =	ssyncset.done $0x0  }
0xf2: {  	[sflag:s24] =	ssyncadd.s32 $0xFFFFFB00  }
0xf3: {  	_ =	swait.ge [sflag:s1], $0x1400  }
0xf4: {  	[sflag:s1] =	ssyncset.done $0x0  }
0xf5: {  	s5 =	sadd.s32 $0x140, s11;
	[sflag:s1] =	ssyncadd.s32 $0xFFFFEC00  }
0xf6: {  	[spmem:s2] =	stream.indirect.scatter.add.f32 [tilespmem:s26], [sflag:$0xA], $0x40, s5, s22, $0xb8;
	[tilespmem:$0x15810] =	vst v63  }
0xf7: {  	s11 =	simm.s32 $0x8  }
0xf8: {  	[spmem:s3] =	stream.indirect.scatter.add.f32 [tilespmem:s17], [sflag:$0xB], $0x10, s5, s22, $0xb8;
	[tilespmem:$0x15810] =	vst v63  }
0xf9: {  	_ =	swait.ge [sflag:s11], $0x1400  }
0xfa: {  	[sflag:s11] =	ssyncset.done $0x0  }
0xfb: {  	s12 =	simm.s32 $0x9;
	[sflag:s11] =	ssyncadd.s32 $0xFFFFEC00  }
0xfc: {  	_ =	swait.ge [sflag:s12], $0x1400  }
0xfd: {  	[sflag:s12] =	ssyncset.done $0x0  }
0xfe: {  	[sflag:s12] =	ssyncadd.s32 $0xFFFFEC00  }
0xff: {  	_ =	swait.ge [sflag:s6], $0x1400  }
0x100: {  	[sflag:s6] =	ssyncset.done $0x0  }
0x101: {  	[sflag:s6] =	ssyncadd.s32 $0xFFFFEC00  }
0x102: {  	_ =	swait.ge [sflag:s24], $0x500  }
0x103: {  	[sflag:s24] =	ssyncset.done $0x0  }
0x104: {  	[sflag:s24] =	ssyncadd.s32 $0xFFFFFB00  }
0x105: {  	[bflag:$0x0] =	sbarrier.arrive $0xFFFF  }
0x106: {  	s13 =	rddreg [dreg:$0x11]  }
0x107: {  	[hbm:s13], [sflag:s8] =	dma.local [spmem:s9], $0x1400  }
0x108: {  	_ =	swait.ge [sflag:s16], $0x1400  }
0x109: {  	[sflag:s16] =	ssyncset.done $0x0  }
0x10a: {  	s14 =	rddreg [dreg:$0x12];
	[sflag:s16] =	ssyncadd.s32 $0xFFFFEC00  }
0x10b: {  	[hbm:s14], [sflag:s8] =	dma.local [spmem:s10], $0x500  }
0x10c: {  	_ =	swait.ge [sflag:s16], $0x500  }
0x10d: {  	s7 =	sadd.s32 $0x1, s7;
	s15 =	rddreg [dreg:$0x13]  }
0x10e: {  	p0 =	sne.s32 s7, s15  }
.Ltmp1:
0x10f: {  	_ = 	snop;
	(pc) =	sbr.rel @p0 .LBB2_1-.Ltmp1, $3  }
0x110: {  	_ =	sdelay $0x1  }
0x111: {  	[sflag:s16] =	ssyncset.done $0x0  }
0x112: {  	[sflag:s16] =	ssyncadd.s32 $0xFFFFFB00  }
0x113: {  	_ =	sfence.sel $0x180000  }
0x114: {  	[bflag:$0x0] =	sbarrier.arrive $0xFFFF  }
0x115: {  	_ =	strace $0x9000004A  }
0x116: {  	s0 =	stileid.u32;
	[bflag:$0x2] =	sbarrier.arrive $0xFFFF  }
0x117: {  	p0 =	sne.s32 s0, $0x0;
	s0 =	rddreg [dreg:$0x3]  }
0x118: {  	s0 =	sadd.s32 @!p0 $0x100000, s0  }
0x119: {  	[sflag:s0] =	ssyncadd.tile.s32 @!p0 $0x1;
	_ =	shalt  }
.Lfunc_end2:
_tile_overlayer_lowered:
.L_overlay_start_2:
0x11a: {  	(tag) =	ssettag $0x2  }
0x11b: {  	s0 =	rddreg [dreg:$0x0];
	s2 =	stileid.u32  }
0x11c: {  	s1 =	rddreg [dreg:$0x1];
	p0 =	sne.s32 s2, $0x0  }
0x11d: {  	s3 =	rddreg [dreg:$0x2];
	[bflag:$0x3] =	sbarrier.arrive $0xFFFF;
	s2 =	simm.s32 @!p0 $0x1C0C  }
0x11e: {  	[timem:s3], [sflag:s2] =	dma.local @!p0 [hbm:s0], s1  }
0x11f: {  	s0 =	simm.s32 @!p0 $0xC  }
0x120: {  	_ =	swait.ge @!p0 [sflag:s0], s1  }
0x121: {  	s1 =	ssub.s32 @!p0 $0x0, s1;
	[sflag:s0] =	ssyncset.done @!p0 $0x0  }
0x122: {  	[sflag:s0] =	ssyncadd.s32 @!p0 s1  }
0x123: {  	[bflag:$0x3] =	sbarrier.arrive $0xFFFF  }
0x124: {  	_ =	shalt  }

// kernel: kernel.21.cloned.1.call-start
scs
__scs_entry_jumppad:
0x0: {  	(pc) =	sbr.rel $0x88, $3  }
0x1: {  	(tag) =	ssettag $0x0;
	lr =	simm.s32 $0x1  }
0x2: {  	[smem:$0x3F8C] =	sst lr;
	_ =	strace $0xD0000000  }
0x3: {  	_ = 	snop  }
0x4: {  	_ = 	snop  }
0x5: {  	_ = 	snop  }
0x6: {  	_ = 	snop  }
0x7: {  	_ = 	snop  }
__scs_overlays_trampoline_lowered:
0x8: {  	[smem:$0x3F9B] =	sst s0  }
0x9: {  	[smem:$0x3F9C] =	sst s1  }
0xa: {  	[smem:$0x3F9D] =	sst s2  }
0xb: {  	[smem:$0x3F9E] =	sst s3  }
0xc: {  	[smem:$0x3F9F] =	sst s4  }
0xd: {  	[smem:$0x3FA0] =	sst s5  }
0xe: {  	[smem:$0x3FA1] =	sst s6  }
0xf: {  	[smem:$0x3FA2] =	sst s7  }
0x10: {  	[smem:$0x3FA3] =	sst s8  }
0x11: {  	[smem:$0x3FA4] =	sst s9;
	s0 =	simm.s32 @!p0 $0x0  }
0x12: {  	s1 =	sld [smem:$0x3F8A];
	s0 =	simm.s32 @p0 $0x1  }
0x13: {  	[smem:$0x3FA5] =	sst s0;
	s0 =	simm.s32 @!p1 $0x0  }
0x14: {  	s2 =	sld [smem:$0x3F89];
	s0 =	simm.s32 @p1 $0x1  }
0x15: {  	[smem:$0x3FA6] =	sst s0;
	s0 =	simm.s32 @!p2 $0x0  }
0x16: {  	s3 =	sld [smem:$0x3FDB];
	s0 =	simm.s32 @p2 $0x1  }
0x17: {  	s4 =	simm.s32 $0x1BF5;
	[smem:$0x3FA8] =	sst s0  }
0x18: {  	s0 =	sld [smem:$0x3F8B];
	_ =	swait.ge [sflag:s4], $0x0  }
0x19: {  	s7 =	sld [smem:$0x3F8C]  }
0x1a: {  	s8 =	sadd.s32 $0xFFFFE003, lr  }
0x1b: {  	s9 =	sadd.s32 $0xFFFFFEF7, lr;
	s5 =	simm.s32 $0xFFFFFFFF;
	p2 =	slt.u32 s8, $0xFFFFF086  }
0x1c: {  	p1 =	slt.u32 s9, $0xF7A;
	s5 =	simm.s32 @!p2 $0x0  }
0x1d: {  	s5 =	simm.s32 @p1 $0x1;
	p0 =	seq.s32 s7, s2  }
0x1e: {  	s7 =	smul.u32 @!p0 $0xF7A, s2;
	p2 =	seq.s32 @!p0 s5, $0x0  }
0x1f: {  	s9 =	smul.u32 $0xF7A, s1;
	s8 =	simm.s32 @!p0 $0x1BF5;
	p2 =	por !p2, p0  }
0x20: {  	[sflag:s8] =	ssyncset.s32 @!p0 $0xFFFFF086;
	s6 =	sadd.s32 @!p0 s3, s7;
	s7 =	simm.s32 @!p0 $0x108  }
0x21: {  	s3 =	sadd.s32 s3, s9;
	s6 =	sadd.s32 @!p0 $0x88, s6;
	s7 =	simm.s32 @p2 $0x1082  }
0x22: {  	[simem:s7], [sflag:s8] =	dma.local @!p0 [hbm:s6], $0xF7A  }
0x23: {  	s9 =	sor.u32 $0xD0000000, s2;
	s6 =	simm.s32 $0x108;
	_ =	swait.ge @!p0 [sflag:s8], $0x0  }
0x24: {  	s3 =	sadd.s32 $0x88, s3;
	s6 =	simm.s32 @!p1 $0x1082;
	[sflag:s4] =	ssyncset.s32 $0xFFFFF086  }
0x25: {  	[simem:s6], [sflag:s4] =	dma.local [hbm:s3], $0xF7A  }
0x26: {  	[smem:$0x3F8C] =	sst s1;
	(tag) =	ssettag s2;
	_ =	strace s9  }
0x27: {  	s1 =	sld [smem:$0x3F9C]  }
0x28: {  	s2 =	sld [smem:$0x3F9D]  }
0x29: {  	s4 =	sld [smem:$0x3F9F]  }
0x2a: {  	p0 =	seq.s32 s5, $0x0;
	s5 =	sld [smem:$0x3FA0]  }
0x2b: {  	s6 =	sld [smem:$0x3FA1]  }
0x2c: {  	s7 =	sld [smem:$0x3FA2]  }
0x2d: {  	s3 =	simm.s32 $0x108;
	s8 =	sld [smem:$0x3FA3]  }
0x2e: {  	s3 =	simm.s32 @!p0 $0x1082;
	s9 =	sld [smem:$0x3FA4]  }
0x2f: {  	lr =	sadd.s32 s0, s3;
	s0 =	sld [smem:$0x3F9B]  }
0x30: {  	s3 =	sld [smem:$0x3F9E]  }
0x31: {  	[smem:$0x3FA7] =	sst s10  }
0x32: {  	s10 =	sld [smem:$0x3FA5];
	_ =	sdelay $0x3  }
0x33: {  	p0 =	seq.s32 s10, $0x1;
	s10 =	sld [smem:$0x3FA7];
	_ =	sdelay $0x3  }
0x34: {  	[smem:$0x3FA7] =	sst s10  }
0x35: {  	s10 =	sld [smem:$0x3FA6];
	_ =	sdelay $0x3  }
0x36: {  	p1 =	seq.s32 s10, $0x1;
	s10 =	sld [smem:$0x3FA7];
	_ =	sdelay $0x3  }
0x37: {  	[smem:$0x3FA7] =	sst s10  }
0x38: {  	s10 =	sld [smem:$0x3FA8]  }
0x39: {  	_ = 	snop;
	(pc) =	sbr.ind lr, $3  }
0x3a: {  	_ = 	snop  }
0x3b: {  	_ = 	snop  }
0x3c: {  	p2 =	seq.s32 s10, $0x1;
	s10 =	sld [smem:$0x3FA7]  }
0x3d: {  	_ =	shalt  }
0x3e: {  	_ =	shalt  }
0x3f: {  	_ =	shalt  }
0x40: {  	_ =	shalt  }
0x41: {  	_ =	shalt  }
0x42: {  	_ =	shalt  }
0x43: {  	_ =	shalt  }
0x44: {  	_ =	shalt  }
0x45: {  	_ =	shalt  }
0x46: {  	_ =	shalt  }
0x47: {  	_ =	shalt  }
0x48: {  	_ =	shalt  }
0x49: {  	_ =	shalt  }
0x4a: {  	_ =	shalt  }
0x4b: {  	_ =	shalt  }
0x4c: {  	_ =	shalt  }
0x4d: {  	_ =	shalt  }
0x4e: {  	_ =	shalt  }
0x4f: {  	_ =	shalt  }
0x50: {  	_ =	shalt  }
0x51: {  	_ =	shalt  }
0x52: {  	_ =	shalt  }
0x53: {  	_ =	shalt  }
0x54: {  	_ =	shalt  }
0x55: {  	_ =	shalt  }
0x56: {  	_ =	shalt  }
0x57: {  	_ =	shalt  }
0x58: {  	_ =	shalt  }
0x59: {  	_ =	shalt  }
0x5a: {  	_ =	shalt  }
0x5b: {  	_ =	shalt  }
0x5c: {  	_ =	shalt  }
0x5d: {  	_ =	shalt  }
0x5e: {  	_ =	shalt  }
0x5f: {  	_ =	shalt  }
0x60: {  	_ =	shalt  }
0x61: {  	_ =	shalt  }
0x62: {  	_ =	shalt  }
0x63: {  	_ =	shalt  }
0x64: {  	_ =	shalt  }
0x65: {  	_ =	shalt  }
0x66: {  	_ =	shalt  }
0x67: {  	_ =	shalt  }
0x68: {  	_ =	shalt  }
0x69: {  	_ =	shalt  }
0x6a: {  	_ =	shalt  }
0x6b: {  	_ =	shalt  }
0x6c: {  	_ =	shalt  }
0x6d: {  	_ =	shalt  }
0x6e: {  	_ =	shalt  }
0x6f: {  	_ =	shalt  }
0x70: {  	_ =	shalt  }
0x71: {  	_ =	shalt  }
0x72: {  	_ =	shalt  }
0x73: {  	_ =	shalt  }
0x74: {  	_ =	shalt  }
0x75: {  	_ =	shalt  }
0x76: {  	_ =	shalt  }
0x77: {  	_ =	shalt  }
0x78: {  	_ =	shalt  }
0x79: {  	_ =	shalt  }
0x7a: {  	_ =	shalt  }
0x7b: {  	_ =	shalt  }
0x7c: {  	_ =	shalt  }
0x7d: {  	_ =	shalt  }
0x7e: {  	_ =	shalt  }
0x7f: {  	_ =	shalt  }
0x80: {  	_ =	shalt  }
0x81: {  	_ =	shalt  }
0x82: {  	_ =	shalt  }
0x83: {  	_ =	shalt  }
0x84: {  	_ =	shalt  }
0x85: {  	_ =	shalt  }
0x86: {  	_ =	shalt  }
0x87: {  	_ =	shalt  }
.Lfunc_end0:
.L_simem_size_0:
called_computation.2_lowered:
.L_overlay_start_0:
0x88: {  	s2 =	sld [smem:$0x3FD9]  }
0x89: {  	s3 =	sld [smem:$0x3FFE];
	_ =	sdelay $0x1  }
0x8a: {  	s1 =	srdreg.scid  }
0x8b: {  	s0 =	sand.u32 $0x1, s1  }
0x8c: {  	s16 =	sshll.u32 s0, $0xA;
	s2 =	sadd.s32 s3, s2  }
0x8d: {  	s2 =	sadd.s32 s2, s16  }
0x8e: {  	[smem:$0x3FB3] =	sst s2  }
0x8f: {  	_ = 	snop  }
0x90: {  	(tm) =	ssettm $0x1  }
0x91: {  	s17 =	sld [smem:$0x3FFB];
	_ =	sdelay $0x3  }
0x92: {  	_ =	strace s17  }
0x93: {  	s2 =	sld [smem:$0x3FFC];
	_ =	sdelay $0x3  }
0x94: {  	_ =	strace s2  }
0x95: {  	s2 =	sld [smem:$0x3FFD];
	_ =	sdelay $0x3  }
0x96: {  	_ =	strace s2  }
0x97: {  	_ =	strace $0x8FFFFFFF  }
0x98: {  	s18 =	sld [smem:$0x3FDB];
	_ =	sdelay $0x1  }
0x99: {  	s19 =	simm.s32 $_scs_section_size  }
0x9a: {  	s4 =	simm.s32 $_size__tile_overlayer_lowered;
	s5 =	simm.s32 $_tile_overlayer_lowered  }
0x9b: {  	s22 =	simm.s32 $0x1BFF;
	s21 =	sshll.u32 s5, $0x1;
	s2 =	sadd.s32 s19, s18  }
0x9c: {  	s6 =	simm.s32 $0x0;
	s20 =	sshll.u32 s4, $0x1;
	s4 =	sadd.s32 s21, s2  }
0x9d: {  	[timem:s6], [sflag:s22] =	dma.local [hbm:s4], s20  }
0x9e: {  	_ =	swait.ge [sflag:s22], s20  }
0x9f: {  	s3 =	ssub.s32 $0x0, s20;
	[sflag:s22] =	ssyncset.done $0x0  }
0xa0: {  	[sflag:s22] =	ssyncadd.s32 s3;
	_ =	sdelay $0x1  }
0xa1: {  	s23 =	simm.s32 $0x1B8B  }
0xa2: {  	_ =	swait.ge [sflag:s23], $0x1  }
0xa3: {  	[sflag:s23] =	ssyncset.done $0x0  }
0xa4: {  	s25 =	simm.s32 $0x1B8E;
	s24 =	sld [smem:$0x3FFE];
	[sflag:s23] =	ssyncadd.s32 $0xFFFFFFFF  }
0xa5: {  	s26 =	simm.s32 $execute0_lowered;
	[smem:$0x3FD2] =	sst s25  }
0xa6: {  	s4 =	sshll.u32 s26, $0x1;
	_ =	strace $0x8000004C;
	[dreg:$0x1] =	wrdreg $0xFFFFFFFF  }
0xa7: {  	s28 =	simm.s32 $_size_execute0_lowered;
	s2 =	sadd.s32 s2, s4;
	[dreg:$0x0] =	wrdreg $0x0  }
0xa8: {  	s4 =	sshll.u32 s28, $0x1;
	[dreg:$0x2] =	wrdreg s2  }
0xa9: {  	[dreg:$0x3] =	wrdreg s4  }
0xaa: {  	[dreg:$0x4] =	wrdreg $0xC0  }
0xab: {  	_ =	task [dreg:s6], $0x5FFFF  }
0xac: {  	[dreg:$0x1] =	wrdreg $0xFFFFFFFF  }
0xad: {  	[dreg:$0x0] =	wrdreg $0x60  }
0xae: {  	[dreg:$0x2] =	wrdreg s24  }
0xaf: {  	[dreg:$0x3] =	wrdreg $0x9  }
0xb0: {  	_ =	task.clear_ibuf [dreg:s6], $0x4FFFF;
	_ =	strace $0x9000004C  }
0xb1: {  	s29 =	simm.s32 $0x9;
	_ =	strace $0x8000004E  }
0xb2: {  	_ =	swait.ge [sflag:s29], $0x1  }
0xb3: {  	[sflag:s29] =	ssyncadd.s32 $0xFFFFFFFF  }
0xb4: {  	_ =	strace $0x9000004E  }
0xb5: {  	_ =	sfence  }
0xb6: {  	s30 =	sld [smem:$0x0];
	_ =	sdelay $0x2  }
0xb7: {  	s31 =	sshll.u32 s1, $0xD;
	s1 =	sshrl.u32 s1, $0x2  }
0xb8: {  	s3 =	sand.u32 $0x4000, s31;
	s1 =	sadd.s32 s1, s30  }
0xb9: {  	s0 =	sor.u32 s3, s0;
	s1 =	sshll.u32 s1, $0x11  }
0xba: {  	s0 =	sor.u32 s1, s0  }
0xbb: {  	s0 =	sadd.s32 $0x8F2B, s0  }
0xbc: {  	[sflag:s0] =	ssyncadd.remote.s32 $0x1  }
0xbd: {  	_ =	sfence.sel $0xFFFF  }
0xbe: {  	[dreg:$0x0] =	wrdreg $0xFFFFFFFF;
	(pc) =	sbr.abs _section_cstart, $3  }
0xbf: {  	[dreg:$0x1] =	wrdreg $0xFFFFFFFF  }
0xc0: {  	_ =	task.clear_ibuf [dreg:s6], $0x2FFFF;
	_ =	strace $0x9FFFFFFF  }
0xc1: {  	(tm) =	ssettm $0x7FFFFFFF  }
tec
execute0_lowered:
.L_overlay_start_1:
0x0: {  	(tag) =	ssettag $0x1  }
0x1: {  	s0 =	srdreg.scid;
	s8 =	stileid.u32  }
0x2: {  	s4 =	rddreg [dreg:$0x0];
	s2 =	simm.s32 $0x0;
	s12 =	simm.s32 $0x50  }
0x3: {  	s13 =	simm.s32 $0x2710;
	s14 =	simm.s32 $0x3B10;
	s15 =	simm.s32 $0x4F10  }
0x4: {  	s16 =	simm.s32 $0x1;
	s17 =	simm.s32 $0x6310;
	s18 =	simm.s32 $0x2  }
0x5: {  	s19 =	simm.s32 $0x7710;
	s20 =	simm.s32 $0x3;
	s21 =	simm.s32 $0x6  }
0x6: {  	s22 =	simm.s32 $0x4;
	s23 =	simm.s32 $0x7;
	s3 =	smul.u32 $0x2710, s8  }
0x7: {  	s24 =	simm.s32 $0x5;
	s0 =	sand.u32 $0x1, s0;
	s28 =	smul.u32 $0x13880, s8  }
0x8: {  	s29 =	simm.s32 $0x0;
	[smem:$0x7FF] =	sst s2;
	s1 =	smul.u32 $0x27100, s0  }
0x9: {  	_ =	strace $0x8000004D;
	s6 =	ssub.s32 $0x2, s0;
	s0 =	smul.u32 $0x138800, s0  }
0xa: {  	s7 =	sshrl.u32 s6, $0x1;
	s1 =	sadd.s32 s3, s1;
	s3 =	sadd.s32 $0xCC00, s4  }
0xb: {  	s6 =	ssub.s32 s6, s7;
	s5 =	sshrl.u32 s1, $0x3;
	s1 =	sshll.u32 s1, $0x3  }
0xc: {  	s30 =	smax.u32 s6, $0x1;
	s5 =	sadd.s32 s5, s4;
	s4 =	sadd.s32 $0x7C2C00, s4  }
0xd: {  	[dreg:$0x3] =	wrdreg s30;
	s5 =	sadd.s32 $0x47800, s5;
	s1 =	sadd.s32 s4, s1  }
0xe: {  	s0 =	sadd.s32 s0, s4;
	[dreg:$0x2] =	wrdreg s5;
	s31 =	sadd.s32 $0x280, s1  }
0xf: {  	s0 =	sadd.s32 s28, s0;
	s25 =	sadd.s32 $0xA00, s1;
	[dreg:$0x4] =	wrdreg s31  }
0x10: {  	s9 =	sadd.s32 $0x780, s1;
	s10 =	sadd.s32 $0x500, s1;
	[dreg:$0x5] =	wrdreg s0  }
.LBB2_1:
0x11: {  	s0 =	rddreg [dreg:$0x2];
	s8 =	simm.s32 $0xB  }
0x12: {  	[tilespmem:s2], [sflag:$0xB] =	stream.linear.gather [hbm4b:s0+s2], $0x2710, $0x38;
	[tilespmem:$0x8B10] =	vst v63  }
0x13: {  	_ =	swait.ge [sflag:s8], $0x2710  }
0x14: {  	[sflag:s8] =	ssyncset.done $0x0  }
0x15: {  	p0 =	por $0x1, $0x1;
	[sflag:s8] =	ssyncadd.s32 $0xFFFFD8F0  }
0x16: {  	[tilespmem:s13], [sflag:$0x1] =	stream.indirect.gather [hbm4b:s3+s12], $0x40, s2, s12, $0xb8;
	[tilespmem:$0x8B10] =	vst v63  }
0x17: {  	s0 =	simm.s32 @!p0 $0x8  }
0x18: {  	[tilespmem:s14], [sflag:$0x2] =	stream.indirect.gather [hbm4b:s3+s12], $0x40, s12, s12, $0xb8;
	[tilespmem:$0x8B10] =	vst v63  }
0x19: {  	_ =	swait.ge @!p0 [sflag:s0], $0x1400  }
0x1a: {  	[sflag:s0] =	ssyncset.done @!p0 $0x0  }
0x1b: {  	s11 =	simm.s32 $0xA0;
	[sflag:s0] =	ssyncadd.s32 @!p0 $0xFFFFEC00  }
0x1c: {  	[tilespmem:s15], [sflag:$0x3] =	stream.indirect.gather [hbm4b:s3+s12], $0x40, s11, s12, $0xb8;
	[tilespmem:$0x8B10] =	vst v63  }
0x1d: {  	_ =	swait.ge [sflag:s16], $0x1400  }
0x1e: {  	[sflag:s16] =	ssyncset.done $0x0  }
0x1f: {  	s0 =	simm.s32 @!p0 $0x9;
	s7 =	rddreg [dreg:$0x5];
	[sflag:s16] =	ssyncadd.s32 $0xFFFFEC00  }
0x20: {  	[hbm4b:s7+s2] =	stream.linear.scatter [tilespmem:s13], [sflag:$0x6], $0x1400, $0x38;
	[tilespmem:$0x8B10] =	vst v63  }
0x21: {  	_ =	swait.ge @!p0 [sflag:s0], $0x1400  }
0x22: {  	[sflag:s0] =	ssyncset.done @!p0 $0x0  }
0x23: {  	s26 =	simm.s32 $0xF0;
	[sflag:s0] =	ssyncadd.s32 @!p0 $0xFFFFEC00  }
0x24: {  	[tilespmem:s17], [sflag:$0x4] =	stream.indirect.gather [hbm4b:s3+s12], $0x40, s26, s12, $0xb8;
	[tilespmem:$0x8B10] =	vst v63  }
0x25: {  	_ =	swait.ge [sflag:s18], $0x1400  }
0x26: {  	[sflag:s18] =	ssyncset.done $0x0  }
0x27: {  	s0 =	simm.s32 @!p0 $0xA;
	s6 =	rddreg [dreg:$0x4];
	[sflag:s18] =	ssyncadd.s32 $0xFFFFEC00  }
0x28: {  	[hbm4b:s6+s2] =	stream.linear.scatter [tilespmem:s14], [sflag:$0x7], $0x1400, $0x38;
	[tilespmem:$0x8B10] =	vst v63  }
0x29: {  	_ =	swait.ge @!p0 [sflag:s0], $0x1400  }
0x2a: {  	[sflag:s0] =	ssyncset.done @!p0 $0x0  }
0x2b: {  	s28 =	simm.s32 $0x140;
	[sflag:s0] =	ssyncadd.s32 @!p0 $0xFFFFEC00  }
0x2c: {  	[tilespmem:s19], [sflag:$0x5] =	stream.indirect.gather [hbm4b:s3+s12], $0x40, s28, s12, $0xb8;
	[tilespmem:$0x8B10] =	vst v63  }
0x2d: {  	_ =	swait.ge [sflag:s20], $0x1400  }
0x2e: {  	[sflag:s20] =	ssyncset.done $0x0  }
0x2f: {  	[sflag:s20] =	ssyncadd.s32 $0xFFFFEC00  }
0x30: {  	[hbm4b:s10+s2] =	stream.linear.scatter [tilespmem:s15], [sflag:$0x8], $0x1400, $0x38;
	[tilespmem:$0x8B10] =	vst v63  }
0x31: {  	p0 =	por $0x0, $0x0;
	_ =	swait.ge [sflag:s21], $0x1400  }
0x32: {  	s0 =	simm.s32 @!p0 $0x2710;
	[sflag:s21] =	ssyncset.done $0x0  }
0x33: {  	s1 =	simm.s32 @!p0 $0x190;
	s4 =	simm.s32 @!p0 $0x50;
	[sflag:s21] =	ssyncadd.s32 $0xFFFFEC00  }
0x34: {  	[tilespmem:s0], [sflag:$0x1] =	stream.indirect.gather @!p0 [hbm4b:s3+s4], $0x40, s1, s4, $0xb8;
	[tilespmem:$0x8B10] =	vst v63  }
0x35: {  	_ =	swait.ge [sflag:s22], $0x1400  }
0x36: {  	[sflag:s22] =	ssyncset.done $0x0  }
0x37: {  	s31 =	sadd.s32 $0xC80, s9;
	[sflag:s22] =	ssyncadd.s32 $0xFFFFEC00  }
0x38: {  	[hbm4b:s9+s2] =	stream.linear.scatter [tilespmem:s17], [sflag:$0x9], $0x1400, $0x38;
	[tilespmem:$0x8B10] =	vst v63  }
0x39: {  	s30 =	sadd.s32 $0xC80, s25;
	p1 =	por $0x0, $0x0;
	_ =	swait.ge [sflag:s23], $0x1400  }
0x3a: {  	s11 =	simm.s32 $0xC80;
	s5 =	simm.s32 @!p0 $0x1E0;
	[sflag:s23] =	ssyncset.done $0x0  }
0x3b: {  	s8 =	simm.s32 @!p0 $0x3B10;
	s0 =	simm.s32 $0x640;
	[sflag:s23] =	ssyncadd.s32 $0xFFFFEC00  }
0x3c: {  	[tilespmem:s8], [sflag:$0x2] =	stream.indirect.gather @!p0 [hbm4b:s3+s4], $0x40, s5, s4, $0xb8;
	[tilespmem:$0x8B10] =	vst v63  }
0x3d: {  	s1 =	sadd.s32 $0xC80, s10;
	s5 =	sadd.s32 $0xC80, s7;
	_ =	swait.ge [sflag:s24], $0x1400  }
0x3e: {  	s4 =	sadd.s32 $0xC80, s6;
	s8 =	smov.u32 s25;
	[sflag:s24] =	ssyncset.done $0x0  }
.LBB2_2:
0x3f: {  	s28 =	simm.s32 @!p1 $0x8  }
0x40: {  	[sflag:s24] =	ssyncadd.s32 $0xFFFFEC00;
	s26 =	smov.u32 s11;
	s11 =	sadd.s32 $0x640, s11  }
0x41: {  	[hbm4b:s8+s2] =	stream.linear.scatter [tilespmem:s19], [sflag:$0xA], $0x1400, $0x38;
	[tilespmem:$0x8B10] =	vst v63  }
0x42: {  	p0 =	sne.s32 s11, $0x9C40;
	s8 =	smov.u32 s30;
	_ =	swait.ge @!p1 [sflag:s28], $0x1400  }
0x43: {  	s6 =	sshra.s32 s0, $0x2;
	[sflag:s28] =	ssyncset.done @!p1 $0x0  }
0x44: {  	[sflag:s28] =	ssyncadd.s32 @!p1 $0xFFFFEC00;
	s28 =	sadd.s32 $0xA0, s6  }
0x45: {  	[tilespmem:s15], [sflag:$0x3] =	stream.indirect.gather [hbm4b:s3+s12], $0x40, s28, s12, $0xb8;
	[tilespmem:$0x8B10] =	vst v63  }
0x46: {  	_ =	swait.ge [sflag:s16], $0x1400  }
0x47: {  	[sflag:s16] =	ssyncset.done $0x0  }
0x48: {  	s28 =	simm.s32 @!p1 $0x9;
	[sflag:s16] =	ssyncadd.s32 $0xFFFFEC00  }
0x49: {  	[hbm4b:s5+s2] =	stream.linear.scatter [tilespmem:s13], [sflag:$0x6], $0x1400, $0x38;
	[tilespmem:$0x8B10] =	vst v63  }
0x4a: {  	_ =	swait.ge @!p1 [sflag:s28], $0x1400  }
0x4b: {  	[sflag:s28] =	ssyncset.done @!p1 $0x0  }
0x4c: {  	[sflag:s28] =	ssyncadd.s32 @!p1 $0xFFFFEC00;
	s28 =	sadd.s32 $0xF0, s6  }
0x4d: {  	[tilespmem:s17], [sflag:$0x4] =	stream.indirect.gather [hbm4b:s3+s12], $0x40, s28, s12, $0xb8;
	[tilespmem:$0x8B10] =	vst v63  }
0x4e: {  	_ =	swait.ge [sflag:s18], $0x1400  }
0x4f: {  	[sflag:s18] =	ssyncset.done $0x0  }
0x50: {  	s28 =	simm.s32 @!p1 $0xA;
	[sflag:s18] =	ssyncadd.s32 $0xFFFFEC00  }
0x51: {  	[hbm4b:s4+s2] =	stream.linear.scatter [tilespmem:s14], [sflag:$0x7], $0x1400, $0x38;
	[tilespmem:$0x8B10] =	vst v63  }
0x52: {  	_ =	swait.ge @!p1 [sflag:s28], $0x1400  }
0x53: {  	[sflag:s28] =	ssyncset.done @!p1 $0x0  }
0x54: {  	s6 =	sadd.s32 $0x140, s6;
	[sflag:s28] =	ssyncadd.s32 @!p1 $0xFFFFEC00  }
0x55: {  	[tilespmem:s19], [sflag:$0x5] =	stream.indirect.gather [hbm4b:s3+s12], $0x40, s6, s12, $0xb8;
	[tilespmem:$0x8B10] =	vst v63  }
0x56: {  	_ =	swait.ge [sflag:s20], $0x1400  }
0x57: {  	[sflag:s20] =	ssyncset.done $0x0  }
0x58: {  	[sflag:s20] =	ssyncadd.s32 $0xFFFFEC00  }
0x59: {  	[hbm4b:s1+s2] =	stream.linear.scatter [tilespmem:s15], [sflag:$0x8], $0x1400, $0x38;
	[tilespmem:$0x8B10] =	vst v63  }
0x5a: {  	p1 =	seq.s32 s0, $0x9600;
	_ =	swait.ge [sflag:s21], $0x1400  }
0x5b: {  	s0 =	sshra.s32 @!p1 s0, $0x2;
	s6 =	simm.s32 @!p1 $0x2710;
	[sflag:s21] =	ssyncset.done $0x0  }
0x5c: {  	s7 =	simm.s32 @!p1 $0x50;
	s28 =	sadd.s32 @!p1 $0x190, s0;
	[sflag:s21] =	ssyncadd.s32 $0xFFFFEC00  }
0x5d: {  	[tilespmem:s6], [sflag:$0x1] =	stream.indirect.gather @!p1 [hbm4b:s3+s7], $0x40, s28, s7, $0xb8;
	[tilespmem:$0x8B10] =	vst v63  }
0x5e: {  	s6 =	sadd.s32 @!p1 $0x1E0, s0;
	s0 =	smov.u32 s26;
	_ =	swait.ge [sflag:s22], $0x1400  }
0x5f: {  	[sflag:s22] =	ssyncset.done $0x0  }
0x60: {  	[sflag:s22] =	ssyncadd.s32 $0xFFFFEC00  }
0x61: {  	[hbm4b:s31+s2] =	stream.linear.scatter [tilespmem:s17], [sflag:$0x9], $0x1400, $0x38;
	[tilespmem:$0x8B10] =	vst v63  }
0x62: {  	_ =	swait.ge [sflag:s23], $0x1400  }
.Ltmp0:
0x63: {  	s1 =	sadd.s32 $0xC80, s1;
	[sflag:s23] =	ssyncset.done $0x0;
	(pc) =	sbr.rel @p0 .LBB2_2-.Ltmp0, $4  }
0x64: {  	s26 =	simm.s32 @!p1 $0x3B10;
	s31 =	sadd.s32 $0xC80, s31;
	[sflag:s23] =	ssyncadd.s32 $0xFFFFEC00  }
0x65: {  	[tilespmem:s26], [sflag:$0x2] =	stream.indirect.gather @!p1 [hbm4b:s3+s7], $0x40, s6, s7, $0xb8;
	[tilespmem:$0x8B10] =	vst v63  }
0x66: {  	s30 =	sadd.s32 $0xC80, s30;
	s5 =	sadd.s32 $0xC80, s5;
	_ =	swait.ge [sflag:s24], $0x1400  }
0x67: {  	s4 =	sadd.s32 $0xC80, s4;
	p1 =	seq.s32 s0, $0x0;
	[sflag:s24] =	ssyncset.done $0x0  }
0x68: {  	s6 =	simm.s32 @!p1 $0x8;
	[sflag:s24] =	ssyncadd.s32 $0xFFFFEC00  }
0x69: {  	[hbm4b:s8+s2] =	stream.linear.scatter [tilespmem:s19], [sflag:$0xA], $0x1400, $0x38;
	[tilespmem:$0x8B10] =	vst v63  }
0x6a: {  	_ =	swait.ge @!p1 [sflag:s6], $0x1400  }
0x6b: {  	s7 =	sshra.s32 s0, $0x2;
	[sflag:s6] =	ssyncset.done @!p1 $0x0  }
0x6c: {  	s28 =	sadd.s32 $0xA0, s7;
	[sflag:s6] =	ssyncadd.s32 @!p1 $0xFFFFEC00  }
0x6d: {  	[tilespmem:s15], [sflag:$0x3] =	stream.indirect.gather [hbm4b:s3+s12], $0x40, s28, s12, $0xb8;
	[tilespmem:$0x8B10] =	vst v63  }
0x6e: {  	_ =	swait.ge [sflag:s16], $0x1400  }
0x6f: {  	[sflag:s16] =	ssyncset.done $0x0  }
0x70: {  	[sflag:s16] =	ssyncadd.s32 $0xFFFFEC00  }
0x71: {  	[hbm4b:s5+s2] =	stream.linear.scatter [tilespmem:s13], [sflag:$0x6], $0x1400, $0x38;
	[tilespmem:$0x8B10] =	vst v63  }
0x72: {  	s5 =	simm.s32 @!p1 $0x9  }
0x73: {  	_ =	swait.ge @!p1 [sflag:s5], $0x1400  }
0x74: {  	[sflag:s5] =	ssyncset.done @!p1 $0x0  }
0x75: {  	s8 =	sadd.s32 $0xF0, s7;
	[sflag:s5] =	ssyncadd.s32 @!p1 $0xFFFFEC00  }
0x76: {  	[tilespmem:s17], [sflag:$0x4] =	stream.indirect.gather [hbm4b:s3+s12], $0x40, s8, s12, $0xb8;
	[tilespmem:$0x8B10] =	vst v63  }
0x77: {  	_ =	swait.ge [sflag:s18], $0x1400  }
0x78: {  	[sflag:s18] =	ssyncset.done $0x0  }
0x79: {  	[sflag:s18] =	ssyncadd.s32 $0xFFFFEC00  }
0x7a: {  	[hbm4b:s4+s2] =	stream.linear.scatter [tilespmem:s14], [sflag:$0x7], $0x1400, $0x38;
	[tilespmem:$0x8B10] =	vst v63  }
0x7b: {  	s4 =	simm.s32 @!p1 $0xA  }
0x7c: {  	_ =	swait.ge @!p1 [sflag:s4], $0x1400  }
0x7d: {  	[sflag:s4] =	ssyncset.done @!p1 $0x0  }
0x7e: {  	s11 =	sadd.s32 $0x140, s7;
	[sflag:s4] =	ssyncadd.s32 @!p1 $0xFFFFEC00  }
0x7f: {  	[tilespmem:s19], [sflag:$0x5] =	stream.indirect.gather [hbm4b:s3+s12], $0x40, s11, s12, $0xb8;
	[tilespmem:$0x8B10] =	vst v63  }
0x80: {  	_ =	swait.ge [sflag:s20], $0x1400  }
0x81: {  	[sflag:s20] =	ssyncset.done $0x0  }
0x82: {  	[sflag:s20] =	ssyncadd.s32 $0xFFFFEC00  }
0x83: {  	[hbm4b:s1+s2] =	stream.linear.scatter [tilespmem:s15], [sflag:$0x8], $0x1400, $0x38;
	[tilespmem:$0x8B10] =	vst v63  }
0x84: {  	p0 =	seq.s32 s0, $0x9600;
	_ =	swait.ge [sflag:s21], $0x1400  }
0x85: {  	s0 =	sshra.s32 @!p0 s0, $0x2;
	s5 =	simm.s32 @!p0 $0x50;
	[sflag:s21] =	ssyncset.done $0x0  }
0x86: {  	s4 =	sadd.s32 @!p0 $0x190, s0;
	s1 =	simm.s32 @!p0 $0x2710;
	[sflag:s21] =	ssyncadd.s32 $0xFFFFEC00  }
0x87: {  	[tilespmem:s1], [sflag:$0x1] =	stream.indirect.gather @!p0 [hbm4b:s3+s5], $0x40, s4, s5, $0xb8;
	[tilespmem:$0x8B10] =	vst v63  }
0x88: {  	_ =	swait.ge [sflag:s22], $0x1400  }
0x89: {  	[sflag:s22] =	ssyncset.done $0x0  }
0x8a: {  	[sflag:s22] =	ssyncadd.s32 $0xFFFFEC00  }
0x8b: {  	[hbm4b:s31+s2] =	stream.linear.scatter [tilespmem:s17], [sflag:$0x9], $0x1400, $0x38;
	[tilespmem:$0x8B10] =	vst v63  }
0x8c: {  	_ =	swait.ge [sflag:s23], $0x1400  }
0x8d: {  	[sflag:s23] =	ssyncset.done $0x0  }
0x8e: {  	s0 =	sadd.s32 @!p0 $0x1E0, s0;
	s1 =	simm.s32 @!p0 $0x3B10;
	[sflag:s23] =	ssyncadd.s32 $0xFFFFEC00  }
0x8f: {  	[tilespmem:s1], [sflag:$0x2] =	stream.indirect.gather @!p0 [hbm4b:s3+s5], $0x40, s0, s5, $0xb8;
	[tilespmem:$0x8B10] =	vst v63  }
0x90: {  	_ =	swait.ge [sflag:s24], $0x1400  }
0x91: {  	[sflag:s24] =	ssyncset.done $0x0  }
0x92: {  	s26 =	simm.s32 $0x8;
	[sflag:s24] =	ssyncadd.s32 $0xFFFFEC00  }
0x93: {  	[hbm4b:s30+s2] =	stream.linear.scatter [tilespmem:s19], [sflag:$0xA], $0x1400, $0x38;
	[tilespmem:$0x8B10] =	vst v63  }
0x94: {  	_ =	swait.ge [sflag:s26], $0x1400  }
0x95: {  	[sflag:s26] =	ssyncset.done $0x0  }
0x96: {  	s28 =	simm.s32 $0x9;
	[sflag:s26] =	ssyncadd.s32 $0xFFFFEC00  }
0x97: {  	_ =	swait.ge [sflag:s28], $0x1400  }
0x98: {  	[sflag:s28] =	ssyncset.done $0x0  }
0x99: {  	s30 =	simm.s32 $0xA;
	[sflag:s28] =	ssyncadd.s32 $0xFFFFEC00  }
0x9a: {  	_ =	swait.ge [sflag:s30], $0x1400  }
0x9b: {  	s29 =	sadd.s32 $0x1, s29;
	s31 =	rddreg [dreg:$0x3]  }
0x9c: {  	p0 =	sne.s32 s29, s31  }
.Ltmp1:
0x9d: {  	_ = 	snop;
	(pc) =	sbr.rel @p0 .LBB2_1-.Ltmp1, $3  }
0x9e: {  	_ =	sdelay $0x1  }
0x9f: {  	[sflag:s30] =	ssyncset.done $0x0  }
0xa0: {  	[sflag:s30] =	ssyncadd.s32 $0xFFFFEC00  }
0xa1: {  	_ =	sfence.sel $0x180000  }
0xa2: {  	[bflag:$0x0] =	sbarrier.arrive $0xFFFF  }
0xa3: {  	_ =	strace $0x9000004D  }
0xa4: {  	s0 =	stileid.u32;
	[bflag:$0x2] =	sbarrier.arrive $0xFFFF  }
0xa5: {  	p0 =	sne.s32 s0, $0x0;
	s0 =	rddreg [dreg:$0x1]  }
0xa6: {  	s0 =	sadd.s32 @!p0 $0x100000, s0  }
0xa7: {  	[sflag:s0] =	ssyncadd.tile.s32 @!p0 $0x1;
	_ =	shalt  }
.Lfunc_end2:
_tile_overlayer_lowered:
.L_overlay_start_2:
0xa8: {  	(tag) =	ssettag $0x2  }
0xa9: {  	s0 =	rddreg [dreg:$0x0];
	s2 =	stileid.u32  }
0xaa: {  	s1 =	rddreg [dreg:$0x1];
	p0 =	sne.s32 s2, $0x0  }
0xab: {  	s3 =	rddreg [dreg:$0x2];
	[bflag:$0x3] =	sbarrier.arrive $0xFFFF;
	s2 =	simm.s32 @!p0 $0x1C0B  }
0xac: {  	[timem:s3], [sflag:s2] =	dma.local @!p0 [hbm:s0], s1  }
0xad: {  	s0 =	simm.s32 @!p0 $0xB  }
0xae: {  	_ =	swait.ge @!p0 [sflag:s0], s1  }
0xaf: {  	s1 =	ssub.s32 @!p0 $0x0, s1;
	[sflag:s0] =	ssyncset.done @!p0 $0x0  }
0xb0: {  	[sflag:s0] =	ssyncadd.s32 @!p0 s1  }
0xb1: {  	[bflag:$0x3] =	sbarrier.arrive $0xFFFF  }
0xb2: {  	_ =	shalt  }

// kernel: kernel.24.cloned.1.call-start
scs
__scs_entry_jumppad:
0x0: {  	(pc) =	sbr.rel $0x88, $3  }
0x1: {  	(tag) =	ssettag $0x0;
	lr =	simm.s32 $0x1  }
0x2: {  	[smem:$0x3F8C] =	sst lr;
	_ =	strace $0xD0000000  }
0x3: {  	_ = 	snop  }
0x4: {  	_ = 	snop  }
0x5: {  	_ = 	snop  }
0x6: {  	_ = 	snop  }
0x7: {  	_ = 	snop  }
__scs_overlays_trampoline_lowered:
0x8: {  	[smem:$0x3F9B] =	sst s0  }
0x9: {  	[smem:$0x3F9C] =	sst s1  }
0xa: {  	[smem:$0x3F9D] =	sst s2  }
0xb: {  	[smem:$0x3F9E] =	sst s3  }
0xc: {  	[smem:$0x3F9F] =	sst s4  }
0xd: {  	[smem:$0x3FA0] =	sst s5  }
0xe: {  	[smem:$0x3FA1] =	sst s6  }
0xf: {  	[smem:$0x3FA2] =	sst s7  }
0x10: {  	[smem:$0x3FA3] =	sst s8  }
0x11: {  	[smem:$0x3FA4] =	sst s9;
	s0 =	simm.s32 @!p0 $0x0  }
0x12: {  	s1 =	sld [smem:$0x3F8A];
	s0 =	simm.s32 @p0 $0x1  }
0x13: {  	[smem:$0x3FA5] =	sst s0;
	s0 =	simm.s32 @!p1 $0x0  }
0x14: {  	s2 =	sld [smem:$0x3F89];
	s0 =	simm.s32 @p1 $0x1  }
0x15: {  	[smem:$0x3FA6] =	sst s0;
	s0 =	simm.s32 @!p2 $0x0  }
0x16: {  	s3 =	sld [smem:$0x3FDB];
	s0 =	simm.s32 @p2 $0x1  }
0x17: {  	s4 =	simm.s32 $0x1BF5;
	[smem:$0x3FA8] =	sst s0  }
0x18: {  	s0 =	sld [smem:$0x3F8B];
	_ =	swait.ge [sflag:s4], $0x0  }
0x19: {  	s7 =	sld [smem:$0x3F8C]  }
0x1a: {  	s8 =	sadd.s32 $0xFFFFE003, lr  }
0x1b: {  	s9 =	sadd.s32 $0xFFFFFEF7, lr;
	s5 =	simm.s32 $0xFFFFFFFF;
	p2 =	slt.u32 s8, $0xFFFFF086  }
0x1c: {  	p1 =	slt.u32 s9, $0xF7A;
	s5 =	simm.s32 @!p2 $0x0  }
0x1d: {  	s5 =	simm.s32 @p1 $0x1;
	p0 =	seq.s32 s7, s2  }
0x1e: {  	s7 =	smul.u32 @!p0 $0xF7A, s2;
	p2 =	seq.s32 @!p0 s5, $0x0  }
0x1f: {  	s9 =	smul.u32 $0xF7A, s1;
	s8 =	simm.s32 @!p0 $0x1BF5;
	p2 =	por !p2, p0  }
0x20: {  	[sflag:s8] =	ssyncset.s32 @!p0 $0xFFFFF086;
	s6 =	sadd.s32 @!p0 s3, s7;
	s7 =	simm.s32 @!p0 $0x108  }
0x21: {  	s3 =	sadd.s32 s3, s9;
	s6 =	sadd.s32 @!p0 $0x88, s6;
	s7 =	simm.s32 @p2 $0x1082  }
0x22: {  	[simem:s7], [sflag:s8] =	dma.local @!p0 [hbm:s6], $0xF7A  }
0x23: {  	s9 =	sor.u32 $0xD0000000, s2;
	s6 =	simm.s32 $0x108;
	_ =	swait.ge @!p0 [sflag:s8], $0x0  }
0x24: {  	s3 =	sadd.s32 $0x88, s3;
	s6 =	simm.s32 @!p1 $0x1082;
	[sflag:s4] =	ssyncset.s32 $0xFFFFF086  }
0x25: {  	[simem:s6], [sflag:s4] =	dma.local [hbm:s3], $0xF7A  }
0x26: {  	[smem:$0x3F8C] =	sst s1;
	(tag) =	ssettag s2;
	_ =	strace s9  }
0x27: {  	s1 =	sld [smem:$0x3F9C]  }
0x28: {  	s2 =	sld [smem:$0x3F9D]  }
0x29: {  	s4 =	sld [smem:$0x3F9F]  }
0x2a: {  	p0 =	seq.s32 s5, $0x0;
	s5 =	sld [smem:$0x3FA0]  }
0x2b: {  	s6 =	sld [smem:$0x3FA1]  }
0x2c: {  	s7 =	sld [smem:$0x3FA2]  }
0x2d: {  	s3 =	simm.s32 $0x108;
	s8 =	sld [smem:$0x3FA3]  }
0x2e: {  	s3 =	simm.s32 @!p0 $0x1082;
	s9 =	sld [smem:$0x3FA4]  }
0x2f: {  	lr =	sadd.s32 s0, s3;
	s0 =	sld [smem:$0x3F9B]  }
0x30: {  	s3 =	sld [smem:$0x3F9E]  }
0x31: {  	[smem:$0x3FA7] =	sst s10  }
0x32: {  	s10 =	sld [smem:$0x3FA5];
	_ =	sdelay $0x3  }
0x33: {  	p0 =	seq.s32 s10, $0x1;
	s10 =	sld [smem:$0x3FA7];
	_ =	sdelay $0x3  }
0x34: {  	[smem:$0x3FA7] =	sst s10  }
0x35: {  	s10 =	sld [smem:$0x3FA6];
	_ =	sdelay $0x3  }
0x36: {  	p1 =	seq.s32 s10, $0x1;
	s10 =	sld [smem:$0x3FA7];
	_ =	sdelay $0x3  }
0x37: {  	[smem:$0x3FA7] =	sst s10  }
0x38: {  	s10 =	sld [smem:$0x3FA8]  }
0x39: {  	_ = 	snop;
	(pc) =	sbr.ind lr, $3  }
0x3a: {  	_ = 	snop  }
0x3b: {  	_ = 	snop  }
0x3c: {  	p2 =	seq.s32 s10, $0x1;
	s10 =	sld [smem:$0x3FA7]  }
0x3d: {  	_ =	shalt  }
0x3e: {  	_ =	shalt  }
0x3f: {  	_ =	shalt  }
0x40: {  	_ =	shalt  }
0x41: {  	_ =	shalt  }
0x42: {  	_ =	shalt  }
0x43: {  	_ =	shalt  }
0x44: {  	_ =	shalt  }
0x45: {  	_ =	shalt  }
0x46: {  	_ =	shalt  }
0x47: {  	_ =	shalt  }
0x48: {  	_ =	shalt  }
0x49: {  	_ =	shalt  }
0x4a: {  	_ =	shalt  }
0x4b: {  	_ =	shalt  }
0x4c: {  	_ =	shalt  }
0x4d: {  	_ =	shalt  }
0x4e: {  	_ =	shalt  }
0x4f: {  	_ =	shalt  }
0x50: {  	_ =	shalt  }
0x51: {  	_ =	shalt  }
0x52: {  	_ =	shalt  }
0x53: {  	_ =	shalt  }
0x54: {  	_ =	shalt  }
0x55: {  	_ =	shalt  }
0x56: {  	_ =	shalt  }
0x57: {  	_ =	shalt  }
0x58: {  	_ =	shalt  }
0x59: {  	_ =	shalt  }
0x5a: {  	_ =	shalt  }
0x5b: {  	_ =	shalt  }
0x5c: {  	_ =	shalt  }
0x5d: {  	_ =	shalt  }
0x5e: {  	_ =	shalt  }
0x5f: {  	_ =	shalt  }
0x60: {  	_ =	shalt  }
0x61: {  	_ =	shalt  }
0x62: {  	_ =	shalt  }
0x63: {  	_ =	shalt  }
0x64: {  	_ =	shalt  }
0x65: {  	_ =	shalt  }
0x66: {  	_ =	shalt  }
0x67: {  	_ =	shalt  }
0x68: {  	_ =	shalt  }
0x69: {  	_ =	shalt  }
0x6a: {  	_ =	shalt  }
0x6b: {  	_ =	shalt  }
0x6c: {  	_ =	shalt  }
0x6d: {  	_ =	shalt  }
0x6e: {  	_ =	shalt  }
0x6f: {  	_ =	shalt  }
0x70: {  	_ =	shalt  }
0x71: {  	_ =	shalt  }
0x72: {  	_ =	shalt  }
0x73: {  	_ =	shalt  }
0x74: {  	_ =	shalt  }
0x75: {  	_ =	shalt  }
0x76: {  	_ =	shalt  }
0x77: {  	_ =	shalt  }
0x78: {  	_ =	shalt  }
0x79: {  	_ =	shalt  }
0x7a: {  	_ =	shalt  }
0x7b: {  	_ =	shalt  }
0x7c: {  	_ =	shalt  }
0x7d: {  	_ =	shalt  }
0x7e: {  	_ =	shalt  }
0x7f: {  	_ =	shalt  }
0x80: {  	_ =	shalt  }
0x81: {  	_ =	shalt  }
0x82: {  	_ =	shalt  }
0x83: {  	_ =	shalt  }
0x84: {  	_ =	shalt  }
0x85: {  	_ =	shalt  }
0x86: {  	_ =	shalt  }
0x87: {  	_ =	shalt  }
.Lfunc_end0:
.L_simem_size_0:
called_computation.3_lowered:
.L_overlay_start_0:
0x88: {  	s2 =	sld [smem:$0x3FD9]  }
0x89: {  	s3 =	sld [smem:$0x3FFE];
	_ =	sdelay $0x1  }
0x8a: {  	s1 =	srdreg.scid  }
0x8b: {  	s0 =	sand.u32 $0x1, s1  }
0x8c: {  	s16 =	sshll.u32 s0, $0xA;
	s2 =	sadd.s32 s3, s2  }
0x8d: {  	s2 =	sadd.s32 s2, s16  }
0x8e: {  	[smem:$0x3FB3] =	sst s2  }
0x8f: {  	_ = 	snop  }
0x90: {  	(tm) =	ssettm $0x1  }
0x91: {  	s17 =	sld [smem:$0x3FFB];
	_ =	sdelay $0x3  }
0x92: {  	_ =	strace s17  }
0x93: {  	s2 =	sld [smem:$0x3FFC];
	_ =	sdelay $0x3  }
0x94: {  	_ =	strace s2  }
0x95: {  	s2 =	sld [smem:$0x3FFD];
	_ =	sdelay $0x3  }
0x96: {  	_ =	strace s2  }
0x97: {  	_ =	strace $0x8FFFFFFF  }
0x98: {  	s18 =	sld [smem:$0x3FDB];
	_ =	sdelay $0x1  }
0x99: {  	s19 =	simm.s32 $_scs_section_size  }
0x9a: {  	s4 =	simm.s32 $_size__tile_overlayer_lowered;
	s5 =	simm.s32 $_tile_overlayer_lowered  }
0x9b: {  	s22 =	simm.s32 $0x1BFF;
	s21 =	sshll.u32 s5, $0x1;
	s2 =	sadd.s32 s19, s18  }
0x9c: {  	s6 =	simm.s32 $0x0;
	s20 =	sshll.u32 s4, $0x1;
	s4 =	sadd.s32 s21, s2  }
0x9d: {  	[timem:s6], [sflag:s22] =	dma.local [hbm:s4], s20  }
0x9e: {  	_ =	swait.ge [sflag:s22], s20  }
0x9f: {  	s3 =	ssub.s32 $0x0, s20;
	[sflag:s22] =	ssyncset.done $0x0  }
0xa0: {  	[sflag:s22] =	ssyncadd.s32 s3;
	_ =	sdelay $0x1  }
0xa1: {  	s23 =	simm.s32 $0x1B8B  }
0xa2: {  	_ =	swait.ge [sflag:s23], $0x1  }
0xa3: {  	[sflag:s23] =	ssyncset.done $0x0  }
0xa4: {  	s25 =	simm.s32 $0x1B8E;
	s24 =	sld [smem:$0x3FFE];
	[sflag:s23] =	ssyncadd.s32 $0xFFFFFFFF  }
0xa5: {  	s26 =	simm.s32 $execute0_lowered;
	[smem:$0x3FD2] =	sst s25  }
0xa6: {  	s4 =	sshll.u32 s26, $0x1;
	_ =	strace $0x8000004F;
	[dreg:$0x1] =	wrdreg $0xFFFFFFFF  }
0xa7: {  	s28 =	simm.s32 $_size_execute0_lowered;
	s2 =	sadd.s32 s2, s4;
	[dreg:$0x0] =	wrdreg $0x0  }
0xa8: {  	s4 =	sshll.u32 s28, $0x1;
	[dreg:$0x2] =	wrdreg s2  }
0xa9: {  	[dreg:$0x3] =	wrdreg s4  }
0xaa: {  	[dreg:$0x4] =	wrdreg $0xC0  }
0xab: {  	_ =	task [dreg:s6], $0x5FFFF  }
0xac: {  	[dreg:$0x1] =	wrdreg $0xFFFFFFFF  }
0xad: {  	[dreg:$0x0] =	wrdreg $0x60  }
0xae: {  	[dreg:$0x2] =	wrdreg s24  }
0xaf: {  	[dreg:$0x3] =	wrdreg $0x8B100  }
0xb0: {  	[dreg:$0x4] =	wrdreg $0x9  }
0xb1: {  	_ =	task.clear_ibuf [dreg:s6], $0x5FFFF;
	_ =	strace $0x9000004F  }
0xb2: {  	s29 =	simm.s32 $0x9;
	_ =	strace $0x80000051  }
0xb3: {  	_ =	swait.ge [sflag:s29], $0x1  }
0xb4: {  	[sflag:s29] =	ssyncadd.s32 $0xFFFFFFFF  }
0xb5: {  	_ =	strace $0x90000051  }
0xb6: {  	_ =	sfence  }
0xb7: {  	s30 =	sld [smem:$0x0];
	_ =	sdelay $0x2  }
0xb8: {  	s31 =	sshll.u32 s1, $0xD;
	s1 =	sshrl.u32 s1, $0x2  }
0xb9: {  	s3 =	sand.u32 $0x4000, s31;
	s1 =	sadd.s32 s1, s30  }
0xba: {  	s0 =	sor.u32 s3, s0;
	s1 =	sshll.u32 s1, $0x11  }
0xbb: {  	s0 =	sor.u32 s1, s0  }
0xbc: {  	s0 =	sadd.s32 $0x8F2B, s0  }
0xbd: {  	[sflag:s0] =	ssyncadd.remote.s32 $0x1  }
0xbe: {  	_ =	sfence.sel $0xFFFF  }
0xbf: {  	[dreg:$0x0] =	wrdreg $0xFFFFFFFF;
	(pc) =	sbr.abs _section_cstart, $3  }
0xc0: {  	[dreg:$0x1] =	wrdreg $0xFFFFFFFF  }
0xc1: {  	_ =	task.clear_ibuf [dreg:s6], $0x2FFFF;
	_ =	strace $0x9FFFFFFF  }
0xc2: {  	(tm) =	ssettm $0x7FFFFFFF  }
0xc3: {  	_ =	shalt  }
tec
execute0_lowered:
.L_overlay_start_1:
0x0: {  	(tag) =	ssettag $0x1  }
0x1: {  	s0 =	rddreg [dreg:$0x0];
	s1 =	srdreg.scid  }
0x2: {  	s2 =	rddreg [dreg:$0x1];
	s13 =	stileid.u32  }
0x3: {  	s3 =	simm.s32 $0x0;
	s14 =	simm.s32 $0x3B10;
	s15 =	simm.s32 $0x4F10  }
0x4: {  	s31 =	simm.s32 $0x6310;
	s16 =	simm.s32 $0x1;
	s17 =	simm.s32 $0x50  }
0x5: {  	s18 =	simm.s32 $0x2;
	s19 =	simm.s32 $0x7710;
	s5 =	smul.u32 $0x2710, s13  }
0x6: {  	s1 =	sand.u32 $0x1, s1;
	[smem:$0x7FF] =	sst s3;
	s6 =	smul.u32 $0xA000, s13  }
0x7: {  	s9 =	sadd.s32 $0x7C2C00, s0;
	s30 =	sshll.u32 s13, $0x6;
	s4 =	smul.u32 $0x27100, s1  }
0x8: {  	_ =	strace $0x80000050;
	s8 =	smul.u32 $0xA0000, s1;
	s10 =	ssub.s32 $0x2, s1  }
0x9: {  	s1 =	sshll.u32 s1, $0x4;
	[dreg:$0x8] =	wrdreg s31;
	s7 =	sshrl.u32 s6, $0x3  }
0xa: {  	s11 =	sshrl.u32 s10, $0x1;
	s1 =	sor.u32 s13, s1;
	s12 =	sadd.s32 s6, s2  }
0xb: {  	s13 =	simm.s32 $0x2710;
	s5 =	sadd.s32 s5, s4;
	s7 =	sadd.s32 s7, s0  }
0xc: {  	s8 =	sadd.s32 s6, s8;
	s10 =	ssub.s32 s10, s11;
	s20 =	smul.u32 $0x13880, s1  }
0xd: {  	s1 =	smul.u32 $0x9C400, s1;
	s12 =	sshrl.u32 s12, $0x3;
	s4 =	sshrl.u32 s5, $0x3  }
0xe: {  	s8 =	sshrl.u32 s8, $0x3;
	s21 =	sshll.u32 s5, $0x3;
	s22 =	sadd.s32 $0x7AEC00, s7  }
0xf: {  	s4 =	sadd.s32 s4, s0;
	s0 =	sadd.s32 s8, s0;
	[dreg:$0xa] =	wrdreg s22  }
0x10: {  	s11 =	sadd.s32 s9, s21;
	s23 =	sadd.s32 s9, s20;
	s1 =	sshrl.u32 s1, $0x3  }
0x11: {  	s20 =	simm.s32 $0x3;
	s21 =	simm.s32 $0x6;
	s22 =	simm.s32 $0x5  }
0x12: {  	s4 =	sadd.s32 $0x51600, s4;
	[dreg:$0xb] =	wrdreg s23;
	s24 =	sadd.s32 $0xF00, s11  }
0x13: {  	s1 =	sadd.s32 s9, s1;
	s25 =	sadd.s32 $0xC80, s11;
	[dreg:$0x9] =	wrdreg s4  }
0x14: {  	s26 =	sadd.s32 $0xA00, s11;
	s8 =	sadd.s32 $0xCC00, s0;
	[dreg:$0x3] =	wrdreg s24  }
0x15: {  	s28 =	sadd.s32 $0x780, s11;
	s9 =	smax.u32 s10, $0x1;
	[dreg:$0x4] =	wrdreg s25  }
0x16: {  	s29 =	sadd.s32 $0x500, s11;
	s10 =	simm.s32 $0xB;
	[dreg:$0x5] =	wrdreg s26  }
0x17: {  	s11 =	sor.u32 $0x1C0B, s30;
	s23 =	simm.s32 $0x8;
	[dreg:$0x6] =	wrdreg s28  }
0x18: {  	s1 =	sadd.s32 $0x280, s1;
	[dreg:$0x7] =	wrdreg s29;
	s24 =	simm.s32 $0x9  }
0x19: {  	s25 =	simm.s32 $0xA;
	s26 =	simm.s32 $0x0;
	[dreg:$0xc] =	wrdreg s1  }
.LBB2_1:
0x1a: {  	s0 =	rddreg [dreg:$0x9]  }
0x1b: {  	[tilespmem:s3], [sflag:$0xB] =	stream.linear.gather [hbm4b:s0+s3], $0x2710, $0x38;
	[tilespmem:$0x12B10] =	vst v63  }
0x1c: {  	_ =	swait.ge [sflag:s10], $0x2710  }
0x1d: {  	[sflag:s10] =	ssyncset.done $0x0  }
0x1e: {  	s6 =	rddreg [dreg:$0xa];
	[sflag:s10] =	ssyncadd.s32 $0xFFFFD8F0  }
0x1f: {  	[spmem:s12], [sflag:s11] =	dma.local [hbm:s6], $0x1400  }
0x20: {  	_ =	swait.ge [sflag:s10], $0x1400  }
0x21: {  	[sflag:s10] =	ssyncset.done $0x0  }
0x22: {  	[sflag:s10] =	ssyncadd.s32 $0xFFFFEC00  }
0x23: {  	[bflag:$0x0] =	sbarrier.arrive $0xFFFF  }
0x24: {  	p0 =	por $0x1, $0x1;
	s7 =	rddreg [dreg:$0xb]  }
0x25: {  	[tilespmem:s13], [sflag:$0x1] =	stream.linear.gather [hbm4b:s7+s3], $0x1400, $0x38;
	[tilespmem:$0x12B10] =	vst v63  }
0x26: {  	s0 =	simm.s32 @!p0 $0x8;
	s31 =	rddreg [dreg:$0xc]  }
0x27: {  	[tilespmem:s14], [sflag:$0x2] =	stream.linear.gather [hbm4b:s31+s3], $0x1400, $0x38;
	[tilespmem:$0x12B10] =	vst v63  }
0x28: {  	_ =	swait.ge @!p0 [sflag:s0], $0x1400  }
0x29: {  	s1 =	rddreg [dreg:$0x7];
	[sflag:s0] =	ssyncset.done @!p0 $0x0  }
0x2a: {  	[sflag:s0] =	ssyncadd.s32 @!p0 $0xFFFFEC00;
	s1 =	sadd.s32 $0x0, s1  }
0x2b: {  	[tilespmem:s15], [sflag:$0x3] =	stream.linear.gather [hbm4b:s1+s3], $0x1400, $0x38;
	[tilespmem:$0x12B10] =	vst v63  }
0x2c: {  	_ =	swait.ge [sflag:s16], $0x1400  }
0x2d: {  	[sflag:s16] =	ssyncset.done $0x0  }
0x2e: {  	s0 =	simm.s32 @!p0 $0x9;
	[sflag:s16] =	ssyncadd.s32 $0xFFFFEC00  }
0x2f: {  	[spmem:s2] =	stream.indirect.scatter.add.f32 [tilespmem:s13], [sflag:$0x6], $0x40, s3, s17, $0xb8;
	[tilespmem:$0x12B10] =	vst v63  }
0x30: {  	_ =	swait.ge @!p0 [sflag:s0], $0x1400  }
0x31: {  	s4 =	rddreg [dreg:$0x6];
	[sflag:s0] =	ssyncset.done @!p0 $0x0  }
0x32: {  	s28 =	rddreg [dreg:$0x8];
	[sflag:s0] =	ssyncadd.s32 @!p0 $0xFFFFEC00;
	s5 =	sadd.s32 $0x0, s4  }
0x33: {  	[tilespmem:s28], [sflag:$0x4] =	stream.linear.gather [hbm4b:s5+s3], $0x1400, $0x38;
	[tilespmem:$0x12B10] =	vst v63  }
0x34: {  	_ =	swait.ge [sflag:s18], $0x1400  }
0x35: {  	[sflag:s18] =	ssyncset.done $0x0  }
0x36: {  	s6 =	simm.s32 $0x50;
	s1 =	simm.s32 @!p0 $0xA;
	[sflag:s18] =	ssyncadd.s32 $0xFFFFEC00  }
0x37: {  	[spmem:s2] =	stream.indirect.scatter.add.f32 [tilespmem:s14], [sflag:$0x7], $0x40, s6, s17, $0xb8;
	[tilespmem:$0x12B10] =	vst v63  }
0x38: {  	_ =	swait.ge @!p0 [sflag:s1], $0x1400  }
0x39: {  	s7 =	rddreg [dreg:$0x5];
	[sflag:s1] =	ssyncset.done @!p0 $0x0  }
0x3a: {  	[sflag:s1] =	ssyncadd.s32 @!p0 $0xFFFFEC00;
	s0 =	sadd.s32 $0x0, s7  }
0x3b: {  	[tilespmem:s19], [sflag:$0x5] =	stream.linear.gather [hbm4b:s0+s3], $0x1400, $0x38;
	[tilespmem:$0x12B10] =	vst v63  }
0x3c: {  	_ =	swait.ge [sflag:s20], $0x1400  }
0x3d: {  	[sflag:s20] =	ssyncset.done $0x0  }
0x3e: {  	s31 =	simm.s32 $0xA0;
	[sflag:s20] =	ssyncadd.s32 $0xFFFFEC00  }
0x3f: {  	[spmem:s2] =	stream.indirect.scatter.add.f32 [tilespmem:s15], [sflag:$0x8], $0x40, s31, s17, $0xb8;
	[tilespmem:$0x12B10] =	vst v63  }
0x40: {  	_ =	swait.ge [sflag:s21], $0x1400  }
0x41: {  	p0 =	por $0x0, $0x0;
	[sflag:s21] =	ssyncset.done $0x0  }
0x42: {  	s0 =	simm.s32 @p0 $0x4;
	[sflag:s21] =	ssyncadd.s32 $0xFFFFEC00  }
0x43: {  	_ =	swait.ge @p0 [sflag:s0], $0x1400  }
0x44: {  	s1 =	simm.s32 @p0 $0x6310;
	s28 =	simm.s32 @p0 $0x7;
	[sflag:s0] =	ssyncset.done @p0 $0x0  }
0x45: {  	s29 =	simm.s32 @p0 $0x50;
	[sflag:s0] =	ssyncadd.s32 @p0 $0xFFFFEC00;
	s0 =	simm.s32 @p0 $0xF0  }
0x46: {  	[spmem:s2] =	stream.indirect.scatter.add.f32 @p0 [tilespmem:s1], [sflag:$0x9], $0x40, s0, s29, $0xb8;
	[tilespmem:$0x12B10] =	vst v63  }
0x47: {  	s1 =	simm.s32 @!p0 $0x2710;
	_ =	swait.ge @p0 [sflag:s28], $0x1400  }
0x48: {  	s29 =	simm.s32 @!p0 $0x4;
	s0 =	rddreg [dreg:$0x4];
	[sflag:s28] =	ssyncset.done @p0 $0x0  }
0x49: {  	[sflag:s28] =	ssyncadd.s32 @p0 $0xFFFFEC00;
	s0 =	sadd.s32 @!p0 $0x0, s0;
	s28 =	simm.s32 @!p0 $0x0  }
0x4a: {  	[tilespmem:s1], [sflag:$0x1] =	stream.linear.gather @!p0 [hbm4b:s0+s28], $0x1400, $0x38;
	[tilespmem:$0x12B10] =	vst v63  }
0x4b: {  	_ =	swait.ge @!p0 [sflag:s29], $0x1400  }
0x4c: {  	s30 =	simm.s32 @!p0 $0x50;
	s0 =	simm.s32 @!p0 $0x6310;
	[sflag:s29] =	ssyncset.done @!p0 $0x0  }
0x4d: {  	s1 =	simm.s32 @!p0 $0x7;
	[sflag:s29] =	ssyncadd.s32 @!p0 $0xFFFFEC00;
	s29 =	simm.s32 @!p0 $0xF0  }
0x4e: {  	[spmem:s2] =	stream.indirect.scatter.add.f32 @!p0 [tilespmem:s0], [sflag:$0x9], $0x40, s29, s30, $0xb8;
	[tilespmem:$0x12B10] =	vst v63  }
0x4f: {  	_ =	swait.ge @!p0 [sflag:s1], $0x1400  }
0x50: {  	p1 =	por $0x0, $0x0;
	s0 =	rddreg [dreg:$0x3];
	[sflag:s1] =	ssyncset.done @!p0 $0x0  }
0x51: {  	[sflag:s1] =	ssyncadd.s32 @!p0 $0xFFFFEC00;
	s0 =	sadd.s32 @!p0 $0x0, s0;
	s1 =	simm.s32 @!p0 $0x3B10  }
0x52: {  	[tilespmem:s1], [sflag:$0x2] =	stream.linear.gather @!p0 [hbm4b:s0+s28], $0x1400, $0x38;
	[tilespmem:$0x12B10] =	vst v63  }
0x53: {  	s29 =	simm.s32 $0xC80;
	s30 =	simm.s32 $0x1900;
	_ =	swait.ge [sflag:s22], $0x1400  }
0x54: {  	s28 =	simm.s32 $0x190;
	s1 =	simm.s32 $0x140;
	[sflag:s22] =	ssyncset.done $0x0  }
.LBB2_2:
0x55: {  	s4 =	simm.s32 @!p1 $0x8;
	[sflag:s22] =	ssyncadd.s32 $0xFFFFEC00  }
0x56: {  	[spmem:s2] =	stream.indirect.scatter.add.f32 [tilespmem:s19], [sflag:$0xA], $0x40, s1, s17, $0xb8;
	[tilespmem:$0x12B10] =	vst v63  }
0x57: {  	_ =	swait.ge @!p1 [sflag:s4], $0x1400  }
0x58: {  	[sflag:s4] =	ssyncset.done @!p1 $0x0;
	s5 =	rddreg [dreg:$0x7]  }
0x59: {  	[sflag:s4] =	ssyncadd.s32 @!p1 $0xFFFFEC00;
	s1 =	sadd.s32 s29, s5  }
0x5a: {  	[tilespmem:s15], [sflag:$0x3] =	stream.linear.gather [hbm4b:s1+s3], $0x1400, $0x38;
	[tilespmem:$0x12B10] =	vst v63  }
0x5b: {  	_ =	swait.ge [sflag:s16], $0x1400  }
0x5c: {  	[sflag:s16] =	ssyncset.done $0x0  }
0x5d: {  	s1 =	simm.s32 @!p1 $0x9;
	[sflag:s16] =	ssyncadd.s32 $0xFFFFEC00  }
0x5e: {  	[spmem:s2] =	stream.indirect.scatter.add.f32 [tilespmem:s13], [sflag:$0x6], $0x40, s28, s17, $0xb8;
	[tilespmem:$0x12B10] =	vst v63  }
0x5f: {  	_ =	swait.ge @!p1 [sflag:s1], $0x1400  }
0x60: {  	[sflag:s1] =	ssyncset.done @!p1 $0x0;
	s6 =	rddreg [dreg:$0x6]  }
0x61: {  	s7 =	rddreg [dreg:$0x8];
	[sflag:s1] =	ssyncadd.s32 @!p1 $0xFFFFEC00;
	s4 =	sadd.s32 s29, s6  }
0x62: {  	[tilespmem:s7], [sflag:$0x4] =	stream.linear.gather [hbm4b:s4+s3], $0x1400, $0x38;
	[tilespmem:$0x12B10] =	vst v63  }
0x63: {  	_ =	swait.ge [sflag:s18], $0x1400  }
0x64: {  	[sflag:s18] =	ssyncset.done $0x0  }
0x65: {  	s5 =	sadd.s32 $0x50, s28;
	s4 =	simm.s32 @!p1 $0xA;
	[sflag:s18] =	ssyncadd.s32 $0xFFFFEC00  }
0x66: {  	[spmem:s2] =	stream.indirect.scatter.add.f32 [tilespmem:s14], [sflag:$0x7], $0x40, s5, s17, $0xb8;
	[tilespmem:$0x12B10] =	vst v63  }
0x67: {  	_ =	swait.ge @!p1 [sflag:s4], $0x1400  }
0x68: {  	[sflag:s4] =	ssyncset.done @!p1 $0x0;
	s6 =	rddreg [dreg:$0x5]  }
0x69: {  	[sflag:s4] =	ssyncadd.s32 @!p1 $0xFFFFEC00;
	s1 =	sadd.s32 s29, s6  }
0x6a: {  	[tilespmem:s19], [sflag:$0x5] =	stream.linear.gather [hbm4b:s1+s3], $0x1400, $0x38;
	[tilespmem:$0x12B10] =	vst v63  }
0x6b: {  	_ =	swait.ge [sflag:s20], $0x1400  }
0x6c: {  	[sflag:s20] =	ssyncset.done $0x0  }
0x6d: {  	s7 =	sadd.s32 $0xA0, s28;
	[sflag:s20] =	ssyncadd.s32 $0xFFFFEC00  }
0x6e: {  	[spmem:s2] =	stream.indirect.scatter.add.f32 [tilespmem:s15], [sflag:$0x8], $0x40, s7, s17, $0xb8;
	[tilespmem:$0x12B10] =	vst v63  }
0x6f: {  	_ =	swait.ge [sflag:s21], $0x1400  }
0x70: {  	p1 =	seq.s32 s29, $0x12C00;
	[sflag:s21] =	ssyncset.done $0x0  }
0x71: {  	s1 =	simm.s32 @p1 $0x4;
	[sflag:s21] =	ssyncadd.s32 $0xFFFFEC00  }
0x72: {  	_ =	swait.ge @p1 [sflag:s1], $0x1400  }
0x73: {  	s4 =	simm.s32 @p1 $0x6310;
	s5 =	simm.s32 @p1 $0x7;
	[sflag:s1] =	ssyncset.done @p1 $0x0  }
0x74: {  	s6 =	simm.s32 @p1 $0x50;
	[sflag:s1] =	ssyncadd.s32 @p1 $0xFFFFEC00;
	s1 =	sadd.s32 @p1 $0xF0, s28  }
0x75: {  	[spmem:s2] =	stream.indirect.scatter.add.f32 @p1 [tilespmem:s4], [sflag:$0x9], $0x40, s1, s6, $0xb8;
	[tilespmem:$0x12B10] =	vst v63  }
0x76: {  	s4 =	simm.s32 @!p1 $0x2710;
	_ =	swait.ge @p1 [sflag:s5], $0x1400  }
0x77: {  	s6 =	simm.s32 @!p1 $0x4;
	s1 =	rddreg [dreg:$0x4];
	[sflag:s5] =	ssyncset.done @p1 $0x0  }
0x78: {  	[sflag:s5] =	ssyncadd.s32 @p1 $0xFFFFEC00;
	s1 =	sadd.s32 @!p1 s29, s1;
	s5 =	simm.s32 @!p1 $0x0  }
0x79: {  	[tilespmem:s4], [sflag:$0x1] =	stream.linear.gather @!p1 [hbm4b:s1+s5], $0x1400, $0x38;
	[tilespmem:$0x12B10] =	vst v63  }
0x7a: {  	s0 =	smov.u32 s30;
	s30 =	sadd.s32 $0xC80, s30;
	_ =	swait.ge @!p1 [sflag:s6], $0x1400  }
0x7b: {  	s7 =	simm.s32 @!p1 $0x50;
	s1 =	simm.s32 @!p1 $0x6310;
	[sflag:s6] =	ssyncset.done @!p1 $0x0  }
0x7c: {  	s4 =	simm.s32 @!p1 $0x7;
	[sflag:s6] =	ssyncadd.s32 @!p1 $0xFFFFEC00;
	s6 =	sadd.s32 @!p1 $0xF0, s28  }
0x7d: {  	[spmem:s2] =	stream.indirect.scatter.add.f32 @!p1 [tilespmem:s1], [sflag:$0x9], $0x40, s6, s7, $0xb8;
	[tilespmem:$0x12B10] =	vst v63  }
0x7e: {  	s31 =	smov.u32 s28;
	p0 =	sne.s32 s30, $0x13880;
	_ =	swait.ge @!p1 [sflag:s4], $0x1400  }
.Ltmp0:
0x7f: {  	s1 =	rddreg [dreg:$0x3];
	[sflag:s4] =	ssyncset.done @!p1 $0x0;
	(pc) =	sbr.rel @p0 .LBB2_2-.Ltmp0, $4  }
0x80: {  	[sflag:s4] =	ssyncadd.s32 @!p1 $0xFFFFEC00;
	s1 =	sadd.s32 @!p1 s29, s1;
	s4 =	simm.s32 @!p1 $0x3B10  }
0x81: {  	[tilespmem:s4], [sflag:$0x2] =	stream.linear.gather @!p1 [hbm4b:s1+s5], $0x1400, $0x38;
	[tilespmem:$0x12B10] =	vst v63  }
0x82: {  	s28 =	sadd.s32 $0x190, s28;
	s29 =	smov.u32 s0;
	_ =	swait.ge [sflag:s22], $0x1400  }
0x83: {  	p1 =	seq.s32 s29, $0x0;
	s1 =	sadd.s32 $0x140, s31;
	[sflag:s22] =	ssyncset.done $0x0  }
0x84: {  	s0 =	simm.s32 @!p1 $0x8;
	[sflag:s22] =	ssyncadd.s32 $0xFFFFEC00  }
0x85: {  	[spmem:s2] =	stream.indirect.scatter.add.f32 [tilespmem:s19], [sflag:$0xA], $0x40, s1, s17, $0xb8;
	[tilespmem:$0x12B10] =	vst v63  }
0x86: {  	_ =	swait.ge @!p1 [sflag:s0], $0x1400  }
0x87: {  	s7 =	rddreg [dreg:$0x7];
	[sflag:s0] =	ssyncset.done @!p1 $0x0  }
0x88: {  	[sflag:s0] =	ssyncadd.s32 @!p1 $0xFFFFEC00;
	s30 =	sadd.s32 s29, s7  }
0x89: {  	[tilespmem:s15], [sflag:$0x3] =	stream.linear.gather [hbm4b:s30+s3], $0x1400, $0x38;
	[tilespmem:$0x12B10] =	vst v63  }
0x8a: {  	_ =	swait.ge [sflag:s16], $0x1400  }
0x8b: {  	[sflag:s16] =	ssyncset.done $0x0  }
0x8c: {  	s0 =	simm.s32 @!p1 $0x9;
	[sflag:s16] =	ssyncadd.s32 $0xFFFFEC00  }
0x8d: {  	[spmem:s2] =	stream.indirect.scatter.add.f32 [tilespmem:s13], [sflag:$0x6], $0x40, s28, s17, $0xb8;
	[tilespmem:$0x12B10] =	vst v63  }
0x8e: {  	_ =	swait.ge @!p1 [sflag:s0], $0x1400  }
0x8f: {  	s31 =	rddreg [dreg:$0x6];
	[sflag:s0] =	ssyncset.done @!p1 $0x0  }
0x90: {  	s4 =	rddreg [dreg:$0x8];
	[sflag:s0] =	ssyncadd.s32 @!p1 $0xFFFFEC00;
	s5 =	sadd.s32 s29, s31  }
0x91: {  	[tilespmem:s4], [sflag:$0x4] =	stream.linear.gather [hbm4b:s5+s3], $0x1400, $0x38;
	[tilespmem:$0x12B10] =	vst v63  }
0x92: {  	_ =	swait.ge [sflag:s18], $0x1400  }
0x93: {  	[sflag:s18] =	ssyncset.done $0x0  }
0x94: {  	s6 =	sadd.s32 $0x50, s28;
	s1 =	simm.s32 @!p1 $0xA;
	[sflag:s18] =	ssyncadd.s32 $0xFFFFEC00  }
0x95: {  	[spmem:s2] =	stream.indirect.scatter.add.f32 [tilespmem:s14], [sflag:$0x7], $0x40, s6, s17, $0xb8;
	[tilespmem:$0x12B10] =	vst v63  }
0x96: {  	_ =	swait.ge @!p1 [sflag:s1], $0x1400  }
0x97: {  	s7 =	rddreg [dreg:$0x5];
	[sflag:s1] =	ssyncset.done @!p1 $0x0  }
0x98: {  	[sflag:s1] =	ssyncadd.s32 @!p1 $0xFFFFEC00;
	s0 =	sadd.s32 s29, s7  }
0x99: {  	[tilespmem:s19], [sflag:$0x5] =	stream.linear.gather [hbm4b:s0+s3], $0x1400, $0x38;
	[tilespmem:$0x12B10] =	vst v63  }
0x9a: {  	_ =	swait.ge [sflag:s20], $0x1400  }
0x9b: {  	[sflag:s20] =	ssyncset.done $0x0  }
0x9c: {  	s30 =	sadd.s32 $0xA0, s28;
	[sflag:s20] =	ssyncadd.s32 $0xFFFFEC00  }
0x9d: {  	[spmem:s2] =	stream.indirect.scatter.add.f32 [tilespmem:s15], [sflag:$0x8], $0x40, s30, s17, $0xb8;
	[tilespmem:$0x12B10] =	vst v63  }
0x9e: {  	_ =	swait.ge [sflag:s21], $0x1400  }
0x9f: {  	p0 =	seq.s32 s29, $0x12C00;
	[sflag:s21] =	ssyncset.done $0x0  }
0xa0: {  	s0 =	simm.s32 @p0 $0x4;
	[sflag:s21] =	ssyncadd.s32 $0xFFFFEC00  }
0xa1: {  	_ =	swait.ge @p0 [sflag:s0], $0x1400  }
0xa2: {  	s4 =	simm.s32 @p0 $0x7;
	s5 =	simm.s32 @p0 $0x50;
	[sflag:s0] =	ssyncset.done @p0 $0x0  }
0xa3: {  	s1 =	simm.s32 @p0 $0x6310;
	[sflag:s0] =	ssyncadd.s32 @p0 $0xFFFFEC00;
	s0 =	sadd.s32 @p0 $0xF0, s28  }
0xa4: {  	[spmem:s2] =	stream.indirect.scatter.add.f32 @p0 [tilespmem:s1], [sflag:$0x9], $0x40, s0, s5, $0xb8;
	[tilespmem:$0x12B10] =	vst v63  }
0xa5: {  	s1 =	simm.s32 @!p0 $0x2710;
	_ =	swait.ge @p0 [sflag:s4], $0x1400  }
0xa6: {  	s5 =	simm.s32 @!p0 $0x4;
	s0 =	rddreg [dreg:$0x4];
	[sflag:s4] =	ssyncset.done @p0 $0x0  }
0xa7: {  	[sflag:s4] =	ssyncadd.s32 @p0 $0xFFFFEC00;
	s0 =	sadd.s32 @!p0 s29, s0;
	s4 =	simm.s32 @!p0 $0x0  }
0xa8: {  	[tilespmem:s1], [sflag:$0x1] =	stream.linear.gather @!p0 [hbm4b:s0+s4], $0x1400, $0x38;
	[tilespmem:$0x12B10] =	vst v63  }
0xa9: {  	_ =	swait.ge @!p0 [sflag:s5], $0x1400  }
0xaa: {  	s0 =	simm.s32 @!p0 $0x6310;
	[sflag:s5] =	ssyncset.done @!p0 $0x0  }
0xab: {  	s1 =	sadd.s32 @!p0 $0xF0, s28;
	[sflag:s5] =	ssyncadd.s32 @!p0 $0xFFFFEC00;
	s5 =	simm.s32 @!p0 $0x50  }
0xac: {  	[spmem:s2] =	stream.indirect.scatter.add.f32 @!p0 [tilespmem:s0], [sflag:$0x9], $0x40, s1, s5, $0xb8;
	[tilespmem:$0x12B10] =	vst v63  }
0xad: {  	s0 =	simm.s32 @!p0 $0x7  }
0xae: {  	_ =	swait.ge @!p0 [sflag:s0], $0x1400  }
0xaf: {  	s1 =	rddreg [dreg:$0x3];
	[sflag:s0] =	ssyncset.done @!p0 $0x0  }
0xb0: {  	[sflag:s0] =	ssyncadd.s32 @!p0 $0xFFFFEC00;
	s0 =	sadd.s32 @!p0 s29, s1;
	s1 =	simm.s32 @!p0 $0x3B10  }
0xb1: {  	[tilespmem:s1], [sflag:$0x2] =	stream.linear.gather @!p0 [hbm4b:s0+s4], $0x1400, $0x38;
	[tilespmem:$0x12B10] =	vst v63  }
0xb2: {  	_ =	swait.ge [sflag:s22], $0x1400  }
0xb3: {  	[sflag:s22] =	ssyncset.done $0x0  }
0xb4: {  	s31 =	sadd.s32 $0x140, s28;
	[sflag:s22] =	ssyncadd.s32 $0xFFFFEC00  }
0xb5: {  	[spmem:s2] =	stream.indirect.scatter.add.f32 [tilespmem:s19], [sflag:$0xA], $0x40, s31, s17, $0xb8;
	[tilespmem:$0x12B10] =	vst v63  }
0xb6: {  	_ =	swait.ge [sflag:s23], $0x1400  }
0xb7: {  	[sflag:s23] =	ssyncset.done $0x0  }
0xb8: {  	[sflag:s23] =	ssyncadd.s32 $0xFFFFEC00  }
0xb9: {  	_ =	swait.ge [sflag:s24], $0x1400  }
0xba: {  	[sflag:s24] =	ssyncset.done $0x0  }
0xbb: {  	[sflag:s24] =	ssyncadd.s32 $0xFFFFEC00  }
0xbc: {  	_ =	swait.ge [sflag:s25], $0x1400  }
0xbd: {  	s26 =	sadd.s32 $0x1, s26;
	[sflag:s25] =	ssyncset.done $0x0  }
0xbe: {  	p0 =	sne.s32 s26, s9;
	[sflag:s25] =	ssyncadd.s32 $0xFFFFEC00  }
.Ltmp1:
0xbf: {  	[bflag:$0x0] =	sbarrier.arrive $0xFFFF;
	(pc) =	sbr.rel @p0 .LBB2_1-.Ltmp1, $4  }
0xc0: {  	[hbm:s8], [sflag:s11] =	dma.local [spmem:s12], $0x1400  }
0xc1: {  	_ =	swait.ge [sflag:s10], $0x1400  }
0xc2: {  	[sflag:s10] =	ssyncset.done $0x0  }
0xc3: {  	[sflag:s10] =	ssyncadd.s32 $0xFFFFEC00  }
0xc4: {  	_ =	sfence.sel $0x180000  }
0xc5: {  	[bflag:$0x0] =	sbarrier.arrive $0xFFFF  }
0xc6: {  	_ =	strace $0x90000050  }
0xc7: {  	s0 =	stileid.u32;
	[bflag:$0x2] =	sbarrier.arrive $0xFFFF  }
0xc8: {  	p0 =	sne.s32 s0, $0x0;
	s0 =	rddreg [dreg:$0x2]  }
0xc9: {  	s0 =	sadd.s32 @!p0 $0x100000, s0  }
0xca: {  	[sflag:s0] =	ssyncadd.tile.s32 @!p0 $0x1;
	_ =	shalt  }
.Lfunc_end2:
_tile_overlayer_lowered:
.L_overlay_start_2:
0xcb: {  	(tag) =	ssettag $0x2  }
0xcc: {  	s0 =	rddreg [dreg:$0x0];
	s2 =	stileid.u32  }
0xcd: {  	s1 =	rddreg [dreg:$0x1];
	p0 =	sne.s32 s2, $0x0  }
0xce: {  	s3 =	rddreg [dreg:$0x2];
	[bflag:$0x3] =	sbarrier.arrive $0xFFFF;
	s2 =	simm.s32 @!p0 $0x1C0B  }
0xcf: {  	[timem:s3], [sflag:s2] =	dma.local @!p0 [hbm:s0], s1  }
0xd0: {  	s0 =	simm.s32 @!p0 $0xB  }
0xd1: {  	_ =	swait.ge @!p0 [sflag:s0], s1  }
0xd2: {  	s1 =	ssub.s32 @!p0 $0x0, s1;
	[sflag:s0] =	ssyncset.done @!p0 $0x0  }
0xd3: {  	[sflag:s0] =	ssyncadd.s32 @!p0 s1  }
0xd4: {  	[bflag:$0x3] =	sbarrier.arrive $0xFFFF  }
0xd5: {  	_ =	shalt  }

// kernel: kernel.27.cloned.1.call-start
scs
__scs_entry_jumppad:
0x0: {  	(pc) =	sbr.rel $0x88, $3  }
0x1: {  	(tag) =	ssettag $0x0;
	lr =	simm.s32 $0x1  }
0x2: {  	[smem:$0x3F8C] =	sst lr;
	_ =	strace $0xD0000000  }
0x3: {  	_ = 	snop  }
0x4: {  	_ = 	snop  }
0x5: {  	_ = 	snop  }
0x6: {  	_ = 	snop  }
0x7: {  	_ = 	snop  }
__scs_overlays_trampoline_lowered:
0x8: {  	[smem:$0x3F9B] =	sst s0  }
0x9: {  	[smem:$0x3F9C] =	sst s1  }
0xa: {  	[smem:$0x3F9D] =	sst s2  }
0xb: {  	[smem:$0x3F9E] =	sst s3  }
0xc: {  	[smem:$0x3F9F] =	sst s4  }
0xd: {  	[smem:$0x3FA0] =	sst s5  }
0xe: {  	[smem:$0x3FA1] =	sst s6  }
0xf: {  	[smem:$0x3FA2] =	sst s7  }
0x10: {  	[smem:$0x3FA3] =	sst s8  }
0x11: {  	[smem:$0x3FA4] =	sst s9;
	s0 =	simm.s32 @!p0 $0x0  }
0x12: {  	s1 =	sld [smem:$0x3F8A];
	s0 =	simm.s32 @p0 $0x1  }
0x13: {  	[smem:$0x3FA5] =	sst s0;
	s0 =	simm.s32 @!p1 $0x0  }
0x14: {  	s2 =	sld [smem:$0x3F89];
	s0 =	simm.s32 @p1 $0x1  }
0x15: {  	[smem:$0x3FA6] =	sst s0;
	s0 =	simm.s32 @!p2 $0x0  }
0x16: {  	s3 =	sld [smem:$0x3FDB];
	s0 =	simm.s32 @p2 $0x1  }
0x17: {  	s4 =	simm.s32 $0x1BF5;
	[smem:$0x3FA8] =	sst s0  }
0x18: {  	s0 =	sld [smem:$0x3F8B];
	_ =	swait.ge [sflag:s4], $0x0  }
0x19: {  	s7 =	sld [smem:$0x3F8C]  }
0x1a: {  	s8 =	sadd.s32 $0xFFFFE003, lr  }
0x1b: {  	s9 =	sadd.s32 $0xFFFFFEF7, lr;
	s5 =	simm.s32 $0xFFFFFFFF;
	p2 =	slt.u32 s8, $0xFFFFF086  }
0x1c: {  	p1 =	slt.u32 s9, $0xF7A;
	s5 =	simm.s32 @!p2 $0x0  }
0x1d: {  	s5 =	simm.s32 @p1 $0x1;
	p0 =	seq.s32 s7, s2  }
0x1e: {  	s7 =	smul.u32 @!p0 $0xF7A, s2;
	p2 =	seq.s32 @!p0 s5, $0x0  }
0x1f: {  	s9 =	smul.u32 $0xF7A, s1;
	s8 =	simm.s32 @!p0 $0x1BF5;
	p2 =	por !p2, p0  }
0x20: {  	[sflag:s8] =	ssyncset.s32 @!p0 $0xFFFFF086;
	s6 =	sadd.s32 @!p0 s3, s7;
	s7 =	simm.s32 @!p0 $0x108  }
0x21: {  	s3 =	sadd.s32 s3, s9;
	s6 =	sadd.s32 @!p0 $0x88, s6;
	s7 =	simm.s32 @p2 $0x1082  }
0x22: {  	[simem:s7], [sflag:s8] =	dma.local @!p0 [hbm:s6], $0xF7A  }
0x23: {  	s9 =	sor.u32 $0xD0000000, s2;
	s6 =	simm.s32 $0x108;
	_ =	swait.ge @!p0 [sflag:s8], $0x0  }
0x24: {  	s3 =	sadd.s32 $0x88, s3;
	s6 =	simm.s32 @!p1 $0x1082;
	[sflag:s4] =	ssyncset.s32 $0xFFFFF086  }
0x25: {  	[simem:s6], [sflag:s4] =	dma.local [hbm:s3], $0xF7A  }
0x26: {  	[smem:$0x3F8C] =	sst s1;
	(tag) =	ssettag s2;
	_ =	strace s9  }
0x27: {  	s1 =	sld [smem:$0x3F9C]  }
0x28: {  	s2 =	sld [smem:$0x3F9D]  }
0x29: {  	s4 =	sld [smem:$0x3F9F]  }
0x2a: {  	p0 =	seq.s32 s5, $0x0;
	s5 =	sld [smem:$0x3FA0]  }
0x2b: {  	s6 =	sld [smem:$0x3FA1]  }
0x2c: {  	s7 =	sld [smem:$0x3FA2]  }
0x2d: {  	s3 =	simm.s32 $0x108;
	s8 =	sld [smem:$0x3FA3]  }
0x2e: {  	s3 =	simm.s32 @!p0 $0x1082;
	s9 =	sld [smem:$0x3FA4]  }
0x2f: {  	lr =	sadd.s32 s0, s3;
	s0 =	sld [smem:$0x3F9B]  }
0x30: {  	s3 =	sld [smem:$0x3F9E]  }
0x31: {  	[smem:$0x3FA7] =	sst s10  }
0x32: {  	s10 =	sld [smem:$0x3FA5];
	_ =	sdelay $0x3  }
0x33: {  	p0 =	seq.s32 s10, $0x1;
	s10 =	sld [smem:$0x3FA7];
	_ =	sdelay $0x3  }
0x34: {  	[smem:$0x3FA7] =	sst s10  }
0x35: {  	s10 =	sld [smem:$0x3FA6];
	_ =	sdelay $0x3  }
0x36: {  	p1 =	seq.s32 s10, $0x1;
	s10 =	sld [smem:$0x3FA7];
	_ =	sdelay $0x3  }
0x37: {  	[smem:$0x3FA7] =	sst s10  }
0x38: {  	s10 =	sld [smem:$0x3FA8]  }
0x39: {  	_ = 	snop;
	(pc) =	sbr.ind lr, $3  }
0x3a: {  	_ = 	snop  }
0x3b: {  	_ = 	snop  }
0x3c: {  	p2 =	seq.s32 s10, $0x1;
	s10 =	sld [smem:$0x3FA7]  }
0x3d: {  	_ =	shalt  }
0x3e: {  	_ =	shalt  }
0x3f: {  	_ =	shalt  }
0x40: {  	_ =	shalt  }
0x41: {  	_ =	shalt  }
0x42: {  	_ =	shalt  }
0x43: {  	_ =	shalt  }
0x44: {  	_ =	shalt  }
0x45: {  	_ =	shalt  }
0x46: {  	_ =	shalt  }
0x47: {  	_ =	shalt  }
0x48: {  	_ =	shalt  }
0x49: {  	_ =	shalt  }
0x4a: {  	_ =	shalt  }
0x4b: {  	_ =	shalt  }
0x4c: {  	_ =	shalt  }
0x4d: {  	_ =	shalt  }
0x4e: {  	_ =	shalt  }
0x4f: {  	_ =	shalt  }
0x50: {  	_ =	shalt  }
0x51: {  	_ =	shalt  }
0x52: {  	_ =	shalt  }
0x53: {  	_ =	shalt  }
0x54: {  	_ =	shalt  }
0x55: {  	_ =	shalt  }
0x56: {  	_ =	shalt  }
0x57: {  	_ =	shalt  }
0x58: {  	_ =	shalt  }
0x59: {  	_ =	shalt  }
0x5a: {  	_ =	shalt  }
0x5b: {  	_ =	shalt  }
0x5c: {  	_ =	shalt  }
0x5d: {  	_ =	shalt  }
0x5e: {  	_ =	shalt  }
0x5f: {  	_ =	shalt  }
0x60: {  	_ =	shalt  }
0x61: {  	_ =	shalt  }
0x62: {  	_ =	shalt  }
0x63: {  	_ =	shalt  }
0x64: {  	_ =	shalt  }
0x65: {  	_ =	shalt  }
0x66: {  	_ =	shalt  }
0x67: {  	_ =	shalt  }
0x68: {  	_ =	shalt  }
0x69: {  	_ =	shalt  }
0x6a: {  	_ =	shalt  }
0x6b: {  	_ =	shalt  }
0x6c: {  	_ =	shalt  }
0x6d: {  	_ =	shalt  }
0x6e: {  	_ =	shalt  }
0x6f: {  	_ =	shalt  }
0x70: {  	_ =	shalt  }
0x71: {  	_ =	shalt  }
0x72: {  	_ =	shalt  }
0x73: {  	_ =	shalt  }
0x74: {  	_ =	shalt  }
0x75: {  	_ =	shalt  }
0x76: {  	_ =	shalt  }
0x77: {  	_ =	shalt  }
0x78: {  	_ =	shalt  }
0x79: {  	_ =	shalt  }
0x7a: {  	_ =	shalt  }
0x7b: {  	_ =	shalt  }
0x7c: {  	_ =	shalt  }
0x7d: {  	_ =	shalt  }
0x7e: {  	_ =	shalt  }
0x7f: {  	_ =	shalt  }
0x80: {  	_ =	shalt  }
0x81: {  	_ =	shalt  }
0x82: {  	_ =	shalt  }
0x83: {  	_ =	shalt  }
0x84: {  	_ =	shalt  }
0x85: {  	_ =	shalt  }
0x86: {  	_ =	shalt  }
0x87: {  	_ =	shalt  }
.Lfunc_end0:
.L_simem_size_0:
called_computation.4_lowered:
.L_overlay_start_0:
0x88: {  	s2 =	sld [smem:$0x3FD9]  }
0x89: {  	s3 =	sld [smem:$0x3FFE];
	_ =	sdelay $0x1  }
0x8a: {  	s1 =	srdreg.scid  }
0x8b: {  	s0 =	sand.u32 $0x1, s1  }
0x8c: {  	s16 =	sshll.u32 s0, $0xA;
	s2 =	sadd.s32 s3, s2  }
0x8d: {  	s2 =	sadd.s32 s2, s16  }
0x8e: {  	[smem:$0x3FB3] =	sst s2  }
0x8f: {  	_ = 	snop  }
0x90: {  	(tm) =	ssettm $0x1  }
0x91: {  	s17 =	sld [smem:$0x3FFB];
	_ =	sdelay $0x3  }
0x92: {  	_ =	strace s17  }
0x93: {  	s2 =	sld [smem:$0x3FFC];
	_ =	sdelay $0x3  }
0x94: {  	_ =	strace s2  }
0x95: {  	s2 =	sld [smem:$0x3FFD];
	_ =	sdelay $0x3  }
0x96: {  	_ =	strace s2  }
0x97: {  	_ =	strace $0x8FFFFFFF  }
0x98: {  	s18 =	sld [smem:$0x3FDB];
	_ =	sdelay $0x1  }
0x99: {  	s19 =	simm.s32 $_scs_section_size  }
0x9a: {  	s4 =	simm.s32 $_size__tile_overlayer_lowered;
	s5 =	simm.s32 $_tile_overlayer_lowered  }
0x9b: {  	s22 =	simm.s32 $0x1BFF;
	s21 =	sshll.u32 s5, $0x1;
	s2 =	sadd.s32 s19, s18  }
0x9c: {  	s6 =	simm.s32 $0x0;
	s20 =	sshll.u32 s4, $0x1;
	s4 =	sadd.s32 s21, s2  }
0x9d: {  	[timem:s6], [sflag:s22] =	dma.local [hbm:s4], s20  }
0x9e: {  	_ =	swait.ge [sflag:s22], s20  }
0x9f: {  	s3 =	ssub.s32 $0x0, s20;
	[sflag:s22] =	ssyncset.done $0x0  }
0xa0: {  	[sflag:s22] =	ssyncadd.s32 s3;
	_ =	sdelay $0x1  }
0xa1: {  	s23 =	simm.s32 $0x1B8B  }
0xa2: {  	_ =	swait.ge [sflag:s23], $0x1  }
0xa3: {  	[sflag:s23] =	ssyncset.done $0x0  }
0xa4: {  	s25 =	simm.s32 $0x1B8E;
	s24 =	sld [smem:$0x3FFE];
	[sflag:s23] =	ssyncadd.s32 $0xFFFFFFFF  }
0xa5: {  	s26 =	simm.s32 $execute0_lowered;
	[smem:$0x3FD2] =	sst s25  }
0xa6: {  	s4 =	sshll.u32 s26, $0x1;
	_ =	strace $0x80000052;
	[dreg:$0x1] =	wrdreg $0xFFFFFFFF  }
0xa7: {  	s28 =	simm.s32 $_size_execute0_lowered;
	s2 =	sadd.s32 s2, s4;
	[dreg:$0x0] =	wrdreg $0x0  }
0xa8: {  	s4 =	sshll.u32 s28, $0x1;
	[dreg:$0x2] =	wrdreg s2  }
0xa9: {  	[dreg:$0x3] =	wrdreg s4  }
0xaa: {  	[dreg:$0x4] =	wrdreg $0xC0  }
0xab: {  	_ =	task [dreg:s6], $0x5FFFF  }
0xac: {  	[dreg:$0x1] =	wrdreg $0xFFFFFFFF  }
0xad: {  	[dreg:$0x0] =	wrdreg $0x60  }
0xae: {  	[dreg:$0x2] =	wrdreg s24  }
0xaf: {  	[dreg:$0x3] =	wrdreg $0x9  }
0xb0: {  	_ =	task.clear_ibuf [dreg:s6], $0x4FFFF;
	_ =	strace $0x90000052  }
0xb1: {  	s29 =	simm.s32 $0x9;
	_ =	strace $0x80000054  }
0xb2: {  	_ =	swait.ge [sflag:s29], $0x1  }
0xb3: {  	[sflag:s29] =	ssyncadd.s32 $0xFFFFFFFF  }
0xb4: {  	_ =	strace $0x90000054  }
0xb5: {  	_ =	sfence  }
0xb6: {  	s30 =	sld [smem:$0x0];
	_ =	sdelay $0x2  }
0xb7: {  	s31 =	sshll.u32 s1, $0xD;
	s1 =	sshrl.u32 s1, $0x2  }
0xb8: {  	s3 =	sand.u32 $0x4000, s31;
	s1 =	sadd.s32 s1, s30  }
0xb9: {  	s0 =	sor.u32 s3, s0;
	s1 =	sshll.u32 s1, $0x11  }
0xba: {  	s0 =	sor.u32 s1, s0  }
0xbb: {  	s0 =	sadd.s32 $0x8F2B, s0  }
0xbc: {  	[sflag:s0] =	ssyncadd.remote.s32 $0x1  }
0xbd: {  	_ =	sfence.sel $0xFFFF  }
0xbe: {  	[dreg:$0x0] =	wrdreg $0xFFFFFFFF;
	(pc) =	sbr.abs _section_cstart, $3  }
0xbf: {  	[dreg:$0x1] =	wrdreg $0xFFFFFFFF  }
0xc0: {  	_ =	task.clear_ibuf [dreg:s6], $0x2FFFF;
	_ =	strace $0x9FFFFFFF  }
0xc1: {  	(tm) =	ssettm $0x7FFFFFFF  }
tec
execute0_lowered:
.L_overlay_start_1:
0x0: {  	(tag) =	ssettag $0x1  }
0x1: {  	s0 =	srdreg.scid;
	s8 =	stileid.u32  }
0x2: {  	s4 =	rddreg [dreg:$0x0];
	s2 =	simm.s32 $0x0;
	s12 =	simm.s32 $0x50  }
0x3: {  	s13 =	simm.s32 $0x2710;
	s14 =	simm.s32 $0x3B10;
	s15 =	simm.s32 $0x4F10  }
0x4: {  	s16 =	simm.s32 $0x1;
	s17 =	simm.s32 $0x6310;
	s18 =	simm.s32 $0x2  }
0x5: {  	s19 =	simm.s32 $0x7710;
	s20 =	simm.s32 $0x3;
	s21 =	simm.s32 $0x6  }
0x6: {  	s22 =	simm.s32 $0x4;
	s23 =	simm.s32 $0x7;
	s3 =	smul.u32 $0x2710, s8  }
0x7: {  	s24 =	simm.s32 $0x5;
	s0 =	sand.u32 $0x1, s0;
	s28 =	smul.u32 $0x13880, s8  }
0x8: {  	s29 =	simm.s32 $0x0;
	[smem:$0x7FF] =	sst s2;
	s1 =	smul.u32 $0x27100, s0  }
0x9: {  	_ =	strace $0x80000053;
	s6 =	ssub.s32 $0x2, s0;
	s0 =	smul.u32 $0x138800, s0  }
0xa: {  	s7 =	sshrl.u32 s6, $0x1;
	s1 =	sadd.s32 s3, s1;
	s3 =	sadd.s32 $0xBC00, s4  }
0xb: {  	s6 =	ssub.s32 s6, s7;
	s5 =	sshrl.u32 s1, $0x3;
	s1 =	sshll.u32 s1, $0x3  }
0xc: {  	s30 =	smax.u32 s6, $0x1;
	s5 =	sadd.s32 s5, s4;
	s4 =	sadd.s32 $0x7C2C00, s4  }
0xd: {  	[dreg:$0x3] =	wrdreg s30;
	s5 =	sadd.s32 $0x47800, s5;
	s1 =	sadd.s32 s4, s1  }
0xe: {  	s0 =	sadd.s32 s0, s4;
	[dreg:$0x2] =	wrdreg s5;
	s31 =	sadd.s32 $0x280, s1  }
0xf: {  	s0 =	sadd.s32 s28, s0;
	s25 =	sadd.s32 $0xA00, s1;
	[dreg:$0x4] =	wrdreg s31  }
0x10: {  	s9 =	sadd.s32 $0x780, s1;
	s10 =	sadd.s32 $0x500, s1;
	[dreg:$0x5] =	wrdreg s0  }
.LBB2_1:
0x11: {  	s0 =	rddreg [dreg:$0x2];
	s8 =	simm.s32 $0xB  }
0x12: {  	[tilespmem:s2], [sflag:$0xB] =	stream.linear.gather [hbm4b:s0+s2], $0x2710, $0x38;
	[tilespmem:$0x8B10] =	vst v63  }
0x13: {  	_ =	swait.ge [sflag:s8], $0x2710  }
0x14: {  	[sflag:s8] =	ssyncset.done $0x0  }
0x15: {  	p0 =	por $0x1, $0x1;
	[sflag:s8] =	ssyncadd.s32 $0xFFFFD8F0  }
0x16: {  	[tilespmem:s13], [sflag:$0x1] =	stream.indirect.gather [hbm4b:s3+s12], $0x40, s2, s12, $0xb8;
	[tilespmem:$0x8B10] =	vst v63  }
0x17: {  	s0 =	simm.s32 @!p0 $0x8  }
0x18: {  	[tilespmem:s14], [sflag:$0x2] =	stream.indirect.gather [hbm4b:s3+s12], $0x40, s12, s12, $0xb8;
	[tilespmem:$0x8B10] =	vst v63  }
0x19: {  	_ =	swait.ge @!p0 [sflag:s0], $0x1400  }
0x1a: {  	[sflag:s0] =	ssyncset.done @!p0 $0x0  }
0x1b: {  	s11 =	simm.s32 $0xA0;
	[sflag:s0] =	ssyncadd.s32 @!p0 $0xFFFFEC00  }
0x1c: {  	[tilespmem:s15], [sflag:$0x3] =	stream.indirect.gather [hbm4b:s3+s12], $0x40, s11, s12, $0xb8;
	[tilespmem:$0x8B10] =	vst v63  }
0x1d: {  	_ =	swait.ge [sflag:s16], $0x1400  }
0x1e: {  	[sflag:s16] =	ssyncset.done $0x0  }
0x1f: {  	s0 =	simm.s32 @!p0 $0x9;
	s7 =	rddreg [dreg:$0x5];
	[sflag:s16] =	ssyncadd.s32 $0xFFFFEC00  }
0x20: {  	[hbm4b:s7+s2] =	stream.linear.scatter [tilespmem:s13], [sflag:$0x6], $0x1400, $0x38;
	[tilespmem:$0x8B10] =	vst v63  }
0x21: {  	_ =	swait.ge @!p0 [sflag:s0], $0x1400  }
0x22: {  	[sflag:s0] =	ssyncset.done @!p0 $0x0  }
0x23: {  	s26 =	simm.s32 $0xF0;
	[sflag:s0] =	ssyncadd.s32 @!p0 $0xFFFFEC00  }
0x24: {  	[tilespmem:s17], [sflag:$0x4] =	stream.indirect.gather [hbm4b:s3+s12], $0x40, s26, s12, $0xb8;
	[tilespmem:$0x8B10] =	vst v63  }
0x25: {  	_ =	swait.ge [sflag:s18], $0x1400  }
0x26: {  	[sflag:s18] =	ssyncset.done $0x0  }
0x27: {  	s0 =	simm.s32 @!p0 $0xA;
	s6 =	rddreg [dreg:$0x4];
	[sflag:s18] =	ssyncadd.s32 $0xFFFFEC00  }
0x28: {  	[hbm4b:s6+s2] =	stream.linear.scatter [tilespmem:s14], [sflag:$0x7], $0x1400, $0x38;
	[tilespmem:$0x8B10] =	vst v63  }
0x29: {  	_ =	swait.ge @!p0 [sflag:s0], $0x1400  }
0x2a: {  	[sflag:s0] =	ssyncset.done @!p0 $0x0  }
0x2b: {  	s28 =	simm.s32 $0x140;
	[sflag:s0] =	ssyncadd.s32 @!p0 $0xFFFFEC00  }
0x2c: {  	[tilespmem:s19], [sflag:$0x5] =	stream.indirect.gather [hbm4b:s3+s12], $0x40, s28, s12, $0xb8;
	[tilespmem:$0x8B10] =	vst v63  }
0x2d: {  	_ =	swait.ge [sflag:s20], $0x1400  }
0x2e: {  	[sflag:s20] =	ssyncset.done $0x0  }
0x2f: {  	[sflag:s20] =	ssyncadd.s32 $0xFFFFEC00  }
0x30: {  	[hbm4b:s10+s2] =	stream.linear.scatter [tilespmem:s15], [sflag:$0x8], $0x1400, $0x38;
	[tilespmem:$0x8B10] =	vst v63  }
0x31: {  	p0 =	por $0x0, $0x0;
	_ =	swait.ge [sflag:s21], $0x1400  }
0x32: {  	s0 =	simm.s32 @!p0 $0x2710;
	[sflag:s21] =	ssyncset.done $0x0  }
0x33: {  	s1 =	simm.s32 @!p0 $0x190;
	s4 =	simm.s32 @!p0 $0x50;
	[sflag:s21] =	ssyncadd.s32 $0xFFFFEC00  }
0x34: {  	[tilespmem:s0], [sflag:$0x1] =	stream.indirect.gather @!p0 [hbm4b:s3+s4], $0x40, s1, s4, $0xb8;
	[tilespmem:$0x8B10] =	vst v63  }
0x35: {  	_ =	swait.ge [sflag:s22], $0x1400  }
0x36: {  	[sflag:s22] =	ssyncset.done $0x0  }
0x37: {  	s31 =	sadd.s32 $0xC80, s9;
	[sflag:s22] =	ssyncadd.s32 $0xFFFFEC00  }
0x38: {  	[hbm4b:s9+s2] =	stream.linear.scatter [tilespmem:s17], [sflag:$0x9], $0x1400, $0x38;
	[tilespmem:$0x8B10] =	vst v63  }
0x39: {  	s30 =	sadd.s32 $0xC80, s25;
	p1 =	por $0x0, $0x0;
	_ =	swait.ge [sflag:s23], $0x1400  }
0x3a: {  	s11 =	simm.s32 $0xC80;
	s5 =	simm.s32 @!p0 $0x1E0;
	[sflag:s23] =	ssyncset.done $0x0  }
0x3b: {  	s8 =	simm.s32 @!p0 $0x3B10;
	s0 =	simm.s32 $0x640;
	[sflag:s23] =	ssyncadd.s32 $0xFFFFEC00  }
0x3c: {  	[tilespmem:s8], [sflag:$0x2] =	stream.indirect.gather @!p0 [hbm4b:s3+s4], $0x40, s5, s4, $0xb8;
	[tilespmem:$0x8B10] =	vst v63  }
0x3d: {  	s1 =	sadd.s32 $0xC80, s10;
	s5 =	sadd.s32 $0xC80, s7;
	_ =	swait.ge [sflag:s24], $0x1400  }
0x3e: {  	s4 =	sadd.s32 $0xC80, s6;
	s8 =	smov.u32 s25;
	[sflag:s24] =	ssyncset.done $0x0  }
.LBB2_2:
0x3f: {  	s28 =	simm.s32 @!p1 $0x8  }
0x40: {  	[sflag:s24] =	ssyncadd.s32 $0xFFFFEC00;
	s26 =	smov.u32 s11;
	s11 =	sadd.s32 $0x640, s11  }
0x41: {  	[hbm4b:s8+s2] =	stream.linear.scatter [tilespmem:s19], [sflag:$0xA], $0x1400, $0x38;
	[tilespmem:$0x8B10] =	vst v63  }
0x42: {  	p0 =	sne.s32 s11, $0x9C40;
	s8 =	smov.u32 s30;
	_ =	swait.ge @!p1 [sflag:s28], $0x1400  }
0x43: {  	s6 =	sshra.s32 s0, $0x2;
	[sflag:s28] =	ssyncset.done @!p1 $0x0  }
0x44: {  	[sflag:s28] =	ssyncadd.s32 @!p1 $0xFFFFEC00;
	s28 =	sadd.s32 $0xA0, s6  }
0x45: {  	[tilespmem:s15], [sflag:$0x3] =	stream.indirect.gather [hbm4b:s3+s12], $0x40, s28, s12, $0xb8;
	[tilespmem:$0x8B10] =	vst v63  }
0x46: {  	_ =	swait.ge [sflag:s16], $0x1400  }
0x47: {  	[sflag:s16] =	ssyncset.done $0x0  }
0x48: {  	s28 =	simm.s32 @!p1 $0x9;
	[sflag:s16] =	ssyncadd.s32 $0xFFFFEC00  }
0x49: {  	[hbm4b:s5+s2] =	stream.linear.scatter [tilespmem:s13], [sflag:$0x6], $0x1400, $0x38;
	[tilespmem:$0x8B10] =	vst v63  }
0x4a: {  	_ =	swait.ge @!p1 [sflag:s28], $0x1400  }
0x4b: {  	[sflag:s28] =	ssyncset.done @!p1 $0x0  }
0x4c: {  	[sflag:s28] =	ssyncadd.s32 @!p1 $0xFFFFEC00;
	s28 =	sadd.s32 $0xF0, s6  }
0x4d: {  	[tilespmem:s17], [sflag:$0x4] =	stream.indirect.gather [hbm4b:s3+s12], $0x40, s28, s12, $0xb8;
	[tilespmem:$0x8B10] =	vst v63  }
0x4e: {  	_ =	swait.ge [sflag:s18], $0x1400  }
0x4f: {  	[sflag:s18] =	ssyncset.done $0x0  }
0x50: {  	s28 =	simm.s32 @!p1 $0xA;
	[sflag:s18] =	ssyncadd.s32 $0xFFFFEC00  }
0x51: {  	[hbm4b:s4+s2] =	stream.linear.scatter [tilespmem:s14], [sflag:$0x7], $0x1400, $0x38;
	[tilespmem:$0x8B10] =	vst v63  }
0x52: {  	_ =	swait.ge @!p1 [sflag:s28], $0x1400  }
0x53: {  	[sflag:s28] =	ssyncset.done @!p1 $0x0  }
0x54: {  	s6 =	sadd.s32 $0x140, s6;
	[sflag:s28] =	ssyncadd.s32 @!p1 $0xFFFFEC00  }
0x55: {  	[tilespmem:s19], [sflag:$0x5] =	stream.indirect.gather [hbm4b:s3+s12], $0x40, s6, s12, $0xb8;
	[tilespmem:$0x8B10] =	vst v63  }
0x56: {  	_ =	swait.ge [sflag:s20], $0x1400  }
0x57: {  	[sflag:s20] =	ssyncset.done $0x0  }
0x58: {  	[sflag:s20] =	ssyncadd.s32 $0xFFFFEC00  }
0x59: {  	[hbm4b:s1+s2] =	stream.linear.scatter [tilespmem:s15], [sflag:$0x8], $0x1400, $0x38;
	[tilespmem:$0x8B10] =	vst v63  }
0x5a: {  	p1 =	seq.s32 s0, $0x9600;
	_ =	swait.ge [sflag:s21], $0x1400  }
0x5b: {  	s0 =	sshra.s32 @!p1 s0, $0x2;
	s6 =	simm.s32 @!p1 $0x2710;
	[sflag:s21] =	ssyncset.done $0x0  }
0x5c: {  	s7 =	simm.s32 @!p1 $0x50;
	s28 =	sadd.s32 @!p1 $0x190, s0;
	[sflag:s21] =	ssyncadd.s32 $0xFFFFEC00  }
0x5d: {  	[tilespmem:s6], [sflag:$0x1] =	stream.indirect.gather @!p1 [hbm4b:s3+s7], $0x40, s28, s7, $0xb8;
	[tilespmem:$0x8B10] =	vst v63  }
0x5e: {  	s6 =	sadd.s32 @!p1 $0x1E0, s0;
	s0 =	smov.u32 s26;
	_ =	swait.ge [sflag:s22], $0x1400  }
0x5f: {  	[sflag:s22] =	ssyncset.done $0x0  }
0x60: {  	[sflag:s22] =	ssyncadd.s32 $0xFFFFEC00  }
0x61: {  	[hbm4b:s31+s2] =	stream.linear.scatter [tilespmem:s17], [sflag:$0x9], $0x1400, $0x38;
	[tilespmem:$0x8B10] =	vst v63  }
0x62: {  	_ =	swait.ge [sflag:s23], $0x1400  }
.Ltmp0:
0x63: {  	s1 =	sadd.s32 $0xC80, s1;
	[sflag:s23] =	ssyncset.done $0x0;
	(pc) =	sbr.rel @p0 .LBB2_2-.Ltmp0, $4  }
0x64: {  	s26 =	simm.s32 @!p1 $0x3B10;
	s31 =	sadd.s32 $0xC80, s31;
	[sflag:s23] =	ssyncadd.s32 $0xFFFFEC00  }
0x65: {  	[tilespmem:s26], [sflag:$0x2] =	stream.indirect.gather @!p1 [hbm4b:s3+s7], $0x40, s6, s7, $0xb8;
	[tilespmem:$0x8B10] =	vst v63  }
0x66: {  	s30 =	sadd.s32 $0xC80, s30;
	s5 =	sadd.s32 $0xC80, s5;
	_ =	swait.ge [sflag:s24], $0x1400  }
0x67: {  	s4 =	sadd.s32 $0xC80, s4;
	p1 =	seq.s32 s0, $0x0;
	[sflag:s24] =	ssyncset.done $0x0  }
0x68: {  	s6 =	simm.s32 @!p1 $0x8;
	[sflag:s24] =	ssyncadd.s32 $0xFFFFEC00  }
0x69: {  	[hbm4b:s8+s2] =	stream.linear.scatter [tilespmem:s19], [sflag:$0xA], $0x1400, $0x38;
	[tilespmem:$0x8B10] =	vst v63  }
0x6a: {  	_ =	swait.ge @!p1 [sflag:s6], $0x1400  }
0x6b: {  	s7 =	sshra.s32 s0, $0x2;
	[sflag:s6] =	ssyncset.done @!p1 $0x0  }
0x6c: {  	s28 =	sadd.s32 $0xA0, s7;
	[sflag:s6] =	ssyncadd.s32 @!p1 $0xFFFFEC00  }
0x6d: {  	[tilespmem:s15], [sflag:$0x3] =	stream.indirect.gather [hbm4b:s3+s12], $0x40, s28, s12, $0xb8;
	[tilespmem:$0x8B10] =	vst v63  }
0x6e: {  	_ =	swait.ge [sflag:s16], $0x1400  }
0x6f: {  	[sflag:s16] =	ssyncset.done $0x0  }
0x70: {  	[sflag:s16] =	ssyncadd.s32 $0xFFFFEC00  }
0x71: {  	[hbm4b:s5+s2] =	stream.linear.scatter [tilespmem:s13], [sflag:$0x6], $0x1400, $0x38;
	[tilespmem:$0x8B10] =	vst v63  }
0x72: {  	s5 =	simm.s32 @!p1 $0x9  }
0x73: {  	_ =	swait.ge @!p1 [sflag:s5], $0x1400  }
0x74: {  	[sflag:s5] =	ssyncset.done @!p1 $0x0  }
0x75: {  	s8 =	sadd.s32 $0xF0, s7;
	[sflag:s5] =	ssyncadd.s32 @!p1 $0xFFFFEC00  }
0x76: {  	[tilespmem:s17], [sflag:$0x4] =	stream.indirect.gather [hbm4b:s3+s12], $0x40, s8, s12, $0xb8;
	[tilespmem:$0x8B10] =	vst v63  }
0x77: {  	_ =	swait.ge [sflag:s18], $0x1400  }
0x78: {  	[sflag:s18] =	ssyncset.done $0x0  }
0x79: {  	[sflag:s18] =	ssyncadd.s32 $0xFFFFEC00  }
0x7a: {  	[hbm4b:s4+s2] =	stream.linear.scatter [tilespmem:s14], [sflag:$0x7], $0x1400, $0x38;
	[tilespmem:$0x8B10] =	vst v63  }
0x7b: {  	s4 =	simm.s32 @!p1 $0xA  }
0x7c: {  	_ =	swait.ge @!p1 [sflag:s4], $0x1400  }
0x7d: {  	[sflag:s4] =	ssyncset.done @!p1 $0x0  }
0x7e: {  	s11 =	sadd.s32 $0x140, s7;
	[sflag:s4] =	ssyncadd.s32 @!p1 $0xFFFFEC00  }
0x7f: {  	[tilespmem:s19], [sflag:$0x5] =	stream.indirect.gather [hbm4b:s3+s12], $0x40, s11, s12, $0xb8;
	[tilespmem:$0x8B10] =	vst v63  }
0x80: {  	_ =	swait.ge [sflag:s20], $0x1400  }
0x81: {  	[sflag:s20] =	ssyncset.done $0x0  }
0x82: {  	[sflag:s20] =	ssyncadd.s32 $0xFFFFEC00  }
0x83: {  	[hbm4b:s1+s2] =	stream.linear.scatter [tilespmem:s15], [sflag:$0x8], $0x1400, $0x38;
	[tilespmem:$0x8B10] =	vst v63  }
0x84: {  	p0 =	seq.s32 s0, $0x9600;
	_ =	swait.ge [sflag:s21], $0x1400  }
0x85: {  	s0 =	sshra.s32 @!p0 s0, $0x2;
	s5 =	simm.s32 @!p0 $0x50;
	[sflag:s21] =	ssyncset.done $0x0  }
0x86: {  	s4 =	sadd.s32 @!p0 $0x190, s0;
	s1 =	simm.s32 @!p0 $0x2710;
	[sflag:s21] =	ssyncadd.s32 $0xFFFFEC00  }
0x87: {  	[tilespmem:s1], [sflag:$0x1] =	stream.indirect.gather @!p0 [hbm4b:s3+s5], $0x40, s4, s5, $0xb8;
	[tilespmem:$0x8B10] =	vst v63  }
0x88: {  	_ =	swait.ge [sflag:s22], $0x1400  }
0x89: {  	[sflag:s22] =	ssyncset.done $0x0  }
0x8a: {  	[sflag:s22] =	ssyncadd.s32 $0xFFFFEC00  }
0x8b: {  	[hbm4b:s31+s2] =	stream.linear.scatter [tilespmem:s17], [sflag:$0x9], $0x1400, $0x38;
	[tilespmem:$0x8B10] =	vst v63  }
0x8c: {  	_ =	swait.ge [sflag:s23], $0x1400  }
0x8d: {  	[sflag:s23] =	ssyncset.done $0x0  }
0x8e: {  	s0 =	sadd.s32 @!p0 $0x1E0, s0;
	s1 =	simm.s32 @!p0 $0x3B10;
	[sflag:s23] =	ssyncadd.s32 $0xFFFFEC00  }
0x8f: {  	[tilespmem:s1], [sflag:$0x2] =	stream.indirect.gather @!p0 [hbm4b:s3+s5], $0x40, s0, s5, $0xb8;
	[tilespmem:$0x8B10] =	vst v63  }
0x90: {  	_ =	swait.ge [sflag:s24], $0x1400  }
0x91: {  	[sflag:s24] =	ssyncset.done $0x0  }
0x92: {  	s26 =	simm.s32 $0x8;
	[sflag:s24] =	ssyncadd.s32 $0xFFFFEC00  }
0x93: {  	[hbm4b:s30+s2] =	stream.linear.scatter [tilespmem:s19], [sflag:$0xA], $0x1400, $0x38;
	[tilespmem:$0x8B10] =	vst v63  }
0x94: {  	_ =	swait.ge [sflag:s26], $0x1400  }
0x95: {  	[sflag:s26] =	ssyncset.done $0x0  }
0x96: {  	s28 =	simm.s32 $0x9;
	[sflag:s26] =	ssyncadd.s32 $0xFFFFEC00  }
0x97: {  	_ =	swait.ge [sflag:s28], $0x1400  }
0x98: {  	[sflag:s28] =	ssyncset.done $0x0  }
0x99: {  	s30 =	simm.s32 $0xA;
	[sflag:s28] =	ssyncadd.s32 $0xFFFFEC00  }
0x9a: {  	_ =	swait.ge [sflag:s30], $0x1400  }
0x9b: {  	s29 =	sadd.s32 $0x1, s29;
	s31 =	rddreg [dreg:$0x3]  }
0x9c: {  	p0 =	sne.s32 s29, s31  }
.Ltmp1:
0x9d: {  	_ = 	snop;
	(pc) =	sbr.rel @p0 .LBB2_1-.Ltmp1, $3  }
0x9e: {  	_ =	sdelay $0x1  }
0x9f: {  	[sflag:s30] =	ssyncset.done $0x0  }
0xa0: {  	[sflag:s30] =	ssyncadd.s32 $0xFFFFEC00  }
0xa1: {  	_ =	sfence.sel $0x180000  }
0xa2: {  	[bflag:$0x0] =	sbarrier.arrive $0xFFFF  }
0xa3: {  	_ =	strace $0x90000053  }
0xa4: {  	s0 =	stileid.u32;
	[bflag:$0x2] =	sbarrier.arrive $0xFFFF  }
0xa5: {  	p0 =	sne.s32 s0, $0x0;
	s0 =	rddreg [dreg:$0x1]  }
0xa6: {  	s0 =	sadd.s32 @!p0 $0x100000, s0  }
0xa7: {  	[sflag:s0] =	ssyncadd.tile.s32 @!p0 $0x1;
	_ =	shalt  }
.Lfunc_end2:
_tile_overlayer_lowered:
.L_overlay_start_2:
0xa8: {  	(tag) =	ssettag $0x2  }
0xa9: {  	s0 =	rddreg [dreg:$0x0];
	s2 =	stileid.u32  }
0xaa: {  	s1 =	rddreg [dreg:$0x1];
	p0 =	sne.s32 s2, $0x0  }
0xab: {  	s3 =	rddreg [dreg:$0x2];
	[bflag:$0x3] =	sbarrier.arrive $0xFFFF;
	s2 =	simm.s32 @!p0 $0x1C0B  }
0xac: {  	[timem:s3], [sflag:s2] =	dma.local @!p0 [hbm:s0], s1  }
0xad: {  	s0 =	simm.s32 @!p0 $0xB  }
0xae: {  	_ =	swait.ge @!p0 [sflag:s0], s1  }
0xaf: {  	s1 =	ssub.s32 @!p0 $0x0, s1;
	[sflag:s0] =	ssyncset.done @!p0 $0x0  }
0xb0: {  	[sflag:s0] =	ssyncadd.s32 @!p0 s1  }
0xb1: {  	[bflag:$0x3] =	sbarrier.arrive $0xFFFF  }
0xb2: {  	_ =	shalt  }

// kernel: kernel.30.cloned.1.call-start
scs
__scs_entry_jumppad:
0x0: {  	(pc) =	sbr.rel $0x88, $3  }
0x1: {  	(tag) =	ssettag $0x0;
	lr =	simm.s32 $0x1  }
0x2: {  	[smem:$0x3F8C] =	sst lr;
	_ =	strace $0xD0000000  }
0x3: {  	_ = 	snop  }
0x4: {  	_ = 	snop  }
0x5: {  	_ = 	snop  }
0x6: {  	_ = 	snop  }
0x7: {  	_ = 	snop  }
__scs_overlays_trampoline_lowered:
0x8: {  	[smem:$0x3F9B] =	sst s0  }
0x9: {  	[smem:$0x3F9C] =	sst s1  }
0xa: {  	[smem:$0x3F9D] =	sst s2  }
0xb: {  	[smem:$0x3F9E] =	sst s3  }
0xc: {  	[smem:$0x3F9F] =	sst s4  }
0xd: {  	[smem:$0x3FA0] =	sst s5  }
0xe: {  	[smem:$0x3FA1] =	sst s6  }
0xf: {  	[smem:$0x3FA2] =	sst s7  }
0x10: {  	[smem:$0x3FA3] =	sst s8  }
0x11: {  	[smem:$0x3FA4] =	sst s9;
	s0 =	simm.s32 @!p0 $0x0  }
0x12: {  	s1 =	sld [smem:$0x3F8A];
	s0 =	simm.s32 @p0 $0x1  }
0x13: {  	[smem:$0x3FA5] =	sst s0;
	s0 =	simm.s32 @!p1 $0x0  }
0x14: {  	s2 =	sld [smem:$0x3F89];
	s0 =	simm.s32 @p1 $0x1  }
0x15: {  	[smem:$0x3FA6] =	sst s0;
	s0 =	simm.s32 @!p2 $0x0  }
0x16: {  	s3 =	sld [smem:$0x3FDB];
	s0 =	simm.s32 @p2 $0x1  }
0x17: {  	s4 =	simm.s32 $0x1BF5;
	[smem:$0x3FA8] =	sst s0  }
0x18: {  	s0 =	sld [smem:$0x3F8B];
	_ =	swait.ge [sflag:s4], $0x0  }
0x19: {  	s7 =	sld [smem:$0x3F8C]  }
0x1a: {  	s8 =	sadd.s32 $0xFFFFE003, lr  }
0x1b: {  	s9 =	sadd.s32 $0xFFFFFEF7, lr;
	s5 =	simm.s32 $0xFFFFFFFF;
	p2 =	slt.u32 s8, $0xFFFFF086  }
0x1c: {  	p1 =	slt.u32 s9, $0xF7A;
	s5 =	simm.s32 @!p2 $0x0  }
0x1d: {  	s5 =	simm.s32 @p1 $0x1;
	p0 =	seq.s32 s7, s2  }
0x1e: {  	s7 =	smul.u32 @!p0 $0xF7A, s2;
	p2 =	seq.s32 @!p0 s5, $0x0  }
0x1f: {  	s9 =	smul.u32 $0xF7A, s1;
	s8 =	simm.s32 @!p0 $0x1BF5;
	p2 =	por !p2, p0  }
0x20: {  	[sflag:s8] =	ssyncset.s32 @!p0 $0xFFFFF086;
	s6 =	sadd.s32 @!p0 s3, s7;
	s7 =	simm.s32 @!p0 $0x108  }
0x21: {  	s3 =	sadd.s32 s3, s9;
	s6 =	sadd.s32 @!p0 $0x88, s6;
	s7 =	simm.s32 @p2 $0x1082  }
0x22: {  	[simem:s7], [sflag:s8] =	dma.local @!p0 [hbm:s6], $0xF7A  }
0x23: {  	s9 =	sor.u32 $0xD0000000, s2;
	s6 =	simm.s32 $0x108;
	_ =	swait.ge @!p0 [sflag:s8], $0x0  }
0x24: {  	s3 =	sadd.s32 $0x88, s3;
	s6 =	simm.s32 @!p1 $0x1082;
	[sflag:s4] =	ssyncset.s32 $0xFFFFF086  }
0x25: {  	[simem:s6], [sflag:s4] =	dma.local [hbm:s3], $0xF7A  }
0x26: {  	[smem:$0x3F8C] =	sst s1;
	(tag) =	ssettag s2;
	_ =	strace s9  }
0x27: {  	s1 =	sld [smem:$0x3F9C]  }
0x28: {  	s2 =	sld [smem:$0x3F9D]  }
0x29: {  	s4 =	sld [smem:$0x3F9F]  }
0x2a: {  	p0 =	seq.s32 s5, $0x0;
	s5 =	sld [smem:$0x3FA0]  }
0x2b: {  	s6 =	sld [smem:$0x3FA1]  }
0x2c: {  	s7 =	sld [smem:$0x3FA2]  }
0x2d: {  	s3 =	simm.s32 $0x108;
	s8 =	sld [smem:$0x3FA3]  }
0x2e: {  	s3 =	simm.s32 @!p0 $0x1082;
	s9 =	sld [smem:$0x3FA4]  }
0x2f: {  	lr =	sadd.s32 s0, s3;
	s0 =	sld [smem:$0x3F9B]  }
0x30: {  	s3 =	sld [smem:$0x3F9E]  }
0x31: {  	[smem:$0x3FA7] =	sst s10  }
0x32: {  	s10 =	sld [smem:$0x3FA5];
	_ =	sdelay $0x3  }
0x33: {  	p0 =	seq.s32 s10, $0x1;
	s10 =	sld [smem:$0x3FA7];
	_ =	sdelay $0x3  }
0x34: {  	[smem:$0x3FA7] =	sst s10  }
0x35: {  	s10 =	sld [smem:$0x3FA6];
	_ =	sdelay $0x3  }
0x36: {  	p1 =	seq.s32 s10, $0x1;
	s10 =	sld [smem:$0x3FA7];
	_ =	sdelay $0x3  }
0x37: {  	[smem:$0x3FA7] =	sst s10  }
0x38: {  	s10 =	sld [smem:$0x3FA8]  }
0x39: {  	_ = 	snop;
	(pc) =	sbr.ind lr, $3  }
0x3a: {  	_ = 	snop  }
0x3b: {  	_ = 	snop  }
0x3c: {  	p2 =	seq.s32 s10, $0x1;
	s10 =	sld [smem:$0x3FA7]  }
0x3d: {  	_ =	shalt  }
0x3e: {  	_ =	shalt  }
0x3f: {  	_ =	shalt  }
0x40: {  	_ =	shalt  }
0x41: {  	_ =	shalt  }
0x42: {  	_ =	shalt  }
0x43: {  	_ =	shalt  }
0x44: {  	_ =	shalt  }
0x45: {  	_ =	shalt  }
0x46: {  	_ =	shalt  }
0x47: {  	_ =	shalt  }
0x48: {  	_ =	shalt  }
0x49: {  	_ =	shalt  }
0x4a: {  	_ =	shalt  }
0x4b: {  	_ =	shalt  }
0x4c: {  	_ =	shalt  }
0x4d: {  	_ =	shalt  }
0x4e: {  	_ =	shalt  }
0x4f: {  	_ =	shalt  }
0x50: {  	_ =	shalt  }
0x51: {  	_ =	shalt  }
0x52: {  	_ =	shalt  }
0x53: {  	_ =	shalt  }
0x54: {  	_ =	shalt  }
0x55: {  	_ =	shalt  }
0x56: {  	_ =	shalt  }
0x57: {  	_ =	shalt  }
0x58: {  	_ =	shalt  }
0x59: {  	_ =	shalt  }
0x5a: {  	_ =	shalt  }
0x5b: {  	_ =	shalt  }
0x5c: {  	_ =	shalt  }
0x5d: {  	_ =	shalt  }
0x5e: {  	_ =	shalt  }
0x5f: {  	_ =	shalt  }
0x60: {  	_ =	shalt  }
0x61: {  	_ =	shalt  }
0x62: {  	_ =	shalt  }
0x63: {  	_ =	shalt  }
0x64: {  	_ =	shalt  }
0x65: {  	_ =	shalt  }
0x66: {  	_ =	shalt  }
0x67: {  	_ =	shalt  }
0x68: {  	_ =	shalt  }
0x69: {  	_ =	shalt  }
0x6a: {  	_ =	shalt  }
0x6b: {  	_ =	shalt  }
0x6c: {  	_ =	shalt  }
0x6d: {  	_ =	shalt  }
0x6e: {  	_ =	shalt  }
0x6f: {  	_ =	shalt  }
0x70: {  	_ =	shalt  }
0x71: {  	_ =	shalt  }
0x72: {  	_ =	shalt  }
0x73: {  	_ =	shalt  }
0x74: {  	_ =	shalt  }
0x75: {  	_ =	shalt  }
0x76: {  	_ =	shalt  }
0x77: {  	_ =	shalt  }
0x78: {  	_ =	shalt  }
0x79: {  	_ =	shalt  }
0x7a: {  	_ =	shalt  }
0x7b: {  	_ =	shalt  }
0x7c: {  	_ =	shalt  }
0x7d: {  	_ =	shalt  }
0x7e: {  	_ =	shalt  }
0x7f: {  	_ =	shalt  }
0x80: {  	_ =	shalt  }
0x81: {  	_ =	shalt  }
0x82: {  	_ =	shalt  }
0x83: {  	_ =	shalt  }
0x84: {  	_ =	shalt  }
0x85: {  	_ =	shalt  }
0x86: {  	_ =	shalt  }
0x87: {  	_ =	shalt  }
.Lfunc_end0:
.L_simem_size_0:
called_computation.5_lowered:
.L_overlay_start_0:
0x88: {  	s2 =	sld [smem:$0x3FD9]  }
0x89: {  	s3 =	sld [smem:$0x3FFE];
	_ =	sdelay $0x1  }
0x8a: {  	s1 =	srdreg.scid  }
0x8b: {  	s0 =	sand.u32 $0x1, s1  }
0x8c: {  	s16 =	sshll.u32 s0, $0xA;
	s2 =	sadd.s32 s3, s2  }
0x8d: {  	s2 =	sadd.s32 s2, s16  }
0x8e: {  	[smem:$0x3FB3] =	sst s2  }
0x8f: {  	_ = 	snop  }
0x90: {  	(tm) =	ssettm $0x1  }
0x91: {  	s17 =	sld [smem:$0x3FFB];
	_ =	sdelay $0x3  }
0x92: {  	_ =	strace s17  }
0x93: {  	s2 =	sld [smem:$0x3FFC];
	_ =	sdelay $0x3  }
0x94: {  	_ =	strace s2  }
0x95: {  	s2 =	sld [smem:$0x3FFD];
	_ =	sdelay $0x3  }
0x96: {  	_ =	strace s2  }
0x97: {  	_ =	strace $0x8FFFFFFF  }
0x98: {  	s18 =	sld [smem:$0x3FDB];
	_ =	sdelay $0x1  }
0x99: {  	s19 =	simm.s32 $_scs_section_size  }
0x9a: {  	s4 =	simm.s32 $_size__tile_overlayer_lowered;
	s5 =	simm.s32 $_tile_overlayer_lowered  }
0x9b: {  	s22 =	simm.s32 $0x1BFF;
	s21 =	sshll.u32 s5, $0x1;
	s2 =	sadd.s32 s19, s18  }
0x9c: {  	s6 =	simm.s32 $0x0;
	s20 =	sshll.u32 s4, $0x1;
	s4 =	sadd.s32 s21, s2  }
0x9d: {  	[timem:s6], [sflag:s22] =	dma.local [hbm:s4], s20  }
0x9e: {  	_ =	swait.ge [sflag:s22], s20  }
0x9f: {  	s3 =	ssub.s32 $0x0, s20;
	[sflag:s22] =	ssyncset.done $0x0  }
0xa0: {  	[sflag:s22] =	ssyncadd.s32 s3;
	_ =	sdelay $0x1  }
0xa1: {  	s23 =	simm.s32 $0x1B8B  }
0xa2: {  	_ =	swait.ge [sflag:s23], $0x1  }
0xa3: {  	[sflag:s23] =	ssyncset.done $0x0  }
0xa4: {  	s25 =	simm.s32 $0x1B8E;
	s24 =	sld [smem:$0x3FFE];
	[sflag:s23] =	ssyncadd.s32 $0xFFFFFFFF  }
0xa5: {  	s26 =	simm.s32 $execute0_lowered;
	[smem:$0x3FD2] =	sst s25  }
0xa6: {  	s4 =	sshll.u32 s26, $0x1;
	_ =	strace $0x80000055;
	[dreg:$0x1] =	wrdreg $0xFFFFFFFF  }
0xa7: {  	s28 =	simm.s32 $_size_execute0_lowered;
	s2 =	sadd.s32 s2, s4;
	[dreg:$0x0] =	wrdreg $0x0  }
0xa8: {  	s4 =	sshll.u32 s28, $0x1;
	[dreg:$0x2] =	wrdreg s2  }
0xa9: {  	[dreg:$0x3] =	wrdreg s4  }
0xaa: {  	[dreg:$0x4] =	wrdreg $0xC0  }
0xab: {  	_ =	task [dreg:s6], $0x5FFFF  }
0xac: {  	[dreg:$0x1] =	wrdreg $0xFFFFFFFF  }
0xad: {  	[dreg:$0x0] =	wrdreg $0x60  }
0xae: {  	[dreg:$0x2] =	wrdreg s24  }
0xaf: {  	[dreg:$0x3] =	wrdreg $0x8B100  }
0xb0: {  	[dreg:$0x4] =	wrdreg $0x9  }
0xb1: {  	_ =	task.clear_ibuf [dreg:s6], $0x5FFFF;
	_ =	strace $0x90000055  }
0xb2: {  	s29 =	simm.s32 $0x9;
	_ =	strace $0x80000057  }
0xb3: {  	_ =	swait.ge [sflag:s29], $0x1  }
0xb4: {  	[sflag:s29] =	ssyncadd.s32 $0xFFFFFFFF  }
0xb5: {  	_ =	strace $0x90000057  }
0xb6: {  	_ =	sfence  }
0xb7: {  	s30 =	sld [smem:$0x0];
	_ =	sdelay $0x2  }
0xb8: {  	s31 =	sshll.u32 s1, $0xD;
	s1 =	sshrl.u32 s1, $0x2  }
0xb9: {  	s3 =	sand.u32 $0x4000, s31;
	s1 =	sadd.s32 s1, s30  }
0xba: {  	s0 =	sor.u32 s3, s0;
	s1 =	sshll.u32 s1, $0x11  }
0xbb: {  	s0 =	sor.u32 s1, s0  }
0xbc: {  	s0 =	sadd.s32 $0x8F2B, s0  }
0xbd: {  	[sflag:s0] =	ssyncadd.remote.s32 $0x1  }
0xbe: {  	_ =	sfence.sel $0xFFFF  }
0xbf: {  	[dreg:$0x0] =	wrdreg $0xFFFFFFFF;
	(pc) =	sbr.abs _section_cstart, $3  }
0xc0: {  	[dreg:$0x1] =	wrdreg $0xFFFFFFFF  }
0xc1: {  	_ =	task.clear_ibuf [dreg:s6], $0x2FFFF;
	_ =	strace $0x9FFFFFFF  }
0xc2: {  	(tm) =	ssettm $0x7FFFFFFF  }
0xc3: {  	_ =	shalt  }
tec
execute0_lowered:
.L_overlay_start_1:
0x0: {  	(tag) =	ssettag $0x1  }
0x1: {  	s0 =	rddreg [dreg:$0x0];
	s1 =	srdreg.scid  }
0x2: {  	s2 =	rddreg [dreg:$0x1];
	s13 =	stileid.u32  }
0x3: {  	s3 =	simm.s32 $0x0;
	s14 =	simm.s32 $0x3B10;
	s15 =	simm.s32 $0x4F10  }
0x4: {  	s31 =	simm.s32 $0x6310;
	s16 =	simm.s32 $0x1;
	s17 =	simm.s32 $0x50  }
0x5: {  	s18 =	simm.s32 $0x2;
	s19 =	simm.s32 $0x7710;
	s5 =	smul.u32 $0x2710, s13  }
0x6: {  	s1 =	sand.u32 $0x1, s1;
	[smem:$0x7FF] =	sst s3;
	s6 =	smul.u32 $0xA000, s13  }
0x7: {  	s9 =	sadd.s32 $0xD3400, s0;
	s30 =	sshll.u32 s13, $0x6;
	s4 =	smul.u32 $0x27100, s1  }
0x8: {  	_ =	strace $0x80000056;
	s8 =	smul.u32 $0xA0000, s1;
	s10 =	ssub.s32 $0x2, s1  }
0x9: {  	s1 =	sshll.u32 s1, $0x4;
	[dreg:$0x8] =	wrdreg s31;
	s7 =	sshrl.u32 s6, $0x3  }
0xa: {  	s11 =	sshrl.u32 s10, $0x1;
	s1 =	sor.u32 s13, s1;
	s12 =	sadd.s32 s6, s2  }
0xb: {  	s13 =	simm.s32 $0x2710;
	s5 =	sadd.s32 s5, s4;
	s7 =	sadd.s32 s7, s0  }
0xc: {  	s8 =	sadd.s32 s6, s8;
	s10 =	ssub.s32 s10, s11;
	s20 =	smul.u32 $0x13880, s1  }
0xd: {  	s1 =	smul.u32 $0x9C400, s1;
	s12 =	sshrl.u32 s12, $0x3;
	s4 =	sshrl.u32 s5, $0x3  }
0xe: {  	s8 =	sshrl.u32 s8, $0x3;
	s21 =	sshll.u32 s5, $0x3;
	s22 =	sadd.s32 $0x7AEC00, s7  }
0xf: {  	s4 =	sadd.s32 s4, s0;
	s0 =	sadd.s32 s8, s0;
	[dreg:$0xa] =	wrdreg s22  }
0x10: {  	s11 =	sadd.s32 s9, s21;
	s23 =	sadd.s32 s9, s20;
	s1 =	sshrl.u32 s1, $0x3  }
0x11: {  	s20 =	simm.s32 $0x3;
	s21 =	simm.s32 $0x6;
	s22 =	simm.s32 $0x5  }
0x12: {  	s4 =	sadd.s32 $0x51600, s4;
	[dreg:$0xb] =	wrdreg s23;
	s24 =	sadd.s32 $0xF00, s11  }
0x13: {  	s1 =	sadd.s32 s9, s1;
	s25 =	sadd.s32 $0xC80, s11;
	[dreg:$0x9] =	wrdreg s4  }
0x14: {  	s26 =	sadd.s32 $0xA00, s11;
	s8 =	sadd.s32 $0xB800, s0;
	[dreg:$0x3] =	wrdreg s24  }
0x15: {  	s28 =	sadd.s32 $0x780, s11;
	s9 =	smax.u32 s10, $0x1;
	[dreg:$0x4] =	wrdreg s25  }
0x16: {  	s29 =	sadd.s32 $0x500, s11;
	s10 =	simm.s32 $0xB;
	[dreg:$0x5] =	wrdreg s26  }
0x17: {  	s11 =	sor.u32 $0x1C0B, s30;
	s23 =	simm.s32 $0x8;
	[dreg:$0x6] =	wrdreg s28  }
0x18: {  	s1 =	sadd.s32 $0x280, s1;
	[dreg:$0x7] =	wrdreg s29;
	s24 =	simm.s32 $0x9  }
0x19: {  	s25 =	simm.s32 $0xA;
	s26 =	simm.s32 $0x0;
	[dreg:$0xc] =	wrdreg s1  }
.LBB2_1:
0x1a: {  	s0 =	rddreg [dreg:$0x9]  }
0x1b: {  	[tilespmem:s3], [sflag:$0xB] =	stream.linear.gather [hbm4b:s0+s3], $0x2710, $0x38;
	[tilespmem:$0x12B10] =	vst v63  }
0x1c: {  	_ =	swait.ge [sflag:s10], $0x2710  }
0x1d: {  	[sflag:s10] =	ssyncset.done $0x0  }
0x1e: {  	s6 =	rddreg [dreg:$0xa];
	[sflag:s10] =	ssyncadd.s32 $0xFFFFD8F0  }
0x1f: {  	[spmem:s12], [sflag:s11] =	dma.local [hbm:s6], $0x1400  }
0x20: {  	_ =	swait.ge [sflag:s10], $0x1400  }
0x21: {  	[sflag:s10] =	ssyncset.done $0x0  }
0x22: {  	[sflag:s10] =	ssyncadd.s32 $0xFFFFEC00  }
0x23: {  	[bflag:$0x0] =	sbarrier.arrive $0xFFFF  }
0x24: {  	p0 =	por $0x1, $0x1;
	s7 =	rddreg [dreg:$0xb]  }
0x25: {  	[tilespmem:s13], [sflag:$0x1] =	stream.linear.gather [hbm4b:s7+s3], $0x1400, $0x38;
	[tilespmem:$0x12B10] =	vst v63  }
0x26: {  	s0 =	simm.s32 @!p0 $0x8;
	s31 =	rddreg [dreg:$0xc]  }
0x27: {  	[tilespmem:s14], [sflag:$0x2] =	stream.linear.gather [hbm4b:s31+s3], $0x1400, $0x38;
	[tilespmem:$0x12B10] =	vst v63  }
0x28: {  	_ =	swait.ge @!p0 [sflag:s0], $0x1400  }
0x29: {  	s1 =	rddreg [dreg:$0x7];
	[sflag:s0] =	ssyncset.done @!p0 $0x0  }
0x2a: {  	[sflag:s0] =	ssyncadd.s32 @!p0 $0xFFFFEC00;
	s1 =	sadd.s32 $0x0, s1  }
0x2b: {  	[tilespmem:s15], [sflag:$0x3] =	stream.linear.gather [hbm4b:s1+s3], $0x1400, $0x38;
	[tilespmem:$0x12B10] =	vst v63  }
0x2c: {  	_ =	swait.ge [sflag:s16], $0x1400  }
0x2d: {  	[sflag:s16] =	ssyncset.done $0x0  }
0x2e: {  	s0 =	simm.s32 @!p0 $0x9;
	[sflag:s16] =	ssyncadd.s32 $0xFFFFEC00  }
0x2f: {  	[spmem:s2] =	stream.indirect.scatter.add.f32 [tilespmem:s13], [sflag:$0x6], $0x40, s3, s17, $0xb8;
	[tilespmem:$0x12B10] =	vst v63  }
0x30: {  	_ =	swait.ge @!p0 [sflag:s0], $0x1400  }
0x31: {  	s4 =	rddreg [dreg:$0x6];
	[sflag:s0] =	ssyncset.done @!p0 $0x0  }
0x32: {  	s28 =	rddreg [dreg:$0x8];
	[sflag:s0] =	ssyncadd.s32 @!p0 $0xFFFFEC00;
	s5 =	sadd.s32 $0x0, s4  }
0x33: {  	[tilespmem:s28], [sflag:$0x4] =	stream.linear.gather [hbm4b:s5+s3], $0x1400, $0x38;
	[tilespmem:$0x12B10] =	vst v63  }
0x34: {  	_ =	swait.ge [sflag:s18], $0x1400  }
0x35: {  	[sflag:s18] =	ssyncset.done $0x0  }
0x36: {  	s6 =	simm.s32 $0x50;
	s1 =	simm.s32 @!p0 $0xA;
	[sflag:s18] =	ssyncadd.s32 $0xFFFFEC00  }
0x37: {  	[spmem:s2] =	stream.indirect.scatter.add.f32 [tilespmem:s14], [sflag:$0x7], $0x40, s6, s17, $0xb8;
	[tilespmem:$0x12B10] =	vst v63  }
0x38: {  	_ =	swait.ge @!p0 [sflag:s1], $0x1400  }
0x39: {  	s7 =	rddreg [dreg:$0x5];
	[sflag:s1] =	ssyncset.done @!p0 $0x0  }
0x3a: {  	[sflag:s1] =	ssyncadd.s32 @!p0 $0xFFFFEC00;
	s0 =	sadd.s32 $0x0, s7  }
0x3b: {  	[tilespmem:s19], [sflag:$0x5] =	stream.linear.gather [hbm4b:s0+s3], $0x1400, $0x38;
	[tilespmem:$0x12B10] =	vst v63  }
0x3c: {  	_ =	swait.ge [sflag:s20], $0x1400  }
0x3d: {  	[sflag:s20] =	ssyncset.done $0x0  }
0x3e: {  	s31 =	simm.s32 $0xA0;
	[sflag:s20] =	ssyncadd.s32 $0xFFFFEC00  }
0x3f: {  	[spmem:s2] =	stream.indirect.scatter.add.f32 [tilespmem:s15], [sflag:$0x8], $0x40, s31, s17, $0xb8;
	[tilespmem:$0x12B10] =	vst v63  }
0x40: {  	_ =	swait.ge [sflag:s21], $0x1400  }
0x41: {  	p0 =	por $0x0, $0x0;
	[sflag:s21] =	ssyncset.done $0x0  }
0x42: {  	s0 =	simm.s32 @p0 $0x4;
	[sflag:s21] =	ssyncadd.s32 $0xFFFFEC00  }
0x43: {  	_ =	swait.ge @p0 [sflag:s0], $0x1400  }
0x44: {  	s1 =	simm.s32 @p0 $0x6310;
	s28 =	simm.s32 @p0 $0x7;
	[sflag:s0] =	ssyncset.done @p0 $0x0  }
0x45: {  	s29 =	simm.s32 @p0 $0x50;
	[sflag:s0] =	ssyncadd.s32 @p0 $0xFFFFEC00;
	s0 =	simm.s32 @p0 $0xF0  }
0x46: {  	[spmem:s2] =	stream.indirect.scatter.add.f32 @p0 [tilespmem:s1], [sflag:$0x9], $0x40, s0, s29, $0xb8;
	[tilespmem:$0x12B10] =	vst v63  }
0x47: {  	s1 =	simm.s32 @!p0 $0x2710;
	_ =	swait.ge @p0 [sflag:s28], $0x1400  }
0x48: {  	s29 =	simm.s32 @!p0 $0x4;
	s0 =	rddreg [dreg:$0x4];
	[sflag:s28] =	ssyncset.done @p0 $0x0  }
0x49: {  	[sflag:s28] =	ssyncadd.s32 @p0 $0xFFFFEC00;
	s0 =	sadd.s32 @!p0 $0x0, s0;
	s28 =	simm.s32 @!p0 $0x0  }
0x4a: {  	[tilespmem:s1], [sflag:$0x1] =	stream.linear.gather @!p0 [hbm4b:s0+s28], $0x1400, $0x38;
	[tilespmem:$0x12B10] =	vst v63  }
0x4b: {  	_ =	swait.ge @!p0 [sflag:s29], $0x1400  }
0x4c: {  	s30 =	simm.s32 @!p0 $0x50;
	s0 =	simm.s32 @!p0 $0x6310;
	[sflag:s29] =	ssyncset.done @!p0 $0x0  }
0x4d: {  	s1 =	simm.s32 @!p0 $0x7;
	[sflag:s29] =	ssyncadd.s32 @!p0 $0xFFFFEC00;
	s29 =	simm.s32 @!p0 $0xF0  }
0x4e: {  	[spmem:s2] =	stream.indirect.scatter.add.f32 @!p0 [tilespmem:s0], [sflag:$0x9], $0x40, s29, s30, $0xb8;
	[tilespmem:$0x12B10] =	vst v63  }
0x4f: {  	_ =	swait.ge @!p0 [sflag:s1], $0x1400  }
0x50: {  	p1 =	por $0x0, $0x0;
	s0 =	rddreg [dreg:$0x3];
	[sflag:s1] =	ssyncset.done @!p0 $0x0  }
0x51: {  	[sflag:s1] =	ssyncadd.s32 @!p0 $0xFFFFEC00;
	s0 =	sadd.s32 @!p0 $0x0, s0;
	s1 =	simm.s32 @!p0 $0x3B10  }
0x52: {  	[tilespmem:s1], [sflag:$0x2] =	stream.linear.gather @!p0 [hbm4b:s0+s28], $0x1400, $0x38;
	[tilespmem:$0x12B10] =	vst v63  }
0x53: {  	s29 =	simm.s32 $0xC80;
	s30 =	simm.s32 $0x1900;
	_ =	swait.ge [sflag:s22], $0x1400  }
0x54: {  	s28 =	simm.s32 $0x190;
	s1 =	simm.s32 $0x140;
	[sflag:s22] =	ssyncset.done $0x0  }
.LBB2_2:
0x55: {  	s4 =	simm.s32 @!p1 $0x8;
	[sflag:s22] =	ssyncadd.s32 $0xFFFFEC00  }
0x56: {  	[spmem:s2] =	stream.indirect.scatter.add.f32 [tilespmem:s19], [sflag:$0xA], $0x40, s1, s17, $0xb8;
	[tilespmem:$0x12B10] =	vst v63  }
0x57: {  	_ =	swait.ge @!p1 [sflag:s4], $0x1400  }
0x58: {  	[sflag:s4] =	ssyncset.done @!p1 $0x0;
	s5 =	rddreg [dreg:$0x7]  }
0x59: {  	[sflag:s4] =	ssyncadd.s32 @!p1 $0xFFFFEC00;
	s1 =	sadd.s32 s29, s5  }
0x5a: {  	[tilespmem:s15], [sflag:$0x3] =	stream.linear.gather [hbm4b:s1+s3], $0x1400, $0x38;
	[tilespmem:$0x12B10] =	vst v63  }
0x5b: {  	_ =	swait.ge [sflag:s16], $0x1400  }
0x5c: {  	[sflag:s16] =	ssyncset.done $0x0  }
0x5d: {  	s1 =	simm.s32 @!p1 $0x9;
	[sflag:s16] =	ssyncadd.s32 $0xFFFFEC00  }
0x5e: {  	[spmem:s2] =	stream.indirect.scatter.add.f32 [tilespmem:s13], [sflag:$0x6], $0x40, s28, s17, $0xb8;
	[tilespmem:$0x12B10] =	vst v63  }
0x5f: {  	_ =	swait.ge @!p1 [sflag:s1], $0x1400  }
0x60: {  	[sflag:s1] =	ssyncset.done @!p1 $0x0;
	s6 =	rddreg [dreg:$0x6]  }
0x61: {  	s7 =	rddreg [dreg:$0x8];
	[sflag:s1] =	ssyncadd.s32 @!p1 $0xFFFFEC00;
	s4 =	sadd.s32 s29, s6  }
0x62: {  	[tilespmem:s7], [sflag:$0x4] =	stream.linear.gather [hbm4b:s4+s3], $0x1400, $0x38;
	[tilespmem:$0x12B10] =	vst v63  }
0x63: {  	_ =	swait.ge [sflag:s18], $0x1400  }
0x64: {  	[sflag:s18] =	ssyncset.done $0x0  }
0x65: {  	s5 =	sadd.s32 $0x50, s28;
	s4 =	simm.s32 @!p1 $0xA;
	[sflag:s18] =	ssyncadd.s32 $0xFFFFEC00  }
0x66: {  	[spmem:s2] =	stream.indirect.scatter.add.f32 [tilespmem:s14], [sflag:$0x7], $0x40, s5, s17, $0xb8;
	[tilespmem:$0x12B10] =	vst v63  }
0x67: {  	_ =	swait.ge @!p1 [sflag:s4], $0x1400  }
0x68: {  	[sflag:s4] =	ssyncset.done @!p1 $0x0;
	s6 =	rddreg [dreg:$0x5]  }
0x69: {  	[sflag:s4] =	ssyncadd.s32 @!p1 $0xFFFFEC00;
	s1 =	sadd.s32 s29, s6  }
0x6a: {  	[tilespmem:s19], [sflag:$0x5] =	stream.linear.gather [hbm4b:s1+s3], $0x1400, $0x38;
	[tilespmem:$0x12B10] =	vst v63  }
0x6b: {  	_ =	swait.ge [sflag:s20], $0x1400  }
0x6c: {  	[sflag:s20] =	ssyncset.done $0x0  }
0x6d: {  	s7 =	sadd.s32 $0xA0, s28;
	[sflag:s20] =	ssyncadd.s32 $0xFFFFEC00  }
0x6e: {  	[spmem:s2] =	stream.indirect.scatter.add.f32 [tilespmem:s15], [sflag:$0x8], $0x40, s7, s17, $0xb8;
	[tilespmem:$0x12B10] =	vst v63  }
0x6f: {  	_ =	swait.ge [sflag:s21], $0x1400  }
0x70: {  	p1 =	seq.s32 s29, $0x12C00;
	[sflag:s21] =	ssyncset.done $0x0  }
0x71: {  	s1 =	simm.s32 @p1 $0x4;
	[sflag:s21] =	ssyncadd.s32 $0xFFFFEC00  }
0x72: {  	_ =	swait.ge @p1 [sflag:s1], $0x1400  }
0x73: {  	s4 =	simm.s32 @p1 $0x6310;
	s5 =	simm.s32 @p1 $0x7;
	[sflag:s1] =	ssyncset.done @p1 $0x0  }
0x74: {  	s6 =	simm.s32 @p1 $0x50;
	[sflag:s1] =	ssyncadd.s32 @p1 $0xFFFFEC00;
	s1 =	sadd.s32 @p1 $0xF0, s28  }
0x75: {  	[spmem:s2] =	stream.indirect.scatter.add.f32 @p1 [tilespmem:s4], [sflag:$0x9], $0x40, s1, s6, $0xb8;
	[tilespmem:$0x12B10] =	vst v63  }
0x76: {  	s4 =	simm.s32 @!p1 $0x2710;
	_ =	swait.ge @p1 [sflag:s5], $0x1400  }
0x77: {  	s6 =	simm.s32 @!p1 $0x4;
	s1 =	rddreg [dreg:$0x4];
	[sflag:s5] =	ssyncset.done @p1 $0x0  }
0x78: {  	[sflag:s5] =	ssyncadd.s32 @p1 $0xFFFFEC00;
	s1 =	sadd.s32 @!p1 s29, s1;
	s5 =	simm.s32 @!p1 $0x0  }
0x79: {  	[tilespmem:s4], [sflag:$0x1] =	stream.linear.gather @!p1 [hbm4b:s1+s5], $0x1400, $0x38;
	[tilespmem:$0x12B10] =	vst v63  }
0x7a: {  	s0 =	smov.u32 s30;
	s30 =	sadd.s32 $0xC80, s30;
	_ =	swait.ge @!p1 [sflag:s6], $0x1400  }
0x7b: {  	s7 =	simm.s32 @!p1 $0x50;
	s1 =	simm.s32 @!p1 $0x6310;
	[sflag:s6] =	ssyncset.done @!p1 $0x0  }
0x7c: {  	s4 =	simm.s32 @!p1 $0x7;
	[sflag:s6] =	ssyncadd.s32 @!p1 $0xFFFFEC00;
	s6 =	sadd.s32 @!p1 $0xF0, s28  }
0x7d: {  	[spmem:s2] =	stream.indirect.scatter.add.f32 @!p1 [tilespmem:s1], [sflag:$0x9], $0x40, s6, s7, $0xb8;
	[tilespmem:$0x12B10] =	vst v63  }
0x7e: {  	s31 =	smov.u32 s28;
	p0 =	sne.s32 s30, $0x13880;
	_ =	swait.ge @!p1 [sflag:s4], $0x1400  }
.Ltmp0:
0x7f: {  	s1 =	rddreg [dreg:$0x3];
	[sflag:s4] =	ssyncset.done @!p1 $0x0;
	(pc) =	sbr.rel @p0 .LBB2_2-.Ltmp0, $4  }
0x80: {  	[sflag:s4] =	ssyncadd.s32 @!p1 $0xFFFFEC00;
	s1 =	sadd.s32 @!p1 s29, s1;
	s4 =	simm.s32 @!p1 $0x3B10  }
0x81: {  	[tilespmem:s4], [sflag:$0x2] =	stream.linear.gather @!p1 [hbm4b:s1+s5], $0x1400, $0x38;
	[tilespmem:$0x12B10] =	vst v63  }
0x82: {  	s28 =	sadd.s32 $0x190, s28;
	s29 =	smov.u32 s0;
	_ =	swait.ge [sflag:s22], $0x1400  }
0x83: {  	p1 =	seq.s32 s29, $0x0;
	s1 =	sadd.s32 $0x140, s31;
	[sflag:s22] =	ssyncset.done $0x0  }
0x84: {  	s0 =	simm.s32 @!p1 $0x8;
	[sflag:s22] =	ssyncadd.s32 $0xFFFFEC00  }
0x85: {  	[spmem:s2] =	stream.indirect.scatter.add.f32 [tilespmem:s19], [sflag:$0xA], $0x40, s1, s17, $0xb8;
	[tilespmem:$0x12B10] =	vst v63  }
0x86: {  	_ =	swait.ge @!p1 [sflag:s0], $0x1400  }
0x87: {  	s7 =	rddreg [dreg:$0x7];
	[sflag:s0] =	ssyncset.done @!p1 $0x0  }
0x88: {  	[sflag:s0] =	ssyncadd.s32 @!p1 $0xFFFFEC00;
	s30 =	sadd.s32 s29, s7  }
0x89: {  	[tilespmem:s15], [sflag:$0x3] =	stream.linear.gather [hbm4b:s30+s3], $0x1400, $0x38;
	[tilespmem:$0x12B10] =	vst v63  }
0x8a: {  	_ =	swait.ge [sflag:s16], $0x1400  }
0x8b: {  	[sflag:s16] =	ssyncset.done $0x0  }
0x8c: {  	s0 =	simm.s32 @!p1 $0x9;
	[sflag:s16] =	ssyncadd.s32 $0xFFFFEC00  }
0x8d: {  	[spmem:s2] =	stream.indirect.scatter.add.f32 [tilespmem:s13], [sflag:$0x6], $0x40, s28, s17, $0xb8;
	[tilespmem:$0x12B10] =	vst v63  }
0x8e: {  	_ =	swait.ge @!p1 [sflag:s0], $0x1400  }
0x8f: {  	s31 =	rddreg [dreg:$0x6];
	[sflag:s0] =	ssyncset.done @!p1 $0x0  }
0x90: {  	s4 =	rddreg [dreg:$0x8];
	[sflag:s0] =	ssyncadd.s32 @!p1 $0xFFFFEC00;
	s5 =	sadd.s32 s29, s31  }
0x91: {  	[tilespmem:s4], [sflag:$0x4] =	stream.linear.gather [hbm4b:s5+s3], $0x1400, $0x38;
	[tilespmem:$0x12B10] =	vst v63  }
0x92: {  	_ =	swait.ge [sflag:s18], $0x1400  }
0x93: {  	[sflag:s18] =	ssyncset.done $0x0  }
0x94: {  	s6 =	sadd.s32 $0x50, s28;
	s1 =	simm.s32 @!p1 $0xA;
	[sflag:s18] =	ssyncadd.s32 $0xFFFFEC00  }
0x95: {  	[spmem:s2] =	stream.indirect.scatter.add.f32 [tilespmem:s14], [sflag:$0x7], $0x40, s6, s17, $0xb8;
	[tilespmem:$0x12B10] =	vst v63  }
0x96: {  	_ =	swait.ge @!p1 [sflag:s1], $0x1400  }
0x97: {  	s7 =	rddreg [dreg:$0x5];
	[sflag:s1] =	ssyncset.done @!p1 $0x0  }
0x98: {  	[sflag:s1] =	ssyncadd.s32 @!p1 $0xFFFFEC00;
	s0 =	sadd.s32 s29, s7  }
0x99: {  	[tilespmem:s19], [sflag:$0x5] =	stream.linear.gather [hbm4b:s0+s3], $0x1400, $0x38;
	[tilespmem:$0x12B10] =	vst v63  }
0x9a: {  	_ =	swait.ge [sflag:s20], $0x1400  }
0x9b: {  	[sflag:s20] =	ssyncset.done $0x0  }
0x9c: {  	s30 =	sadd.s32 $0xA0, s28;
	[sflag:s20] =	ssyncadd.s32 $0xFFFFEC00  }
0x9d: {  	[spmem:s2] =	stream.indirect.scatter.add.f32 [tilespmem:s15], [sflag:$0x8], $0x40, s30, s17, $0xb8;
	[tilespmem:$0x12B10] =	vst v63  }
0x9e: {  	_ =	swait.ge [sflag:s21], $0x1400  }
0x9f: {  	p0 =	seq.s32 s29, $0x12C00;
	[sflag:s21] =	ssyncset.done $0x0  }
0xa0: {  	s0 =	simm.s32 @p0 $0x4;
	[sflag:s21] =	ssyncadd.s32 $0xFFFFEC00  }
0xa1: {  	_ =	swait.ge @p0 [sflag:s0], $0x1400  }
0xa2: {  	s4 =	simm.s32 @p0 $0x7;
	s5 =	simm.s32 @p0 $0x50;
	[sflag:s0] =	ssyncset.done @p0 $0x0  }
0xa3: {  	s1 =	simm.s32 @p0 $0x6310;
	[sflag:s0] =	ssyncadd.s32 @p0 $0xFFFFEC00;
	s0 =	sadd.s32 @p0 $0xF0, s28  }
0xa4: {  	[spmem:s2] =	stream.indirect.scatter.add.f32 @p0 [tilespmem:s1], [sflag:$0x9], $0x40, s0, s5, $0xb8;
	[tilespmem:$0x12B10] =	vst v63  }
0xa5: {  	s1 =	simm.s32 @!p0 $0x2710;
	_ =	swait.ge @p0 [sflag:s4], $0x1400  }
0xa6: {  	s5 =	simm.s32 @!p0 $0x4;
	s0 =	rddreg [dreg:$0x4];
	[sflag:s4] =	ssyncset.done @p0 $0x0  }
0xa7: {  	[sflag:s4] =	ssyncadd.s32 @p0 $0xFFFFEC00;
	s0 =	sadd.s32 @!p0 s29, s0;
	s4 =	simm.s32 @!p0 $0x0  }
0xa8: {  	[tilespmem:s1], [sflag:$0x1] =	stream.linear.gather @!p0 [hbm4b:s0+s4], $0x1400, $0x38;
	[tilespmem:$0x12B10] =	vst v63  }
0xa9: {  	_ =	swait.ge @!p0 [sflag:s5], $0x1400  }
0xaa: {  	s0 =	simm.s32 @!p0 $0x6310;
	[sflag:s5] =	ssyncset.done @!p0 $0x0  }
0xab: {  	s1 =	sadd.s32 @!p0 $0xF0, s28;
	[sflag:s5] =	ssyncadd.s32 @!p0 $0xFFFFEC00;
	s5 =	simm.s32 @!p0 $0x50  }
0xac: {  	[spmem:s2] =	stream.indirect.scatter.add.f32 @!p0 [tilespmem:s0], [sflag:$0x9], $0x40, s1, s5, $0xb8;
	[tilespmem:$0x12B10] =	vst v63  }
0xad: {  	s0 =	simm.s32 @!p0 $0x7  }
0xae: {  	_ =	swait.ge @!p0 [sflag:s0], $0x1400  }
0xaf: {  	s1 =	rddreg [dreg:$0x3];
	[sflag:s0] =	ssyncset.done @!p0 $0x0  }
0xb0: {  	[sflag:s0] =	ssyncadd.s32 @!p0 $0xFFFFEC00;
	s0 =	sadd.s32 @!p0 s29, s1;
	s1 =	simm.s32 @!p0 $0x3B10  }
0xb1: {  	[tilespmem:s1], [sflag:$0x2] =	stream.linear.gather @!p0 [hbm4b:s0+s4], $0x1400, $0x38;
	[tilespmem:$0x12B10] =	vst v63  }
0xb2: {  	_ =	swait.ge [sflag:s22], $0x1400  }
0xb3: {  	[sflag:s22] =	ssyncset.done $0x0  }
0xb4: {  	s31 =	sadd.s32 $0x140, s28;
	[sflag:s22] =	ssyncadd.s32 $0xFFFFEC00  }
0xb5: {  	[spmem:s2] =	stream.indirect.scatter.add.f32 [tilespmem:s19], [sflag:$0xA], $0x40, s31, s17, $0xb8;
	[tilespmem:$0x12B10] =	vst v63  }
0xb6: {  	_ =	swait.ge [sflag:s23], $0x1400  }
0xb7: {  	[sflag:s23] =	ssyncset.done $0x0  }
0xb8: {  	[sflag:s23] =	ssyncadd.s32 $0xFFFFEC00  }
0xb9: {  	_ =	swait.ge [sflag:s24], $0x1400  }
0xba: {  	[sflag:s24] =	ssyncset.done $0x0  }
0xbb: {  	[sflag:s24] =	ssyncadd.s32 $0xFFFFEC00  }
0xbc: {  	_ =	swait.ge [sflag:s25], $0x1400  }
0xbd: {  	s26 =	sadd.s32 $0x1, s26;
	[sflag:s25] =	ssyncset.done $0x0  }
0xbe: {  	p0 =	sne.s32 s26, s9;
	[sflag:s25] =	ssyncadd.s32 $0xFFFFEC00  }
.Ltmp1:
0xbf: {  	[bflag:$0x0] =	sbarrier.arrive $0xFFFF;
	(pc) =	sbr.rel @p0 .LBB2_1-.Ltmp1, $4  }
0xc0: {  	[hbm:s8], [sflag:s11] =	dma.local [spmem:s12], $0x1400  }
0xc1: {  	_ =	swait.ge [sflag:s10], $0x1400  }
0xc2: {  	[sflag:s10] =	ssyncset.done $0x0  }
0xc3: {  	[sflag:s10] =	ssyncadd.s32 $0xFFFFEC00  }
0xc4: {  	_ =	sfence.sel $0x180000  }
0xc5: {  	[bflag:$0x0] =	sbarrier.arrive $0xFFFF  }
0xc6: {  	_ =	strace $0x90000056  }
0xc7: {  	s0 =	stileid.u32;
	[bflag:$0x2] =	sbarrier.arrive $0xFFFF  }
0xc8: {  	p0 =	sne.s32 s0, $0x0;
	s0 =	rddreg [dreg:$0x2]  }
0xc9: {  	s0 =	sadd.s32 @!p0 $0x100000, s0  }
0xca: {  	[sflag:s0] =	ssyncadd.tile.s32 @!p0 $0x1;
	_ =	shalt  }
.Lfunc_end2:
_tile_overlayer_lowered:
.L_overlay_start_2:
0xcb: {  	(tag) =	ssettag $0x2  }
0xcc: {  	s0 =	rddreg [dreg:$0x0];
	s2 =	stileid.u32  }
0xcd: {  	s1 =	rddreg [dreg:$0x1];
	p0 =	sne.s32 s2, $0x0  }
0xce: {  	s3 =	rddreg [dreg:$0x2];
	[bflag:$0x3] =	sbarrier.arrive $0xFFFF;
	s2 =	simm.s32 @!p0 $0x1C0B  }
0xcf: {  	[timem:s3], [sflag:s2] =	dma.local @!p0 [hbm:s0], s1  }
0xd0: {  	s0 =	simm.s32 @!p0 $0xB  }
0xd1: {  	_ =	swait.ge @!p0 [sflag:s0], s1  }
0xd2: {  	s1 =	ssub.s32 @!p0 $0x0, s1;
	[sflag:s0] =	ssyncset.done @!p0 $0x0  }
0xd3: {  	[sflag:s0] =	ssyncadd.s32 @!p0 s1  }
0xd4: {  	[bflag:$0x3] =	sbarrier.arrive $0xFFFF  }
0xd5: {  	_ =	shalt  }

</sc_bundles>
